<compile_context>
chip_gen: v7x
topology: tpu7x:2x2x1
jax: 0.10.2.dev20260603
libtpu: 0.0.44.dev20260713+nightly
codegen_flags: <defaults>
</compile_context>

<pallas_src>
import functools

import jax
import jax.numpy as jnp
from jax import lax
from jax.experimental import pallas as pl
from jax.experimental.pallas import tpu as pltpu
from jax.experimental.pallas import tpu_sc as plsc

B, T, D = 16, 512, 2048
S = 1024
A_DEN, A_NUM = 16384, 4096
LEAKY = 1e-05
L = 16
LN2 = 0.6931471805599453


def _tree_sum(v, tmp_v, lane):
    for k in (1, 2, 4, 8):
        tmp_v[...] = v
        v = v + plsc.load_gather(tmp_v, [lane ^ k])
    return v


def _run_graph(b, mylen, x, src_h, dst_h, pdf_h, lp_h, init_h, final_h, out,
               ia_v, packed_v, w_v, p_v, np_v, pinit_v, pfinal_v, xrow_v,
               ex_v, tmp_v, xsem, *, A, leaky, graph):
    nch = A // L
    ns = S // L
    zero16f = jnp.zeros((L,), jnp.float32)
    one16f = jnp.ones((L,), jnp.float32)
    zero16i = jnp.zeros((L,), jnp.int32)
    lane = lax.iota(jnp.int32, L)

    pltpu.sync_copy(pdf_h, ia_v.at[pl.ds(0, A)])

    def pk_pdf(i, _):
        sl = pl.ds(i * L, L)
        packed_v[sl] = ia_v[sl] << 10
        return 0
    lax.fori_loop(0, nch, pk_pdf, 0)

    pltpu.sync_copy(src_h, ia_v.at[pl.ds(0, A)])

    def pk_src(i, _):
        sl = pl.ds(i * L, L)
        packed_v[sl] = packed_v[sl] | ia_v[sl]
        return 0
    lax.fori_loop(0, nch, pk_src, 0)

    pltpu.sync_copy(dst_h, ia_v.at[pl.ds(0, A)])

    def pk_dst(i, _):
        sl = pl.ds(i * L, L)
        packed_v[sl] = packed_v[sl] | (ia_v[sl] << 21)
        return 0
    lax.fori_loop(0, nch, pk_dst, 0)

    pltpu.sync_copy(lp_h, w_v.at[pl.ds(0, A)])

    def pk_w(i, _):
        sl = pl.ds(i * L, L)
        w_v[sl] = jnp.exp(w_v[sl])
        return 0
    lax.fori_loop(0, nch, pk_w, 0)

    pltpu.sync_copy(init_h, pinit_v)
    pltpu.sync_copy(final_h, pfinal_v)

    def pk_if(i, acc):
        sl = pl.ds(i * L, L)
        v = jnp.exp(pinit_v[sl])
        pinit_v[sl] = v
        p_v[sl] = v
        np_v[sl] = zero16f
        pfinal_v[sl] = jnp.exp(pfinal_v[sl])
        return acc + v
    acc0 = lax.fori_loop(0, ns, pk_if, zero16f)
    sum0 = _tree_sum(acc0, tmp_v, lane)

    pltpu.make_async_copy(x.at[b, 0], xrow_v.at[0], xsem).start()

    def step(t, carry):
        sumv, scv, Epend, Etot = carry
        Etot = Etot + Epend
        par = t & 1
        pltpu.make_async_copy(x.at[b, t], xrow_v.at[par], xsem).wait()
        nt = jnp.minimum(t + 1, T - 1)
        pltpu.make_async_copy(x.at[b, nt], xrow_v.at[1 - par], xsem).start()

        @plsc.parallel_loop(0, D // L, unroll=8)
        def exb(j):
            sl = pl.ds(j * L, L)
            ex_v[sl] = jnp.exp(xrow_v[par, sl]) * scv

        if leaky > 0.0:
            klk = sumv * scv * leaky
        else:
            klk = zero16f

        @plsc.parallel_loop(0, nch, unroll=8)
        def ab(i):
            sl = pl.ds(i * L, L)
            pk = packed_v[sl]
            wv = w_v[sl]
            isrc = pk & 1023
            ipdf = lax.shift_right_logical(pk, 10) & 2047
            idst = lax.shift_right_logical(pk, 21)
            pg = plsc.load_gather(p_v, [isrc])
            eg = plsc.load_gather(ex_v, [ipdf])
            plsc.addupdate_scatter(np_v, [idst], pg * wv * eg)

        @plsc.parallel_loop(0, ns, unroll=8, carry=zero16f)
        def acc(j, a):
            sl = pl.ds(j * L, L)
            u = np_v[sl] + klk * pinit_v[sl]
            p_v[sl] = u
            np_v[sl] = zero16f
            return a + u

        tot = _tree_sum(acc, tmp_v, lane)
        ok = tot > 0.0
        bits = plsc.bitcast(tot, jnp.int32)
        Ev = lax.shift_right_logical(bits, 23) - 127
        Ev = jnp.where(ok, Ev, zero16i)
        scnew = jnp.where(ok, plsc.bitcast((127 - Ev) << 23, jnp.float32),
                          one16f)
        return (tot, scnew, Ev, Etot)

    carry0 = (sum0, one16f, zero16i, zero16i)
    _, _, _, Etot = lax.fori_loop(0, mylen, step, carry0)

    pltpu.make_async_copy(x.at[b, 0], xrow_v.at[0], xsem).wait()

    def vb(j, acc):
        sl = pl.ds(j * L, L)
        return acc + p_v[sl] * pfinal_v[sl]
    acc = lax.fori_loop(0, ns, vb, zero16f)

    r = 2 * b + graph
    tmp_v[...] = acc
    pltpu.sync_copy(tmp_v, out.at[r, 0])
    tmp_v[...] = Etot.astype(jnp.float32)
    pltpu.sync_copy(tmp_v, out.at[r, 1])


def _sc_body(x, lengths, dsrc, ddst, dpdf, dlp, dinit, dfinal,
             nsrc, ndst, npdf, nlp, ninit, nfinal, out,
             ia_v, packed_v, w_v, p_v, np_v, pinit_v, pfinal_v,
             xrow_v, ex_v, len_v, tmp_v, xsem):
    core = lax.axis_index("c")
    b = lax.axis_index("s")

    pltpu.sync_copy(lengths, len_v)
    lenv = len_v[...]
    lane = lax.iota(jnp.int32, L)
    mine = lane == b
    mylen = jnp.int32(0)
    for k in range(10):
        bit = jnp.any(mine & (((lenv >> k) & 1) == 1))
        mylen = mylen + jnp.where(bit, jnp.int32(1 << k), jnp.int32(0))

    common = (ia_v, packed_v, w_v, p_v, np_v, pinit_v, pfinal_v, xrow_v,
              ex_v, tmp_v, xsem)

    @pl.when(core == 0)
    def _():
        _run_graph(b, mylen, x, dsrc, ddst, dpdf, dlp, dinit, dfinal, out,
                   *common, A=A_DEN, leaky=LEAKY, graph=0)

    @pl.when(core == 1)
    def _():
        _run_graph(b, mylen, x, nsrc, ndst, npdf, nlp, ninit, nfinal, out,
                   *common, A=A_NUM, leaky=0.0, graph=1)


_sc_call = pl.kernel(
    _sc_body,
    out_type=jax.ShapeDtypeStruct((2 * B, 2, L), jnp.float32),
    mesh=plsc.VectorSubcoreMesh(core_axis_name="c", subcore_axis_name="s"),
    compiler_params=pltpu.CompilerParams(needs_layout_passes=False),
    scratch_types=[
        pltpu.VMEM((A_DEN,), jnp.int32),
        pltpu.VMEM((A_DEN,), jnp.int32),
        pltpu.VMEM((A_DEN,), jnp.float32),
        pltpu.VMEM((S,), jnp.float32),
        pltpu.VMEM((S,), jnp.float32),
        pltpu.VMEM((S,), jnp.float32),
        pltpu.VMEM((S,), jnp.float32),
        pltpu.VMEM((2, D), jnp.float32),
        pltpu.VMEM((D,), jnp.float32),
        pltpu.VMEM((L,), jnp.int32),
        pltpu.VMEM((L,), jnp.float32),
        pltpu.SemaphoreType.DMA,
    ],
)


def _epi_body(om_ref, len_ref, o_ref):
    om = om_ref[...]
    val = jnp.sum(om[:, 0, :], axis=-1)
    lg = jnp.log(val) + om[:, 1, 0] * LN2
    row = lax.iota(jnp.int32, 2 * B)
    coef = jnp.where(row % 2 == 0, 1.0, -1.0)
    tot = jnp.sum(lg * coef)
    sl = jnp.sum(len_ref[...].astype(jnp.float32))
    o_ref[...] = jnp.broadcast_to(tot / sl, (1, 1))


_epi_call = pl.pallas_call(
    _epi_body,
    out_shape=jax.ShapeDtypeStruct((1, 1), jnp.float32),
)


def _spread(src, dst, pdf, lp):
    a = src.shape[0]
    perm = jnp.argsort(dst % L, stable=True)
    perm = perm.reshape(L, a // L).T.reshape(-1)
    return src[perm], dst[perm], pdf[perm], lp[perm]


@jax.jit
def kernel(x, x_lengths, den_src, den_dst, den_pdf, den_arc_lp, den_init,
           den_final, num_src, num_dst, num_pdf, num_arc_lp, num_init,
           num_final):
    den_src, den_dst, den_pdf, den_arc_lp = _spread(
        den_src, den_dst, den_pdf, den_arc_lp)
    num_src, num_dst, num_pdf, num_arc_lp = _spread(
        num_src, num_dst, num_pdf, num_arc_lp)
    res = _sc_call(x, x_lengths, den_src, den_dst, den_pdf, den_arc_lp,
                   den_init, den_final, num_src, num_dst, num_pdf,
                   num_arc_lp, num_init, num_final)
    out = _epi_call(res, x_lengths.reshape(1, B))
    return out[0, 0]

# --- scband reference (transcript-rebuilt; emitter-appended) ---
"""Pipeline reference for scband-chain-loss-70497593196987 (READ-ONLY COPY).

The authoritative reference and input builder live on the scoring server;
editing this copy changes nothing except your own understanding.
"""

import jax, jax.numpy as jnp
import numpy as np

NEG = -1e30
B, T, D = 16, 512, 2048
S_DEN, A_DEN = 1024, 16384
S_NUM, A_NUM = 1024, 4096
LEAKY = 1e-05


def _seg_logsumexp(scores, seg_ids, num_segments):
    m = jax.ops.segment_max(scores, seg_ids, num_segments=num_segments)
    m = jnp.where(m > NEG / 2, m, 0.0)
    m = jax.lax.stop_gradient(m)
    s = jax.ops.segment_sum(jnp.exp(scores - m[seg_ids]), seg_ids, num_segments=num_segments)
    return jnp.where(s > 0, jnp.log(jnp.maximum(s, 1e-38)) + m, NEG)


def _chain_objf(x, lengths, src, dst, pdf, arc_lp, init_lp, final_lp, S, leaky):
    Bb, Tt, Dd = x.shape
    alpha0 = jnp.broadcast_to(init_lp[None, :], (Bb, S))
    xT = jnp.transpose(x, (1, 0, 2))
    ts = jnp.arange(Tt)

    def step(alpha, inp):
        x_t, t = inp
        scores = alpha[:, src] + arc_lp[None, :] + x_t[:, pdf]
        new_alpha = jax.vmap(lambda sc: _seg_logsumexp(sc, dst, S))(scores)
        if leaky > 0.0:
            tot = jax.nn.logsumexp(alpha, axis=1, keepdims=True)
            log_leaky = jnp.asarray(np.log(leaky), dtype=alpha.dtype)
            new_alpha = jnp.logaddexp(new_alpha, log_leaky + tot + init_lp[None, :])
        mask = (t < lengths)[:, None]
        alpha = jnp.where(mask, new_alpha, alpha)
        return alpha, 0.0

    alpha, _ = jax.lax.scan(step, alpha0, (xT, ts))
    objf_b = jax.nn.logsumexp(alpha + final_lp[None, :], axis=1)
    return jnp.sum(objf_b)


def setup_inputs(seed: int = 0):
    key = jax.random.key(seed)
    ks = jax.random.split(key, 16)
    x = jax.nn.log_softmax(jax.random.normal(ks[0], (B, T, D), dtype=jnp.float32), axis=-1)
    lengths = jnp.sort(jax.random.randint(ks[1], (B,), T // 2, T + 1, dtype=jnp.int32))[::-1]
    lengths = lengths.at[0].set(T)
    den_src = jax.random.randint(ks[2], (A_DEN,), 0, S_DEN, dtype=jnp.int32)
    den_dst = jax.random.randint(ks[3], (A_DEN,), 0, S_DEN, dtype=jnp.int32)
    den_pdf = jax.random.randint(ks[4], (A_DEN,), 0, D, dtype=jnp.int32)
    den_arc_lp = 0.1 * jax.random.normal(ks[5], (A_DEN,), dtype=jnp.float32) - 1.0
    den_init = jax.nn.log_softmax(jax.random.normal(ks[6], (S_DEN,), dtype=jnp.float32))
    den_final = 0.1 * jax.random.normal(ks[7], (S_DEN,), dtype=jnp.float32)
    num_src = jax.random.randint(ks[8], (A_NUM,), 0, S_NUM, dtype=jnp.int32)
    num_dst = jax.random.randint(ks[9], (A_NUM,), 0, S_NUM, dtype=jnp.int32)
    num_pdf = jax.random.randint(ks[10], (A_NUM,), 0, D, dtype=jnp.int32)
    num_arc_lp = 0.1 * jax.random.normal(ks[11], (A_NUM,), dtype=jnp.float32) - 1.0
    num_init = jax.nn.log_softmax(jax.random.normal(ks[12], (S_NUM,), dtype=jnp.float32))
    num_final = 0.1 * jax.random.normal(ks[13], (S_NUM,), dtype=jnp.float32)
    return {"x": x, "x_lengths": lengths, "den_src": den_src, "den_dst": den_dst, "den_pdf": den_pdf, "den_arc_lp": den_arc_lp, "den_init": den_init, "den_final": den_final, "num_src": num_src, "num_dst": num_dst, "num_pdf": num_pdf, "num_arc_lp": num_arc_lp, "num_init": num_init, "num_final": num_final}


def reference(x, x_lengths, den_src, den_dst, den_pdf, den_arc_lp, den_init, den_final, num_src, num_dst, num_pdf, num_arc_lp, num_init, num_final):
    den_objf = _chain_objf(x, x_lengths, den_src, den_dst, den_pdf, den_arc_lp, den_init, den_final, S_DEN, LEAKY)
    num_objf = _chain_objf(x, x_lengths, num_src, num_dst, num_pdf, num_arc_lp, num_init, num_final, S_NUM, 0.0)
    objf = -(num_objf - den_objf)
    objf = objf / jnp.sum(x_lengths).astype(jnp.float32)
    return objf

if __name__ == "__main__":
    import jax
    _d = setup_inputs()
    print(jax.jit(kernel)(*tuple(_d.values())))

</pallas_src>

<mosaic_0001>
#map = affine_map<(d0, d1) -> (0, 0, 0)>
#map1 = affine_map<(d0, d1) -> (0)>
module attributes {stable_mosaic.version = 14 : i64} {
  func.func @_sc_body(%arg0: i32, %arg1: i32, %arg2: memref<16x512x2048xf32, #tpu.memory_space<hbm>>, %arg3: memref<16xi32, #tpu.memory_space<hbm>>, %arg4: memref<16384xi32, #tpu.memory_space<hbm>>, %arg5: memref<16384xi32, #tpu.memory_space<hbm>>, %arg6: memref<16384xi32, #tpu.memory_space<hbm>>, %arg7: memref<16384xf32, #tpu.memory_space<hbm>>, %arg8: memref<1024xf32, #tpu.memory_space<hbm>>, %arg9: memref<1024xf32, #tpu.memory_space<hbm>>, %arg10: memref<4096xi32, #tpu.memory_space<hbm>>, %arg11: memref<4096xi32, #tpu.memory_space<hbm>>, %arg12: memref<4096xi32, #tpu.memory_space<hbm>>, %arg13: memref<4096xf32, #tpu.memory_space<hbm>>, %arg14: memref<1024xf32, #tpu.memory_space<hbm>>, %arg15: memref<1024xf32, #tpu.memory_space<hbm>>, %arg16: memref<32x2x16xf32, #tpu.memory_space<hbm>>, %arg17: memref<16384xi32, #tpu.memory_space<vmem>>, %arg18: memref<16384xi32, #tpu.memory_space<vmem>>, %arg19: memref<16384xf32, #tpu.memory_space<vmem>>, %arg20: memref<1024xf32, #tpu.memory_space<vmem>>, %arg21: memref<1024xf32, #tpu.memory_space<vmem>>, %arg22: memref<1024xf32, #tpu.memory_space<vmem>>, %arg23: memref<1024xf32, #tpu.memory_space<vmem>>, %arg24: memref<2x2048xf32, #tpu.memory_space<vmem>>, %arg25: memref<2048xf32, #tpu.memory_space<vmem>>, %arg26: memref<16xi32, #tpu.memory_space<vmem>>, %arg27: memref<16xf32, #tpu.memory_space<vmem>>, %arg28: memref<!tpu.dma_semaphore, #tpu.memory_space<semaphore_mem>>) attributes {dimension_semantics = [#tpu.dimension_semantics<core_parallel>, #tpu.dimension_semantics<subcore_parallel>], iteration_bounds = array<i64: 2, 16>, scalar_prefetch = 0 : i64, scratch_operands = 12 : i64, tpu.core_type = #tpu.core_type<sc_vector_subcore>, window_params = [{transform_indices = #map}, {transform_indices = #map1}, {transform_indices = #map1}, {transform_indices = #map1}, {transform_indices = #map1}, {transform_indices = #map1}, {transform_indices = #map1}, {transform_indices = #map1}, {transform_indices = #map1}, {transform_indices = #map1}, {transform_indices = #map1}, {transform_indices = #map1}, {transform_indices = #map1}, {transform_indices = #map1}, {transform_indices = #map}]} {
    "tpu.region"() ({
      %run_scoped3A = tpu.sem_alloc : memref<!tpu.dma_semaphore, #tpu.memory_space<semaphore_mem>>
      tpu.enqueue_dma source(%arg3 : memref<16xi32, #tpu.memory_space<hbm>>) target(%arg26 : memref<16xi32, #tpu.memory_space<vmem>>) target_semaphore(%run_scoped3A : memref<!tpu.dma_semaphore, #tpu.memory_space<semaphore_mem>>)
      tpu.wait_dma2 semaphore(%run_scoped3A : memref<!tpu.dma_semaphore, #tpu.memory_space<semaphore_mem>>) src(%arg3 : memref<16xi32, #tpu.memory_space<hbm>>) dst(%arg26 : memref<16xi32, #tpu.memory_space<vmem>>)
      tpu.yield
    }) : () -> ()
    %get3A = arith.constant 0 : index
    %get3A_0 = tpu.vector_load %arg26[%get3A] {strides = array<i32>} : memref<16xi32, #tpu.memory_space<vmem>>, vector<16xi32>,
    %iota3A = tpu.iota {dimensions = array<i32: 0>} : vector<16xi32>
    %eq3A = vector.broadcast %arg1 : i32 to vector<16xi32>
    %eq3A_1 = arith.cmpi eq, %iota3A, %eq3A : vector<16xi32>
    %shift_right_arithmetic3A = arith.constant 0 : i32
    %shift_right_arithmetic3A_2 = vector.broadcast %shift_right_arithmetic3A : i32 to vector<16xi32>
    %shift_right_arithmetic3A_3 = arith.shrsi %get3A_0, %shift_right_arithmetic3A_2 : vector<16xi32>
    %and3A = arith.constant 1 : i32
    %and3A_4 = vector.broadcast %and3A : i32 to vector<16xi32>
    %and3A_5 = arith.andi %shift_right_arithmetic3A_3, %and3A_4 : vector<16xi32>
    %eq3A_6 = arith.constant 1 : i32
    %eq3A_7 = vector.broadcast %eq3A_6 : i32 to vector<16xi32>
    %eq3A_8 = arith.cmpi eq, %and3A_5, %eq3A_7 : vector<16xi32>
    %and3A_9 = arith.andi %eq3A_1, %eq3A_8 : vector<16xi1>
    %reduce_or3A = arith.constant 1.000000e+00 : f32
    %reduce_or3A_10 = arith.constant 0.000000e+00 : f32
    %reduce_or3A_11 = vector.broadcast %reduce_or3A : f32 to vector<16xf32>
    %reduce_or3A_12 = vector.broadcast %reduce_or3A_10 : f32 to vector<16xf32>
    %reduce_or3A_13 = arith.select %and3A_9, %reduce_or3A_11, %reduce_or3A_12 : vector<16xi1>, vector<16xf32>
    %reduce_or3A_14 = arith.constant true
    %reduce_or3A_15 = vector.broadcast %reduce_or3A_14 : i1 to vector<16xi1>
    %reduce_or3A_16 = tpu.scan <max>, %reduce_or3A_13 masked %reduce_or3A_15 : vector<16xf32>, vector<16xi1> -> vector<16xf32>
    %reduce_or3A_17 = vector.extract %reduce_or3A_16[15] : f32 from vector<16xf32>
    %reduce_or3A_18 = arith.constant 0.000000e+00 : f32
    %reduce_or3A_19 = arith.cmpf ogt, %reduce_or3A_17, %reduce_or3A_18 : f32
    %jit3A = arith.constant 1 : i32
    %jit3A_20 = arith.constant 0 : i32
    %select_n3A = arith.select %reduce_or3A_19, %jit3A, %jit3A_20 : i32
    %add3A = arith.constant 0 : i32
    %add3A_21 = arith.addi %add3A, %select_n3A : i32
    %shift_right_arithmetic3A_22 = arith.constant 1 : i32
    %shift_right_arithmetic3A_23 = vector.broadcast %shift_right_arithmetic3A_22 : i32 to vector<16xi32>
    %shift_right_arithmetic3A_24 = arith.shrsi %get3A_0, %shift_right_arithmetic3A_23 : vector<16xi32>
    %and3A_25 = arith.constant 1 : i32
    %and3A_26 = vector.broadcast %and3A_25 : i32 to vector<16xi32>
    %and3A_27 = arith.andi %shift_right_arithmetic3A_24, %and3A_26 : vector<16xi32>
    %eq3A_28 = arith.constant 1 : i32
    %eq3A_29 = vector.broadcast %eq3A_28 : i32 to vector<16xi32>
    %eq3A_30 = arith.cmpi eq, %and3A_27, %eq3A_29 : vector<16xi32>
    %and3A_31 = arith.andi %eq3A_1, %eq3A_30 : vector<16xi1>
    %reduce_or3A_32 = arith.constant 1.000000e+00 : f32
    %reduce_or3A_33 = arith.constant 0.000000e+00 : f32
    %reduce_or3A_34 = vector.broadcast %reduce_or3A_32 : f32 to vector<16xf32>
    %reduce_or3A_35 = vector.broadcast %reduce_or3A_33 : f32 to vector<16xf32>
    %reduce_or3A_36 = arith.select %and3A_31, %reduce_or3A_34, %reduce_or3A_35 : vector<16xi1>, vector<16xf32>
    %reduce_or3A_37 = arith.constant true
    %reduce_or3A_38 = vector.broadcast %reduce_or3A_37 : i1 to vector<16xi1>
    %reduce_or3A_39 = tpu.scan <max>, %reduce_or3A_36 masked %reduce_or3A_38 : vector<16xf32>, vector<16xi1> -> vector<16xf32>
    %reduce_or3A_40 = vector.extract %reduce_or3A_39[15] : f32 from vector<16xf32>
    %reduce_or3A_41 = arith.constant 0.000000e+00 : f32
    %reduce_or3A_42 = arith.cmpf ogt, %reduce_or3A_40, %reduce_or3A_41 : f32
    %jit3A_43 = arith.constant 2 : i32
    %jit3A_44 = arith.constant 0 : i32
    %select_n3A_45 = arith.select %reduce_or3A_42, %jit3A_43, %jit3A_44 : i32
    %add3A_46 = arith.addi %add3A_21, %select_n3A_45 : i32
    %shift_right_arithmetic3A_47 = arith.constant 2 : i32
    %shift_right_arithmetic3A_48 = vector.broadcast %shift_right_arithmetic3A_47 : i32 to vector<16xi32>
    %shift_right_arithmetic3A_49 = arith.shrsi %get3A_0, %shift_right_arithmetic3A_48 : vector<16xi32>
    %and3A_50 = arith.constant 1 : i32
    %and3A_51 = vector.broadcast %and3A_50 : i32 to vector<16xi32>
    %and3A_52 = arith.andi %shift_right_arithmetic3A_49, %and3A_51 : vector<16xi32>
    %eq3A_53 = arith.constant 1 : i32
    %eq3A_54 = vector.broadcast %eq3A_53 : i32 to vector<16xi32>
    %eq3A_55 = arith.cmpi eq, %and3A_52, %eq3A_54 : vector<16xi32>
    %and3A_56 = arith.andi %eq3A_1, %eq3A_55 : vector<16xi1>
    %reduce_or3A_57 = arith.constant 1.000000e+00 : f32
    %reduce_or3A_58 = arith.constant 0.000000e+00 : f32
    %reduce_or3A_59 = vector.broadcast %reduce_or3A_57 : f32 to vector<16xf32>
    %reduce_or3A_60 = vector.broadcast %reduce_or3A_58 : f32 to vector<16xf32>
    %reduce_or3A_61 = arith.select %and3A_56, %reduce_or3A_59, %reduce_or3A_60 : vector<16xi1>, vector<16xf32>
    %reduce_or3A_62 = arith.constant true
    %reduce_or3A_63 = vector.broadcast %reduce_or3A_62 : i1 to vector<16xi1>
    %reduce_or3A_64 = tpu.scan <max>, %reduce_or3A_61 masked %reduce_or3A_63 : vector<16xf32>, vector<16xi1> -> vector<16xf32>
    %reduce_or3A_65 = vector.extract %reduce_or3A_64[15] : f32 from vector<16xf32>
    %reduce_or3A_66 = arith.constant 0.000000e+00 : f32
    %reduce_or3A_67 = arith.cmpf ogt, %reduce_or3A_65, %reduce_or3A_66 : f32
    %jit3A_68 = arith.constant 4 : i32
    %jit3A_69 = arith.constant 0 : i32
    %select_n3A_70 = arith.select %reduce_or3A_67, %jit3A_68, %jit3A_69 : i32
    %add3A_71 = arith.addi %add3A_46, %select_n3A_70 : i32
    %shift_right_arithmetic3A_72 = arith.constant 3 : i32
    %shift_right_arithmetic3A_73 = vector.broadcast %shift_right_arithmetic3A_72 : i32 to vector<16xi32>
    %shift_right_arithmetic3A_74 = arith.shrsi %get3A_0, %shift_right_arithmetic3A_73 : vector<16xi32>
    %and3A_75 = arith.constant 1 : i32
    %and3A_76 = vector.broadcast %and3A_75 : i32 to vector<16xi32>
    %and3A_77 = arith.andi %shift_right_arithmetic3A_74, %and3A_76 : vector<16xi32>
    %eq3A_78 = arith.constant 1 : i32
    %eq3A_79 = vector.broadcast %eq3A_78 : i32 to vector<16xi32>
    %eq3A_80 = arith.cmpi eq, %and3A_77, %eq3A_79 : vector<16xi32>
    %and3A_81 = arith.andi %eq3A_1, %eq3A_80 : vector<16xi1>
    %reduce_or3A_82 = arith.constant 1.000000e+00 : f32
    %reduce_or3A_83 = arith.constant 0.000000e+00 : f32
    %reduce_or3A_84 = vector.broadcast %reduce_or3A_82 : f32 to vector<16xf32>
    %reduce_or3A_85 = vector.broadcast %reduce_or3A_83 : f32 to vector<16xf32>
    %reduce_or3A_86 = arith.select %and3A_81, %reduce_or3A_84, %reduce_or3A_85 : vector<16xi1>, vector<16xf32>
    %reduce_or3A_87 = arith.constant true
    %reduce_or3A_88 = vector.broadcast %reduce_or3A_87 : i1 to vector<16xi1>
    %reduce_or3A_89 = tpu.scan <max>, %reduce_or3A_86 masked %reduce_or3A_88 : vector<16xf32>, vector<16xi1> -> vector<16xf32>
    %reduce_or3A_90 = vector.extract %reduce_or3A_89[15] : f32 from vector<16xf32>
    %reduce_or3A_91 = arith.constant 0.000000e+00 : f32
    %reduce_or3A_92 = arith.cmpf ogt, %reduce_or3A_90, %reduce_or3A_91 : f32
    %jit3A_93 = arith.constant 8 : i32
    %jit3A_94 = arith.constant 0 : i32
    %select_n3A_95 = arith.select %reduce_or3A_92, %jit3A_93, %jit3A_94 : i32
    %add3A_96 = arith.addi %add3A_71, %select_n3A_95 : i32
    %shift_right_arithmetic3A_97 = arith.constant 4 : i32
    %shift_right_arithmetic3A_98 = vector.broadcast %shift_right_arithmetic3A_97 : i32 to vector<16xi32>
    %shift_right_arithmetic3A_99 = arith.shrsi %get3A_0, %shift_right_arithmetic3A_98 : vector<16xi32>
    %and3A_100 = arith.constant 1 : i32
    %and3A_101 = vector.broadcast %and3A_100 : i32 to vector<16xi32>
    %and3A_102 = arith.andi %shift_right_arithmetic3A_99, %and3A_101 : vector<16xi32>
    %eq3A_103 = arith.constant 1 : i32
    %eq3A_104 = vector.broadcast %eq3A_103 : i32 to vector<16xi32>
    %eq3A_105 = arith.cmpi eq, %and3A_102, %eq3A_104 : vector<16xi32>
    %and3A_106 = arith.andi %eq3A_1, %eq3A_105 : vector<16xi1>
    %reduce_or3A_107 = arith.constant 1.000000e+00 : f32
    %reduce_or3A_108 = arith.constant 0.000000e+00 : f32
    %reduce_or3A_109 = vector.broadcast %reduce_or3A_107 : f32 to vector<16xf32>
    %reduce_or3A_110 = vector.broadcast %reduce_or3A_108 : f32 to vector<16xf32>
    %reduce_or3A_111 = arith.select %and3A_106, %reduce_or3A_109, %reduce_or3A_110 : vector<16xi1>, vector<16xf32>
    %reduce_or3A_112 = arith.constant true
    %reduce_or3A_113 = vector.broadcast %reduce_or3A_112 : i1 to vector<16xi1>
    %reduce_or3A_114 = tpu.scan <max>, %reduce_or3A_111 masked %reduce_or3A_113 : vector<16xf32>, vector<16xi1> -> vector<16xf32>
    %reduce_or3A_115 = vector.extract %reduce_or3A_114[15] : f32 from vector<16xf32>
    %reduce_or3A_116 = arith.constant 0.000000e+00 : f32
    %reduce_or3A_117 = arith.cmpf ogt, %reduce_or3A_115, %reduce_or3A_116 : f32
    %jit3A_118 = arith.constant 16 : i32
    %jit3A_119 = arith.constant 0 : i32
    %select_n3A_120 = arith.select %reduce_or3A_117, %jit3A_118, %jit3A_119 : i32
    %add3A_121 = arith.addi %add3A_96, %select_n3A_120 : i32
    %shift_right_arithmetic3A_122 = arith.constant 5 : i32
    %shift_right_arithmetic3A_123 = vector.broadcast %shift_right_arithmetic3A_122 : i32 to vector<16xi32>
    %shift_right_arithmetic3A_124 = arith.shrsi %get3A_0, %shift_right_arithmetic3A_123 : vector<16xi32>
    %and3A_125 = arith.constant 1 : i32
    %and3A_126 = vector.broadcast %and3A_125 : i32 to vector<16xi32>
    %and3A_127 = arith.andi %shift_right_arithmetic3A_124, %and3A_126 : vector<16xi32>
    %eq3A_128 = arith.constant 1 : i32
    %eq3A_129 = vector.broadcast %eq3A_128 : i32 to vector<16xi32>
    %eq3A_130 = arith.cmpi eq, %and3A_127, %eq3A_129 : vector<16xi32>
    %and3A_131 = arith.andi %eq3A_1, %eq3A_130 : vector<16xi1>
    %reduce_or3A_132 = arith.constant 1.000000e+00 : f32
    %reduce_or3A_133 = arith.constant 0.000000e+00 : f32
    %reduce_or3A_134 = vector.broadcast %reduce_or3A_132 : f32 to vector<16xf32>
    %reduce_or3A_135 = vector.broadcast %reduce_or3A_133 : f32 to vector<16xf32>
    %reduce_or3A_136 = arith.select %and3A_131, %reduce_or3A_134, %reduce_or3A_135 : vector<16xi1>, vector<16xf32>
    %reduce_or3A_137 = arith.constant true
    %reduce_or3A_138 = vector.broadcast %reduce_or3A_137 : i1 to vector<16xi1>
    %reduce_or3A_139 = tpu.scan <max>, %reduce_or3A_136 masked %reduce_or3A_138 : vector<16xf32>, vector<16xi1> -> vector<16xf32>
    %reduce_or3A_140 = vector.extract %reduce_or3A_139[15] : f32 from vector<16xf32>
    %reduce_or3A_141 = arith.constant 0.000000e+00 : f32
    %reduce_or3A_142 = arith.cmpf ogt, %reduce_or3A_140, %reduce_or3A_141 : f32
    %jit3A_143 = arith.constant 32 : i32
    %jit3A_144 = arith.constant 0 : i32
    %select_n3A_145 = arith.select %reduce_or3A_142, %jit3A_143, %jit3A_144 : i32
    %add3A_146 = arith.addi %add3A_121, %select_n3A_145 : i32
    %shift_right_arithmetic3A_147 = arith.constant 6 : i32
    %shift_right_arithmetic3A_148 = vector.broadcast %shift_right_arithmetic3A_147 : i32 to vector<16xi32>
    %shift_right_arithmetic3A_149 = arith.shrsi %get3A_0, %shift_right_arithmetic3A_148 : vector<16xi32>
    %and3A_150 = arith.constant 1 : i32
    %and3A_151 = vector.broadcast %and3A_150 : i32 to vector<16xi32>
    %and3A_152 = arith.andi %shift_right_arithmetic3A_149, %and3A_151 : vector<16xi32>
    %eq3A_153 = arith.constant 1 : i32
    %eq3A_154 = vector.broadcast %eq3A_153 : i32 to vector<16xi32>
    %eq3A_155 = arith.cmpi eq, %and3A_152, %eq3A_154 : vector<16xi32>
    %and3A_156 = arith.andi %eq3A_1, %eq3A_155 : vector<16xi1>
    %reduce_or3A_157 = arith.constant 1.000000e+00 : f32
    %reduce_or3A_158 = arith.constant 0.000000e+00 : f32
    %reduce_or3A_159 = vector.broadcast %reduce_or3A_157 : f32 to vector<16xf32>
    %reduce_or3A_160 = vector.broadcast %reduce_or3A_158 : f32 to vector<16xf32>
    %reduce_or3A_161 = arith.select %and3A_156, %reduce_or3A_159, %reduce_or3A_160 : vector<16xi1>, vector<16xf32>
    %reduce_or3A_162 = arith.constant true
    %reduce_or3A_163 = vector.broadcast %reduce_or3A_162 : i1 to vector<16xi1>
    %reduce_or3A_164 = tpu.scan <max>, %reduce_or3A_161 masked %reduce_or3A_163 : vector<16xf32>, vector<16xi1> -> vector<16xf32>
    %reduce_or3A_165 = vector.extract %reduce_or3A_164[15] : f32 from vector<16xf32>
    %reduce_or3A_166 = arith.constant 0.000000e+00 : f32
    %reduce_or3A_167 = arith.cmpf ogt, %reduce_or3A_165, %reduce_or3A_166 : f32
    %jit3A_168 = arith.constant 64 : i32
    %jit3A_169 = arith.constant 0 : i32
    %select_n3A_170 = arith.select %reduce_or3A_167, %jit3A_168, %jit3A_169 : i32
    %add3A_171 = arith.addi %add3A_146, %select_n3A_170 : i32
    %shift_right_arithmetic3A_172 = arith.constant 7 : i32
    %shift_right_arithmetic3A_173 = vector.broadcast %shift_right_arithmetic3A_172 : i32 to vector<16xi32>
    %shift_right_arithmetic3A_174 = arith.shrsi %get3A_0, %shift_right_arithmetic3A_173 : vector<16xi32>
    %and3A_175 = arith.constant 1 : i32
    %and3A_176 = vector.broadcast %and3A_175 : i32 to vector<16xi32>
    %and3A_177 = arith.andi %shift_right_arithmetic3A_174, %and3A_176 : vector<16xi32>
    %eq3A_178 = arith.constant 1 : i32
    %eq3A_179 = vector.broadcast %eq3A_178 : i32 to vector<16xi32>
    %eq3A_180 = arith.cmpi eq, %and3A_177, %eq3A_179 : vector<16xi32>
    %and3A_181 = arith.andi %eq3A_1, %eq3A_180 : vector<16xi1>
    %reduce_or3A_182 = arith.constant 1.000000e+00 : f32
    %reduce_or3A_183 = arith.constant 0.000000e+00 : f32
    %reduce_or3A_184 = vector.broadcast %reduce_or3A_182 : f32 to vector<16xf32>
    %reduce_or3A_185 = vector.broadcast %reduce_or3A_183 : f32 to vector<16xf32>
    %reduce_or3A_186 = arith.select %and3A_181, %reduce_or3A_184, %reduce_or3A_185 : vector<16xi1>, vector<16xf32>
    %reduce_or3A_187 = arith.constant true
    %reduce_or3A_188 = vector.broadcast %reduce_or3A_187 : i1 to vector<16xi1>
    %reduce_or3A_189 = tpu.scan <max>, %reduce_or3A_186 masked %reduce_or3A_188 : vector<16xf32>, vector<16xi1> -> vector<16xf32>
    %reduce_or3A_190 = vector.extract %reduce_or3A_189[15] : f32 from vector<16xf32>
    %reduce_or3A_191 = arith.constant 0.000000e+00 : f32
    %reduce_or3A_192 = arith.cmpf ogt, %reduce_or3A_190, %reduce_or3A_191 : f32
    %jit3A_193 = arith.constant 128 : i32
    %jit3A_194 = arith.constant 0 : i32
    %select_n3A_195 = arith.select %reduce_or3A_192, %jit3A_193, %jit3A_194 : i32
    %add3A_196 = arith.addi %add3A_171, %select_n3A_195 : i32
    %shift_right_arithmetic3A_197 = arith.constant 8 : i32
    %shift_right_arithmetic3A_198 = vector.broadcast %shift_right_arithmetic3A_197 : i32 to vector<16xi32>
    %shift_right_arithmetic3A_199 = arith.shrsi %get3A_0, %shift_right_arithmetic3A_198 : vector<16xi32>
    %and3A_200 = arith.constant 1 : i32
    %and3A_201 = vector.broadcast %and3A_200 : i32 to vector<16xi32>
    %and3A_202 = arith.andi %shift_right_arithmetic3A_199, %and3A_201 : vector<16xi32>
    %eq3A_203 = arith.constant 1 : i32
    %eq3A_204 = vector.broadcast %eq3A_203 : i32 to vector<16xi32>
    %eq3A_205 = arith.cmpi eq, %and3A_202, %eq3A_204 : vector<16xi32>
    %and3A_206 = arith.andi %eq3A_1, %eq3A_205 : vector<16xi1>
    %reduce_or3A_207 = arith.constant 1.000000e+00 : f32
    %reduce_or3A_208 = arith.constant 0.000000e+00 : f32
    %reduce_or3A_209 = vector.broadcast %reduce_or3A_207 : f32 to vector<16xf32>
    %reduce_or3A_210 = vector.broadcast %reduce_or3A_208 : f32 to vector<16xf32>
    %reduce_or3A_211 = arith.select %and3A_206, %reduce_or3A_209, %reduce_or3A_210 : vector<16xi1>, vector<16xf32>
    %reduce_or3A_212 = arith.constant true
    %reduce_or3A_213 = vector.broadcast %reduce_or3A_212 : i1 to vector<16xi1>
    %reduce_or3A_214 = tpu.scan <max>, %reduce_or3A_211 masked %reduce_or3A_213 : vector<16xf32>, vector<16xi1> -> vector<16xf32>
    %reduce_or3A_215 = vector.extract %reduce_or3A_214[15] : f32 from vector<16xf32>
    %reduce_or3A_216 = arith.constant 0.000000e+00 : f32
    %reduce_or3A_217 = arith.cmpf ogt, %reduce_or3A_215, %reduce_or3A_216 : f32
    %jit3A_218 = arith.constant 256 : i32
    %jit3A_219 = arith.constant 0 : i32
    %select_n3A_220 = arith.select %reduce_or3A_217, %jit3A_218, %jit3A_219 : i32
    %add3A_221 = arith.addi %add3A_196, %select_n3A_220 : i32
    %shift_right_arithmetic3A_222 = arith.constant 9 : i32
    %shift_right_arithmetic3A_223 = vector.broadcast %shift_right_arithmetic3A_222 : i32 to vector<16xi32>
    %shift_right_arithmetic3A_224 = arith.shrsi %get3A_0, %shift_right_arithmetic3A_223 : vector<16xi32>
    %and3A_225 = arith.constant 1 : i32
    %and3A_226 = vector.broadcast %and3A_225 : i32 to vector<16xi32>
    %and3A_227 = arith.andi %shift_right_arithmetic3A_224, %and3A_226 : vector<16xi32>
    %eq3A_228 = arith.constant 1 : i32
    %eq3A_229 = vector.broadcast %eq3A_228 : i32 to vector<16xi32>
    %eq3A_230 = arith.cmpi eq, %and3A_227, %eq3A_229 : vector<16xi32>
    %and3A_231 = arith.andi %eq3A_1, %eq3A_230 : vector<16xi1>
    %reduce_or3A_232 = arith.constant 1.000000e+00 : f32
    %reduce_or3A_233 = arith.constant 0.000000e+00 : f32
    %reduce_or3A_234 = vector.broadcast %reduce_or3A_232 : f32 to vector<16xf32>
    %reduce_or3A_235 = vector.broadcast %reduce_or3A_233 : f32 to vector<16xf32>
    %reduce_or3A_236 = arith.select %and3A_231, %reduce_or3A_234, %reduce_or3A_235 : vector<16xi1>, vector<16xf32>
    %reduce_or3A_237 = arith.constant true
    %reduce_or3A_238 = vector.broadcast %reduce_or3A_237 : i1 to vector<16xi1>
    %reduce_or3A_239 = tpu.scan <max>, %reduce_or3A_236 masked %reduce_or3A_238 : vector<16xf32>, vector<16xi1> -> vector<16xf32>
    %reduce_or3A_240 = vector.extract %reduce_or3A_239[15] : f32 from vector<16xf32>
    %reduce_or3A_241 = arith.constant 0.000000e+00 : f32
    %reduce_or3A_242 = arith.cmpf ogt, %reduce_or3A_240, %reduce_or3A_241 : f32
    %jit3A_243 = arith.constant 512 : i32
    %jit3A_244 = arith.constant 0 : i32
    %select_n3A_245 = arith.select %reduce_or3A_242, %jit3A_243, %jit3A_244 : i32
    %add3A_246 = arith.addi %add3A_221, %select_n3A_245 : i32
    %eq3A_247 = arith.constant 0 : i32
    %eq3A_248 = arith.cmpi eq, %arg0, %eq3A_247 : i32
    %convert_element_type3A = arith.extui %eq3A_248 : i1 to i32
    %cond3A = arith.constant 0 : i32
    %cond3A_249 = arith.cmpi ne, %convert_element_type3A, %cond3A : i32
    scf.if %cond3A_249 {
      %broadcast_in_dim3A = arith.constant 0.000000e+00 : f32
      %broadcast_in_dim3A_255 = vector.broadcast %broadcast_in_dim3A : f32 to vector<16xf32>
      %broadcast_in_dim3A_256 = arith.constant 1.000000e+00 : f32
      %broadcast_in_dim3A_257 = vector.broadcast %broadcast_in_dim3A_256 : f32 to vector<16xf32>
      %broadcast_in_dim3A_258 = arith.constant 0 : i32
      %broadcast_in_dim3A_259 = vector.broadcast %broadcast_in_dim3A_258 : i32 to vector<16xi32>
      %iota3A_260 = tpu.iota {dimensions = array<i32: 0>} : vector<16xi32>
      "tpu.region"() ({
        %run_scoped3A_370 = tpu.sem_alloc : memref<!tpu.dma_semaphore, #tpu.memory_space<semaphore_mem>>
        %dma_start3A_371 = arith.constant 0 : i32
        %dma_start3A_372 = tpu.memref_slice %arg17[%dma_start3A_371] : memref<16384xi32, #tpu.memory_space<vmem>> -> memref<16384xi32, #tpu.memory_space<vmem>>
        %dma_start3A_373 = arith.constant 0 : i32
        %dma_start3A_374 = tpu.memref_slice %arg17[%dma_start3A_373] : memref<16384xi32, #tpu.memory_space<vmem>> -> memref<16384xi32, #tpu.memory_space<vmem>>
        tpu.enqueue_dma source(%arg6 : memref<16384xi32, #tpu.memory_space<hbm>>) target(%dma_start3A_374 : memref<16384xi32, #tpu.memory_space<vmem>>) target_semaphore(%run_scoped3A_370 : memref<!tpu.dma_semaphore, #tpu.memory_space<semaphore_mem>>)
        %dma_wait3A_375 = arith.constant 0 : i32
        %dma_wait3A_376 = tpu.memref_slice %arg17[%dma_wait3A_375] : memref<16384xi32, #tpu.memory_space<vmem>> -> memref<16384xi32, #tpu.memory_space<vmem>>
        %dma_wait3A_377 = arith.constant 0 : i32
        %dma_wait3A_378 = tpu.memref_slice %arg17[%dma_wait3A_377] : memref<16384xi32, #tpu.memory_space<vmem>> -> memref<16384xi32, #tpu.memory_space<vmem>>
        tpu.wait_dma2 semaphore(%run_scoped3A_370 : memref<!tpu.dma_semaphore, #tpu.memory_space<semaphore_mem>>) src(%arg6 : memref<16384xi32, #tpu.memory_space<hbm>>) dst(%dma_wait3A_378 : memref<16384xi32, #tpu.memory_space<vmem>>)
        tpu.yield
      }) : () -> ()
      %scan3A = arith.constant 0 : i32
      %scan3A_261 = arith.constant 0 : i32
      %scan3A_262 = arith.constant 1024 : i32
      %scan3A_263 = arith.addi %scan3A_261, %scan3A_262 : i32
      %scan3A_264 = arith.constant 1 : i32
      %scan3A_265 = scf.for %scan3A_370 = %scan3A_261 to %scan3A_263 step %scan3A_264 iter_args(%scan3A_371 = %scan3A) -> (i32)  : i32 {
        %mul3A_372 = arith.constant 16 : i32
        %mul3A_373 = arith.muli %scan3A_370, %mul3A_372 : i32
        %get3A_374 = arith.index_cast %mul3A_373 : i32 to index
        %get3A_375 = tpu.vector_load %arg17[%get3A_374] {strides = array<i32>} : memref<16384xi32, #tpu.memory_space<vmem>>, vector<16xi32>,
        %shift_left3A = arith.constant 10 : i32
        %shift_left3A_376 = vector.broadcast %shift_left3A : i32 to vector<16xi32>
        %shift_left3A_377 = arith.shli %get3A_375, %shift_left3A_376 : vector<16xi32>
        %swap3A_378 = arith.index_cast %mul3A_373 : i32 to index
        %swap3A_379 = tpu.vector_load %arg18[%swap3A_378] {strides = array<i32>} : memref<16384xi32, #tpu.memory_space<vmem>>, vector<16xi32>,
        tpu.vector_store %arg18[%swap3A_378], %shift_left3A_377 {strides = array<i32>} : memref<16384xi32, #tpu.memory_space<vmem>>, vector<16xi32>,
        %scan3A_380 = arith.constant 0 : i32
        scf.yield %scan3A_380 : i32
      }
      %scan3A_266 = arith.constant 1024 : i32
      "tpu.region"() ({
        %run_scoped3A_370 = tpu.sem_alloc : memref<!tpu.dma_semaphore, #tpu.memory_space<semaphore_mem>>
        %dma_start3A_371 = arith.constant 0 : i32
        %dma_start3A_372 = tpu.memref_slice %arg17[%dma_start3A_371] : memref<16384xi32, #tpu.memory_space<vmem>> -> memref<16384xi32, #tpu.memory_space<vmem>>
        %dma_start3A_373 = arith.constant 0 : i32
        %dma_start3A_374 = tpu.memref_slice %arg17[%dma_start3A_373] : memref<16384xi32, #tpu.memory_space<vmem>> -> memref<16384xi32, #tpu.memory_space<vmem>>
        tpu.enqueue_dma source(%arg4 : memref<16384xi32, #tpu.memory_space<hbm>>) target(%dma_start3A_374 : memref<16384xi32, #tpu.memory_space<vmem>>) target_semaphore(%run_scoped3A_370 : memref<!tpu.dma_semaphore, #tpu.memory_space<semaphore_mem>>)
        %dma_wait3A_375 = arith.constant 0 : i32
        %dma_wait3A_376 = tpu.memref_slice %arg17[%dma_wait3A_375] : memref<16384xi32, #tpu.memory_space<vmem>> -> memref<16384xi32, #tpu.memory_space<vmem>>
        %dma_wait3A_377 = arith.constant 0 : i32
        %dma_wait3A_378 = tpu.memref_slice %arg17[%dma_wait3A_377] : memref<16384xi32, #tpu.memory_space<vmem>> -> memref<16384xi32, #tpu.memory_space<vmem>>
        tpu.wait_dma2 semaphore(%run_scoped3A_370 : memref<!tpu.dma_semaphore, #tpu.memory_space<semaphore_mem>>) src(%arg4 : memref<16384xi32, #tpu.memory_space<hbm>>) dst(%dma_wait3A_378 : memref<16384xi32, #tpu.memory_space<vmem>>)
        tpu.yield
      }) : () -> ()
      %scan3A_267 = arith.constant 0 : i32
      %scan3A_268 = arith.constant 0 : i32
      %scan3A_269 = arith.constant 1024 : i32
      %scan3A_270 = arith.addi %scan3A_268, %scan3A_269 : i32
      %scan3A_271 = arith.constant 1 : i32
      %scan3A_272 = scf.for %scan3A_370 = %scan3A_268 to %scan3A_270 step %scan3A_271 iter_args(%scan3A_371 = %scan3A_267) -> (i32)  : i32 {
        %mul3A_372 = arith.constant 16 : i32
        %mul3A_373 = arith.muli %scan3A_370, %mul3A_372 : i32
        %get3A_374 = arith.index_cast %mul3A_373 : i32 to index
        %get3A_375 = tpu.vector_load %arg18[%get3A_374] {strides = array<i32>} : memref<16384xi32, #tpu.memory_space<vmem>>, vector<16xi32>,
        %get3A_376 = arith.index_cast %mul3A_373 : i32 to index
        %get3A_377 = tpu.vector_load %arg17[%get3A_376] {strides = array<i32>} : memref<16384xi32, #tpu.memory_space<vmem>>, vector<16xi32>,
        %or3A = arith.ori %get3A_375, %get3A_377 : vector<16xi32>
        %swap3A_378 = arith.index_cast %mul3A_373 : i32 to index
        %swap3A_379 = tpu.vector_load %arg18[%swap3A_378] {strides = array<i32>} : memref<16384xi32, #tpu.memory_space<vmem>>, vector<16xi32>,
        tpu.vector_store %arg18[%swap3A_378], %or3A {strides = array<i32>} : memref<16384xi32, #tpu.memory_space<vmem>>, vector<16xi32>,
        %scan3A_380 = arith.constant 0 : i32
        scf.yield %scan3A_380 : i32
      }
      %scan3A_273 = arith.constant 1024 : i32
      "tpu.region"() ({
        %run_scoped3A_370 = tpu.sem_alloc : memref<!tpu.dma_semaphore, #tpu.memory_space<semaphore_mem>>
        %dma_start3A_371 = arith.constant 0 : i32
        %dma_start3A_372 = tpu.memref_slice %arg17[%dma_start3A_371] : memref<16384xi32, #tpu.memory_space<vmem>> -> memref<16384xi32, #tpu.memory_space<vmem>>
        %dma_start3A_373 = arith.constant 0 : i32
        %dma_start3A_374 = tpu.memref_slice %arg17[%dma_start3A_373] : memref<16384xi32, #tpu.memory_space<vmem>> -> memref<16384xi32, #tpu.memory_space<vmem>>
        tpu.enqueue_dma source(%arg5 : memref<16384xi32, #tpu.memory_space<hbm>>) target(%dma_start3A_374 : memref<16384xi32, #tpu.memory_space<vmem>>) target_semaphore(%run_scoped3A_370 : memref<!tpu.dma_semaphore, #tpu.memory_space<semaphore_mem>>)
        %dma_wait3A_375 = arith.constant 0 : i32
        %dma_wait3A_376 = tpu.memref_slice %arg17[%dma_wait3A_375] : memref<16384xi32, #tpu.memory_space<vmem>> -> memref<16384xi32, #tpu.memory_space<vmem>>
        %dma_wait3A_377 = arith.constant 0 : i32
        %dma_wait3A_378 = tpu.memref_slice %arg17[%dma_wait3A_377] : memref<16384xi32, #tpu.memory_space<vmem>> -> memref<16384xi32, #tpu.memory_space<vmem>>
        tpu.wait_dma2 semaphore(%run_scoped3A_370 : memref<!tpu.dma_semaphore, #tpu.memory_space<semaphore_mem>>) src(%arg5 : memref<16384xi32, #tpu.memory_space<hbm>>) dst(%dma_wait3A_378 : memref<16384xi32, #tpu.memory_space<vmem>>)
        tpu.yield
      }) : () -> ()
      %scan3A_274 = arith.constant 0 : i32
      %scan3A_275 = arith.constant 0 : i32
      %scan3A_276 = arith.constant 1024 : i32
      %scan3A_277 = arith.addi %scan3A_275, %scan3A_276 : i32
      %scan3A_278 = arith.constant 1 : i32
      %scan3A_279 = scf.for %scan3A_370 = %scan3A_275 to %scan3A_277 step %scan3A_278 iter_args(%scan3A_371 = %scan3A_274) -> (i32)  : i32 {
        %mul3A_372 = arith.constant 16 : i32
        %mul3A_373 = arith.muli %scan3A_370, %mul3A_372 : i32
        %get3A_374 = arith.index_cast %mul3A_373 : i32 to index
        %get3A_375 = tpu.vector_load %arg18[%get3A_374] {strides = array<i32>} : memref<16384xi32, #tpu.memory_space<vmem>>, vector<16xi32>,
        %get3A_376 = arith.index_cast %mul3A_373 : i32 to index
        %get3A_377 = tpu.vector_load %arg17[%get3A_376] {strides = array<i32>} : memref<16384xi32, #tpu.memory_space<vmem>>, vector<16xi32>,
        %shift_left3A = arith.constant 21 : i32
        %shift_left3A_378 = vector.broadcast %shift_left3A : i32 to vector<16xi32>
        %shift_left3A_379 = arith.shli %get3A_377, %shift_left3A_378 : vector<16xi32>
        %or3A = arith.ori %get3A_375, %shift_left3A_379 : vector<16xi32>
        %swap3A_380 = arith.index_cast %mul3A_373 : i32 to index
        %swap3A_381 = tpu.vector_load %arg18[%swap3A_380] {strides = array<i32>} : memref<16384xi32, #tpu.memory_space<vmem>>, vector<16xi32>,
        tpu.vector_store %arg18[%swap3A_380], %or3A {strides = array<i32>} : memref<16384xi32, #tpu.memory_space<vmem>>, vector<16xi32>,
        %scan3A_382 = arith.constant 0 : i32
        scf.yield %scan3A_382 : i32
      }
      %scan3A_280 = arith.constant 1024 : i32
      "tpu.region"() ({
        %run_scoped3A_370 = tpu.sem_alloc : memref<!tpu.dma_semaphore, #tpu.memory_space<semaphore_mem>>
        %dma_start3A_371 = arith.constant 0 : i32
        %dma_start3A_372 = tpu.memref_slice %arg19[%dma_start3A_371] : memref<16384xf32, #tpu.memory_space<vmem>> -> memref<16384xf32, #tpu.memory_space<vmem>>
        %dma_start3A_373 = arith.constant 0 : i32
        %dma_start3A_374 = tpu.memref_slice %arg19[%dma_start3A_373] : memref<16384xf32, #tpu.memory_space<vmem>> -> memref<16384xf32, #tpu.memory_space<vmem>>
        tpu.enqueue_dma source(%arg7 : memref<16384xf32, #tpu.memory_space<hbm>>) target(%dma_start3A_374 : memref<16384xf32, #tpu.memory_space<vmem>>) target_semaphore(%run_scoped3A_370 : memref<!tpu.dma_semaphore, #tpu.memory_space<semaphore_mem>>)
        %dma_wait3A_375 = arith.constant 0 : i32
        %dma_wait3A_376 = tpu.memref_slice %arg19[%dma_wait3A_375] : memref<16384xf32, #tpu.memory_space<vmem>> -> memref<16384xf32, #tpu.memory_space<vmem>>
        %dma_wait3A_377 = arith.constant 0 : i32
        %dma_wait3A_378 = tpu.memref_slice %arg19[%dma_wait3A_377] : memref<16384xf32, #tpu.memory_space<vmem>> -> memref<16384xf32, #tpu.memory_space<vmem>>
        tpu.wait_dma2 semaphore(%run_scoped3A_370 : memref<!tpu.dma_semaphore, #tpu.memory_space<semaphore_mem>>) src(%arg7 : memref<16384xf32, #tpu.memory_space<hbm>>) dst(%dma_wait3A_378 : memref<16384xf32, #tpu.memory_space<vmem>>)
        tpu.yield
      }) : () -> ()
      %scan3A_281 = arith.constant 0 : i32
      %scan3A_282 = arith.constant 0 : i32
      %scan3A_283 = arith.constant 1024 : i32
      %scan3A_284 = arith.addi %scan3A_282, %scan3A_283 : i32
      %scan3A_285 = arith.constant 1 : i32
      %scan3A_286 = scf.for %scan3A_370 = %scan3A_282 to %scan3A_284 step %scan3A_285 iter_args(%scan3A_371 = %scan3A_281) -> (i32)  : i32 {
        %mul3A_372 = arith.constant 16 : i32
        %mul3A_373 = arith.muli %scan3A_370, %mul3A_372 : i32
        %get3A_374 = arith.index_cast %mul3A_373 : i32 to index
        %get3A_375 = tpu.vector_load %arg19[%get3A_374] {strides = array<i32>} : memref<16384xf32, #tpu.memory_space<vmem>>, vector<16xf32>,
        %exp3A = math.exp %get3A_375 : vector<16xf32>
        %swap3A_376 = arith.index_cast %mul3A_373 : i32 to index
        %swap3A_377 = tpu.vector_load %arg19[%swap3A_376] {strides = array<i32>} : memref<16384xf32, #tpu.memory_space<vmem>>, vector<16xf32>,
        tpu.vector_store %arg19[%swap3A_376], %exp3A {strides = array<i32>} : memref<16384xf32, #tpu.memory_space<vmem>>, vector<16xf32>,
        %scan3A_378 = arith.constant 0 : i32
        scf.yield %scan3A_378 : i32
      }
      %scan3A_287 = arith.constant 1024 : i32
      "tpu.region"() ({
        %run_scoped3A_370 = tpu.sem_alloc : memref<!tpu.dma_semaphore, #tpu.memory_space<semaphore_mem>>
        tpu.enqueue_dma source(%arg8 : memref<1024xf32, #tpu.memory_space<hbm>>) target(%arg22 : memref<1024xf32, #tpu.memory_space<vmem>>) target_semaphore(%run_scoped3A_370 : memref<!tpu.dma_semaphore, #tpu.memory_space<semaphore_mem>>)
        tpu.wait_dma2 semaphore(%run_scoped3A_370 : memref<!tpu.dma_semaphore, #tpu.memory_space<semaphore_mem>>) src(%arg8 : memref<1024xf32, #tpu.memory_space<hbm>>) dst(%arg22 : memref<1024xf32, #tpu.memory_space<vmem>>)
        tpu.yield
      }) : () -> ()
      "tpu.region"() ({
        %run_scoped3A_370 = tpu.sem_alloc : memref<!tpu.dma_semaphore, #tpu.memory_space<semaphore_mem>>
        tpu.enqueue_dma source(%arg9 : memref<1024xf32, #tpu.memory_space<hbm>>) target(%arg23 : memref<1024xf32, #tpu.memory_space<vmem>>) target_semaphore(%run_scoped3A_370 : memref<!tpu.dma_semaphore, #tpu.memory_space<semaphore_mem>>)
        tpu.wait_dma2 semaphore(%run_scoped3A_370 : memref<!tpu.dma_semaphore, #tpu.memory_space<semaphore_mem>>) src(%arg9 : memref<1024xf32, #tpu.memory_space<hbm>>) dst(%arg23 : memref<1024xf32, #tpu.memory_space<vmem>>)
        tpu.yield
      }) : () -> ()
      %scan3A_288 = arith.constant 0 : i32
      %scan3A_289 = arith.constant 64 : i32
      %scan3A_290 = arith.addi %scan3A_288, %scan3A_289 : i32
      %scan3A_291 = arith.constant 1 : i32
      %scan3A_292 = scf.for %scan3A_370 = %scan3A_288 to %scan3A_290 step %scan3A_291 iter_args(%scan3A_371 = %broadcast_in_dim3A_255) -> (vector<16xf32>)  : i32 {
        %mul3A_372 = arith.constant 16 : i32
        %mul3A_373 = arith.muli %scan3A_370, %mul3A_372 : i32
        %get3A_374 = arith.index_cast %mul3A_373 : i32 to index
        %get3A_375 = tpu.vector_load %arg22[%get3A_374] {strides = array<i32>} : memref<1024xf32, #tpu.memory_space<vmem>>, vector<16xf32>,
        %exp3A = math.exp %get3A_375 : vector<16xf32>
        %swap3A_376 = arith.index_cast %mul3A_373 : i32 to index
        %swap3A_377 = tpu.vector_load %arg22[%swap3A_376] {strides = array<i32>} : memref<1024xf32, #tpu.memory_space<vmem>>, vector<16xf32>,
        tpu.vector_store %arg22[%swap3A_376], %exp3A {strides = array<i32>} : memref<1024xf32, #tpu.memory_space<vmem>>, vector<16xf32>,
        %swap3A_378 = arith.index_cast %mul3A_373 : i32 to index
        %swap3A_379 = tpu.vector_load %arg20[%swap3A_378] {strides = array<i32>} : memref<1024xf32, #tpu.memory_space<vmem>>, vector<16xf32>,
        tpu.vector_store %arg20[%swap3A_378], %exp3A {strides = array<i32>} : memref<1024xf32, #tpu.memory_space<vmem>>, vector<16xf32>,
        %swap3A_380 = arith.index_cast %mul3A_373 : i32 to index
        %swap3A_381 = tpu.vector_load %arg21[%swap3A_380] {strides = array<i32>} : memref<1024xf32, #tpu.memory_space<vmem>>, vector<16xf32>,
        tpu.vector_store %arg21[%swap3A_380], %broadcast_in_dim3A_255 {strides = array<i32>} : memref<1024xf32, #tpu.memory_space<vmem>>, vector<16xf32>,
        %get3A_382 = arith.index_cast %mul3A_373 : i32 to index
        %get3A_383 = tpu.vector_load %arg23[%get3A_382] {strides = array<i32>} : memref<1024xf32, #tpu.memory_space<vmem>>, vector<16xf32>,
        %exp3A_384 = math.exp %get3A_383 : vector<16xf32>
        %swap3A_385 = arith.index_cast %mul3A_373 : i32 to index
        %swap3A_386 = tpu.vector_load %arg23[%swap3A_385] {strides = array<i32>} : memref<1024xf32, #tpu.memory_space<vmem>>, vector<16xf32>,
        tpu.vector_store %arg23[%swap3A_385], %exp3A_384 {strides = array<i32>} : memref<1024xf32, #tpu.memory_space<vmem>>, vector<16xf32>,
        %add3A_387 = arith.addf %scan3A_371, %exp3A : vector<16xf32>
        scf.yield %add3A_387 : vector<16xf32>
      }
      %scan3A_293 = arith.constant 64 : i32
      %swap3A = arith.constant 0 : index
      %swap3A_294 = tpu.vector_load %arg27[%swap3A] {strides = array<i32>} : memref<16xf32, #tpu.memory_space<vmem>>, vector<16xf32>,
      tpu.vector_store %arg27[%swap3A], %scan3A_292 {strides = array<i32>} : memref<16xf32, #tpu.memory_space<vmem>>, vector<16xf32>,
      %xor3A = arith.constant 1 : i32
      %xor3A_295 = vector.broadcast %xor3A : i32 to vector<16xi32>
      %xor3A_296 = arith.xori %iota3A_260, %xor3A_295 : vector<16xi32>
      %gather3A = tpu.vector_load_idx %arg27[%xor3A_296] : memref<16xf32, #tpu.memory_space<vmem>>[vector<16xi32>], vector<16xf32>,
      %add3A_297 = arith.addf %scan3A_292, %gather3A : vector<16xf32>
      %swap3A_298 = arith.constant 0 : index
      %swap3A_299 = tpu.vector_load %arg27[%swap3A_298] {strides = array<i32>} : memref<16xf32, #tpu.memory_space<vmem>>, vector<16xf32>,
      tpu.vector_store %arg27[%swap3A_298], %add3A_297 {strides = array<i32>} : memref<16xf32, #tpu.memory_space<vmem>>, vector<16xf32>,
      %xor3A_300 = arith.constant 2 : i32
      %xor3A_301 = vector.broadcast %xor3A_300 : i32 to vector<16xi32>
      %xor3A_302 = arith.xori %iota3A_260, %xor3A_301 : vector<16xi32>
      %gather3A_303 = tpu.vector_load_idx %arg27[%xor3A_302] : memref<16xf32, #tpu.memory_space<vmem>>[vector<16xi32>], vector<16xf32>,
      %add3A_304 = arith.addf %add3A_297, %gather3A_303 : vector<16xf32>
      %swap3A_305 = arith.constant 0 : index
      %swap3A_306 = tpu.vector_load %arg27[%swap3A_305] {strides = array<i32>} : memref<16xf32, #tpu.memory_space<vmem>>, vector<16xf32>,
      tpu.vector_store %arg27[%swap3A_305], %add3A_304 {strides = array<i32>} : memref<16xf32, #tpu.memory_space<vmem>>, vector<16xf32>,
      %xor3A_307 = arith.constant 4 : i32
      %xor3A_308 = vector.broadcast %xor3A_307 : i32 to vector<16xi32>
      %xor3A_309 = arith.xori %iota3A_260, %xor3A_308 : vector<16xi32>
      %gather3A_310 = tpu.vector_load_idx %arg27[%xor3A_309] : memref<16xf32, #tpu.memory_space<vmem>>[vector<16xi32>], vector<16xf32>,
      %add3A_311 = arith.addf %add3A_304, %gather3A_310 : vector<16xf32>
      %swap3A_312 = arith.constant 0 : index
      %swap3A_313 = tpu.vector_load %arg27[%swap3A_312] {strides = array<i32>} : memref<16xf32, #tpu.memory_space<vmem>>, vector<16xf32>,
      tpu.vector_store %arg27[%swap3A_312], %add3A_311 {strides = array<i32>} : memref<16xf32, #tpu.memory_space<vmem>>, vector<16xf32>,
      %xor3A_314 = arith.constant 8 : i32
      %xor3A_315 = vector.broadcast %xor3A_314 : i32 to vector<16xi32>
      %xor3A_316 = arith.xori %iota3A_260, %xor3A_315 : vector<16xi32>
      %gather3A_317 = tpu.vector_load_idx %arg27[%xor3A_316] : memref<16xf32, #tpu.memory_space<vmem>>[vector<16xi32>], vector<16xf32>,
      %add3A_318 = arith.addf %add3A_311, %gather3A_317 : vector<16xf32>
      %dma_start3A = arith.constant 0 : i32
      %dma_start3A_319 = arith.constant 0 : i32
      %dma_start3A_320 = arith.constant 0 : i32
      %dma_start3A_321 = tpu.memref_slice %arg24[%dma_start3A_319, %dma_start3A_320] : memref<2x2048xf32, #tpu.memory_space<vmem>> -> memref<1x2048xf32, #tpu.memory_space<vmem>>
      %dma_start3A_322 = tpu.memref_squeeze %dma_start3A_321 : memref<1x2048xf32, #tpu.memory_space<vmem>> -> memref<2048xf32, #tpu.memory_space<vmem>>
      %dma_start3A_323 = arith.constant 0 : i32
      %dma_start3A_324 = tpu.memref_slice %arg2[%arg1, %dma_start3A, %dma_start3A_323] : memref<16x512x2048xf32, #tpu.memory_space<hbm>> -> memref<1x1x2048xf32, #tpu.memory_space<hbm>>
      %dma_start3A_325 = tpu.memref_squeeze %dma_start3A_324 : memref<1x1x2048xf32, #tpu.memory_space<hbm>> -> memref<2048xf32, #tpu.memory_space<hbm>>
      %dma_start3A_326 = arith.constant 0 : i32
      %dma_start3A_327 = tpu.memref_slice %arg24[%dma_start3A_319, %dma_start3A_326] : memref<2x2048xf32, #tpu.memory_space<vmem>> -> memref<1x2048xf32, #tpu.memory_space<vmem>>
      %dma_start3A_328 = tpu.memref_squeeze %dma_start3A_327 : memref<1x2048xf32, #tpu.memory_space<vmem>> -> memref<2048xf32, #tpu.memory_space<vmem>>
      %dma_start3A_329 = arith.constant 0 : i32
      %dma_start3A_330 = tpu.memref_slice %arg2[%arg1, %dma_start3A, %dma_start3A_329] : memref<16x512x2048xf32, #tpu.memory_space<hbm>> -> memref<1x1x2048xf32, #tpu.memory_space<hbm>>
      %dma_start3A_331 = tpu.memref_squeeze %dma_start3A_330 : memref<1x1x2048xf32, #tpu.memory_space<hbm>> -> memref<2048xf32, #tpu.memory_space<hbm>>
      tpu.enqueue_dma source(%dma_start3A_331 : memref<2048xf32, #tpu.memory_space<hbm>>) target(%dma_start3A_328 : memref<2048xf32, #tpu.memory_space<vmem>>) target_semaphore(%arg28 : memref<!tpu.dma_semaphore, #tpu.memory_space<semaphore_mem>>)
      %while3A = arith.constant 0 : i32
      %while3A_332 = arith.subi %add3A_246, %while3A : i32
      %while3A_333 = arith.addi %while3A, %while3A_332 : i32
      %while3A_334 = arith.constant 1 : i32
      %while3A_335 = arith.divsi %while3A_332, %while3A_334 : i32
      %while3A_336 = arith.muli %while3A_335, %while3A_334 : i32
      %while3A_337 = arith.addi %while3A, %while3A_336 : i32
      %while3A_338 = arith.constant 1 : i32
      %while3A_339:4 = scf.for %while3A_370 = %while3A to %while3A_337 step %while3A_338 iter_args(%while3A_371 = %add3A_318, %while3A_372 = %broadcast_in_dim3A_257, %while3A_373 = %broadcast_in_dim3A_259, %while3A_374 = %broadcast_in_dim3A_259) -> (vector<16xf32>, vector<16xf32>, vector<16xi32>, vector<16xi32>)  : i32 {
        %add3A_375 = arith.addi %while3A_374, %while3A_373 : vector<16xi32>
        %and3A_376 = arith.constant 1 : i32
        %and3A_377 = arith.andi %while3A_370, %and3A_376 : i32
        %dma_wait3A_378 = arith.constant 0 : i32
        %dma_wait3A_379 = tpu.memref_slice %arg24[%and3A_377, %dma_wait3A_378] : memref<2x2048xf32, #tpu.memory_space<vmem>> -> memref<1x2048xf32, #tpu.memory_space<vmem>>
        %dma_wait3A_380 = tpu.memref_squeeze %dma_wait3A_379 : memref<1x2048xf32, #tpu.memory_space<vmem>> -> memref<2048xf32, #tpu.memory_space<vmem>>
        %dma_wait3A_381 = arith.constant 0 : i32
        %dma_wait3A_382 = tpu.memref_slice %arg2[%arg1, %while3A_370, %dma_wait3A_381] : memref<16x512x2048xf32, #tpu.memory_space<hbm>> -> memref<1x1x2048xf32, #tpu.memory_space<hbm>>
        %dma_wait3A_383 = tpu.memref_squeeze %dma_wait3A_382 : memref<1x1x2048xf32, #tpu.memory_space<hbm>> -> memref<2048xf32, #tpu.memory_space<hbm>>
        %dma_wait3A_384 = arith.constant 0 : i32
        %dma_wait3A_385 = tpu.memref_slice %arg24[%and3A_377, %dma_wait3A_384] : memref<2x2048xf32, #tpu.memory_space<vmem>> -> memref<1x2048xf32, #tpu.memory_space<vmem>>
        %dma_wait3A_386 = tpu.memref_squeeze %dma_wait3A_385 : memref<1x2048xf32, #tpu.memory_space<vmem>> -> memref<2048xf32, #tpu.memory_space<vmem>>
        %dma_wait3A_387 = arith.constant 0 : i32
        %dma_wait3A_388 = tpu.memref_slice %arg2[%arg1, %while3A_370, %dma_wait3A_387] : memref<16x512x2048xf32, #tpu.memory_space<hbm>> -> memref<1x1x2048xf32, #tpu.memory_space<hbm>>
        %dma_wait3A_389 = tpu.memref_squeeze %dma_wait3A_388 : memref<1x1x2048xf32, #tpu.memory_space<hbm>> -> memref<2048xf32, #tpu.memory_space<hbm>>
        tpu.wait_dma2 semaphore(%arg28 : memref<!tpu.dma_semaphore, #tpu.memory_space<semaphore_mem>>) src(%dma_wait3A_389 : memref<2048xf32, #tpu.memory_space<hbm>>) dst(%dma_wait3A_386 : memref<2048xf32, #tpu.memory_space<vmem>>)
        %add3A_390 = arith.constant 1 : i32
        %add3A_391 = arith.addi %while3A_370, %add3A_390 : i32
        %min3A = arith.constant 511 : i32
        %min3A_392 = arith.minsi %add3A_391, %min3A : i32
        %sub3A = arith.constant 1 : i32
        %sub3A_393 = arith.subi %sub3A, %and3A_377 : i32
        %dma_start3A_394 = arith.constant 0 : i32
        %dma_start3A_395 = tpu.memref_slice %arg24[%sub3A_393, %dma_start3A_394] : memref<2x2048xf32, #tpu.memory_space<vmem>> -> memref<1x2048xf32, #tpu.memory_space<vmem>>
        %dma_start3A_396 = tpu.memref_squeeze %dma_start3A_395 : memref<1x2048xf32, #tpu.memory_space<vmem>> -> memref<2048xf32, #tpu.memory_space<vmem>>
        %dma_start3A_397 = arith.constant 0 : i32
        %dma_start3A_398 = tpu.memref_slice %arg2[%arg1, %min3A_392, %dma_start3A_397] : memref<16x512x2048xf32, #tpu.memory_space<hbm>> -> memref<1x1x2048xf32, #tpu.memory_space<hbm>>
        %dma_start3A_399 = tpu.memref_squeeze %dma_start3A_398 : memref<1x1x2048xf32, #tpu.memory_space<hbm>> -> memref<2048xf32, #tpu.memory_space<hbm>>
        %dma_start3A_400 = arith.constant 0 : i32
        %dma_start3A_401 = tpu.memref_slice %arg24[%sub3A_393, %dma_start3A_400] : memref<2x2048xf32, #tpu.memory_space<vmem>> -> memref<1x2048xf32, #tpu.memory_space<vmem>>
        %dma_start3A_402 = tpu.memref_squeeze %dma_start3A_401 : memref<1x2048xf32, #tpu.memory_space<vmem>> -> memref<2048xf32, #tpu.memory_space<vmem>>
        %dma_start3A_403 = arith.constant 0 : i32
        %dma_start3A_404 = tpu.memref_slice %arg2[%arg1, %min3A_392, %dma_start3A_403] : memref<16x512x2048xf32, #tpu.memory_space<hbm>> -> memref<1x1x2048xf32, #tpu.memory_space<hbm>>
        %dma_start3A_405 = tpu.memref_squeeze %dma_start3A_404 : memref<1x1x2048xf32, #tpu.memory_space<hbm>> -> memref<2048xf32, #tpu.memory_space<hbm>>
        tpu.enqueue_dma source(%dma_start3A_405 : memref<2048xf32, #tpu.memory_space<hbm>>) target(%dma_start3A_402 : memref<2048xf32, #tpu.memory_space<vmem>>) target_semaphore(%arg28 : memref<!tpu.dma_semaphore, #tpu.memory_space<semaphore_mem>>)
        %parallel_loop3A = arith.constant 0 : i32
        %parallel_loop3A_406 = arith.constant 128 : i32
        %parallel_loop3A_407 = arith.constant 1 : i32
        scf.for %parallel_loop3A_462 = %parallel_loop3A to %parallel_loop3A_406 step %parallel_loop3A_407  : i32 {
          %parallel_loop3A_463 = arith.constant 16 : i32
          %parallel_loop3A_464 = arith.muli %parallel_loop3A_462, %parallel_loop3A_463 : i32
          %parallel_loop3A_465 = arith.index_cast %and3A_377 : i32 to index
          %parallel_loop3A_466 = arith.index_cast %parallel_loop3A_464 : i32 to index
          %parallel_loop3A_467 = tpu.vector_load %arg24[%parallel_loop3A_465, %parallel_loop3A_466] {strides = array<i32>} : memref<2x2048xf32, #tpu.memory_space<vmem>>, vector<16xf32>,
          %parallel_loop3A_468 = math.exp %parallel_loop3A_467 : vector<16xf32>
          %parallel_loop3A_469 = arith.mulf %parallel_loop3A_468, %while3A_372 : vector<16xf32>
          %parallel_loop3A_470 = arith.index_cast %parallel_loop3A_464 : i32 to index
          %parallel_loop3A_471 = tpu.vector_load %arg25[%parallel_loop3A_470] {strides = array<i32>} : memref<2048xf32, #tpu.memory_space<vmem>>, vector<16xf32>,
          tpu.vector_store %arg25[%parallel_loop3A_470], %parallel_loop3A_469 {strides = array<i32>} : memref<2048xf32, #tpu.memory_space<vmem>>, vector<16xf32>,
        } {sc.loop_unroll_factor = 8 : i64, sc.parallel_access}
        %mul3A_408 = arith.mulf %while3A_371, %while3A_372 : vector<16xf32>
        %mul3A_409 = arith.constant 9.99999974E-6 : f32
        %mul3A_410 = vector.broadcast %mul3A_409 : f32 to vector<16xf32>
        %mul3A_411 = arith.mulf %mul3A_408, %mul3A_410 : vector<16xf32>
        %parallel_loop3A_412 = arith.constant 0 : i32
        %parallel_loop3A_413 = arith.constant 1024 : i32
        %parallel_loop3A_414 = arith.constant 1 : i32
        scf.for %parallel_loop3A_462 = %parallel_loop3A_412 to %parallel_loop3A_413 step %parallel_loop3A_414  : i32 {
          %parallel_loop3A_463 = arith.constant 16 : i32
          %parallel_loop3A_464 = arith.muli %parallel_loop3A_462, %parallel_loop3A_463 : i32
          %parallel_loop3A_465 = arith.index_cast %parallel_loop3A_464 : i32 to index
          %parallel_loop3A_466 = tpu.vector_load %arg18[%parallel_loop3A_465] {strides = array<i32>} : memref<16384xi32, #tpu.memory_space<vmem>>, vector<16xi32>,
          %parallel_loop3A_467 = arith.index_cast %parallel_loop3A_464 : i32 to index
          %parallel_loop3A_468 = tpu.vector_load %arg19[%parallel_loop3A_467] {strides = array<i32>} : memref<16384xf32, #tpu.memory_space<vmem>>, vector<16xf32>,
          %parallel_loop3A_469 = arith.constant 1023 : i32
          %parallel_loop3A_470 = vector.broadcast %parallel_loop3A_469 : i32 to vector<16xi32>
          %parallel_loop3A_471 = arith.andi %parallel_loop3A_466, %parallel_loop3A_470 : vector<16xi32>
          %parallel_loop3A_472 = arith.constant 10 : i32
          %parallel_loop3A_473 = vector.broadcast %parallel_loop3A_472 : i32 to vector<16xi32>
          %parallel_loop3A_474 = arith.shrui %parallel_loop3A_466, %parallel_loop3A_473 : vector<16xi32>
          %parallel_loop3A_475 = arith.constant 2047 : i32
          %parallel_loop3A_476 = vector.broadcast %parallel_loop3A_475 : i32 to vector<16xi32>
          %parallel_loop3A_477 = arith.andi %parallel_loop3A_474, %parallel_loop3A_476 : vector<16xi32>
          %parallel_loop3A_478 = arith.constant 21 : i32
          %parallel_loop3A_479 = vector.broadcast %parallel_loop3A_478 : i32 to vector<16xi32>
          %parallel_loop3A_480 = arith.shrui %parallel_loop3A_466, %parallel_loop3A_479 : vector<16xi32>
          %parallel_loop3A_481 = tpu.vector_load_idx %arg20[%parallel_loop3A_471] : memref<1024xf32, #tpu.memory_space<vmem>>[vector<16xi32>], vector<16xf32>,
          %parallel_loop3A_482 = tpu.vector_load_idx %arg25[%parallel_loop3A_477] : memref<2048xf32, #tpu.memory_space<vmem>>[vector<16xi32>], vector<16xf32>,
          %parallel_loop3A_483 = arith.mulf %parallel_loop3A_481, %parallel_loop3A_468 : vector<16xf32>
          %parallel_loop3A_484 = arith.mulf %parallel_loop3A_483, %parallel_loop3A_482 : vector<16xf32>
          tpu.vector_store_idx %arg21[%parallel_loop3A_480], %parallel_loop3A_484 {add = true} : memref<1024xf32, #tpu.memory_space<vmem>>[vector<16xi32>], vector<16xf32>,
        } {sc.loop_unroll_factor = 8 : i64, sc.parallel_access}
        %parallel_loop3A_415 = arith.constant 0 : i32
        %parallel_loop3A_416 = arith.constant 64 : i32
        %parallel_loop3A_417 = arith.constant 1 : i32
        %parallel_loop3A_418 = scf.for %parallel_loop3A_462 = %parallel_loop3A_415 to %parallel_loop3A_416 step %parallel_loop3A_417 iter_args(%parallel_loop3A_463 = %broadcast_in_dim3A_255) -> (vector<16xf32>)  : i32 {
          %parallel_loop3A_464 = arith.constant 16 : i32
          %parallel_loop3A_465 = arith.muli %parallel_loop3A_462, %parallel_loop3A_464 : i32
          %parallel_loop3A_466 = arith.index_cast %parallel_loop3A_465 : i32 to index
          %parallel_loop3A_467 = tpu.vector_load %arg21[%parallel_loop3A_466] {strides = array<i32>} : memref<1024xf32, #tpu.memory_space<vmem>>, vector<16xf32>,
          %parallel_loop3A_468 = arith.index_cast %parallel_loop3A_465 : i32 to index
          %parallel_loop3A_469 = tpu.vector_load %arg22[%parallel_loop3A_468] {strides = array<i32>} : memref<1024xf32, #tpu.memory_space<vmem>>, vector<16xf32>,
          %parallel_loop3A_470 = arith.mulf %mul3A_411, %parallel_loop3A_469 : vector<16xf32>
          %parallel_loop3A_471 = arith.addf %parallel_loop3A_467, %parallel_loop3A_470 : vector<16xf32>
          %parallel_loop3A_472 = arith.index_cast %parallel_loop3A_465 : i32 to index
          %parallel_loop3A_473 = tpu.vector_load %arg20[%parallel_loop3A_472] {strides = array<i32>} : memref<1024xf32, #tpu.memory_space<vmem>>, vector<16xf32>,
          tpu.vector_store %arg20[%parallel_loop3A_472], %parallel_loop3A_471 {strides = array<i32>} : memref<1024xf32, #tpu.memory_space<vmem>>, vector<16xf32>,
          %parallel_loop3A_474 = arith.index_cast %parallel_loop3A_465 : i32 to index
          %parallel_loop3A_475 = tpu.vector_load %arg21[%parallel_loop3A_474] {strides = array<i32>} : memref<1024xf32, #tpu.memory_space<vmem>>, vector<16xf32>,
          tpu.vector_store %arg21[%parallel_loop3A_474], %broadcast_in_dim3A_255 {strides = array<i32>} : memref<1024xf32, #tpu.memory_space<vmem>>, vector<16xf32>,
          %parallel_loop3A_476 = arith.addf %parallel_loop3A_463, %parallel_loop3A_471 : vector<16xf32>
          scf.yield %parallel_loop3A_476 : vector<16xf32>
        } {sc.loop_unroll_factor = 8 : i64, sc.parallel_access}
        %swap3A_419 = arith.constant 0 : index
        %swap3A_420 = tpu.vector_load %arg27[%swap3A_419] {strides = array<i32>} : memref<16xf32, #tpu.memory_space<vmem>>, vector<16xf32>,
        tpu.vector_store %arg27[%swap3A_419], %parallel_loop3A_418 {strides = array<i32>} : memref<16xf32, #tpu.memory_space<vmem>>, vector<16xf32>,
        %xor3A_421 = arith.constant 1 : i32
        %xor3A_422 = vector.broadcast %xor3A_421 : i32 to vector<16xi32>
        %xor3A_423 = arith.xori %iota3A_260, %xor3A_422 : vector<16xi32>
        %gather3A_424 = tpu.vector_load_idx %arg27[%xor3A_423] : memref<16xf32, #tpu.memory_space<vmem>>[vector<16xi32>], vector<16xf32>,
        %add3A_425 = arith.addf %parallel_loop3A_418, %gather3A_424 : vector<16xf32>
        %swap3A_426 = arith.constant 0 : index
        %swap3A_427 = tpu.vector_load %arg27[%swap3A_426] {strides = array<i32>} : memref<16xf32, #tpu.memory_space<vmem>>, vector<16xf32>,
        tpu.vector_store %arg27[%swap3A_426], %add3A_425 {strides = array<i32>} : memref<16xf32, #tpu.memory_space<vmem>>, vector<16xf32>,
        %xor3A_428 = arith.constant 2 : i32
        %xor3A_429 = vector.broadcast %xor3A_428 : i32 to vector<16xi32>
        %xor3A_430 = arith.xori %iota3A_260, %xor3A_429 : vector<16xi32>
        %gather3A_431 = tpu.vector_load_idx %arg27[%xor3A_430] : memref<16xf32, #tpu.memory_space<vmem>>[vector<16xi32>], vector<16xf32>,
        %add3A_432 = arith.addf %add3A_425, %gather3A_431 : vector<16xf32>
        %swap3A_433 = arith.constant 0 : index
        %swap3A_434 = tpu.vector_load %arg27[%swap3A_433] {strides = array<i32>} : memref<16xf32, #tpu.memory_space<vmem>>, vector<16xf32>,
        tpu.vector_store %arg27[%swap3A_433], %add3A_432 {strides = array<i32>} : memref<16xf32, #tpu.memory_space<vmem>>, vector<16xf32>,
        %xor3A_435 = arith.constant 4 : i32
        %xor3A_436 = vector.broadcast %xor3A_435 : i32 to vector<16xi32>
        %xor3A_437 = arith.xori %iota3A_260, %xor3A_436 : vector<16xi32>
        %gather3A_438 = tpu.vector_load_idx %arg27[%xor3A_437] : memref<16xf32, #tpu.memory_space<vmem>>[vector<16xi32>], vector<16xf32>,
        %add3A_439 = arith.addf %add3A_432, %gather3A_438 : vector<16xf32>
        %swap3A_440 = arith.constant 0 : index
        %swap3A_441 = tpu.vector_load %arg27[%swap3A_440] {strides = array<i32>} : memref<16xf32, #tpu.memory_space<vmem>>, vector<16xf32>,
        tpu.vector_store %arg27[%swap3A_440], %add3A_439 {strides = array<i32>} : memref<16xf32, #tpu.memory_space<vmem>>, vector<16xf32>,
        %xor3A_442 = arith.constant 8 : i32
        %xor3A_443 = vector.broadcast %xor3A_442 : i32 to vector<16xi32>
        %xor3A_444 = arith.xori %iota3A_260, %xor3A_443 : vector<16xi32>
        %gather3A_445 = tpu.vector_load_idx %arg27[%xor3A_444] : memref<16xf32, #tpu.memory_space<vmem>>[vector<16xi32>], vector<16xf32>,
        %add3A_446 = arith.addf %add3A_439, %gather3A_445 : vector<16xf32>
        %gt3A = arith.constant 0.000000e+00 : f32
        %gt3A_447 = vector.broadcast %gt3A : f32 to vector<16xf32>
        %gt3A_448 = arith.cmpf ogt, %add3A_446, %gt3A_447 : vector<16xf32>
        %bitcast3A = vector.bitcast %add3A_446 : vector<16xf32> to vector<16xi32>
        %shift_right_logical3A = arith.constant 23 : i32
        %shift_right_logical3A_449 = vector.broadcast %shift_right_logical3A : i32 to vector<16xi32>
        %shift_right_logical3A_450 = arith.shrui %bitcast3A, %shift_right_logical3A_449 : vector<16xi32>
        %sub3A_451 = arith.constant 127 : i32
        %sub3A_452 = vector.broadcast %sub3A_451 : i32 to vector<16xi32>
        %sub3A_453 = arith.subi %shift_right_logical3A_450, %sub3A_452 : vector<16xi32>
        %select_n3A_454 = arith.select %gt3A_448, %sub3A_453, %broadcast_in_dim3A_259 : vector<16xi1>, vector<16xi32>
        %sub3A_455 = arith.constant 127 : i32
        %sub3A_456 = vector.broadcast %sub3A_455 : i32 to vector<16xi32>
        %sub3A_457 = arith.subi %sub3A_456, %select_n3A_454 : vector<16xi32>
        %shift_left3A = arith.constant 23 : i32
        %shift_left3A_458 = vector.broadcast %shift_left3A : i32 to vector<16xi32>
        %shift_left3A_459 = arith.shli %sub3A_457, %shift_left3A_458 : vector<16xi32>
        %bitcast3A_460 = vector.bitcast %shift_left3A_459 : vector<16xi32> to vector<16xf32>
        %select_n3A_461 = arith.select %gt3A_448, %bitcast3A_460, %broadcast_in_dim3A_257 : vector<16xi1>, vector<16xf32>
        scf.yield %add3A_446, %select_n3A_461, %select_n3A_454, %add3A_375 : vector<16xf32>, vector<16xf32>, vector<16xi32>, vector<16xi32>
      }
      %while3A_340 = arith.constant 1 : i32
      %while3A_341:4 = scf.for %while3A_370 = %while3A_337 to %while3A_333 step %while3A_340 iter_args(%while3A_371 = %while3A_339#0, %while3A_372 = %while3A_339#1, %while3A_373 = %while3A_339#2, %while3A_374 = %while3A_339#3) -> (vector<16xf32>, vector<16xf32>, vector<16xi32>, vector<16xi32>)  : i32 {
        %add3A_375 = arith.addi %while3A_374, %while3A_373 : vector<16xi32>
        %and3A_376 = arith.constant 1 : i32
        %and3A_377 = arith.andi %while3A_370, %and3A_376 : i32
        %dma_wait3A_378 = arith.constant 0 : i32
        %dma_wait3A_379 = tpu.memref_slice %arg24[%and3A_377, %dma_wait3A_378] : memref<2x2048xf32, #tpu.memory_space<vmem>> -> memref<1x2048xf32, #tpu.memory_space<vmem>>
        %dma_wait3A_380 = tpu.memref_squeeze %dma_wait3A_379 : memref<1x2048xf32, #tpu.memory_space<vmem>> -> memref<2048xf32, #tpu.memory_space<vmem>>
        %dma_wait3A_381 = arith.constant 0 : i32
        %dma_wait3A_382 = tpu.memref_slice %arg2[%arg1, %while3A_370, %dma_wait3A_381] : memref<16x512x2048xf32, #tpu.memory_space<hbm>> -> memref<1x1x2048xf32, #tpu.memory_space<hbm>>
        %dma_wait3A_383 = tpu.memref_squeeze %dma_wait3A_382 : memref<1x1x2048xf32, #tpu.memory_space<hbm>> -> memref<2048xf32, #tpu.memory_space<hbm>>
        %dma_wait3A_384 = arith.constant 0 : i32
        %dma_wait3A_385 = tpu.memref_slice %arg24[%and3A_377, %dma_wait3A_384] : memref<2x2048xf32, #tpu.memory_space<vmem>> -> memref<1x2048xf32, #tpu.memory_space<vmem>>
        %dma_wait3A_386 = tpu.memref_squeeze %dma_wait3A_385 : memref<1x2048xf32, #tpu.memory_space<vmem>> -> memref<2048xf32, #tpu.memory_space<vmem>>
        %dma_wait3A_387 = arith.constant 0 : i32
        %dma_wait3A_388 = tpu.memref_slice %arg2[%arg1, %while3A_370, %dma_wait3A_387] : memref<16x512x2048xf32, #tpu.memory_space<hbm>> -> memref<1x1x2048xf32, #tpu.memory_space<hbm>>
        %dma_wait3A_389 = tpu.memref_squeeze %dma_wait3A_388 : memref<1x1x2048xf32, #tpu.memory_space<hbm>> -> memref<2048xf32, #tpu.memory_space<hbm>>
        tpu.wait_dma2 semaphore(%arg28 : memref<!tpu.dma_semaphore, #tpu.memory_space<semaphore_mem>>) src(%dma_wait3A_389 : memref<2048xf32, #tpu.memory_space<hbm>>) dst(%dma_wait3A_386 : memref<2048xf32, #tpu.memory_space<vmem>>)
        %add3A_390 = arith.constant 1 : i32
        %add3A_391 = arith.addi %while3A_370, %add3A_390 : i32
        %min3A = arith.constant 511 : i32
        %min3A_392 = arith.minsi %add3A_391, %min3A : i32
        %sub3A = arith.constant 1 : i32
        %sub3A_393 = arith.subi %sub3A, %and3A_377 : i32
        %dma_start3A_394 = arith.constant 0 : i32
        %dma_start3A_395 = tpu.memref_slice %arg24[%sub3A_393, %dma_start3A_394] : memref<2x2048xf32, #tpu.memory_space<vmem>> -> memref<1x2048xf32, #tpu.memory_space<vmem>>
        %dma_start3A_396 = tpu.memref_squeeze %dma_start3A_395 : memref<1x2048xf32, #tpu.memory_space<vmem>> -> memref<2048xf32, #tpu.memory_space<vmem>>
        %dma_start3A_397 = arith.constant 0 : i32
        %dma_start3A_398 = tpu.memref_slice %arg2[%arg1, %min3A_392, %dma_start3A_397] : memref<16x512x2048xf32, #tpu.memory_space<hbm>> -> memref<1x1x2048xf32, #tpu.memory_space<hbm>>
        %dma_start3A_399 = tpu.memref_squeeze %dma_start3A_398 : memref<1x1x2048xf32, #tpu.memory_space<hbm>> -> memref<2048xf32, #tpu.memory_space<hbm>>
        %dma_start3A_400 = arith.constant 0 : i32
        %dma_start3A_401 = tpu.memref_slice %arg24[%sub3A_393, %dma_start3A_400] : memref<2x2048xf32, #tpu.memory_space<vmem>> -> memref<1x2048xf32, #tpu.memory_space<vmem>>
        %dma_start3A_402 = tpu.memref_squeeze %dma_start3A_401 : memref<1x2048xf32, #tpu.memory_space<vmem>> -> memref<2048xf32, #tpu.memory_space<vmem>>
        %dma_start3A_403 = arith.constant 0 : i32
        %dma_start3A_404 = tpu.memref_slice %arg2[%arg1, %min3A_392, %dma_start3A_403] : memref<16x512x2048xf32, #tpu.memory_space<hbm>> -> memref<1x1x2048xf32, #tpu.memory_space<hbm>>
        %dma_start3A_405 = tpu.memref_squeeze %dma_start3A_404 : memref<1x1x2048xf32, #tpu.memory_space<hbm>> -> memref<2048xf32, #tpu.memory_space<hbm>>
        tpu.enqueue_dma source(%dma_start3A_405 : memref<2048xf32, #tpu.memory_space<hbm>>) target(%dma_start3A_402 : memref<2048xf32, #tpu.memory_space<vmem>>) target_semaphore(%arg28 : memref<!tpu.dma_semaphore, #tpu.memory_space<semaphore_mem>>)
        %parallel_loop3A = arith.constant 0 : i32
        %parallel_loop3A_406 = arith.constant 128 : i32
        %parallel_loop3A_407 = arith.constant 1 : i32
        scf.for %parallel_loop3A_462 = %parallel_loop3A to %parallel_loop3A_406 step %parallel_loop3A_407  : i32 {
          %parallel_loop3A_463 = arith.constant 16 : i32
          %parallel_loop3A_464 = arith.muli %parallel_loop3A_462, %parallel_loop3A_463 : i32
          %parallel_loop3A_465 = arith.index_cast %and3A_377 : i32 to index
          %parallel_loop3A_466 = arith.index_cast %parallel_loop3A_464 : i32 to index
          %parallel_loop3A_467 = tpu.vector_load %arg24[%parallel_loop3A_465, %parallel_loop3A_466] {strides = array<i32>} : memref<2x2048xf32, #tpu.memory_space<vmem>>, vector<16xf32>,
          %parallel_loop3A_468 = math.exp %parallel_loop3A_467 : vector<16xf32>
          %parallel_loop3A_469 = arith.mulf %parallel_loop3A_468, %while3A_372 : vector<16xf32>
          %parallel_loop3A_470 = arith.index_cast %parallel_loop3A_464 : i32 to index
          %parallel_loop3A_471 = tpu.vector_load %arg25[%parallel_loop3A_470] {strides = array<i32>} : memref<2048xf32, #tpu.memory_space<vmem>>, vector<16xf32>,
          tpu.vector_store %arg25[%parallel_loop3A_470], %parallel_loop3A_469 {strides = array<i32>} : memref<2048xf32, #tpu.memory_space<vmem>>, vector<16xf32>,
        } {sc.loop_unroll_factor = 8 : i64, sc.parallel_access}
        %mul3A_408 = arith.mulf %while3A_371, %while3A_372 : vector<16xf32>
        %mul3A_409 = arith.constant 9.99999974E-6 : f32
        %mul3A_410 = vector.broadcast %mul3A_409 : f32 to vector<16xf32>
        %mul3A_411 = arith.mulf %mul3A_408, %mul3A_410 : vector<16xf32>
        %parallel_loop3A_412 = arith.constant 0 : i32
        %parallel_loop3A_413 = arith.constant 1024 : i32
        %parallel_loop3A_414 = arith.constant 1 : i32
        scf.for %parallel_loop3A_462 = %parallel_loop3A_412 to %parallel_loop3A_413 step %parallel_loop3A_414  : i32 {
          %parallel_loop3A_463 = arith.constant 16 : i32
          %parallel_loop3A_464 = arith.muli %parallel_loop3A_462, %parallel_loop3A_463 : i32
          %parallel_loop3A_465 = arith.index_cast %parallel_loop3A_464 : i32 to index
          %parallel_loop3A_466 = tpu.vector_load %arg18[%parallel_loop3A_465] {strides = array<i32>} : memref<16384xi32, #tpu.memory_space<vmem>>, vector<16xi32>,
          %parallel_loop3A_467 = arith.index_cast %parallel_loop3A_464 : i32 to index
          %parallel_loop3A_468 = tpu.vector_load %arg19[%parallel_loop3A_467] {strides = array<i32>} : memref<16384xf32, #tpu.memory_space<vmem>>, vector<16xf32>,
          %parallel_loop3A_469 = arith.constant 1023 : i32
          %parallel_loop3A_470 = vector.broadcast %parallel_loop3A_469 : i32 to vector<16xi32>
          %parallel_loop3A_471 = arith.andi %parallel_loop3A_466, %parallel_loop3A_470 : vector<16xi32>
          %parallel_loop3A_472 = arith.constant 10 : i32
          %parallel_loop3A_473 = vector.broadcast %parallel_loop3A_472 : i32 to vector<16xi32>
          %parallel_loop3A_474 = arith.shrui %parallel_loop3A_466, %parallel_loop3A_473 : vector<16xi32>
          %parallel_loop3A_475 = arith.constant 2047 : i32
          %parallel_loop3A_476 = vector.broadcast %parallel_loop3A_475 : i32 to vector<16xi32>
          %parallel_loop3A_477 = arith.andi %parallel_loop3A_474, %parallel_loop3A_476 : vector<16xi32>
          %parallel_loop3A_478 = arith.constant 21 : i32
          %parallel_loop3A_479 = vector.broadcast %parallel_loop3A_478 : i32 to vector<16xi32>
          %parallel_loop3A_480 = arith.shrui %parallel_loop3A_466, %parallel_loop3A_479 : vector<16xi32>
          %parallel_loop3A_481 = tpu.vector_load_idx %arg20[%parallel_loop3A_471] : memref<1024xf32, #tpu.memory_space<vmem>>[vector<16xi32>], vector<16xf32>,
          %parallel_loop3A_482 = tpu.vector_load_idx %arg25[%parallel_loop3A_477] : memref<2048xf32, #tpu.memory_space<vmem>>[vector<16xi32>], vector<16xf32>,
          %parallel_loop3A_483 = arith.mulf %parallel_loop3A_481, %parallel_loop3A_468 : vector<16xf32>
          %parallel_loop3A_484 = arith.mulf %parallel_loop3A_483, %parallel_loop3A_482 : vector<16xf32>
          tpu.vector_store_idx %arg21[%parallel_loop3A_480], %parallel_loop3A_484 {add = true} : memref<1024xf32, #tpu.memory_space<vmem>>[vector<16xi32>], vector<16xf32>,
        } {sc.loop_unroll_factor = 8 : i64, sc.parallel_access}
        %parallel_loop3A_415 = arith.constant 0 : i32
        %parallel_loop3A_416 = arith.constant 64 : i32
        %parallel_loop3A_417 = arith.constant 1 : i32
        %parallel_loop3A_418 = scf.for %parallel_loop3A_462 = %parallel_loop3A_415 to %parallel_loop3A_416 step %parallel_loop3A_417 iter_args(%parallel_loop3A_463 = %broadcast_in_dim3A_255) -> (vector<16xf32>)  : i32 {
          %parallel_loop3A_464 = arith.constant 16 : i32
          %parallel_loop3A_465 = arith.muli %parallel_loop3A_462, %parallel_loop3A_464 : i32
          %parallel_loop3A_466 = arith.index_cast %parallel_loop3A_465 : i32 to index
          %parallel_loop3A_467 = tpu.vector_load %arg21[%parallel_loop3A_466] {strides = array<i32>} : memref<1024xf32, #tpu.memory_space<vmem>>, vector<16xf32>,
          %parallel_loop3A_468 = arith.index_cast %parallel_loop3A_465 : i32 to index
          %parallel_loop3A_469 = tpu.vector_load %arg22[%parallel_loop3A_468] {strides = array<i32>} : memref<1024xf32, #tpu.memory_space<vmem>>, vector<16xf32>,
          %parallel_loop3A_470 = arith.mulf %mul3A_411, %parallel_loop3A_469 : vector<16xf32>
          %parallel_loop3A_471 = arith.addf %parallel_loop3A_467, %parallel_loop3A_470 : vector<16xf32>
          %parallel_loop3A_472 = arith.index_cast %parallel_loop3A_465 : i32 to index
          %parallel_loop3A_473 = tpu.vector_load %arg20[%parallel_loop3A_472] {strides = array<i32>} : memref<1024xf32, #tpu.memory_space<vmem>>, vector<16xf32>,
          tpu.vector_store %arg20[%parallel_loop3A_472], %parallel_loop3A_471 {strides = array<i32>} : memref<1024xf32, #tpu.memory_space<vmem>>, vector<16xf32>,
          %parallel_loop3A_474 = arith.index_cast %parallel_loop3A_465 : i32 to index
          %parallel_loop3A_475 = tpu.vector_load %arg21[%parallel_loop3A_474] {strides = array<i32>} : memref<1024xf32, #tpu.memory_space<vmem>>, vector<16xf32>,
          tpu.vector_store %arg21[%parallel_loop3A_474], %broadcast_in_dim3A_255 {strides = array<i32>} : memref<1024xf32, #tpu.memory_space<vmem>>, vector<16xf32>,
          %parallel_loop3A_476 = arith.addf %parallel_loop3A_463, %parallel_loop3A_471 : vector<16xf32>
          scf.yield %parallel_loop3A_476 : vector<16xf32>
        } {sc.loop_unroll_factor = 8 : i64, sc.parallel_access}
        %swap3A_419 = arith.constant 0 : index
        %swap3A_420 = tpu.vector_load %arg27[%swap3A_419] {strides = array<i32>} : memref<16xf32, #tpu.memory_space<vmem>>, vector<16xf32>,
        tpu.vector_store %arg27[%swap3A_419], %parallel_loop3A_418 {strides = array<i32>} : memref<16xf32, #tpu.memory_space<vmem>>, vector<16xf32>,
        %xor3A_421 = arith.constant 1 : i32
        %xor3A_422 = vector.broadcast %xor3A_421 : i32 to vector<16xi32>
        %xor3A_423 = arith.xori %iota3A_260, %xor3A_422 : vector<16xi32>
        %gather3A_424 = tpu.vector_load_idx %arg27[%xor3A_423] : memref<16xf32, #tpu.memory_space<vmem>>[vector<16xi32>], vector<16xf32>,
        %add3A_425 = arith.addf %parallel_loop3A_418, %gather3A_424 : vector<16xf32>
        %swap3A_426 = arith.constant 0 : index
        %swap3A_427 = tpu.vector_load %arg27[%swap3A_426] {strides = array<i32>} : memref<16xf32, #tpu.memory_space<vmem>>, vector<16xf32>,
        tpu.vector_store %arg27[%swap3A_426], %add3A_425 {strides = array<i32>} : memref<16xf32, #tpu.memory_space<vmem>>, vector<16xf32>,
        %xor3A_428 = arith.constant 2 : i32
        %xor3A_429 = vector.broadcast %xor3A_428 : i32 to vector<16xi32>
        %xor3A_430 = arith.xori %iota3A_260, %xor3A_429 : vector<16xi32>
        %gather3A_431 = tpu.vector_load_idx %arg27[%xor3A_430] : memref<16xf32, #tpu.memory_space<vmem>>[vector<16xi32>], vector<16xf32>,
        %add3A_432 = arith.addf %add3A_425, %gather3A_431 : vector<16xf32>
        %swap3A_433 = arith.constant 0 : index
        %swap3A_434 = tpu.vector_load %arg27[%swap3A_433] {strides = array<i32>} : memref<16xf32, #tpu.memory_space<vmem>>, vector<16xf32>,
        tpu.vector_store %arg27[%swap3A_433], %add3A_432 {strides = array<i32>} : memref<16xf32, #tpu.memory_space<vmem>>, vector<16xf32>,
        %xor3A_435 = arith.constant 4 : i32
        %xor3A_436 = vector.broadcast %xor3A_435 : i32 to vector<16xi32>
        %xor3A_437 = arith.xori %iota3A_260, %xor3A_436 : vector<16xi32>
        %gather3A_438 = tpu.vector_load_idx %arg27[%xor3A_437] : memref<16xf32, #tpu.memory_space<vmem>>[vector<16xi32>], vector<16xf32>,
        %add3A_439 = arith.addf %add3A_432, %gather3A_438 : vector<16xf32>
        %swap3A_440 = arith.constant 0 : index
        %swap3A_441 = tpu.vector_load %arg27[%swap3A_440] {strides = array<i32>} : memref<16xf32, #tpu.memory_space<vmem>>, vector<16xf32>,
        tpu.vector_store %arg27[%swap3A_440], %add3A_439 {strides = array<i32>} : memref<16xf32, #tpu.memory_space<vmem>>, vector<16xf32>,
        %xor3A_442 = arith.constant 8 : i32
        %xor3A_443 = vector.broadcast %xor3A_442 : i32 to vector<16xi32>
        %xor3A_444 = arith.xori %iota3A_260, %xor3A_443 : vector<16xi32>
        %gather3A_445 = tpu.vector_load_idx %arg27[%xor3A_444] : memref<16xf32, #tpu.memory_space<vmem>>[vector<16xi32>], vector<16xf32>,
        %add3A_446 = arith.addf %add3A_439, %gather3A_445 : vector<16xf32>
        %gt3A = arith.constant 0.000000e+00 : f32
        %gt3A_447 = vector.broadcast %gt3A : f32 to vector<16xf32>
        %gt3A_448 = arith.cmpf ogt, %add3A_446, %gt3A_447 : vector<16xf32>
        %bitcast3A = vector.bitcast %add3A_446 : vector<16xf32> to vector<16xi32>
        %shift_right_logical3A = arith.constant 23 : i32
        %shift_right_logical3A_449 = vector.broadcast %shift_right_logical3A : i32 to vector<16xi32>
        %shift_right_logical3A_450 = arith.shrui %bitcast3A, %shift_right_logical3A_449 : vector<16xi32>
        %sub3A_451 = arith.constant 127 : i32
        %sub3A_452 = vector.broadcast %sub3A_451 : i32 to vector<16xi32>
        %sub3A_453 = arith.subi %shift_right_logical3A_450, %sub3A_452 : vector<16xi32>
        %select_n3A_454 = arith.select %gt3A_448, %sub3A_453, %broadcast_in_dim3A_259 : vector<16xi1>, vector<16xi32>
        %sub3A_455 = arith.constant 127 : i32
        %sub3A_456 = vector.broadcast %sub3A_455 : i32 to vector<16xi32>
        %sub3A_457 = arith.subi %sub3A_456, %select_n3A_454 : vector<16xi32>
        %shift_left3A = arith.constant 23 : i32
        %shift_left3A_458 = vector.broadcast %shift_left3A : i32 to vector<16xi32>
        %shift_left3A_459 = arith.shli %sub3A_457, %shift_left3A_458 : vector<16xi32>
        %bitcast3A_460 = vector.bitcast %shift_left3A_459 : vector<16xi32> to vector<16xf32>
        %select_n3A_461 = arith.select %gt3A_448, %bitcast3A_460, %broadcast_in_dim3A_257 : vector<16xi1>, vector<16xf32>
        scf.yield %add3A_446, %select_n3A_461, %select_n3A_454, %add3A_375 : vector<16xf32>, vector<16xf32>, vector<16xi32>, vector<16xi32>
      }
      %dma_wait3A = arith.constant 0 : i32
      %dma_wait3A_342 = arith.constant 0 : i32
      %dma_wait3A_343 = arith.constant 0 : i32
      %dma_wait3A_344 = tpu.memref_slice %arg24[%dma_wait3A_342, %dma_wait3A_343] : memref<2x2048xf32, #tpu.memory_space<vmem>> -> memref<1x2048xf32, #tpu.memory_space<vmem>>
      %dma_wait3A_345 = tpu.memref_squeeze %dma_wait3A_344 : memref<1x2048xf32, #tpu.memory_space<vmem>> -> memref<2048xf32, #tpu.memory_space<vmem>>
      %dma_wait3A_346 = arith.constant 0 : i32
      %dma_wait3A_347 = tpu.memref_slice %arg2[%arg1, %dma_wait3A, %dma_wait3A_346] : memref<16x512x2048xf32, #tpu.memory_space<hbm>> -> memref<1x1x2048xf32, #tpu.memory_space<hbm>>
      %dma_wait3A_348 = tpu.memref_squeeze %dma_wait3A_347 : memref<1x1x2048xf32, #tpu.memory_space<hbm>> -> memref<2048xf32, #tpu.memory_space<hbm>>
      %dma_wait3A_349 = arith.constant 0 : i32
      %dma_wait3A_350 = tpu.memref_slice %arg24[%dma_wait3A_342, %dma_wait3A_349] : memref<2x2048xf32, #tpu.memory_space<vmem>> -> memref<1x2048xf32, #tpu.memory_space<vmem>>
      %dma_wait3A_351 = tpu.memref_squeeze %dma_wait3A_350 : memref<1x2048xf32, #tpu.memory_space<vmem>> -> memref<2048xf32, #tpu.memory_space<vmem>>
      %dma_wait3A_352 = arith.constant 0 : i32
      %dma_wait3A_353 = tpu.memref_slice %arg2[%arg1, %dma_wait3A, %dma_wait3A_352] : memref<16x512x2048xf32, #tpu.memory_space<hbm>> -> memref<1x1x2048xf32, #tpu.memory_space<hbm>>
      %dma_wait3A_354 = tpu.memref_squeeze %dma_wait3A_353 : memref<1x1x2048xf32, #tpu.memory_space<hbm>> -> memref<2048xf32, #tpu.memory_space<hbm>>
      tpu.wait_dma2 semaphore(%arg28 : memref<!tpu.dma_semaphore, #tpu.memory_space<semaphore_mem>>) src(%dma_wait3A_354 : memref<2048xf32, #tpu.memory_space<hbm>>) dst(%dma_wait3A_351 : memref<2048xf32, #tpu.memory_space<vmem>>)
      %scan3A_355 = arith.constant 0 : i32
      %scan3A_356 = arith.constant 64 : i32
      %scan3A_357 = arith.addi %scan3A_355, %scan3A_356 : i32
      %scan3A_358 = arith.constant 1 : i32
      %scan3A_359 = scf.for %scan3A_370 = %scan3A_355 to %scan3A_357 step %scan3A_358 iter_args(%scan3A_371 = %broadcast_in_dim3A_255) -> (vector<16xf32>)  : i32 {
        %mul3A_372 = arith.constant 16 : i32
        %mul3A_373 = arith.muli %scan3A_370, %mul3A_372 : i32
        %get3A_374 = arith.index_cast %mul3A_373 : i32 to index
        %get3A_375 = tpu.vector_load %arg20[%get3A_374] {strides = array<i32>} : memref<1024xf32, #tpu.memory_space<vmem>>, vector<16xf32>,
        %get3A_376 = arith.index_cast %mul3A_373 : i32 to index
        %get3A_377 = tpu.vector_load %arg23[%get3A_376] {strides = array<i32>} : memref<1024xf32, #tpu.memory_space<vmem>>, vector<16xf32>,
        %mul3A_378 = arith.mulf %get3A_375, %get3A_377 : vector<16xf32>
        %add3A_379 = arith.addf %scan3A_371, %mul3A_378 : vector<16xf32>
        scf.yield %add3A_379 : vector<16xf32>
      }
      %scan3A_360 = arith.constant 64 : i32
      %mul3A = arith.constant 2 : i32
      %mul3A_361 = arith.muli %mul3A, %arg1 : i32
      %add3A_362 = arith.constant 0 : i32
      %add3A_363 = arith.addi %mul3A_361, %add3A_362 : i32
      %swap3A_364 = arith.constant 0 : index
      %swap3A_365 = tpu.vector_load %arg27[%swap3A_364] {strides = array<i32>} : memref<16xf32, #tpu.memory_space<vmem>>, vector<16xf32>,
      tpu.vector_store %arg27[%swap3A_364], %scan3A_359 {strides = array<i32>} : memref<16xf32, #tpu.memory_space<vmem>>, vector<16xf32>,
      %run_scoped3A = arith.constant 0 : i32
      "tpu.region"() ({
        %run_scoped3A_370 = tpu.sem_alloc : memref<!tpu.dma_semaphore, #tpu.memory_space<semaphore_mem>>
        %dma_start3A_371 = arith.constant 0 : i32
        %dma_start3A_372 = tpu.memref_slice %arg16[%add3A_363, %run_scoped3A, %dma_start3A_371] : memref<32x2x16xf32, #tpu.memory_space<hbm>> -> memref<1x1x16xf32, #tpu.memory_space<hbm>>
        %dma_start3A_373 = tpu.memref_squeeze %dma_start3A_372 : memref<1x1x16xf32, #tpu.memory_space<hbm>> -> memref<16xf32, #tpu.memory_space<hbm>>
        %dma_start3A_374 = arith.constant 0 : i32
        %dma_start3A_375 = tpu.memref_slice %arg16[%add3A_363, %run_scoped3A, %dma_start3A_374] : memref<32x2x16xf32, #tpu.memory_space<hbm>> -> memref<1x1x16xf32, #tpu.memory_space<hbm>>
        %dma_start3A_376 = tpu.memref_squeeze %dma_start3A_375 : memref<1x1x16xf32, #tpu.memory_space<hbm>> -> memref<16xf32, #tpu.memory_space<hbm>>
        tpu.enqueue_dma source(%arg27 : memref<16xf32, #tpu.memory_space<vmem>>) target(%dma_start3A_376 : memref<16xf32, #tpu.memory_space<hbm>>) target_semaphore(%run_scoped3A_370 : memref<!tpu.dma_semaphore, #tpu.memory_space<semaphore_mem>>)
        %dma_wait3A_377 = arith.constant 0 : i32
        %dma_wait3A_378 = tpu.memref_slice %arg16[%add3A_363, %run_scoped3A, %dma_wait3A_377] : memref<32x2x16xf32, #tpu.memory_space<hbm>> -> memref<1x1x16xf32, #tpu.memory_space<hbm>>
        %dma_wait3A_379 = tpu.memref_squeeze %dma_wait3A_378 : memref<1x1x16xf32, #tpu.memory_space<hbm>> -> memref<16xf32, #tpu.memory_space<hbm>>
        %dma_wait3A_380 = arith.constant 0 : i32
        %dma_wait3A_381 = tpu.memref_slice %arg16[%add3A_363, %run_scoped3A, %dma_wait3A_380] : memref<32x2x16xf32, #tpu.memory_space<hbm>> -> memref<1x1x16xf32, #tpu.memory_space<hbm>>
        %dma_wait3A_382 = tpu.memref_squeeze %dma_wait3A_381 : memref<1x1x16xf32, #tpu.memory_space<hbm>> -> memref<16xf32, #tpu.memory_space<hbm>>
        tpu.wait_dma2 semaphore(%run_scoped3A_370 : memref<!tpu.dma_semaphore, #tpu.memory_space<semaphore_mem>>) src(%arg27 : memref<16xf32, #tpu.memory_space<vmem>>) dst(%dma_wait3A_382 : memref<16xf32, #tpu.memory_space<hbm>>)
        tpu.yield
      }) : () -> ()
      %convert_element_type3A_366 = arith.sitofp %while3A_341#3 : vector<16xi32> to vector<16xf32>
      %swap3A_367 = arith.constant 0 : index
      %swap3A_368 = tpu.vector_load %arg27[%swap3A_367] {strides = array<i32>} : memref<16xf32, #tpu.memory_space<vmem>>, vector<16xf32>,
      tpu.vector_store %arg27[%swap3A_367], %convert_element_type3A_366 {strides = array<i32>} : memref<16xf32, #tpu.memory_space<vmem>>, vector<16xf32>,
      %run_scoped3A_369 = arith.constant 1 : i32
      "tpu.region"() ({
        %run_scoped3A_370 = tpu.sem_alloc : memref<!tpu.dma_semaphore, #tpu.memory_space<semaphore_mem>>
        %dma_start3A_371 = arith.constant 0 : i32
        %dma_start3A_372 = tpu.memref_slice %arg16[%add3A_363, %run_scoped3A_369, %dma_start3A_371] : memref<32x2x16xf32, #tpu.memory_space<hbm>> -> memref<1x1x16xf32, #tpu.memory_space<hbm>>
        %dma_start3A_373 = tpu.memref_squeeze %dma_start3A_372 : memref<1x1x16xf32, #tpu.memory_space<hbm>> -> memref<16xf32, #tpu.memory_space<hbm>>
        %dma_start3A_374 = arith.constant 0 : i32
        %dma_start3A_375 = tpu.memref_slice %arg16[%add3A_363, %run_scoped3A_369, %dma_start3A_374] : memref<32x2x16xf32, #tpu.memory_space<hbm>> -> memref<1x1x16xf32, #tpu.memory_space<hbm>>
        %dma_start3A_376 = tpu.memref_squeeze %dma_start3A_375 : memref<1x1x16xf32, #tpu.memory_space<hbm>> -> memref<16xf32, #tpu.memory_space<hbm>>
        tpu.enqueue_dma source(%arg27 : memref<16xf32, #tpu.memory_space<vmem>>) target(%dma_start3A_376 : memref<16xf32, #tpu.memory_space<hbm>>) target_semaphore(%run_scoped3A_370 : memref<!tpu.dma_semaphore, #tpu.memory_space<semaphore_mem>>)
        %dma_wait3A_377 = arith.constant 0 : i32
        %dma_wait3A_378 = tpu.memref_slice %arg16[%add3A_363, %run_scoped3A_369, %dma_wait3A_377] : memref<32x2x16xf32, #tpu.memory_space<hbm>> -> memref<1x1x16xf32, #tpu.memory_space<hbm>>
        %dma_wait3A_379 = tpu.memref_squeeze %dma_wait3A_378 : memref<1x1x16xf32, #tpu.memory_space<hbm>> -> memref<16xf32, #tpu.memory_space<hbm>>
        %dma_wait3A_380 = arith.constant 0 : i32
        %dma_wait3A_381 = tpu.memref_slice %arg16[%add3A_363, %run_scoped3A_369, %dma_wait3A_380] : memref<32x2x16xf32, #tpu.memory_space<hbm>> -> memref<1x1x16xf32, #tpu.memory_space<hbm>>
        %dma_wait3A_382 = tpu.memref_squeeze %dma_wait3A_381 : memref<1x1x16xf32, #tpu.memory_space<hbm>> -> memref<16xf32, #tpu.memory_space<hbm>>
        tpu.wait_dma2 semaphore(%run_scoped3A_370 : memref<!tpu.dma_semaphore, #tpu.memory_space<semaphore_mem>>) src(%arg27 : memref<16xf32, #tpu.memory_space<vmem>>) dst(%dma_wait3A_382 : memref<16xf32, #tpu.memory_space<hbm>>)
        tpu.yield
      }) : () -> ()
    } else {
    }
    %eq3A_250 = arith.constant 1 : i32
    %eq3A_251 = arith.cmpi eq, %arg0, %eq3A_250 : i32
    %convert_element_type3A_252 = arith.extui %eq3A_251 : i1 to i32
    %cond3A_253 = arith.constant 0 : i32
    %cond3A_254 = arith.cmpi ne, %convert_element_type3A_252, %cond3A_253 : i32
    scf.if %cond3A_254 {
      %broadcast_in_dim3A = arith.constant 0.000000e+00 : f32
      %broadcast_in_dim3A_255 = vector.broadcast %broadcast_in_dim3A : f32 to vector<16xf32>
      %broadcast_in_dim3A_256 = arith.constant 1.000000e+00 : f32
      %broadcast_in_dim3A_257 = vector.broadcast %broadcast_in_dim3A_256 : f32 to vector<16xf32>
      %broadcast_in_dim3A_258 = arith.constant 0 : i32
      %broadcast_in_dim3A_259 = vector.broadcast %broadcast_in_dim3A_258 : i32 to vector<16xi32>
      %iota3A_260 = tpu.iota {dimensions = array<i32: 0>} : vector<16xi32>
      "tpu.region"() ({
        %run_scoped3A_370 = tpu.sem_alloc : memref<!tpu.dma_semaphore, #tpu.memory_space<semaphore_mem>>
        %dma_start3A_371 = arith.constant 0 : i32
        %dma_start3A_372 = tpu.memref_slice %arg17[%dma_start3A_371] : memref<16384xi32, #tpu.memory_space<vmem>> -> memref<4096xi32, #tpu.memory_space<vmem>>
        %dma_start3A_373 = arith.constant 0 : i32
        %dma_start3A_374 = tpu.memref_slice %arg17[%dma_start3A_373] : memref<16384xi32, #tpu.memory_space<vmem>> -> memref<4096xi32, #tpu.memory_space<vmem>>
        tpu.enqueue_dma source(%arg12 : memref<4096xi32, #tpu.memory_space<hbm>>) target(%dma_start3A_374 : memref<4096xi32, #tpu.memory_space<vmem>>) target_semaphore(%run_scoped3A_370 : memref<!tpu.dma_semaphore, #tpu.memory_space<semaphore_mem>>)
        %dma_wait3A_375 = arith.constant 0 : i32
        %dma_wait3A_376 = tpu.memref_slice %arg17[%dma_wait3A_375] : memref<16384xi32, #tpu.memory_space<vmem>> -> memref<4096xi32, #tpu.memory_space<vmem>>
        %dma_wait3A_377 = arith.constant 0 : i32
        %dma_wait3A_378 = tpu.memref_slice %arg17[%dma_wait3A_377] : memref<16384xi32, #tpu.memory_space<vmem>> -> memref<4096xi32, #tpu.memory_space<vmem>>
        tpu.wait_dma2 semaphore(%run_scoped3A_370 : memref<!tpu.dma_semaphore, #tpu.memory_space<semaphore_mem>>) src(%arg12 : memref<4096xi32, #tpu.memory_space<hbm>>) dst(%dma_wait3A_378 : memref<4096xi32, #tpu.memory_space<vmem>>)
        tpu.yield
      }) : () -> ()
      %scan3A = arith.constant 0 : i32
      %scan3A_261 = arith.constant 0 : i32
      %scan3A_262 = arith.constant 256 : i32
      %scan3A_263 = arith.addi %scan3A_261, %scan3A_262 : i32
      %scan3A_264 = arith.constant 1 : i32
      %scan3A_265 = scf.for %scan3A_370 = %scan3A_261 to %scan3A_263 step %scan3A_264 iter_args(%scan3A_371 = %scan3A) -> (i32)  : i32 {
        %mul3A_372 = arith.constant 16 : i32
        %mul3A_373 = arith.muli %scan3A_370, %mul3A_372 : i32
        %get3A_374 = arith.index_cast %mul3A_373 : i32 to index
        %get3A_375 = tpu.vector_load %arg17[%get3A_374] {strides = array<i32>} : memref<16384xi32, #tpu.memory_space<vmem>>, vector<16xi32>,
        %shift_left3A = arith.constant 10 : i32
        %shift_left3A_376 = vector.broadcast %shift_left3A : i32 to vector<16xi32>
        %shift_left3A_377 = arith.shli %get3A_375, %shift_left3A_376 : vector<16xi32>
        %swap3A_378 = arith.index_cast %mul3A_373 : i32 to index
        %swap3A_379 = tpu.vector_load %arg18[%swap3A_378] {strides = array<i32>} : memref<16384xi32, #tpu.memory_space<vmem>>, vector<16xi32>,
        tpu.vector_store %arg18[%swap3A_378], %shift_left3A_377 {strides = array<i32>} : memref<16384xi32, #tpu.memory_space<vmem>>, vector<16xi32>,
        %scan3A_380 = arith.constant 0 : i32
        scf.yield %scan3A_380 : i32
      }
      %scan3A_266 = arith.constant 256 : i32
      "tpu.region"() ({
        %run_scoped3A_370 = tpu.sem_alloc : memref<!tpu.dma_semaphore, #tpu.memory_space<semaphore_mem>>
        %dma_start3A_371 = arith.constant 0 : i32
        %dma_start3A_372 = tpu.memref_slice %arg17[%dma_start3A_371] : memref<16384xi32, #tpu.memory_space<vmem>> -> memref<4096xi32, #tpu.memory_space<vmem>>
        %dma_start3A_373 = arith.constant 0 : i32
        %dma_start3A_374 = tpu.memref_slice %arg17[%dma_start3A_373] : memref<16384xi32, #tpu.memory_space<vmem>> -> memref<4096xi32, #tpu.memory_space<vmem>>
        tpu.enqueue_dma source(%arg10 : memref<4096xi32, #tpu.memory_space<hbm>>) target(%dma_start3A_374 : memref<4096xi32, #tpu.memory_space<vmem>>) target_semaphore(%run_scoped3A_370 : memref<!tpu.dma_semaphore, #tpu.memory_space<semaphore_mem>>)
        %dma_wait3A_375 = arith.constant 0 : i32
        %dma_wait3A_376 = tpu.memref_slice %arg17[%dma_wait3A_375] : memref<16384xi32, #tpu.memory_space<vmem>> -> memref<4096xi32, #tpu.memory_space<vmem>>
        %dma_wait3A_377 = arith.constant 0 : i32
        %dma_wait3A_378 = tpu.memref_slice %arg17[%dma_wait3A_377] : memref<16384xi32, #tpu.memory_space<vmem>> -> memref<4096xi32, #tpu.memory_space<vmem>>
        tpu.wait_dma2 semaphore(%run_scoped3A_370 : memref<!tpu.dma_semaphore, #tpu.memory_space<semaphore_mem>>) src(%arg10 : memref<4096xi32, #tpu.memory_space<hbm>>) dst(%dma_wait3A_378 : memref<4096xi32, #tpu.memory_space<vmem>>)
        tpu.yield
      }) : () -> ()
      %scan3A_267 = arith.constant 0 : i32
      %scan3A_268 = arith.constant 0 : i32
      %scan3A_269 = arith.constant 256 : i32
      %scan3A_270 = arith.addi %scan3A_268, %scan3A_269 : i32
      %scan3A_271 = arith.constant 1 : i32
      %scan3A_272 = scf.for %scan3A_370 = %scan3A_268 to %scan3A_270 step %scan3A_271 iter_args(%scan3A_371 = %scan3A_267) -> (i32)  : i32 {
        %mul3A_372 = arith.constant 16 : i32
        %mul3A_373 = arith.muli %scan3A_370, %mul3A_372 : i32
        %get3A_374 = arith.index_cast %mul3A_373 : i32 to index
        %get3A_375 = tpu.vector_load %arg18[%get3A_374] {strides = array<i32>} : memref<16384xi32, #tpu.memory_space<vmem>>, vector<16xi32>,
        %get3A_376 = arith.index_cast %mul3A_373 : i32 to index
        %get3A_377 = tpu.vector_load %arg17[%get3A_376] {strides = array<i32>} : memref<16384xi32, #tpu.memory_space<vmem>>, vector<16xi32>,
        %or3A = arith.ori %get3A_375, %get3A_377 : vector<16xi32>
        %swap3A_378 = arith.index_cast %mul3A_373 : i32 to index
        %swap3A_379 = tpu.vector_load %arg18[%swap3A_378] {strides = array<i32>} : memref<16384xi32, #tpu.memory_space<vmem>>, vector<16xi32>,
        tpu.vector_store %arg18[%swap3A_378], %or3A {strides = array<i32>} : memref<16384xi32, #tpu.memory_space<vmem>>, vector<16xi32>,
        %scan3A_380 = arith.constant 0 : i32
        scf.yield %scan3A_380 : i32
      }
      %scan3A_273 = arith.constant 256 : i32
      "tpu.region"() ({
        %run_scoped3A_370 = tpu.sem_alloc : memref<!tpu.dma_semaphore, #tpu.memory_space<semaphore_mem>>
        %dma_start3A_371 = arith.constant 0 : i32
        %dma_start3A_372 = tpu.memref_slice %arg17[%dma_start3A_371] : memref<16384xi32, #tpu.memory_space<vmem>> -> memref<4096xi32, #tpu.memory_space<vmem>>
        %dma_start3A_373 = arith.constant 0 : i32
        %dma_start3A_374 = tpu.memref_slice %arg17[%dma_start3A_373] : memref<16384xi32, #tpu.memory_space<vmem>> -> memref<4096xi32, #tpu.memory_space<vmem>>
        tpu.enqueue_dma source(%arg11 : memref<4096xi32, #tpu.memory_space<hbm>>) target(%dma_start3A_374 : memref<4096xi32, #tpu.memory_space<vmem>>) target_semaphore(%run_scoped3A_370 : memref<!tpu.dma_semaphore, #tpu.memory_space<semaphore_mem>>)
        %dma_wait3A_375 = arith.constant 0 : i32
        %dma_wait3A_376 = tpu.memref_slice %arg17[%dma_wait3A_375] : memref<16384xi32, #tpu.memory_space<vmem>> -> memref<4096xi32, #tpu.memory_space<vmem>>
        %dma_wait3A_377 = arith.constant 0 : i32
        %dma_wait3A_378 = tpu.memref_slice %arg17[%dma_wait3A_377] : memref<16384xi32, #tpu.memory_space<vmem>> -> memref<4096xi32, #tpu.memory_space<vmem>>
        tpu.wait_dma2 semaphore(%run_scoped3A_370 : memref<!tpu.dma_semaphore, #tpu.memory_space<semaphore_mem>>) src(%arg11 : memref<4096xi32, #tpu.memory_space<hbm>>) dst(%dma_wait3A_378 : memref<4096xi32, #tpu.memory_space<vmem>>)
        tpu.yield
      }) : () -> ()
      %scan3A_274 = arith.constant 0 : i32
      %scan3A_275 = arith.constant 0 : i32
      %scan3A_276 = arith.constant 256 : i32
      %scan3A_277 = arith.addi %scan3A_275, %scan3A_276 : i32
      %scan3A_278 = arith.constant 1 : i32
      %scan3A_279 = scf.for %scan3A_370 = %scan3A_275 to %scan3A_277 step %scan3A_278 iter_args(%scan3A_371 = %scan3A_274) -> (i32)  : i32 {
        %mul3A_372 = arith.constant 16 : i32
        %mul3A_373 = arith.muli %scan3A_370, %mul3A_372 : i32
        %get3A_374 = arith.index_cast %mul3A_373 : i32 to index
        %get3A_375 = tpu.vector_load %arg18[%get3A_374] {strides = array<i32>} : memref<16384xi32, #tpu.memory_space<vmem>>, vector<16xi32>,
        %get3A_376 = arith.index_cast %mul3A_373 : i32 to index
        %get3A_377 = tpu.vector_load %arg17[%get3A_376] {strides = array<i32>} : memref<16384xi32, #tpu.memory_space<vmem>>, vector<16xi32>,
        %shift_left3A = arith.constant 21 : i32
        %shift_left3A_378 = vector.broadcast %shift_left3A : i32 to vector<16xi32>
        %shift_left3A_379 = arith.shli %get3A_377, %shift_left3A_378 : vector<16xi32>
        %or3A = arith.ori %get3A_375, %shift_left3A_379 : vector<16xi32>
        %swap3A_380 = arith.index_cast %mul3A_373 : i32 to index
        %swap3A_381 = tpu.vector_load %arg18[%swap3A_380] {strides = array<i32>} : memref<16384xi32, #tpu.memory_space<vmem>>, vector<16xi32>,
        tpu.vector_store %arg18[%swap3A_380], %or3A {strides = array<i32>} : memref<16384xi32, #tpu.memory_space<vmem>>, vector<16xi32>,
        %scan3A_382 = arith.constant 0 : i32
        scf.yield %scan3A_382 : i32
      }
      %scan3A_280 = arith.constant 256 : i32
      "tpu.region"() ({
        %run_scoped3A_370 = tpu.sem_alloc : memref<!tpu.dma_semaphore, #tpu.memory_space<semaphore_mem>>
        %dma_start3A_371 = arith.constant 0 : i32
        %dma_start3A_372 = tpu.memref_slice %arg19[%dma_start3A_371] : memref<16384xf32, #tpu.memory_space<vmem>> -> memref<4096xf32, #tpu.memory_space<vmem>>
        %dma_start3A_373 = arith.constant 0 : i32
        %dma_start3A_374 = tpu.memref_slice %arg19[%dma_start3A_373] : memref<16384xf32, #tpu.memory_space<vmem>> -> memref<4096xf32, #tpu.memory_space<vmem>>
        tpu.enqueue_dma source(%arg13 : memref<4096xf32, #tpu.memory_space<hbm>>) target(%dma_start3A_374 : memref<4096xf32, #tpu.memory_space<vmem>>) target_semaphore(%run_scoped3A_370 : memref<!tpu.dma_semaphore, #tpu.memory_space<semaphore_mem>>)
        %dma_wait3A_375 = arith.constant 0 : i32
        %dma_wait3A_376 = tpu.memref_slice %arg19[%dma_wait3A_375] : memref<16384xf32, #tpu.memory_space<vmem>> -> memref<4096xf32, #tpu.memory_space<vmem>>
        %dma_wait3A_377 = arith.constant 0 : i32
        %dma_wait3A_378 = tpu.memref_slice %arg19[%dma_wait3A_377] : memref<16384xf32, #tpu.memory_space<vmem>> -> memref<4096xf32, #tpu.memory_space<vmem>>
        tpu.wait_dma2 semaphore(%run_scoped3A_370 : memref<!tpu.dma_semaphore, #tpu.memory_space<semaphore_mem>>) src(%arg13 : memref<4096xf32, #tpu.memory_space<hbm>>) dst(%dma_wait3A_378 : memref<4096xf32, #tpu.memory_space<vmem>>)
        tpu.yield
      }) : () -> ()
      %scan3A_281 = arith.constant 0 : i32
      %scan3A_282 = arith.constant 0 : i32
      %scan3A_283 = arith.constant 256 : i32
      %scan3A_284 = arith.addi %scan3A_282, %scan3A_283 : i32
      %scan3A_285 = arith.constant 1 : i32
      %scan3A_286 = scf.for %scan3A_370 = %scan3A_282 to %scan3A_284 step %scan3A_285 iter_args(%scan3A_371 = %scan3A_281) -> (i32)  : i32 {
        %mul3A_372 = arith.constant 16 : i32
        %mul3A_373 = arith.muli %scan3A_370, %mul3A_372 : i32
        %get3A_374 = arith.index_cast %mul3A_373 : i32 to index
        %get3A_375 = tpu.vector_load %arg19[%get3A_374] {strides = array<i32>} : memref<16384xf32, #tpu.memory_space<vmem>>, vector<16xf32>,
        %exp3A = math.exp %get3A_375 : vector<16xf32>
        %swap3A_376 = arith.index_cast %mul3A_373 : i32 to index
        %swap3A_377 = tpu.vector_load %arg19[%swap3A_376] {strides = array<i32>} : memref<16384xf32, #tpu.memory_space<vmem>>, vector<16xf32>,
        tpu.vector_store %arg19[%swap3A_376], %exp3A {strides = array<i32>} : memref<16384xf32, #tpu.memory_space<vmem>>, vector<16xf32>,
        %scan3A_378 = arith.constant 0 : i32
        scf.yield %scan3A_378 : i32
      }
      %scan3A_287 = arith.constant 256 : i32
      "tpu.region"() ({
        %run_scoped3A_370 = tpu.sem_alloc : memref<!tpu.dma_semaphore, #tpu.memory_space<semaphore_mem>>
        tpu.enqueue_dma source(%arg14 : memref<1024xf32, #tpu.memory_space<hbm>>) target(%arg22 : memref<1024xf32, #tpu.memory_space<vmem>>) target_semaphore(%run_scoped3A_370 : memref<!tpu.dma_semaphore, #tpu.memory_space<semaphore_mem>>)
        tpu.wait_dma2 semaphore(%run_scoped3A_370 : memref<!tpu.dma_semaphore, #tpu.memory_space<semaphore_mem>>) src(%arg14 : memref<1024xf32, #tpu.memory_space<hbm>>) dst(%arg22 : memref<1024xf32, #tpu.memory_space<vmem>>)
        tpu.yield
      }) : () -> ()
      "tpu.region"() ({
        %run_scoped3A_370 = tpu.sem_alloc : memref<!tpu.dma_semaphore, #tpu.memory_space<semaphore_mem>>
        tpu.enqueue_dma source(%arg15 : memref<1024xf32, #tpu.memory_space<hbm>>) target(%arg23 : memref<1024xf32, #tpu.memory_space<vmem>>) target_semaphore(%run_scoped3A_370 : memref<!tpu.dma_semaphore, #tpu.memory_space<semaphore_mem>>)
        tpu.wait_dma2 semaphore(%run_scoped3A_370 : memref<!tpu.dma_semaphore, #tpu.memory_space<semaphore_mem>>) src(%arg15 : memref<1024xf32, #tpu.memory_space<hbm>>) dst(%arg23 : memref<1024xf32, #tpu.memory_space<vmem>>)
        tpu.yield
      }) : () -> ()
      %scan3A_288 = arith.constant 0 : i32
      %scan3A_289 = arith.constant 64 : i32
      %scan3A_290 = arith.addi %scan3A_288, %scan3A_289 : i32
      %scan3A_291 = arith.constant 1 : i32
      %scan3A_292 = scf.for %scan3A_370 = %scan3A_288 to %scan3A_290 step %scan3A_291 iter_args(%scan3A_371 = %broadcast_in_dim3A_255) -> (vector<16xf32>)  : i32 {
        %mul3A_372 = arith.constant 16 : i32
        %mul3A_373 = arith.muli %scan3A_370, %mul3A_372 : i32
        %get3A_374 = arith.index_cast %mul3A_373 : i32 to index
        %get3A_375 = tpu.vector_load %arg22[%get3A_374] {strides = array<i32>} : memref<1024xf32, #tpu.memory_space<vmem>>, vector<16xf32>,
        %exp3A = math.exp %get3A_375 : vector<16xf32>
        %swap3A_376 = arith.index_cast %mul3A_373 : i32 to index
        %swap3A_377 = tpu.vector_load %arg22[%swap3A_376] {strides = array<i32>} : memref<1024xf32, #tpu.memory_space<vmem>>, vector<16xf32>,
        tpu.vector_store %arg22[%swap3A_376], %exp3A {strides = array<i32>} : memref<1024xf32, #tpu.memory_space<vmem>>, vector<16xf32>,
        %swap3A_378 = arith.index_cast %mul3A_373 : i32 to index
        %swap3A_379 = tpu.vector_load %arg20[%swap3A_378] {strides = array<i32>} : memref<1024xf32, #tpu.memory_space<vmem>>, vector<16xf32>,
        tpu.vector_store %arg20[%swap3A_378], %exp3A {strides = array<i32>} : memref<1024xf32, #tpu.memory_space<vmem>>, vector<16xf32>,
        %swap3A_380 = arith.index_cast %mul3A_373 : i32 to index
        %swap3A_381 = tpu.vector_load %arg21[%swap3A_380] {strides = array<i32>} : memref<1024xf32, #tpu.memory_space<vmem>>, vector<16xf32>,
        tpu.vector_store %arg21[%swap3A_380], %broadcast_in_dim3A_255 {strides = array<i32>} : memref<1024xf32, #tpu.memory_space<vmem>>, vector<16xf32>,
        %get3A_382 = arith.index_cast %mul3A_373 : i32 to index
        %get3A_383 = tpu.vector_load %arg23[%get3A_382] {strides = array<i32>} : memref<1024xf32, #tpu.memory_space<vmem>>, vector<16xf32>,
        %exp3A_384 = math.exp %get3A_383 : vector<16xf32>
        %swap3A_385 = arith.index_cast %mul3A_373 : i32 to index
        %swap3A_386 = tpu.vector_load %arg23[%swap3A_385] {strides = array<i32>} : memref<1024xf32, #tpu.memory_space<vmem>>, vector<16xf32>,
        tpu.vector_store %arg23[%swap3A_385], %exp3A_384 {strides = array<i32>} : memref<1024xf32, #tpu.memory_space<vmem>>, vector<16xf32>,
        %add3A_387 = arith.addf %scan3A_371, %exp3A : vector<16xf32>
        scf.yield %add3A_387 : vector<16xf32>
      }
      %scan3A_293 = arith.constant 64 : i32
      %swap3A = arith.constant 0 : index
      %swap3A_294 = tpu.vector_load %arg27[%swap3A] {strides = array<i32>} : memref<16xf32, #tpu.memory_space<vmem>>, vector<16xf32>,
      tpu.vector_store %arg27[%swap3A], %scan3A_292 {strides = array<i32>} : memref<16xf32, #tpu.memory_space<vmem>>, vector<16xf32>,
      %xor3A = arith.constant 1 : i32
      %xor3A_295 = vector.broadcast %xor3A : i32 to vector<16xi32>
      %xor3A_296 = arith.xori %iota3A_260, %xor3A_295 : vector<16xi32>
      %gather3A = tpu.vector_load_idx %arg27[%xor3A_296] : memref<16xf32, #tpu.memory_space<vmem>>[vector<16xi32>], vector<16xf32>,
      %add3A_297 = arith.addf %scan3A_292, %gather3A : vector<16xf32>
      %swap3A_298 = arith.constant 0 : index
      %swap3A_299 = tpu.vector_load %arg27[%swap3A_298] {strides = array<i32>} : memref<16xf32, #tpu.memory_space<vmem>>, vector<16xf32>,
      tpu.vector_store %arg27[%swap3A_298], %add3A_297 {strides = array<i32>} : memref<16xf32, #tpu.memory_space<vmem>>, vector<16xf32>,
      %xor3A_300 = arith.constant 2 : i32
      %xor3A_301 = vector.broadcast %xor3A_300 : i32 to vector<16xi32>
      %xor3A_302 = arith.xori %iota3A_260, %xor3A_301 : vector<16xi32>
      %gather3A_303 = tpu.vector_load_idx %arg27[%xor3A_302] : memref<16xf32, #tpu.memory_space<vmem>>[vector<16xi32>], vector<16xf32>,
      %add3A_304 = arith.addf %add3A_297, %gather3A_303 : vector<16xf32>
      %swap3A_305 = arith.constant 0 : index
      %swap3A_306 = tpu.vector_load %arg27[%swap3A_305] {strides = array<i32>} : memref<16xf32, #tpu.memory_space<vmem>>, vector<16xf32>,
      tpu.vector_store %arg27[%swap3A_305], %add3A_304 {strides = array<i32>} : memref<16xf32, #tpu.memory_space<vmem>>, vector<16xf32>,
      %xor3A_307 = arith.constant 4 : i32
      %xor3A_308 = vector.broadcast %xor3A_307 : i32 to vector<16xi32>
      %xor3A_309 = arith.xori %iota3A_260, %xor3A_308 : vector<16xi32>
      %gather3A_310 = tpu.vector_load_idx %arg27[%xor3A_309] : memref<16xf32, #tpu.memory_space<vmem>>[vector<16xi32>], vector<16xf32>,
      %add3A_311 = arith.addf %add3A_304, %gather3A_310 : vector<16xf32>
      %swap3A_312 = arith.constant 0 : index
      %swap3A_313 = tpu.vector_load %arg27[%swap3A_312] {strides = array<i32>} : memref<16xf32, #tpu.memory_space<vmem>>, vector<16xf32>,
      tpu.vector_store %arg27[%swap3A_312], %add3A_311 {strides = array<i32>} : memref<16xf32, #tpu.memory_space<vmem>>, vector<16xf32>,
      %xor3A_314 = arith.constant 8 : i32
      %xor3A_315 = vector.broadcast %xor3A_314 : i32 to vector<16xi32>
      %xor3A_316 = arith.xori %iota3A_260, %xor3A_315 : vector<16xi32>
      %gather3A_317 = tpu.vector_load_idx %arg27[%xor3A_316] : memref<16xf32, #tpu.memory_space<vmem>>[vector<16xi32>], vector<16xf32>,
      %add3A_318 = arith.addf %add3A_311, %gather3A_317 : vector<16xf32>
      %dma_start3A = arith.constant 0 : i32
      %dma_start3A_319 = arith.constant 0 : i32
      %dma_start3A_320 = arith.constant 0 : i32
      %dma_start3A_321 = tpu.memref_slice %arg24[%dma_start3A_319, %dma_start3A_320] : memref<2x2048xf32, #tpu.memory_space<vmem>> -> memref<1x2048xf32, #tpu.memory_space<vmem>>
      %dma_start3A_322 = tpu.memref_squeeze %dma_start3A_321 : memref<1x2048xf32, #tpu.memory_space<vmem>> -> memref<2048xf32, #tpu.memory_space<vmem>>
      %dma_start3A_323 = arith.constant 0 : i32
      %dma_start3A_324 = tpu.memref_slice %arg2[%arg1, %dma_start3A, %dma_start3A_323] : memref<16x512x2048xf32, #tpu.memory_space<hbm>> -> memref<1x1x2048xf32, #tpu.memory_space<hbm>>
      %dma_start3A_325 = tpu.memref_squeeze %dma_start3A_324 : memref<1x1x2048xf32, #tpu.memory_space<hbm>> -> memref<2048xf32, #tpu.memory_space<hbm>>
      %dma_start3A_326 = arith.constant 0 : i32
      %dma_start3A_327 = tpu.memref_slice %arg24[%dma_start3A_319, %dma_start3A_326] : memref<2x2048xf32, #tpu.memory_space<vmem>> -> memref<1x2048xf32, #tpu.memory_space<vmem>>
      %dma_start3A_328 = tpu.memref_squeeze %dma_start3A_327 : memref<1x2048xf32, #tpu.memory_space<vmem>> -> memref<2048xf32, #tpu.memory_space<vmem>>
      %dma_start3A_329 = arith.constant 0 : i32
      %dma_start3A_330 = tpu.memref_slice %arg2[%arg1, %dma_start3A, %dma_start3A_329] : memref<16x512x2048xf32, #tpu.memory_space<hbm>> -> memref<1x1x2048xf32, #tpu.memory_space<hbm>>
      %dma_start3A_331 = tpu.memref_squeeze %dma_start3A_330 : memref<1x1x2048xf32, #tpu.memory_space<hbm>> -> memref<2048xf32, #tpu.memory_space<hbm>>
      tpu.enqueue_dma source(%dma_start3A_331 : memref<2048xf32, #tpu.memory_space<hbm>>) target(%dma_start3A_328 : memref<2048xf32, #tpu.memory_space<vmem>>) target_semaphore(%arg28 : memref<!tpu.dma_semaphore, #tpu.memory_space<semaphore_mem>>)
      %while3A = arith.constant 0 : i32
      %while3A_332 = arith.subi %add3A_246, %while3A : i32
      %while3A_333 = arith.addi %while3A, %while3A_332 : i32
      %while3A_334 = arith.constant 1 : i32
      %while3A_335 = arith.divsi %while3A_332, %while3A_334 : i32
      %while3A_336 = arith.muli %while3A_335, %while3A_334 : i32
      %while3A_337 = arith.addi %while3A, %while3A_336 : i32
      %while3A_338 = arith.constant 1 : i32
      %while3A_339:4 = scf.for %while3A_370 = %while3A to %while3A_337 step %while3A_338 iter_args(%while3A_371 = %add3A_318, %while3A_372 = %broadcast_in_dim3A_257, %while3A_373 = %broadcast_in_dim3A_259, %while3A_374 = %broadcast_in_dim3A_259) -> (vector<16xf32>, vector<16xf32>, vector<16xi32>, vector<16xi32>)  : i32 {
        %add3A_375 = arith.addi %while3A_374, %while3A_373 : vector<16xi32>
        %and3A_376 = arith.constant 1 : i32
        %and3A_377 = arith.andi %while3A_370, %and3A_376 : i32
        %dma_wait3A_378 = arith.constant 0 : i32
        %dma_wait3A_379 = tpu.memref_slice %arg24[%and3A_377, %dma_wait3A_378] : memref<2x2048xf32, #tpu.memory_space<vmem>> -> memref<1x2048xf32, #tpu.memory_space<vmem>>
        %dma_wait3A_380 = tpu.memref_squeeze %dma_wait3A_379 : memref<1x2048xf32, #tpu.memory_space<vmem>> -> memref<2048xf32, #tpu.memory_space<vmem>>
        %dma_wait3A_381 = arith.constant 0 : i32
        %dma_wait3A_382 = tpu.memref_slice %arg2[%arg1, %while3A_370, %dma_wait3A_381] : memref<16x512x2048xf32, #tpu.memory_space<hbm>> -> memref<1x1x2048xf32, #tpu.memory_space<hbm>>
        %dma_wait3A_383 = tpu.memref_squeeze %dma_wait3A_382 : memref<1x1x2048xf32, #tpu.memory_space<hbm>> -> memref<2048xf32, #tpu.memory_space<hbm>>
        %dma_wait3A_384 = arith.constant 0 : i32
        %dma_wait3A_385 = tpu.memref_slice %arg24[%and3A_377, %dma_wait3A_384] : memref<2x2048xf32, #tpu.memory_space<vmem>> -> memref<1x2048xf32, #tpu.memory_space<vmem>>
        %dma_wait3A_386 = tpu.memref_squeeze %dma_wait3A_385 : memref<1x2048xf32, #tpu.memory_space<vmem>> -> memref<2048xf32, #tpu.memory_space<vmem>>
        %dma_wait3A_387 = arith.constant 0 : i32
        %dma_wait3A_388 = tpu.memref_slice %arg2[%arg1, %while3A_370, %dma_wait3A_387] : memref<16x512x2048xf32, #tpu.memory_space<hbm>> -> memref<1x1x2048xf32, #tpu.memory_space<hbm>>
        %dma_wait3A_389 = tpu.memref_squeeze %dma_wait3A_388 : memref<1x1x2048xf32, #tpu.memory_space<hbm>> -> memref<2048xf32, #tpu.memory_space<hbm>>
        tpu.wait_dma2 semaphore(%arg28 : memref<!tpu.dma_semaphore, #tpu.memory_space<semaphore_mem>>) src(%dma_wait3A_389 : memref<2048xf32, #tpu.memory_space<hbm>>) dst(%dma_wait3A_386 : memref<2048xf32, #tpu.memory_space<vmem>>)
        %add3A_390 = arith.constant 1 : i32
        %add3A_391 = arith.addi %while3A_370, %add3A_390 : i32
        %min3A = arith.constant 511 : i32
        %min3A_392 = arith.minsi %add3A_391, %min3A : i32
        %sub3A = arith.constant 1 : i32
        %sub3A_393 = arith.subi %sub3A, %and3A_377 : i32
        %dma_start3A_394 = arith.constant 0 : i32
        %dma_start3A_395 = tpu.memref_slice %arg24[%sub3A_393, %dma_start3A_394] : memref<2x2048xf32, #tpu.memory_space<vmem>> -> memref<1x2048xf32, #tpu.memory_space<vmem>>
        %dma_start3A_396 = tpu.memref_squeeze %dma_start3A_395 : memref<1x2048xf32, #tpu.memory_space<vmem>> -> memref<2048xf32, #tpu.memory_space<vmem>>
        %dma_start3A_397 = arith.constant 0 : i32
        %dma_start3A_398 = tpu.memref_slice %arg2[%arg1, %min3A_392, %dma_start3A_397] : memref<16x512x2048xf32, #tpu.memory_space<hbm>> -> memref<1x1x2048xf32, #tpu.memory_space<hbm>>
        %dma_start3A_399 = tpu.memref_squeeze %dma_start3A_398 : memref<1x1x2048xf32, #tpu.memory_space<hbm>> -> memref<2048xf32, #tpu.memory_space<hbm>>
        %dma_start3A_400 = arith.constant 0 : i32
        %dma_start3A_401 = tpu.memref_slice %arg24[%sub3A_393, %dma_start3A_400] : memref<2x2048xf32, #tpu.memory_space<vmem>> -> memref<1x2048xf32, #tpu.memory_space<vmem>>
        %dma_start3A_402 = tpu.memref_squeeze %dma_start3A_401 : memref<1x2048xf32, #tpu.memory_space<vmem>> -> memref<2048xf32, #tpu.memory_space<vmem>>
        %dma_start3A_403 = arith.constant 0 : i32
        %dma_start3A_404 = tpu.memref_slice %arg2[%arg1, %min3A_392, %dma_start3A_403] : memref<16x512x2048xf32, #tpu.memory_space<hbm>> -> memref<1x1x2048xf32, #tpu.memory_space<hbm>>
        %dma_start3A_405 = tpu.memref_squeeze %dma_start3A_404 : memref<1x1x2048xf32, #tpu.memory_space<hbm>> -> memref<2048xf32, #tpu.memory_space<hbm>>
        tpu.enqueue_dma source(%dma_start3A_405 : memref<2048xf32, #tpu.memory_space<hbm>>) target(%dma_start3A_402 : memref<2048xf32, #tpu.memory_space<vmem>>) target_semaphore(%arg28 : memref<!tpu.dma_semaphore, #tpu.memory_space<semaphore_mem>>)
        %parallel_loop3A = arith.constant 0 : i32
        %parallel_loop3A_406 = arith.constant 128 : i32
        %parallel_loop3A_407 = arith.constant 1 : i32
        scf.for %parallel_loop3A_458 = %parallel_loop3A to %parallel_loop3A_406 step %parallel_loop3A_407  : i32 {
          %parallel_loop3A_459 = arith.constant 16 : i32
          %parallel_loop3A_460 = arith.muli %parallel_loop3A_458, %parallel_loop3A_459 : i32
          %parallel_loop3A_461 = arith.index_cast %and3A_377 : i32 to index
          %parallel_loop3A_462 = arith.index_cast %parallel_loop3A_460 : i32 to index
          %parallel_loop3A_463 = tpu.vector_load %arg24[%parallel_loop3A_461, %parallel_loop3A_462] {strides = array<i32>} : memref<2x2048xf32, #tpu.memory_space<vmem>>, vector<16xf32>,
          %parallel_loop3A_464 = math.exp %parallel_loop3A_463 : vector<16xf32>
          %parallel_loop3A_465 = arith.mulf %parallel_loop3A_464, %while3A_372 : vector<16xf32>
          %parallel_loop3A_466 = arith.index_cast %parallel_loop3A_460 : i32 to index
          %parallel_loop3A_467 = tpu.vector_load %arg25[%parallel_loop3A_466] {strides = array<i32>} : memref<2048xf32, #tpu.memory_space<vmem>>, vector<16xf32>,
          tpu.vector_store %arg25[%parallel_loop3A_466], %parallel_loop3A_465 {strides = array<i32>} : memref<2048xf32, #tpu.memory_space<vmem>>, vector<16xf32>,
        } {sc.loop_unroll_factor = 8 : i64, sc.parallel_access}
        %parallel_loop3A_408 = arith.constant 0 : i32
        %parallel_loop3A_409 = arith.constant 256 : i32
        %parallel_loop3A_410 = arith.constant 1 : i32
        scf.for %parallel_loop3A_458 = %parallel_loop3A_408 to %parallel_loop3A_409 step %parallel_loop3A_410  : i32 {
          %parallel_loop3A_459 = arith.constant 16 : i32
          %parallel_loop3A_460 = arith.muli %parallel_loop3A_458, %parallel_loop3A_459 : i32
          %parallel_loop3A_461 = arith.index_cast %parallel_loop3A_460 : i32 to index
          %parallel_loop3A_462 = tpu.vector_load %arg18[%parallel_loop3A_461] {strides = array<i32>} : memref<16384xi32, #tpu.memory_space<vmem>>, vector<16xi32>,
          %parallel_loop3A_463 = arith.index_cast %parallel_loop3A_460 : i32 to index
          %parallel_loop3A_464 = tpu.vector_load %arg19[%parallel_loop3A_463] {strides = array<i32>} : memref<16384xf32, #tpu.memory_space<vmem>>, vector<16xf32>,
          %parallel_loop3A_465 = arith.constant 1023 : i32
          %parallel_loop3A_466 = vector.broadcast %parallel_loop3A_465 : i32 to vector<16xi32>
          %parallel_loop3A_467 = arith.andi %parallel_loop3A_462, %parallel_loop3A_466 : vector<16xi32>
          %parallel_loop3A_468 = arith.constant 10 : i32
          %parallel_loop3A_469 = vector.broadcast %parallel_loop3A_468 : i32 to vector<16xi32>
          %parallel_loop3A_470 = arith.shrui %parallel_loop3A_462, %parallel_loop3A_469 : vector<16xi32>
          %parallel_loop3A_471 = arith.constant 2047 : i32
          %parallel_loop3A_472 = vector.broadcast %parallel_loop3A_471 : i32 to vector<16xi32>
          %parallel_loop3A_473 = arith.andi %parallel_loop3A_470, %parallel_loop3A_472 : vector<16xi32>
          %parallel_loop3A_474 = arith.constant 21 : i32
          %parallel_loop3A_475 = vector.broadcast %parallel_loop3A_474 : i32 to vector<16xi32>
          %parallel_loop3A_476 = arith.shrui %parallel_loop3A_462, %parallel_loop3A_475 : vector<16xi32>
          %parallel_loop3A_477 = tpu.vector_load_idx %arg20[%parallel_loop3A_467] : memref<1024xf32, #tpu.memory_space<vmem>>[vector<16xi32>], vector<16xf32>,
          %parallel_loop3A_478 = tpu.vector_load_idx %arg25[%parallel_loop3A_473] : memref<2048xf32, #tpu.memory_space<vmem>>[vector<16xi32>], vector<16xf32>,
          %parallel_loop3A_479 = arith.mulf %parallel_loop3A_477, %parallel_loop3A_464 : vector<16xf32>
          %parallel_loop3A_480 = arith.mulf %parallel_loop3A_479, %parallel_loop3A_478 : vector<16xf32>
          tpu.vector_store_idx %arg21[%parallel_loop3A_476], %parallel_loop3A_480 {add = true} : memref<1024xf32, #tpu.memory_space<vmem>>[vector<16xi32>], vector<16xf32>,
        } {sc.loop_unroll_factor = 8 : i64, sc.parallel_access}
        %parallel_loop3A_411 = arith.constant 0 : i32
        %parallel_loop3A_412 = arith.constant 64 : i32
        %parallel_loop3A_413 = arith.constant 1 : i32
        %parallel_loop3A_414 = scf.for %parallel_loop3A_458 = %parallel_loop3A_411 to %parallel_loop3A_412 step %parallel_loop3A_413 iter_args(%parallel_loop3A_459 = %broadcast_in_dim3A_255) -> (vector<16xf32>)  : i32 {
          %parallel_loop3A_460 = arith.constant 16 : i32
          %parallel_loop3A_461 = arith.muli %parallel_loop3A_458, %parallel_loop3A_460 : i32
          %parallel_loop3A_462 = arith.index_cast %parallel_loop3A_461 : i32 to index
          %parallel_loop3A_463 = tpu.vector_load %arg21[%parallel_loop3A_462] {strides = array<i32>} : memref<1024xf32, #tpu.memory_space<vmem>>, vector<16xf32>,
          %parallel_loop3A_464 = arith.index_cast %parallel_loop3A_461 : i32 to index
          %parallel_loop3A_465 = tpu.vector_load %arg22[%parallel_loop3A_464] {strides = array<i32>} : memref<1024xf32, #tpu.memory_space<vmem>>, vector<16xf32>,
          %parallel_loop3A_466 = arith.mulf %broadcast_in_dim3A_255, %parallel_loop3A_465 : vector<16xf32>
          %parallel_loop3A_467 = arith.addf %parallel_loop3A_463, %parallel_loop3A_466 : vector<16xf32>
          %parallel_loop3A_468 = arith.index_cast %parallel_loop3A_461 : i32 to index
          %parallel_loop3A_469 = tpu.vector_load %arg20[%parallel_loop3A_468] {strides = array<i32>} : memref<1024xf32, #tpu.memory_space<vmem>>, vector<16xf32>,
          tpu.vector_store %arg20[%parallel_loop3A_468], %parallel_loop3A_467 {strides = array<i32>} : memref<1024xf32, #tpu.memory_space<vmem>>, vector<16xf32>,
          %parallel_loop3A_470 = arith.index_cast %parallel_loop3A_461 : i32 to index
          %parallel_loop3A_471 = tpu.vector_load %arg21[%parallel_loop3A_470] {strides = array<i32>} : memref<1024xf32, #tpu.memory_space<vmem>>, vector<16xf32>,
          tpu.vector_store %arg21[%parallel_loop3A_470], %broadcast_in_dim3A_255 {strides = array<i32>} : memref<1024xf32, #tpu.memory_space<vmem>>, vector<16xf32>,
          %parallel_loop3A_472 = arith.addf %parallel_loop3A_459, %parallel_loop3A_467 : vector<16xf32>
          scf.yield %parallel_loop3A_472 : vector<16xf32>
        } {sc.loop_unroll_factor = 8 : i64, sc.parallel_access}
        %swap3A_415 = arith.constant 0 : index
        %swap3A_416 = tpu.vector_load %arg27[%swap3A_415] {strides = array<i32>} : memref<16xf32, #tpu.memory_space<vmem>>, vector<16xf32>,
        tpu.vector_store %arg27[%swap3A_415], %parallel_loop3A_414 {strides = array<i32>} : memref<16xf32, #tpu.memory_space<vmem>>, vector<16xf32>,
        %xor3A_417 = arith.constant 1 : i32
        %xor3A_418 = vector.broadcast %xor3A_417 : i32 to vector<16xi32>
        %xor3A_419 = arith.xori %iota3A_260, %xor3A_418 : vector<16xi32>
        %gather3A_420 = tpu.vector_load_idx %arg27[%xor3A_419] : memref<16xf32, #tpu.memory_space<vmem>>[vector<16xi32>], vector<16xf32>,
        %add3A_421 = arith.addf %parallel_loop3A_414, %gather3A_420 : vector<16xf32>
        %swap3A_422 = arith.constant 0 : index
        %swap3A_423 = tpu.vector_load %arg27[%swap3A_422] {strides = array<i32>} : memref<16xf32, #tpu.memory_space<vmem>>, vector<16xf32>,
        tpu.vector_store %arg27[%swap3A_422], %add3A_421 {strides = array<i32>} : memref<16xf32, #tpu.memory_space<vmem>>, vector<16xf32>,
        %xor3A_424 = arith.constant 2 : i32
        %xor3A_425 = vector.broadcast %xor3A_424 : i32 to vector<16xi32>
        %xor3A_426 = arith.xori %iota3A_260, %xor3A_425 : vector<16xi32>
        %gather3A_427 = tpu.vector_load_idx %arg27[%xor3A_426] : memref<16xf32, #tpu.memory_space<vmem>>[vector<16xi32>], vector<16xf32>,
        %add3A_428 = arith.addf %add3A_421, %gather3A_427 : vector<16xf32>
        %swap3A_429 = arith.constant 0 : index
        %swap3A_430 = tpu.vector_load %arg27[%swap3A_429] {strides = array<i32>} : memref<16xf32, #tpu.memory_space<vmem>>, vector<16xf32>,
        tpu.vector_store %arg27[%swap3A_429], %add3A_428 {strides = array<i32>} : memref<16xf32, #tpu.memory_space<vmem>>, vector<16xf32>,
        %xor3A_431 = arith.constant 4 : i32
        %xor3A_432 = vector.broadcast %xor3A_431 : i32 to vector<16xi32>
        %xor3A_433 = arith.xori %iota3A_260, %xor3A_432 : vector<16xi32>
        %gather3A_434 = tpu.vector_load_idx %arg27[%xor3A_433] : memref<16xf32, #tpu.memory_space<vmem>>[vector<16xi32>], vector<16xf32>,
        %add3A_435 = arith.addf %add3A_428, %gather3A_434 : vector<16xf32>
        %swap3A_436 = arith.constant 0 : index
        %swap3A_437 = tpu.vector_load %arg27[%swap3A_436] {strides = array<i32>} : memref<16xf32, #tpu.memory_space<vmem>>, vector<16xf32>,
        tpu.vector_store %arg27[%swap3A_436], %add3A_435 {strides = array<i32>} : memref<16xf32, #tpu.memory_space<vmem>>, vector<16xf32>,
        %xor3A_438 = arith.constant 8 : i32
        %xor3A_439 = vector.broadcast %xor3A_438 : i32 to vector<16xi32>
        %xor3A_440 = arith.xori %iota3A_260, %xor3A_439 : vector<16xi32>
        %gather3A_441 = tpu.vector_load_idx %arg27[%xor3A_440] : memref<16xf32, #tpu.memory_space<vmem>>[vector<16xi32>], vector<16xf32>,
        %add3A_442 = arith.addf %add3A_435, %gather3A_441 : vector<16xf32>
        %gt3A = arith.constant 0.000000e+00 : f32
        %gt3A_443 = vector.broadcast %gt3A : f32 to vector<16xf32>
        %gt3A_444 = arith.cmpf ogt, %add3A_442, %gt3A_443 : vector<16xf32>
        %bitcast3A = vector.bitcast %add3A_442 : vector<16xf32> to vector<16xi32>
        %shift_right_logical3A = arith.constant 23 : i32
        %shift_right_logical3A_445 = vector.broadcast %shift_right_logical3A : i32 to vector<16xi32>
        %shift_right_logical3A_446 = arith.shrui %bitcast3A, %shift_right_logical3A_445 : vector<16xi32>
        %sub3A_447 = arith.constant 127 : i32
        %sub3A_448 = vector.broadcast %sub3A_447 : i32 to vector<16xi32>
        %sub3A_449 = arith.subi %shift_right_logical3A_446, %sub3A_448 : vector<16xi32>
        %select_n3A_450 = arith.select %gt3A_444, %sub3A_449, %broadcast_in_dim3A_259 : vector<16xi1>, vector<16xi32>
        %sub3A_451 = arith.constant 127 : i32
        %sub3A_452 = vector.broadcast %sub3A_451 : i32 to vector<16xi32>
        %sub3A_453 = arith.subi %sub3A_452, %select_n3A_450 : vector<16xi32>
        %shift_left3A = arith.constant 23 : i32
        %shift_left3A_454 = vector.broadcast %shift_left3A : i32 to vector<16xi32>
        %shift_left3A_455 = arith.shli %sub3A_453, %shift_left3A_454 : vector<16xi32>
        %bitcast3A_456 = vector.bitcast %shift_left3A_455 : vector<16xi32> to vector<16xf32>
        %select_n3A_457 = arith.select %gt3A_444, %bitcast3A_456, %broadcast_in_dim3A_257 : vector<16xi1>, vector<16xf32>
        scf.yield %add3A_442, %select_n3A_457, %select_n3A_450, %add3A_375 : vector<16xf32>, vector<16xf32>, vector<16xi32>, vector<16xi32>
      }
      %while3A_340 = arith.constant 1 : i32
      %while3A_341:4 = scf.for %while3A_370 = %while3A_337 to %while3A_333 step %while3A_340 iter_args(%while3A_371 = %while3A_339#0, %while3A_372 = %while3A_339#1, %while3A_373 = %while3A_339#2, %while3A_374 = %while3A_339#3) -> (vector<16xf32>, vector<16xf32>, vector<16xi32>, vector<16xi32>)  : i32 {
        %add3A_375 = arith.addi %while3A_374, %while3A_373 : vector<16xi32>
        %and3A_376 = arith.constant 1 : i32
        %and3A_377 = arith.andi %while3A_370, %and3A_376 : i32
        %dma_wait3A_378 = arith.constant 0 : i32
        %dma_wait3A_379 = tpu.memref_slice %arg24[%and3A_377, %dma_wait3A_378] : memref<2x2048xf32, #tpu.memory_space<vmem>> -> memref<1x2048xf32, #tpu.memory_space<vmem>>
        %dma_wait3A_380 = tpu.memref_squeeze %dma_wait3A_379 : memref<1x2048xf32, #tpu.memory_space<vmem>> -> memref<2048xf32, #tpu.memory_space<vmem>>
        %dma_wait3A_381 = arith.constant 0 : i32
        %dma_wait3A_382 = tpu.memref_slice %arg2[%arg1, %while3A_370, %dma_wait3A_381] : memref<16x512x2048xf32, #tpu.memory_space<hbm>> -> memref<1x1x2048xf32, #tpu.memory_space<hbm>>
        %dma_wait3A_383 = tpu.memref_squeeze %dma_wait3A_382 : memref<1x1x2048xf32, #tpu.memory_space<hbm>> -> memref<2048xf32, #tpu.memory_space<hbm>>
        %dma_wait3A_384 = arith.constant 0 : i32
        %dma_wait3A_385 = tpu.memref_slice %arg24[%and3A_377, %dma_wait3A_384] : memref<2x2048xf32, #tpu.memory_space<vmem>> -> memref<1x2048xf32, #tpu.memory_space<vmem>>
        %dma_wait3A_386 = tpu.memref_squeeze %dma_wait3A_385 : memref<1x2048xf32, #tpu.memory_space<vmem>> -> memref<2048xf32, #tpu.memory_space<vmem>>
        %dma_wait3A_387 = arith.constant 0 : i32
        %dma_wait3A_388 = tpu.memref_slice %arg2[%arg1, %while3A_370, %dma_wait3A_387] : memref<16x512x2048xf32, #tpu.memory_space<hbm>> -> memref<1x1x2048xf32, #tpu.memory_space<hbm>>
        %dma_wait3A_389 = tpu.memref_squeeze %dma_wait3A_388 : memref<1x1x2048xf32, #tpu.memory_space<hbm>> -> memref<2048xf32, #tpu.memory_space<hbm>>
        tpu.wait_dma2 semaphore(%arg28 : memref<!tpu.dma_semaphore, #tpu.memory_space<semaphore_mem>>) src(%dma_wait3A_389 : memref<2048xf32, #tpu.memory_space<hbm>>) dst(%dma_wait3A_386 : memref<2048xf32, #tpu.memory_space<vmem>>)
        %add3A_390 = arith.constant 1 : i32
        %add3A_391 = arith.addi %while3A_370, %add3A_390 : i32
        %min3A = arith.constant 511 : i32
        %min3A_392 = arith.minsi %add3A_391, %min3A : i32
        %sub3A = arith.constant 1 : i32
        %sub3A_393 = arith.subi %sub3A, %and3A_377 : i32
        %dma_start3A_394 = arith.constant 0 : i32
        %dma_start3A_395 = tpu.memref_slice %arg24[%sub3A_393, %dma_start3A_394] : memref<2x2048xf32, #tpu.memory_space<vmem>> -> memref<1x2048xf32, #tpu.memory_space<vmem>>
        %dma_start3A_396 = tpu.memref_squeeze %dma_start3A_395 : memref<1x2048xf32, #tpu.memory_space<vmem>> -> memref<2048xf32, #tpu.memory_space<vmem>>
        %dma_start3A_397 = arith.constant 0 : i32
        %dma_start3A_398 = tpu.memref_slice %arg2[%arg1, %min3A_392, %dma_start3A_397] : memref<16x512x2048xf32, #tpu.memory_space<hbm>> -> memref<1x1x2048xf32, #tpu.memory_space<hbm>>
        %dma_start3A_399 = tpu.memref_squeeze %dma_start3A_398 : memref<1x1x2048xf32, #tpu.memory_space<hbm>> -> memref<2048xf32, #tpu.memory_space<hbm>>
        %dma_start3A_400 = arith.constant 0 : i32
        %dma_start3A_401 = tpu.memref_slice %arg24[%sub3A_393, %dma_start3A_400] : memref<2x2048xf32, #tpu.memory_space<vmem>> -> memref<1x2048xf32, #tpu.memory_space<vmem>>
        %dma_start3A_402 = tpu.memref_squeeze %dma_start3A_401 : memref<1x2048xf32, #tpu.memory_space<vmem>> -> memref<2048xf32, #tpu.memory_space<vmem>>
        %dma_start3A_403 = arith.constant 0 : i32
        %dma_start3A_404 = tpu.memref_slice %arg2[%arg1, %min3A_392, %dma_start3A_403] : memref<16x512x2048xf32, #tpu.memory_space<hbm>> -> memref<1x1x2048xf32, #tpu.memory_space<hbm>>
        %dma_start3A_405 = tpu.memref_squeeze %dma_start3A_404 : memref<1x1x2048xf32, #tpu.memory_space<hbm>> -> memref<2048xf32, #tpu.memory_space<hbm>>
        tpu.enqueue_dma source(%dma_start3A_405 : memref<2048xf32, #tpu.memory_space<hbm>>) target(%dma_start3A_402 : memref<2048xf32, #tpu.memory_space<vmem>>) target_semaphore(%arg28 : memref<!tpu.dma_semaphore, #tpu.memory_space<semaphore_mem>>)
        %parallel_loop3A = arith.constant 0 : i32
        %parallel_loop3A_406 = arith.constant 128 : i32
        %parallel_loop3A_407 = arith.constant 1 : i32
        scf.for %parallel_loop3A_458 = %parallel_loop3A to %parallel_loop3A_406 step %parallel_loop3A_407  : i32 {
          %parallel_loop3A_459 = arith.constant 16 : i32
          %parallel_loop3A_460 = arith.muli %parallel_loop3A_458, %parallel_loop3A_459 : i32
          %parallel_loop3A_461 = arith.index_cast %and3A_377 : i32 to index
          %parallel_loop3A_462 = arith.index_cast %parallel_loop3A_460 : i32 to index
          %parallel_loop3A_463 = tpu.vector_load %arg24[%parallel_loop3A_461, %parallel_loop3A_462] {strides = array<i32>} : memref<2x2048xf32, #tpu.memory_space<vmem>>, vector<16xf32>,
          %parallel_loop3A_464 = math.exp %parallel_loop3A_463 : vector<16xf32>
          %parallel_loop3A_465 = arith.mulf %parallel_loop3A_464, %while3A_372 : vector<16xf32>
          %parallel_loop3A_466 = arith.index_cast %parallel_loop3A_460 : i32 to index
          %parallel_loop3A_467 = tpu.vector_load %arg25[%parallel_loop3A_466] {strides = array<i32>} : memref<2048xf32, #tpu.memory_space<vmem>>, vector<16xf32>,
          tpu.vector_store %arg25[%parallel_loop3A_466], %parallel_loop3A_465 {strides = array<i32>} : memref<2048xf32, #tpu.memory_space<vmem>>, vector<16xf32>,
        } {sc.loop_unroll_factor = 8 : i64, sc.parallel_access}
        %parallel_loop3A_408 = arith.constant 0 : i32
        %parallel_loop3A_409 = arith.constant 256 : i32
        %parallel_loop3A_410 = arith.constant 1 : i32
        scf.for %parallel_loop3A_458 = %parallel_loop3A_408 to %parallel_loop3A_409 step %parallel_loop3A_410  : i32 {
          %parallel_loop3A_459 = arith.constant 16 : i32
          %parallel_loop3A_460 = arith.muli %parallel_loop3A_458, %parallel_loop3A_459 : i32
          %parallel_loop3A_461 = arith.index_cast %parallel_loop3A_460 : i32 to index
          %parallel_loop3A_462 = tpu.vector_load %arg18[%parallel_loop3A_461] {strides = array<i32>} : memref<16384xi32, #tpu.memory_space<vmem>>, vector<16xi32>,
          %parallel_loop3A_463 = arith.index_cast %parallel_loop3A_460 : i32 to index
          %parallel_loop3A_464 = tpu.vector_load %arg19[%parallel_loop3A_463] {strides = array<i32>} : memref<16384xf32, #tpu.memory_space<vmem>>, vector<16xf32>,
          %parallel_loop3A_465 = arith.constant 1023 : i32
          %parallel_loop3A_466 = vector.broadcast %parallel_loop3A_465 : i32 to vector<16xi32>
          %parallel_loop3A_467 = arith.andi %parallel_loop3A_462, %parallel_loop3A_466 : vector<16xi32>
          %parallel_loop3A_468 = arith.constant 10 : i32
          %parallel_loop3A_469 = vector.broadcast %parallel_loop3A_468 : i32 to vector<16xi32>
          %parallel_loop3A_470 = arith.shrui %parallel_loop3A_462, %parallel_loop3A_469 : vector<16xi32>
          %parallel_loop3A_471 = arith.constant 2047 : i32
          %parallel_loop3A_472 = vector.broadcast %parallel_loop3A_471 : i32 to vector<16xi32>
          %parallel_loop3A_473 = arith.andi %parallel_loop3A_470, %parallel_loop3A_472 : vector<16xi32>
          %parallel_loop3A_474 = arith.constant 21 : i32
          %parallel_loop3A_475 = vector.broadcast %parallel_loop3A_474 : i32 to vector<16xi32>
          %parallel_loop3A_476 = arith.shrui %parallel_loop3A_462, %parallel_loop3A_475 : vector<16xi32>
          %parallel_loop3A_477 = tpu.vector_load_idx %arg20[%parallel_loop3A_467] : memref<1024xf32, #tpu.memory_space<vmem>>[vector<16xi32>], vector<16xf32>,
          %parallel_loop3A_478 = tpu.vector_load_idx %arg25[%parallel_loop3A_473] : memref<2048xf32, #tpu.memory_space<vmem>>[vector<16xi32>], vector<16xf32>,
          %parallel_loop3A_479 = arith.mulf %parallel_loop3A_477, %parallel_loop3A_464 : vector<16xf32>
          %parallel_loop3A_480 = arith.mulf %parallel_loop3A_479, %parallel_loop3A_478 : vector<16xf32>
          tpu.vector_store_idx %arg21[%parallel_loop3A_476], %parallel_loop3A_480 {add = true} : memref<1024xf32, #tpu.memory_space<vmem>>[vector<16xi32>], vector<16xf32>,
        } {sc.loop_unroll_factor = 8 : i64, sc.parallel_access}
        %parallel_loop3A_411 = arith.constant 0 : i32
        %parallel_loop3A_412 = arith.constant 64 : i32
        %parallel_loop3A_413 = arith.constant 1 : i32
        %parallel_loop3A_414 = scf.for %parallel_loop3A_458 = %parallel_loop3A_411 to %parallel_loop3A_412 step %parallel_loop3A_413 iter_args(%parallel_loop3A_459 = %broadcast_in_dim3A_255) -> (vector<16xf32>)  : i32 {
          %parallel_loop3A_460 = arith.constant 16 : i32
          %parallel_loop3A_461 = arith.muli %parallel_loop3A_458, %parallel_loop3A_460 : i32
          %parallel_loop3A_462 = arith.index_cast %parallel_loop3A_461 : i32 to index
          %parallel_loop3A_463 = tpu.vector_load %arg21[%parallel_loop3A_462] {strides = array<i32>} : memref<1024xf32, #tpu.memory_space<vmem>>, vector<16xf32>,
          %parallel_loop3A_464 = arith.index_cast %parallel_loop3A_461 : i32 to index
          %parallel_loop3A_465 = tpu.vector_load %arg22[%parallel_loop3A_464] {strides = array<i32>} : memref<1024xf32, #tpu.memory_space<vmem>>, vector<16xf32>,
          %parallel_loop3A_466 = arith.mulf %broadcast_in_dim3A_255, %parallel_loop3A_465 : vector<16xf32>
          %parallel_loop3A_467 = arith.addf %parallel_loop3A_463, %parallel_loop3A_466 : vector<16xf32>
          %parallel_loop3A_468 = arith.index_cast %parallel_loop3A_461 : i32 to index
          %parallel_loop3A_469 = tpu.vector_load %arg20[%parallel_loop3A_468] {strides = array<i32>} : memref<1024xf32, #tpu.memory_space<vmem>>, vector<16xf32>,
          tpu.vector_store %arg20[%parallel_loop3A_468], %parallel_loop3A_467 {strides = array<i32>} : memref<1024xf32, #tpu.memory_space<vmem>>, vector<16xf32>,
          %parallel_loop3A_470 = arith.index_cast %parallel_loop3A_461 : i32 to index
          %parallel_loop3A_471 = tpu.vector_load %arg21[%parallel_loop3A_470] {strides = array<i32>} : memref<1024xf32, #tpu.memory_space<vmem>>, vector<16xf32>,
          tpu.vector_store %arg21[%parallel_loop3A_470], %broadcast_in_dim3A_255 {strides = array<i32>} : memref<1024xf32, #tpu.memory_space<vmem>>, vector<16xf32>,
          %parallel_loop3A_472 = arith.addf %parallel_loop3A_459, %parallel_loop3A_467 : vector<16xf32>
          scf.yield %parallel_loop3A_472 : vector<16xf32>
        } {sc.loop_unroll_factor = 8 : i64, sc.parallel_access}
        %swap3A_415 = arith.constant 0 : index
        %swap3A_416 = tpu.vector_load %arg27[%swap3A_415] {strides = array<i32>} : memref<16xf32, #tpu.memory_space<vmem>>, vector<16xf32>,
        tpu.vector_store %arg27[%swap3A_415], %parallel_loop3A_414 {strides = array<i32>} : memref<16xf32, #tpu.memory_space<vmem>>, vector<16xf32>,
        %xor3A_417 = arith.constant 1 : i32
        %xor3A_418 = vector.broadcast %xor3A_417 : i32 to vector<16xi32>
        %xor3A_419 = arith.xori %iota3A_260, %xor3A_418 : vector<16xi32>
        %gather3A_420 = tpu.vector_load_idx %arg27[%xor3A_419] : memref<16xf32, #tpu.memory_space<vmem>>[vector<16xi32>], vector<16xf32>,
        %add3A_421 = arith.addf %parallel_loop3A_414, %gather3A_420 : vector<16xf32>
        %swap3A_422 = arith.constant 0 : index
        %swap3A_423 = tpu.vector_load %arg27[%swap3A_422] {strides = array<i32>} : memref<16xf32, #tpu.memory_space<vmem>>, vector<16xf32>,
        tpu.vector_store %arg27[%swap3A_422], %add3A_421 {strides = array<i32>} : memref<16xf32, #tpu.memory_space<vmem>>, vector<16xf32>,
        %xor3A_424 = arith.constant 2 : i32
        %xor3A_425 = vector.broadcast %xor3A_424 : i32 to vector<16xi32>
        %xor3A_426 = arith.xori %iota3A_260, %xor3A_425 : vector<16xi32>
        %gather3A_427 = tpu.vector_load_idx %arg27[%xor3A_426] : memref<16xf32, #tpu.memory_space<vmem>>[vector<16xi32>], vector<16xf32>,
        %add3A_428 = arith.addf %add3A_421, %gather3A_427 : vector<16xf32>
        %swap3A_429 = arith.constant 0 : index
        %swap3A_430 = tpu.vector_load %arg27[%swap3A_429] {strides = array<i32>} : memref<16xf32, #tpu.memory_space<vmem>>, vector<16xf32>,
        tpu.vector_store %arg27[%swap3A_429], %add3A_428 {strides = array<i32>} : memref<16xf32, #tpu.memory_space<vmem>>, vector<16xf32>,
        %xor3A_431 = arith.constant 4 : i32
        %xor3A_432 = vector.broadcast %xor3A_431 : i32 to vector<16xi32>
        %xor3A_433 = arith.xori %iota3A_260, %xor3A_432 : vector<16xi32>
        %gather3A_434 = tpu.vector_load_idx %arg27[%xor3A_433] : memref<16xf32, #tpu.memory_space<vmem>>[vector<16xi32>], vector<16xf32>,
        %add3A_435 = arith.addf %add3A_428, %gather3A_434 : vector<16xf32>
        %swap3A_436 = arith.constant 0 : index
        %swap3A_437 = tpu.vector_load %arg27[%swap3A_436] {strides = array<i32>} : memref<16xf32, #tpu.memory_space<vmem>>, vector<16xf32>,
        tpu.vector_store %arg27[%swap3A_436], %add3A_435 {strides = array<i32>} : memref<16xf32, #tpu.memory_space<vmem>>, vector<16xf32>,
        %xor3A_438 = arith.constant 8 : i32
        %xor3A_439 = vector.broadcast %xor3A_438 : i32 to vector<16xi32>
        %xor3A_440 = arith.xori %iota3A_260, %xor3A_439 : vector<16xi32>
        %gather3A_441 = tpu.vector_load_idx %arg27[%xor3A_440] : memref<16xf32, #tpu.memory_space<vmem>>[vector<16xi32>], vector<16xf32>,
        %add3A_442 = arith.addf %add3A_435, %gather3A_441 : vector<16xf32>
        %gt3A = arith.constant 0.000000e+00 : f32
        %gt3A_443 = vector.broadcast %gt3A : f32 to vector<16xf32>
        %gt3A_444 = arith.cmpf ogt, %add3A_442, %gt3A_443 : vector<16xf32>
        %bitcast3A = vector.bitcast %add3A_442 : vector<16xf32> to vector<16xi32>
        %shift_right_logical3A = arith.constant 23 : i32
        %shift_right_logical3A_445 = vector.broadcast %shift_right_logical3A : i32 to vector<16xi32>
        %shift_right_logical3A_446 = arith.shrui %bitcast3A, %shift_right_logical3A_445 : vector<16xi32>
        %sub3A_447 = arith.constant 127 : i32
        %sub3A_448 = vector.broadcast %sub3A_447 : i32 to vector<16xi32>
        %sub3A_449 = arith.subi %shift_right_logical3A_446, %sub3A_448 : vector<16xi32>
        %select_n3A_450 = arith.select %gt3A_444, %sub3A_449, %broadcast_in_dim3A_259 : vector<16xi1>, vector<16xi32>
        %sub3A_451 = arith.constant 127 : i32
        %sub3A_452 = vector.broadcast %sub3A_451 : i32 to vector<16xi32>
        %sub3A_453 = arith.subi %sub3A_452, %select_n3A_450 : vector<16xi32>
        %shift_left3A = arith.constant 23 : i32
        %shift_left3A_454 = vector.broadcast %shift_left3A : i32 to vector<16xi32>
        %shift_left3A_455 = arith.shli %sub3A_453, %shift_left3A_454 : vector<16xi32>
        %bitcast3A_456 = vector.bitcast %shift_left3A_455 : vector<16xi32> to vector<16xf32>
        %select_n3A_457 = arith.select %gt3A_444, %bitcast3A_456, %broadcast_in_dim3A_257 : vector<16xi1>, vector<16xf32>
        scf.yield %add3A_442, %select_n3A_457, %select_n3A_450, %add3A_375 : vector<16xf32>, vector<16xf32>, vector<16xi32>, vector<16xi32>
      }
      %dma_wait3A = arith.constant 0 : i32
      %dma_wait3A_342 = arith.constant 0 : i32
      %dma_wait3A_343 = arith.constant 0 : i32
      %dma_wait3A_344 = tpu.memref_slice %arg24[%dma_wait3A_342, %dma_wait3A_343] : memref<2x2048xf32, #tpu.memory_space<vmem>> -> memref<1x2048xf32, #tpu.memory_space<vmem>>
      %dma_wait3A_345 = tpu.memref_squeeze %dma_wait3A_344 : memref<1x2048xf32, #tpu.memory_space<vmem>> -> memref<2048xf32, #tpu.memory_space<vmem>>
      %dma_wait3A_346 = arith.constant 0 : i32
      %dma_wait3A_347 = tpu.memref_slice %arg2[%arg1, %dma_wait3A, %dma_wait3A_346] : memref<16x512x2048xf32, #tpu.memory_space<hbm>> -> memref<1x1x2048xf32, #tpu.memory_space<hbm>>
      %dma_wait3A_348 = tpu.memref_squeeze %dma_wait3A_347 : memref<1x1x2048xf32, #tpu.memory_space<hbm>> -> memref<2048xf32, #tpu.memory_space<hbm>>
      %dma_wait3A_349 = arith.constant 0 : i32
      %dma_wait3A_350 = tpu.memref_slice %arg24[%dma_wait3A_342, %dma_wait3A_349] : memref<2x2048xf32, #tpu.memory_space<vmem>> -> memref<1x2048xf32, #tpu.memory_space<vmem>>
      %dma_wait3A_351 = tpu.memref_squeeze %dma_wait3A_350 : memref<1x2048xf32, #tpu.memory_space<vmem>> -> memref<2048xf32, #tpu.memory_space<vmem>>
      %dma_wait3A_352 = arith.constant 0 : i32
      %dma_wait3A_353 = tpu.memref_slice %arg2[%arg1, %dma_wait3A, %dma_wait3A_352] : memref<16x512x2048xf32, #tpu.memory_space<hbm>> -> memref<1x1x2048xf32, #tpu.memory_space<hbm>>
      %dma_wait3A_354 = tpu.memref_squeeze %dma_wait3A_353 : memref<1x1x2048xf32, #tpu.memory_space<hbm>> -> memref<2048xf32, #tpu.memory_space<hbm>>
      tpu.wait_dma2 semaphore(%arg28 : memref<!tpu.dma_semaphore, #tpu.memory_space<semaphore_mem>>) src(%dma_wait3A_354 : memref<2048xf32, #tpu.memory_space<hbm>>) dst(%dma_wait3A_351 : memref<2048xf32, #tpu.memory_space<vmem>>)
      %scan3A_355 = arith.constant 0 : i32
      %scan3A_356 = arith.constant 64 : i32
      %scan3A_357 = arith.addi %scan3A_355, %scan3A_356 : i32
      %scan3A_358 = arith.constant 1 : i32
      %scan3A_359 = scf.for %scan3A_370 = %scan3A_355 to %scan3A_357 step %scan3A_358 iter_args(%scan3A_371 = %broadcast_in_dim3A_255) -> (vector<16xf32>)  : i32 {
        %mul3A_372 = arith.constant 16 : i32
        %mul3A_373 = arith.muli %scan3A_370, %mul3A_372 : i32
        %get3A_374 = arith.index_cast %mul3A_373 : i32 to index
        %get3A_375 = tpu.vector_load %arg20[%get3A_374] {strides = array<i32>} : memref<1024xf32, #tpu.memory_space<vmem>>, vector<16xf32>,
        %get3A_376 = arith.index_cast %mul3A_373 : i32 to index
        %get3A_377 = tpu.vector_load %arg23[%get3A_376] {strides = array<i32>} : memref<1024xf32, #tpu.memory_space<vmem>>, vector<16xf32>,
        %mul3A_378 = arith.mulf %get3A_375, %get3A_377 : vector<16xf32>
        %add3A_379 = arith.addf %scan3A_371, %mul3A_378 : vector<16xf32>
        scf.yield %add3A_379 : vector<16xf32>
      }
      %scan3A_360 = arith.constant 64 : i32
      %mul3A = arith.constant 2 : i32
      %mul3A_361 = arith.muli %mul3A, %arg1 : i32
      %add3A_362 = arith.constant 1 : i32
      %add3A_363 = arith.addi %mul3A_361, %add3A_362 : i32
      %swap3A_364 = arith.constant 0 : index
      %swap3A_365 = tpu.vector_load %arg27[%swap3A_364] {strides = array<i32>} : memref<16xf32, #tpu.memory_space<vmem>>, vector<16xf32>,
      tpu.vector_store %arg27[%swap3A_364], %scan3A_359 {strides = array<i32>} : memref<16xf32, #tpu.memory_space<vmem>>, vector<16xf32>,
      %run_scoped3A = arith.constant 0 : i32
      "tpu.region"() ({
        %run_scoped3A_370 = tpu.sem_alloc : memref<!tpu.dma_semaphore, #tpu.memory_space<semaphore_mem>>
        %dma_start3A_371 = arith.constant 0 : i32
        %dma_start3A_372 = tpu.memref_slice %arg16[%add3A_363, %run_scoped3A, %dma_start3A_371] : memref<32x2x16xf32, #tpu.memory_space<hbm>> -> memref<1x1x16xf32, #tpu.memory_space<hbm>>
        %dma_start3A_373 = tpu.memref_squeeze %dma_start3A_372 : memref<1x1x16xf32, #tpu.memory_space<hbm>> -> memref<16xf32, #tpu.memory_space<hbm>>
        %dma_start3A_374 = arith.constant 0 : i32
        %dma_start3A_375 = tpu.memref_slice %arg16[%add3A_363, %run_scoped3A, %dma_start3A_374] : memref<32x2x16xf32, #tpu.memory_space<hbm>> -> memref<1x1x16xf32, #tpu.memory_space<hbm>>
        %dma_start3A_376 = tpu.memref_squeeze %dma_start3A_375 : memref<1x1x16xf32, #tpu.memory_space<hbm>> -> memref<16xf32, #tpu.memory_space<hbm>>
        tpu.enqueue_dma source(%arg27 : memref<16xf32, #tpu.memory_space<vmem>>) target(%dma_start3A_376 : memref<16xf32, #tpu.memory_space<hbm>>) target_semaphore(%run_scoped3A_370 : memref<!tpu.dma_semaphore, #tpu.memory_space<semaphore_mem>>)
        %dma_wait3A_377 = arith.constant 0 : i32
        %dma_wait3A_378 = tpu.memref_slice %arg16[%add3A_363, %run_scoped3A, %dma_wait3A_377] : memref<32x2x16xf32, #tpu.memory_space<hbm>> -> memref<1x1x16xf32, #tpu.memory_space<hbm>>
        %dma_wait3A_379 = tpu.memref_squeeze %dma_wait3A_378 : memref<1x1x16xf32, #tpu.memory_space<hbm>> -> memref<16xf32, #tpu.memory_space<hbm>>
        %dma_wait3A_380 = arith.constant 0 : i32
        %dma_wait3A_381 = tpu.memref_slice %arg16[%add3A_363, %run_scoped3A, %dma_wait3A_380] : memref<32x2x16xf32, #tpu.memory_space<hbm>> -> memref<1x1x16xf32, #tpu.memory_space<hbm>>
        %dma_wait3A_382 = tpu.memref_squeeze %dma_wait3A_381 : memref<1x1x16xf32, #tpu.memory_space<hbm>> -> memref<16xf32, #tpu.memory_space<hbm>>
        tpu.wait_dma2 semaphore(%run_scoped3A_370 : memref<!tpu.dma_semaphore, #tpu.memory_space<semaphore_mem>>) src(%arg27 : memref<16xf32, #tpu.memory_space<vmem>>) dst(%dma_wait3A_382 : memref<16xf32, #tpu.memory_space<hbm>>)
        tpu.yield
      }) : () -> ()
      %convert_element_type3A_366 = arith.sitofp %while3A_341#3 : vector<16xi32> to vector<16xf32>
      %swap3A_367 = arith.constant 0 : index
      %swap3A_368 = tpu.vector_load %arg27[%swap3A_367] {strides = array<i32>} : memref<16xf32, #tpu.memory_space<vmem>>, vector<16xf32>,
      tpu.vector_store %arg27[%swap3A_367], %convert_element_type3A_366 {strides = array<i32>} : memref<16xf32, #tpu.memory_space<vmem>>, vector<16xf32>,
      %run_scoped3A_369 = arith.constant 1 : i32
      "tpu.region"() ({
        %run_scoped3A_370 = tpu.sem_alloc : memref<!tpu.dma_semaphore, #tpu.memory_space<semaphore_mem>>
        %dma_start3A_371 = arith.constant 0 : i32
        %dma_start3A_372 = tpu.memref_slice %arg16[%add3A_363, %run_scoped3A_369, %dma_start3A_371] : memref<32x2x16xf32, #tpu.memory_space<hbm>> -> memref<1x1x16xf32, #tpu.memory_space<hbm>>
        %dma_start3A_373 = tpu.memref_squeeze %dma_start3A_372 : memref<1x1x16xf32, #tpu.memory_space<hbm>> -> memref<16xf32, #tpu.memory_space<hbm>>
        %dma_start3A_374 = arith.constant 0 : i32
        %dma_start3A_375 = tpu.memref_slice %arg16[%add3A_363, %run_scoped3A_369, %dma_start3A_374] : memref<32x2x16xf32, #tpu.memory_space<hbm>> -> memref<1x1x16xf32, #tpu.memory_space<hbm>>
        %dma_start3A_376 = tpu.memref_squeeze %dma_start3A_375 : memref<1x1x16xf32, #tpu.memory_space<hbm>> -> memref<16xf32, #tpu.memory_space<hbm>>
        tpu.enqueue_dma source(%arg27 : memref<16xf32, #tpu.memory_space<vmem>>) target(%dma_start3A_376 : memref<16xf32, #tpu.memory_space<hbm>>) target_semaphore(%run_scoped3A_370 : memref<!tpu.dma_semaphore, #tpu.memory_space<semaphore_mem>>)
        %dma_wait3A_377 = arith.constant 0 : i32
        %dma_wait3A_378 = tpu.memref_slice %arg16[%add3A_363, %run_scoped3A_369, %dma_wait3A_377] : memref<32x2x16xf32, #tpu.memory_space<hbm>> -> memref<1x1x16xf32, #tpu.memory_space<hbm>>
        %dma_wait3A_379 = tpu.memref_squeeze %dma_wait3A_378 : memref<1x1x16xf32, #tpu.memory_space<hbm>> -> memref<16xf32, #tpu.memory_space<hbm>>
        %dma_wait3A_380 = arith.constant 0 : i32
        %dma_wait3A_381 = tpu.memref_slice %arg16[%add3A_363, %run_scoped3A_369, %dma_wait3A_380] : memref<32x2x16xf32, #tpu.memory_space<hbm>> -> memref<1x1x16xf32, #tpu.memory_space<hbm>>
        %dma_wait3A_382 = tpu.memref_squeeze %dma_wait3A_381 : memref<1x1x16xf32, #tpu.memory_space<hbm>> -> memref<16xf32, #tpu.memory_space<hbm>>
        tpu.wait_dma2 semaphore(%run_scoped3A_370 : memref<!tpu.dma_semaphore, #tpu.memory_space<semaphore_mem>>) src(%arg27 : memref<16xf32, #tpu.memory_space<vmem>>) dst(%dma_wait3A_382 : memref<16xf32, #tpu.memory_space<hbm>>)
        tpu.yield
      }) : () -> ()
    } else {
    }
    return
  }
}

module attributes {stable_mosaic.version = 14 : i64} {
  func.func @_epi_body(%arg0: memref<32x2x16xf32, #tpu.memory_space<vmem>>, %arg1: memref<1x16xi32, #tpu.memory_space<vmem>>, %arg2: memref<1x1xf32, #tpu.memory_space<vmem>>) attributes {dimension_semantics = [], scalar_prefetch = 0 : i64, scratch_operands = 0 : i64, tpu.core_type = #tpu.core_type<tc>} {
    %get3A = arith.constant 0 : index
    %get3A_0 = arith.constant 0 : index
    %get3A_1 = arith.constant 0 : index
    %get3A_2 = vector.load %arg0[%get3A, %get3A_0, %get3A_1] : memref<32x2x16xf32, #tpu.memory_space<vmem>>, vector<32x2x16xf32>
    %slice3A = vector.extract_strided_slice %get3A_2 {offsets = [0, 0, 0], sizes = [32, 1, 16], strides = [1, 1, 1]} : vector<32x2x16xf32> to vector<32x1x16xf32>
    %squeeze3A = vector.shape_cast %slice3A : vector<32x1x16xf32> to vector<32x16xf32>
    %reduce_sum3A = arith.constant dense<0.000000e+00> : vector<32xf32>
    %reduce_sum3A_3 = vector.multi_reduction <add>, %squeeze3A, %reduce_sum3A [1] : vector<32x16xf32> to vector<32xf32>
    %log3A = math.log %reduce_sum3A_3 : vector<32xf32>
    %slice3A_4 = vector.extract_strided_slice %get3A_2 {offsets = [0, 1, 0], sizes = [32, 1, 1], strides = [1, 1, 1]} : vector<32x2x16xf32> to vector<32x1x1xf32>
    %squeeze3A_5 = vector.shape_cast %slice3A_4 : vector<32x1x1xf32> to vector<32xf32>
    %mul3A = arith.constant 0.693147182 : f32
    %mul3A_6 = vector.broadcast %mul3A : f32 to vector<32xf32>
    %mul3A_7 = arith.mulf %squeeze3A_5, %mul3A_6 : vector<32xf32>
    %add3A = arith.addf %log3A, %mul3A_7 : vector<32xf32>
    %iota3A = tpu.iota {dimensions = array<i32: 1>} : vector<1x32xi32>
    %iota3A_8 = vector.shape_cast %iota3A : vector<1x32xi32> to vector<32xi32>
    %jit3A = arith.constant 2 : i32
    %eq3A = arith.constant 0 : i32
    %eq3A_9 = arith.cmpi eq, %jit3A, %eq3A : i32
    %jit3A_10 = arith.constant 1 : i32
    %select_n3A = arith.select %eq3A_9, %jit3A_10, %jit3A : i32
    %rem3A = vector.broadcast %select_n3A : i32 to vector<32xi32>
    %rem3A_11 = arith.remsi %iota3A_8, %rem3A : vector<32xi32>
    %ne3A = arith.constant 0 : i32
    %ne3A_12 = vector.broadcast %ne3A : i32 to vector<32xi32>
    %ne3A_13 = arith.cmpi ne, %rem3A_11, %ne3A_12 : vector<32xi32>
    %lt3A = arith.constant 0 : i32
    %lt3A_14 = vector.broadcast %lt3A : i32 to vector<32xi32>
    %lt3A_15 = arith.cmpi slt, %rem3A_11, %lt3A_14 : vector<32xi32>
    %lt3A_16 = arith.constant 0 : i32
    %lt3A_17 = arith.cmpi slt, %select_n3A, %lt3A_16 : i32
    %ne3A_18 = vector.broadcast %lt3A_17 : i1 to vector<32xi1>
    %ne3A_19 = vector.broadcast %ne3A_18 : vector<32xi1> to vector<32xi1>
    %ne3A_20 = arith.xori %lt3A_15, %ne3A_19 : vector<32xi1>
    %and3A = arith.andi %ne3A_20, %ne3A_13 : vector<32xi1>
    %add3A_21 = vector.broadcast %select_n3A : i32 to vector<32xi32>
    %add3A_22 = arith.addi %rem3A_11, %add3A_21 : vector<32xi32>
    %select_n3A_23 = arith.select %and3A, %add3A_22, %rem3A_11 : vector<32xi1>, vector<32xi32>
    %eq3A_24 = arith.constant 0 : i32
    %eq3A_25 = vector.broadcast %eq3A_24 : i32 to vector<32xi32>
    %eq3A_26 = arith.cmpi eq, %select_n3A_23, %eq3A_25 : vector<32xi32>
    %jit3A_27 = arith.constant 1.000000e+00 : f32
    %jit3A_28 = arith.constant -1.000000e+00 : f32
    %broadcast_in_dim3A = vector.broadcast %jit3A_27 : f32 to vector<32xf32>
    %broadcast_in_dim3A_29 = vector.broadcast %jit3A_28 : f32 to vector<32xf32>
    %select_n3A_30 = arith.select %eq3A_26, %broadcast_in_dim3A, %broadcast_in_dim3A_29 : vector<32xi1>, vector<32xf32>
    %mul3A_31 = arith.mulf %add3A, %select_n3A_30 : vector<32xf32>
    %reduce_sum3A_32 = vector.shape_cast %mul3A_31 : vector<32xf32> to vector<1x32xf32>
    %reduce_sum3A_33 = arith.constant dense<0.000000e+00> : vector<1xf32>
    %reduce_sum3A_34 = vector.multi_reduction <add>, %reduce_sum3A_32, %reduce_sum3A_33 [1] : vector<1x32xf32> to vector<1xf32>
    %reduce_sum3A_35 = vector.shape_cast %reduce_sum3A_34 : vector<1xf32> to vector<1x1xf32>
    %reduce_sum3A_36 = vector.extract %reduce_sum3A_35[0, 0] : f32 from vector<1x1xf32>
    %get3A_37 = arith.constant 0 : index
    %get3A_38 = arith.constant 0 : index
    %get3A_39 = vector.load %arg1[%get3A_37, %get3A_38] : memref<1x16xi32, #tpu.memory_space<vmem>>, vector<1x16xi32>
    %convert_element_type3A = arith.sitofp %get3A_39 : vector<1x16xi32> to vector<1x16xf32>
    %reduce_sum3A_40 = vector.shape_cast %convert_element_type3A : vector<1x16xf32> to vector<1x1x16xf32>
    %reduce_sum3A_41 = arith.constant dense<0.000000e+00> : vector<1xf32>
    %reduce_sum3A_42 = vector.multi_reduction <add>, %reduce_sum3A_40, %reduce_sum3A_41 [1, 2] : vector<1x1x16xf32> to vector<1xf32>
    %reduce_sum3A_43 = vector.shape_cast %reduce_sum3A_42 : vector<1xf32> to vector<1x1x1xf32>
    %reduce_sum3A_44 = vector.extract %reduce_sum3A_43[0, 0, 0] : f32 from vector<1x1x1xf32>
    %div3A = arith.divf %reduce_sum3A_36, %reduce_sum3A_44 : f32
    %broadcast_in_dim3A_45 = vector.broadcast %div3A : f32 to vector<1x1xf32>
    %swap3A = arith.constant 0 : index
    %swap3A_46 = arith.constant 0 : index
    %swap3A_47 = vector.load %arg2[%swap3A, %swap3A_46] : memref<1x1xf32, #tpu.memory_space<vmem>>, vector<1x1xf32>
    tpu.vector_store %arg2[%swap3A, %swap3A_46], %broadcast_in_dim3A_45 {strides = array<i32>} : memref<1x1xf32, #tpu.memory_space<vmem>>, vector<1x1xf32>,
    return
  }
}

</mosaic_0001>

<sc_bundles>
// kernel: gather_offload_async_start.1
scs
__scs_entry_jumppad:
0x0: {  	(pc) =	sbr.rel $0x88, $3  }
0x1: {  	(tag) =	ssettag $0x0;
	lr =	simm.s32 $0x1  }
0x2: {  	[smem:$0x3F93] =	sst lr;
	_ =	strace $0xD0000000  }
0x3: {  	_ = 	snop  }
0x4: {  	_ = 	snop  }
0x5: {  	_ = 	snop  }
0x6: {  	_ = 	snop  }
0x7: {  	_ = 	snop  }
__scs_overlays_trampoline_lowered:
0x8: {  	[smem:$0x3FA2] =	sst s0  }
0x9: {  	[smem:$0x3FA3] =	sst s1  }
0xa: {  	[smem:$0x3FA4] =	sst s2  }
0xb: {  	[smem:$0x3FA5] =	sst s3  }
0xc: {  	[smem:$0x3FA6] =	sst s4  }
0xd: {  	[smem:$0x3FA7] =	sst s5  }
0xe: {  	[smem:$0x3FA8] =	sst s6  }
0xf: {  	[smem:$0x3FA9] =	sst s7  }
0x10: {  	[smem:$0x3FAA] =	sst s8  }
0x11: {  	[smem:$0x3FAB] =	sst s9;
	s0 =	simm.s32 @!p0 $0x0  }
0x12: {  	s1 =	sld [smem:$0x3F91];
	s0 =	simm.s32 @p0 $0x1  }
0x13: {  	[smem:$0x3FAC] =	sst s0;
	s0 =	simm.s32 @!p1 $0x0  }
0x14: {  	s2 =	sld [smem:$0x3F90];
	s0 =	simm.s32 @p1 $0x1  }
0x15: {  	[smem:$0x3FAD] =	sst s0;
	s0 =	simm.s32 @!p2 $0x0  }
0x16: {  	s3 =	sld [smem:$0x3FDB];
	s0 =	simm.s32 @p2 $0x1  }
0x17: {  	s4 =	simm.s32 $0x1BF5;
	[smem:$0x3FAF] =	sst s0  }
0x18: {  	s0 =	sld [smem:$0x3F92];
	_ =	swait.ge [sflag:s4], $0x0  }
0x19: {  	s7 =	sld [smem:$0x3F93]  }
0x1a: {  	s8 =	sadd.s32 $0xFFFFE003, lr  }
0x1b: {  	s9 =	sadd.s32 $0xFFFFFEF7, lr;
	s5 =	simm.s32 $0xFFFFFFFF;
	p2 =	slt.u32 s8, $0xFFFFF086  }
0x1c: {  	p1 =	slt.u32 s9, $0xF7A;
	s5 =	simm.s32 @!p2 $0x0  }
0x1d: {  	s5 =	simm.s32 @p1 $0x1;
	p0 =	seq.s32 s7, s2  }
0x1e: {  	s7 =	smul.u32 @!p0 $0xF7A, s2;
	p2 =	seq.s32 @!p0 s5, $0x0  }
0x1f: {  	s9 =	smul.u32 $0xF7A, s1;
	s8 =	simm.s32 @!p0 $0x1BF5;
	p2 =	por !p2, p0  }
0x20: {  	[sflag:s8] =	ssyncset.s32 @!p0 $0xFFFFF086;
	s6 =	sadd.s32 @!p0 s3, s7;
	s7 =	simm.s32 @!p0 $0x108  }
0x21: {  	s3 =	sadd.s32 s3, s9;
	s6 =	sadd.s32 @!p0 $0x88, s6;
	s7 =	simm.s32 @p2 $0x1082  }
0x22: {  	[simem:s7], [sflag:s8] =	dma.local @!p0 [hbm:s6], $0xF7A  }
0x23: {  	s9 =	sor.u32 $0xD0000000, s2;
	s6 =	simm.s32 $0x108;
	_ =	swait.ge @!p0 [sflag:s8], $0x0  }
0x24: {  	s3 =	sadd.s32 $0x88, s3;
	s6 =	simm.s32 @!p1 $0x1082;
	[sflag:s4] =	ssyncset.s32 $0xFFFFF086  }
0x25: {  	[simem:s6], [sflag:s4] =	dma.local [hbm:s3], $0xF7A  }
0x26: {  	[smem:$0x3F93] =	sst s1;
	(tag) =	ssettag s2;
	_ =	strace s9  }
0x27: {  	s1 =	sld [smem:$0x3FA3]  }
0x28: {  	s2 =	sld [smem:$0x3FA4]  }
0x29: {  	s4 =	sld [smem:$0x3FA6]  }
0x2a: {  	p0 =	seq.s32 s5, $0x0;
	s5 =	sld [smem:$0x3FA7]  }
0x2b: {  	s6 =	sld [smem:$0x3FA8]  }
0x2c: {  	s7 =	sld [smem:$0x3FA9]  }
0x2d: {  	s3 =	simm.s32 $0x108;
	s8 =	sld [smem:$0x3FAA]  }
0x2e: {  	s3 =	simm.s32 @!p0 $0x1082;
	s9 =	sld [smem:$0x3FAB]  }
0x2f: {  	lr =	sadd.s32 s0, s3;
	s0 =	sld [smem:$0x3FA2]  }
0x30: {  	s3 =	sld [smem:$0x3FA5]  }
0x31: {  	[smem:$0x3FAE] =	sst s10  }
0x32: {  	s10 =	sld [smem:$0x3FAC];
	_ =	sdelay $0x3  }
0x33: {  	p0 =	seq.s32 s10, $0x1;
	s10 =	sld [smem:$0x3FAE];
	_ =	sdelay $0x3  }
0x34: {  	[smem:$0x3FAE] =	sst s10  }
0x35: {  	s10 =	sld [smem:$0x3FAD];
	_ =	sdelay $0x3  }
0x36: {  	p1 =	seq.s32 s10, $0x1;
	s10 =	sld [smem:$0x3FAE];
	_ =	sdelay $0x3  }
0x37: {  	[smem:$0x3FAE] =	sst s10  }
0x38: {  	s10 =	sld [smem:$0x3FAF]  }
0x39: {  	_ = 	snop;
	(pc) =	sbr.ind lr, $3  }
0x3a: {  	_ = 	snop  }
0x3b: {  	_ = 	snop  }
0x3c: {  	p2 =	seq.s32 s10, $0x1;
	s10 =	sld [smem:$0x3FAE]  }
0x3d: {  	_ =	shalt  }
0x3e: {  	_ =	shalt  }
0x3f: {  	_ =	shalt  }
0x40: {  	_ =	shalt  }
0x41: {  	_ =	shalt  }
0x42: {  	_ =	shalt  }
0x43: {  	_ =	shalt  }
0x44: {  	_ =	shalt  }
0x45: {  	_ =	shalt  }
0x46: {  	_ =	shalt  }
0x47: {  	_ =	shalt  }
0x48: {  	_ =	shalt  }
0x49: {  	_ =	shalt  }
0x4a: {  	_ =	shalt  }
0x4b: {  	_ =	shalt  }
0x4c: {  	_ =	shalt  }
0x4d: {  	_ =	shalt  }
0x4e: {  	_ =	shalt  }
0x4f: {  	_ =	shalt  }
0x50: {  	_ =	shalt  }
0x51: {  	_ =	shalt  }
0x52: {  	_ =	shalt  }
0x53: {  	_ =	shalt  }
0x54: {  	_ =	shalt  }
0x55: {  	_ =	shalt  }
0x56: {  	_ =	shalt  }
0x57: {  	_ =	shalt  }
0x58: {  	_ =	shalt  }
0x59: {  	_ =	shalt  }
0x5a: {  	_ =	shalt  }
0x5b: {  	_ =	shalt  }
0x5c: {  	_ =	shalt  }
0x5d: {  	_ =	shalt  }
0x5e: {  	_ =	shalt  }
0x5f: {  	_ =	shalt  }
0x60: {  	_ =	shalt  }
0x61: {  	_ =	shalt  }
0x62: {  	_ =	shalt  }
0x63: {  	_ =	shalt  }
0x64: {  	_ =	shalt  }
0x65: {  	_ =	shalt  }
0x66: {  	_ =	shalt  }
0x67: {  	_ =	shalt  }
0x68: {  	_ =	shalt  }
0x69: {  	_ =	shalt  }
0x6a: {  	_ =	shalt  }
0x6b: {  	_ =	shalt  }
0x6c: {  	_ =	shalt  }
0x6d: {  	_ =	shalt  }
0x6e: {  	_ =	shalt  }
0x6f: {  	_ =	shalt  }
0x70: {  	_ =	shalt  }
0x71: {  	_ =	shalt  }
0x72: {  	_ =	shalt  }
0x73: {  	_ =	shalt  }
0x74: {  	_ =	shalt  }
0x75: {  	_ =	shalt  }
0x76: {  	_ =	shalt  }
0x77: {  	_ =	shalt  }
0x78: {  	_ =	shalt  }
0x79: {  	_ =	shalt  }
0x7a: {  	_ =	shalt  }
0x7b: {  	_ =	shalt  }
0x7c: {  	_ =	shalt  }
0x7d: {  	_ =	shalt  }
0x7e: {  	_ =	shalt  }
0x7f: {  	_ =	shalt  }
0x80: {  	_ =	shalt  }
0x81: {  	_ =	shalt  }
0x82: {  	_ =	shalt  }
0x83: {  	_ =	shalt  }
0x84: {  	_ =	shalt  }
0x85: {  	_ =	shalt  }
0x86: {  	_ =	shalt  }
0x87: {  	_ =	shalt  }
.Lfunc_end0:
.L_simem_size_0:
called_computation.1_lowered:
.L_overlay_start_0:
0x88: {  	s2 =	sld [smem:$0x3FD9]  }
0x89: {  	s3 =	sld [smem:$0x3FFE];
	_ =	sdelay $0x1  }
0x8a: {  	s1 =	srdreg.scid  }
0x8b: {  	s0 =	sand.u32 $0x1, s1  }
0x8c: {  	s17 =	sshll.u32 s0, $0xA;
	s2 =	sadd.s32 s3, s2  }
0x8d: {  	s2 =	sadd.s32 s2, s17  }
0x8e: {  	[smem:$0x3FBA] =	sst s2  }
0x8f: {  	_ = 	snop  }
0x90: {  	s18 =	sld [smem:$0x3FC6];
	(tm) =	ssettm $0x1  }
0x91: {  	s19 =	sld [smem:$0x3FFB];
	_ =	sdelay $0x3  }
0x92: {  	_ =	strace s19  }
0x93: {  	s2 =	sld [smem:$0x3FFC];
	_ =	sdelay $0x3  }
0x94: {  	_ =	strace s2  }
0x95: {  	s2 =	sld [smem:$0x3FFD];
	_ =	sdelay $0x3  }
0x96: {  	_ =	strace s2  }
0x97: {  	_ =	strace $0x8FFFFFFF  }
0x98: {  	s20 =	sld [smem:$0x3FDB];
	_ =	sdelay $0x1  }
0x99: {  	s4 =	simm.s32 $_scs_section_size  }
0x9a: {  	s5 =	simm.s32 $_size__tile_overlayer_lowered;
	s6 =	simm.s32 $_tile_overlayer_lowered  }
0x9b: {  	s7 =	simm.s32 $0x1BFF;
	s21 =	sshll.u32 s6, $0x1;
	s4 =	sadd.s32 s4, s20  }
0x9c: {  	s22 =	simm.s32 $0x0;
	s5 =	sshll.u32 s5, $0x1;
	s6 =	sadd.s32 s21, s4  }
0x9d: {  	[timem:s22], [sflag:s7] =	dma.local [hbm:s6], s5  }
0x9e: {  	_ =	swait.ge [sflag:s7], s5  }
0x9f: {  	s5 =	ssub.s32 $0x0, s5;
	[sflag:s7] =	ssyncset.done $0x0  }
0xa0: {  	[sflag:s7] =	ssyncadd.s32 s5;
	_ =	sdelay $0x1  }
0xa1: {  	s23 =	simm.s32 $0x1B8B  }
0xa2: {  	_ =	swait.ge [sflag:s23], $0x1  }
0xa3: {  	[sflag:s23] =	ssyncset.done $0x0  }
0xa4: {  	[sflag:s23] =	ssyncadd.s32 $0xFFFFFFFF  }
0xa5: {  	s5 =	sld [smem:$0x0]  }
0xa6: {  	s6 =	sand.u32 $0xFFFFFFFE, s1  }
0xa7: {  	p0 =	sne.s32 s1, s6  }
0xa8: {  	s6 =	sshll.u32 @p0 s6, $0xE  }
0xa9: {  	s6 =	sadd.s32 @p0 $0x11B8D, s6;
	s7 =	sshll.u32 @p0 s5, $0x11  }
0xaa: {  	s6 =	sor.u32 @p0 s7, s6  }
0xab: {  	[sflag:s6] =	ssyncadd.remote.s32 @p0 $0x1;
	_ =	sdelay $0x1  }
0xac: {  	s6 =	simm.s32 @p0 $0x1B8D  }
0xad: {  	_ =	swait.eq @p0 [sflag:s6], $0x1  }
0xae: {  	[sflag:s6] =	ssyncadd.s32 @p0 $0xFFFFFFFF  }
0xaf: {  	s7 =	sshll.u32 @!p0 s1, $0xE  }
0xb0: {  	s7 =	sor.u32 @!p0 $0x4000, s7;
	s6 =	simm.s32 @!p0 $0x1B8D  }
0xb1: {  	s5 =	sshll.u32 @!p0 s5, $0x11;
	s7 =	sadd.s32 @!p0 $0x11B8D, s7;
	_ =	swait.eq @!p0 [sflag:s6], $0x1  }
0xb2: {  	s5 =	sor.u32 @!p0 s5, s7;
	[sflag:s6] =	ssyncadd.s32 @!p0 $0xFFFFFFFF  }
0xb3: {  	s25 =	simm.s32 $0x1B8E;
	s24 =	sld [smem:$0x3FFE];
	[sflag:s5] =	ssyncadd.remote.s32 @!p0 $0x1  }
0xb4: {  	s26 =	simm.s32 $execute0_lowered;
	[smem:$0x3FD2] =	sst s25  }
0xb5: {  	s6 =	sshll.u32 s26, $0x1;
	_ =	strace $0x80000049;
	[dreg:$0x1] =	wrdreg $0xFFFFFFFF  }
0xb6: {  	s28 =	simm.s32 $_size_execute0_lowered;
	s4 =	sadd.s32 s4, s6;
	[dreg:$0x0] =	wrdreg $0x0  }
0xb7: {  	s6 =	sshll.u32 s28, $0x1;
	[dreg:$0x2] =	wrdreg s4  }
0xb8: {  	[dreg:$0x3] =	wrdreg s6  }
0xb9: {  	[dreg:$0x4] =	wrdreg $0xC0  }
0xba: {  	_ =	task [dreg:s22], $0x5FFFF  }
0xbb: {  	[dreg:$0x1] =	wrdreg $0xFFFFFFFF  }
0xbc: {  	[dreg:$0x0] =	wrdreg $0x60  }
0xbd: {  	[dreg:$0x2] =	wrdreg s18  }
0xbe: {  	[dreg:$0x3] =	wrdreg s24  }
0xbf: {  	[dreg:$0x4] =	wrdreg $0xA  }
0xc0: {  	_ =	task.clear_ibuf [dreg:s22], $0x5FFFF;
	_ =	strace $0x90000049  }
0xc1: {  	s29 =	simm.s32 $0xA;
	_ =	strace $0x8000004B  }
0xc2: {  	_ =	swait.ge [sflag:s29], $0x1  }
0xc3: {  	[sflag:s29] =	ssyncadd.s32 $0xFFFFFFFF  }
0xc4: {  	_ =	strace $0x9000004B  }
0xc5: {  	_ =	sfence  }
0xc6: {  	s30 =	sld [smem:$0x0];
	_ =	sdelay $0x2  }
0xc7: {  	s31 =	sshll.u32 s1, $0xD;
	s1 =	sshrl.u32 s1, $0x2  }
0xc8: {  	s4 =	sand.u32 $0x4000, s31;
	s1 =	sadd.s32 s1, s30  }
0xc9: {  	s0 =	sor.u32 s4, s0;
	s1 =	sshll.u32 s1, $0x11  }
0xca: {  	s0 =	sor.u32 s1, s0  }
0xcb: {  	s0 =	sadd.s32 $0x8F2B, s0  }
0xcc: {  	[sflag:s0] =	ssyncadd.remote.s32 $0x1  }
0xcd: {  	_ =	sfence.sel $0xFFFF  }
0xce: {  	[dreg:$0x0] =	wrdreg $0xFFFFFFFF;
	(pc) =	sbr.abs _section_cstart, $3  }
0xcf: {  	[dreg:$0x1] =	wrdreg $0xFFFFFFFF  }
0xd0: {  	_ =	task.clear_ibuf [dreg:s22], $0x2FFFF;
	_ =	strace $0x9FFFFFFF  }
0xd1: {  	(tm) =	ssettm $0x7FFFFFFF  }
tec
execute0_lowered:
.L_overlay_start_1:
0x0: {  	(tag) =	ssettag $0x1  }
0x1: {  	s1 =	srdreg.scid;
	s2 =	rddreg [dreg:$0x0]  }
0x2: {  	s0 =	stileid.u32;
	s5 =	rddreg [dreg:$0x1];
	s6 =	simm.s32 $0x1  }
0x3: {  	s9 =	simm.s32 $0x1;
	s10 =	simm.s32 $0x3;
	s1 =	sshll.u32 s1, $0x8  }
0x4: {  	s13 =	simm.s32 $0x0;
	s3 =	sshll.u32 s0, $0x9;
	s4 =	sand.u32 $0x100, s1  }
0x5: {  	s12 =	simm.s32 $0x0;
	s1 =	rddreg [dreg:$0x2];
	s3 =	sor.u32 s3, s4  }
0x6: {  	_ =	strace $0x8000004A;
	s4 =	sadd.s32 $0xA00, s5;
	s8 =	ssub.s32 $0x4000, s3  }
.Ltmp0:
0x7: {  	s5 =	sadd.s32 $0x1C00, s5;
	s7 =	sand.u32 $0x1F00, s8;
	(pc) =	sbr.rel .LBB2_1-.Ltmp0, $4  }
0x8: {  	[sflag:s6] =	ssyncpa.u1 $0x0;
	s11 =	smov.u32 s3;
	p0 =	sne.s32 s7, $0x0  }
0x9: {  	s8 =	sshrl.u32 s8, $0xD;
	s7 =	simm.s32 $0x2;
	s9 =	simm.s32 @!p0 $0x0  }
0xa: {  	[sflag:s7] =	ssyncpa.u1 $0x0;
	p0 =	por $0x0, $0x0;
	s8 =	sadd.s32 s9, s8  }
0xb: {  	vm0 =	vmmov $0xffff;
	[sflag:s10] =	ssyncpa.u1 $0x0;
	s10 =	simm.s32 $0x0;
	s9 =	sadd.s32 $0x1, s8  }
.LBB2_4:
0xc: {  	v2 =	vnsel vm1, $0x0, v2  }
0xd: {  	vm1 =	vgt.s32 v0, $0x0;
	v2 =	vmin.u32 v2, $0x3FFF  }
0xe: {  	v0 =	vnsel vm1, $0x0, v0  }
0xf: {  	v0 =	vmin.u32 v0, $0x3FFF  }
0x10: {  	[tilespmem:s15], [sflag:$0x1] =	stream.indirect_vreg.gather [hbm4b:s2+s10], $0x1, v1, vm0, $0x4038;
	[tilespmem:$0x400] =	vst v63  }
0x11: {  	(ifvalue) =	ssetifvalue $0x7FFFFFFF  }
0x12: {  	[tilespmem:s16], [sflag:$0x1] =	stream.indirect_vreg.gather [hbm4b:s2+s10], $0x1, v2, vm0, $0x4038;
	[tilespmem:$0x400] =	vst v63  }
0x13: {  	s29 =	sadd.s32 $0x10, s16;
	(ifvalue) =	ssetifvalue $0x7FFFFFFF  }
0x14: {  	[tilespmem:s29], [sflag:$0x1] =	stream.indirect_vreg.gather [hbm4b:s2+s10], $0x1, v0, vm0, $0x4038;
	[tilespmem:$0x400] =	vst v63  }
0x15: {  	_ =	swait.ge [sflag:s6], $0x100  }
0x16: {  	s30 =	sshrl.u32 s13, $0x3;
	[sflag:s6] =	ssyncset.done $0x0  }
0x17: {  	s31 =	sand.u32 $0x7, s13;
	s15 =	sadd.s32 s5, s30;
	[sflag:s6] =	ssyncadd.s32 $0xFFFFFF00  }
0x18: {  	[hbm4b:s15+s31] =	stream.linear.scatter [tilespmem:s14], [sflag:$0x3], $0x100, $0x38;
	[tilespmem:$0x400] =	vst v63  }
.LBB2_5:
0x19: {  	s15 =	sadd.s32 $0x2000, s11  }
0x1a: {  	p2 =	sgt.s32 s15, $0x3FFF  }
0x1b: {  	s15 =	smov.u32 @p2 s3;
	p2 =	sne.s32 s12, s9  }
.Ltmp1:
0x1c: {  	p1 =	slt.u32 s12, $0x2;
	(pc) =	sbr.rel @!p2 .LBB2_6-.Ltmp1, $4  }
0x1d: {  	s14 =	simm.s32 @!p1 $0x3  }
0x1e: {  	s16 =	sadd.s32 $0x1, s12;
	_ =	swait.ge @!p1 [sflag:s14], $0x100  }
0x1f: {  	s13 =	smov.u32 s11;
	p0 =	por !p0, !p0;
	[sflag:s14] =	ssyncset.done @!p1 $0x0  }
0x20: {  	s12 =	smov.u32 s16;
	s11 =	smov.u32 s15;
	[sflag:s14] =	ssyncadd.s32 @!p1 $0xFFFFFF00  }
.LBB2_1:
0x21: {  	p1 =	sge.u32 s12, s8  }
0x22: {  	s14 =	sxor.u32 @!p1 $0xFFFFFFFF, s12  }
0x23: {  	s31 =	sadd.s32 $0xFFFFFFFF, s12;
	s15 =	sshrl.u32 @!p1 s11, $0x3;
	s14 =	sshll.u32 @!p1 s14, $0x8  }
0x24: {  	s16 =	sand.u32 @!p1 $0x7, s11;
	s15 =	sadd.s32 @!p1 s4, s15;
	s14 =	sand.u32 @!p1 $0x100, s14  }
0x25: {  	[tilespmem:s14], [sflag:$0x2] =	stream.linear.gather @!p1 [hbm4b:s15+s16], $0x100, $0x38;
	[tilespmem:$0x400] =	vst v63  }
0x26: {  	p1 =	sge.u32 s31, s8  }
.Ltmp2:
0x27: {  	_ = 	snop;
	(pc) =	sbr.rel @p1 .LBB2_5-.Ltmp2, $1  }
0x28: {  	_ =	sdelay $0x3  }
0x29: {  	s14 =	simm.s32 $0x1  }
0x2a: {  	_ =	swait.ge [sflag:s7], $0x100;
	s14 =	simm.s32 @!p0 $0x0  }
0x2b: {  	[sflag:s7] =	ssyncset.done $0x0;
	s14 =	sshll.u32 s14, $0x8  }
0x2c: {  	[sflag:s7] =	ssyncadd.s32 $0xFFFFFF00;
	(ifvalue) =	ssetifvalue $0x7FFFFFFF;
	v0 =	vld.msk [tilespmem:s14+$0x0 ss:$0x1], $0xffff;
	_ =	sdelay $0x4  }
0x2d: {  	s15 =	sadd.s32 $0x10, s14;
	vm1 =	vgt.s32 v0, $0x0  }
0x2e: {  	v2 =	vld.msk [tilespmem:s15+$0x0 ss:$0x1], $0xffff;
	v1 =	vnsel vm1, $0x0, v0  }
0x2f: {  	v1 =	vmin.u32 v1, $0x3FFF;
	_ =	sdelay $0x1  }
0x30: {  	s16 =	sshll.u32 s12, $0x8;
	s18 =	simm.s32 $0x20  }
0x31: {  	s16 =	sand.u32 $0x100, s16;
	s17 =	sadd.s32 $0x10, s15;
	s15 =	sor.u32 $0x200, s14  }
0x32: {  	s14 =	sor.u32 $0x200, s16;
	s16 =	sadd.s32 $0x10, s15;
	v0 =	vld.msk [tilespmem:s17+$0x0 ss:$0x1], $0xffff;
	vm1 =	vgt.s32 v2, $0x0;
	(ifvalue) =	ssetifvalue $0x7FFFFFFF  }
.LBB2_3:
0x33: {  	[tilespmem:s15], [sflag:$0x1] =	stream.indirect_vreg.gather [hbm4b:s2+s10], $0x1, v1, vm0, $0x4038;
	[tilespmem:$0x400] =	vst v63  }
0x34: {  	s18 =	sadd.s32 $0x10, s18  }
0x35: {  	v2 =	vnsel vm1, $0x0, v2;
	p1 =	slt.u32 s18, $0xF0  }
.Ltmp3:
0x36: {  	s15 =	smov.u32 s16;
	v1 =	vmin.u32 v2, $0x3FFF;
	(pc) =	sbr.rel @p1 .LBB2_3-.Ltmp3, $3  }
0x37: {  	_ =	sdelay $0x1  }
0x38: {  	s17 =	sadd.s32 $0x10, s17  }
0x39: {  	vm1 =	vgt.s32 v0, $0x0;
	s16 =	sadd.s32 $0x10, s16;
	v2 =	vmov v0;
	(ifvalue) =	ssetifvalue $0x7FFFFFFF;
	v0 =	vld.msk [tilespmem:s17+$0x0 ss:$0x1], $0xffff  }
.Ltmp4:
0x3a: {  	_ = 	snop;
	(pc) =	sbr.rel .LBB2_4-.Ltmp4, $1  }
0x3b: {  	_ =	sdelay $0x3  }
.LBB2_6:
0x3c: {  	_ =	sfence.sel $0x180000  }
0x3d: {  	s2 =	simm.s32 $0x2;
	[bflag:$0x0] =	sbarrier.arrive $0xFFFF  }
0x3e: {  	s30 =	simm.s32 $0x3;
	[sflag:s2] =	ssyncpa.u1 $0x1  }
0x3f: {  	s31 =	simm.s32 $0x1;
	[sflag:s30] =	ssyncpa.u1 $0x1  }
0x40: {  	[sflag:s31] =	ssyncpa.u1 $0x1  }
0x41: {  	p0 =	sne.s32 s0, $0x0;
	_ =	strace $0x9000004A  }
0x42: {  	s0 =	sadd.s32 @!p0 $0x100000, s1;
	[bflag:$0x2] =	sbarrier.arrive $0xFFFF  }
0x43: {  	[sflag:s0] =	ssyncadd.tile.s32 @!p0 $0x1;
	_ =	shalt  }
.Lfunc_end2:
_tile_overlayer_lowered:
.L_overlay_start_2:
0x44: {  	(tag) =	ssettag $0x2  }
0x45: {  	s0 =	rddreg [dreg:$0x0];
	s2 =	stileid.u32  }
0x46: {  	s1 =	rddreg [dreg:$0x1];
	p0 =	sne.s32 s2, $0x0  }
0x47: {  	s3 =	rddreg [dreg:$0x2];
	[bflag:$0x3] =	sbarrier.arrive $0xFFFF;
	s2 =	simm.s32 @!p0 $0x1C01  }
0x48: {  	[timem:s3], [sflag:s2] =	dma.local @!p0 [hbm:s0], s1  }
0x49: {  	s0 =	simm.s32 @!p0 $0x1  }
0x4a: {  	_ =	swait.ge @!p0 [sflag:s0], s1  }
0x4b: {  	s1 =	ssub.s32 @!p0 $0x0, s1;
	[sflag:s0] =	ssyncset.done @!p0 $0x0  }
0x4c: {  	[sflag:s0] =	ssyncadd.s32 @!p0 s1  }
0x4d: {  	[bflag:$0x3] =	sbarrier.arrive $0xFFFF  }
0x4e: {  	_ =	shalt  }

// kernel: gather_offload_async_start.2
scs
__scs_entry_jumppad:
0x0: {  	(pc) =	sbr.rel $0x88, $3  }
0x1: {  	(tag) =	ssettag $0x0;
	lr =	simm.s32 $0x1  }
0x2: {  	[smem:$0x3F93] =	sst lr;
	_ =	strace $0xD0000000  }
0x3: {  	_ = 	snop  }
0x4: {  	_ = 	snop  }
0x5: {  	_ = 	snop  }
0x6: {  	_ = 	snop  }
0x7: {  	_ = 	snop  }
__scs_overlays_trampoline_lowered:
0x8: {  	[smem:$0x3FA2] =	sst s0  }
0x9: {  	[smem:$0x3FA3] =	sst s1  }
0xa: {  	[smem:$0x3FA4] =	sst s2  }
0xb: {  	[smem:$0x3FA5] =	sst s3  }
0xc: {  	[smem:$0x3FA6] =	sst s4  }
0xd: {  	[smem:$0x3FA7] =	sst s5  }
0xe: {  	[smem:$0x3FA8] =	sst s6  }
0xf: {  	[smem:$0x3FA9] =	sst s7  }
0x10: {  	[smem:$0x3FAA] =	sst s8  }
0x11: {  	[smem:$0x3FAB] =	sst s9;
	s0 =	simm.s32 @!p0 $0x0  }
0x12: {  	s1 =	sld [smem:$0x3F91];
	s0 =	simm.s32 @p0 $0x1  }
0x13: {  	[smem:$0x3FAC] =	sst s0;
	s0 =	simm.s32 @!p1 $0x0  }
0x14: {  	s2 =	sld [smem:$0x3F90];
	s0 =	simm.s32 @p1 $0x1  }
0x15: {  	[smem:$0x3FAD] =	sst s0;
	s0 =	simm.s32 @!p2 $0x0  }
0x16: {  	s3 =	sld [smem:$0x3FDB];
	s0 =	simm.s32 @p2 $0x1  }
0x17: {  	s4 =	simm.s32 $0x1BF5;
	[smem:$0x3FAF] =	sst s0  }
0x18: {  	s0 =	sld [smem:$0x3F92];
	_ =	swait.ge [sflag:s4], $0x0  }
0x19: {  	s7 =	sld [smem:$0x3F93]  }
0x1a: {  	s8 =	sadd.s32 $0xFFFFE003, lr  }
0x1b: {  	s9 =	sadd.s32 $0xFFFFFEF7, lr;
	s5 =	simm.s32 $0xFFFFFFFF;
	p2 =	slt.u32 s8, $0xFFFFF086  }
0x1c: {  	p1 =	slt.u32 s9, $0xF7A;
	s5 =	simm.s32 @!p2 $0x0  }
0x1d: {  	s5 =	simm.s32 @p1 $0x1;
	p0 =	seq.s32 s7, s2  }
0x1e: {  	s7 =	smul.u32 @!p0 $0xF7A, s2;
	p2 =	seq.s32 @!p0 s5, $0x0  }
0x1f: {  	s9 =	smul.u32 $0xF7A, s1;
	s8 =	simm.s32 @!p0 $0x1BF5;
	p2 =	por !p2, p0  }
0x20: {  	[sflag:s8] =	ssyncset.s32 @!p0 $0xFFFFF086;
	s6 =	sadd.s32 @!p0 s3, s7;
	s7 =	simm.s32 @!p0 $0x108  }
0x21: {  	s3 =	sadd.s32 s3, s9;
	s6 =	sadd.s32 @!p0 $0x88, s6;
	s7 =	simm.s32 @p2 $0x1082  }
0x22: {  	[simem:s7], [sflag:s8] =	dma.local @!p0 [hbm:s6], $0xF7A  }
0x23: {  	s9 =	sor.u32 $0xD0000000, s2;
	s6 =	simm.s32 $0x108;
	_ =	swait.ge @!p0 [sflag:s8], $0x0  }
0x24: {  	s3 =	sadd.s32 $0x88, s3;
	s6 =	simm.s32 @!p1 $0x1082;
	[sflag:s4] =	ssyncset.s32 $0xFFFFF086  }
0x25: {  	[simem:s6], [sflag:s4] =	dma.local [hbm:s3], $0xF7A  }
0x26: {  	[smem:$0x3F93] =	sst s1;
	(tag) =	ssettag s2;
	_ =	strace s9  }
0x27: {  	s1 =	sld [smem:$0x3FA3]  }
0x28: {  	s2 =	sld [smem:$0x3FA4]  }
0x29: {  	s4 =	sld [smem:$0x3FA6]  }
0x2a: {  	p0 =	seq.s32 s5, $0x0;
	s5 =	sld [smem:$0x3FA7]  }
0x2b: {  	s6 =	sld [smem:$0x3FA8]  }
0x2c: {  	s7 =	sld [smem:$0x3FA9]  }
0x2d: {  	s3 =	simm.s32 $0x108;
	s8 =	sld [smem:$0x3FAA]  }
0x2e: {  	s3 =	simm.s32 @!p0 $0x1082;
	s9 =	sld [smem:$0x3FAB]  }
0x2f: {  	lr =	sadd.s32 s0, s3;
	s0 =	sld [smem:$0x3FA2]  }
0x30: {  	s3 =	sld [smem:$0x3FA5]  }
0x31: {  	[smem:$0x3FAE] =	sst s10  }
0x32: {  	s10 =	sld [smem:$0x3FAC];
	_ =	sdelay $0x3  }
0x33: {  	p0 =	seq.s32 s10, $0x1;
	s10 =	sld [smem:$0x3FAE];
	_ =	sdelay $0x3  }
0x34: {  	[smem:$0x3FAE] =	sst s10  }
0x35: {  	s10 =	sld [smem:$0x3FAD];
	_ =	sdelay $0x3  }
0x36: {  	p1 =	seq.s32 s10, $0x1;
	s10 =	sld [smem:$0x3FAE];
	_ =	sdelay $0x3  }
0x37: {  	[smem:$0x3FAE] =	sst s10  }
0x38: {  	s10 =	sld [smem:$0x3FAF]  }
0x39: {  	_ = 	snop;
	(pc) =	sbr.ind lr, $3  }
0x3a: {  	_ = 	snop  }
0x3b: {  	_ = 	snop  }
0x3c: {  	p2 =	seq.s32 s10, $0x1;
	s10 =	sld [smem:$0x3FAE]  }
0x3d: {  	_ =	shalt  }
0x3e: {  	_ =	shalt  }
0x3f: {  	_ =	shalt  }
0x40: {  	_ =	shalt  }
0x41: {  	_ =	shalt  }
0x42: {  	_ =	shalt  }
0x43: {  	_ =	shalt  }
0x44: {  	_ =	shalt  }
0x45: {  	_ =	shalt  }
0x46: {  	_ =	shalt  }
0x47: {  	_ =	shalt  }
0x48: {  	_ =	shalt  }
0x49: {  	_ =	shalt  }
0x4a: {  	_ =	shalt  }
0x4b: {  	_ =	shalt  }
0x4c: {  	_ =	shalt  }
0x4d: {  	_ =	shalt  }
0x4e: {  	_ =	shalt  }
0x4f: {  	_ =	shalt  }
0x50: {  	_ =	shalt  }
0x51: {  	_ =	shalt  }
0x52: {  	_ =	shalt  }
0x53: {  	_ =	shalt  }
0x54: {  	_ =	shalt  }
0x55: {  	_ =	shalt  }
0x56: {  	_ =	shalt  }
0x57: {  	_ =	shalt  }
0x58: {  	_ =	shalt  }
0x59: {  	_ =	shalt  }
0x5a: {  	_ =	shalt  }
0x5b: {  	_ =	shalt  }
0x5c: {  	_ =	shalt  }
0x5d: {  	_ =	shalt  }
0x5e: {  	_ =	shalt  }
0x5f: {  	_ =	shalt  }
0x60: {  	_ =	shalt  }
0x61: {  	_ =	shalt  }
0x62: {  	_ =	shalt  }
0x63: {  	_ =	shalt  }
0x64: {  	_ =	shalt  }
0x65: {  	_ =	shalt  }
0x66: {  	_ =	shalt  }
0x67: {  	_ =	shalt  }
0x68: {  	_ =	shalt  }
0x69: {  	_ =	shalt  }
0x6a: {  	_ =	shalt  }
0x6b: {  	_ =	shalt  }
0x6c: {  	_ =	shalt  }
0x6d: {  	_ =	shalt  }
0x6e: {  	_ =	shalt  }
0x6f: {  	_ =	shalt  }
0x70: {  	_ =	shalt  }
0x71: {  	_ =	shalt  }
0x72: {  	_ =	shalt  }
0x73: {  	_ =	shalt  }
0x74: {  	_ =	shalt  }
0x75: {  	_ =	shalt  }
0x76: {  	_ =	shalt  }
0x77: {  	_ =	shalt  }
0x78: {  	_ =	shalt  }
0x79: {  	_ =	shalt  }
0x7a: {  	_ =	shalt  }
0x7b: {  	_ =	shalt  }
0x7c: {  	_ =	shalt  }
0x7d: {  	_ =	shalt  }
0x7e: {  	_ =	shalt  }
0x7f: {  	_ =	shalt  }
0x80: {  	_ =	shalt  }
0x81: {  	_ =	shalt  }
0x82: {  	_ =	shalt  }
0x83: {  	_ =	shalt  }
0x84: {  	_ =	shalt  }
0x85: {  	_ =	shalt  }
0x86: {  	_ =	shalt  }
0x87: {  	_ =	shalt  }
.Lfunc_end0:
.L_simem_size_0:
called_computation.2_lowered:
.L_overlay_start_0:
0x88: {  	s2 =	sld [smem:$0x3FD9]  }
0x89: {  	s3 =	sld [smem:$0x3FFE];
	_ =	sdelay $0x1  }
0x8a: {  	s1 =	srdreg.scid  }
0x8b: {  	s0 =	sand.u32 $0x1, s1  }
0x8c: {  	s17 =	sshll.u32 s0, $0xA;
	s2 =	sadd.s32 s3, s2  }
0x8d: {  	s2 =	sadd.s32 s2, s17  }
0x8e: {  	[smem:$0x3FBA] =	sst s2  }
0x8f: {  	_ = 	snop  }
0x90: {  	s18 =	sld [smem:$0x3FC5];
	(tm) =	ssettm $0x1  }
0x91: {  	s19 =	sld [smem:$0x3FFB];
	_ =	sdelay $0x3  }
0x92: {  	_ =	strace s19  }
0x93: {  	s2 =	sld [smem:$0x3FFC];
	_ =	sdelay $0x3  }
0x94: {  	_ =	strace s2  }
0x95: {  	s2 =	sld [smem:$0x3FFD];
	_ =	sdelay $0x3  }
0x96: {  	_ =	strace s2  }
0x97: {  	_ =	strace $0x8FFFFFFF  }
0x98: {  	s20 =	sld [smem:$0x3FDB];
	_ =	sdelay $0x1  }
0x99: {  	s4 =	simm.s32 $_scs_section_size  }
0x9a: {  	s5 =	simm.s32 $_size__tile_overlayer_lowered;
	s6 =	simm.s32 $_tile_overlayer_lowered  }
0x9b: {  	s7 =	simm.s32 $0x1BFF;
	s21 =	sshll.u32 s6, $0x1;
	s4 =	sadd.s32 s4, s20  }
0x9c: {  	s22 =	simm.s32 $0x0;
	s5 =	sshll.u32 s5, $0x1;
	s6 =	sadd.s32 s21, s4  }
0x9d: {  	[timem:s22], [sflag:s7] =	dma.local [hbm:s6], s5  }
0x9e: {  	_ =	swait.ge [sflag:s7], s5  }
0x9f: {  	s5 =	ssub.s32 $0x0, s5;
	[sflag:s7] =	ssyncset.done $0x0  }
0xa0: {  	[sflag:s7] =	ssyncadd.s32 s5;
	_ =	sdelay $0x1  }
0xa1: {  	s23 =	simm.s32 $0x1B8B  }
0xa2: {  	_ =	swait.ge [sflag:s23], $0x1  }
0xa3: {  	[sflag:s23] =	ssyncset.done $0x0  }
0xa4: {  	[sflag:s23] =	ssyncadd.s32 $0xFFFFFFFF  }
0xa5: {  	s5 =	sld [smem:$0x0]  }
0xa6: {  	s6 =	sand.u32 $0xFFFFFFFE, s1  }
0xa7: {  	p0 =	sne.s32 s1, s6  }
0xa8: {  	s6 =	sshll.u32 @p0 s6, $0xE  }
0xa9: {  	s6 =	sadd.s32 @p0 $0x11B8D, s6;
	s7 =	sshll.u32 @p0 s5, $0x11  }
0xaa: {  	s6 =	sor.u32 @p0 s7, s6  }
0xab: {  	[sflag:s6] =	ssyncadd.remote.s32 @p0 $0x1;
	_ =	sdelay $0x1  }
0xac: {  	s6 =	simm.s32 @p0 $0x1B8D  }
0xad: {  	_ =	swait.eq @p0 [sflag:s6], $0x1  }
0xae: {  	[sflag:s6] =	ssyncadd.s32 @p0 $0xFFFFFFFF  }
0xaf: {  	s7 =	sshll.u32 @!p0 s1, $0xE  }
0xb0: {  	s7 =	sor.u32 @!p0 $0x4000, s7;
	s6 =	simm.s32 @!p0 $0x1B8D  }
0xb1: {  	s5 =	sshll.u32 @!p0 s5, $0x11;
	s7 =	sadd.s32 @!p0 $0x11B8D, s7;
	_ =	swait.eq @!p0 [sflag:s6], $0x1  }
0xb2: {  	s5 =	sor.u32 @!p0 s5, s7;
	[sflag:s6] =	ssyncadd.s32 @!p0 $0xFFFFFFFF  }
0xb3: {  	s25 =	simm.s32 $0x1B8E;
	s24 =	sld [smem:$0x3FFE];
	[sflag:s5] =	ssyncadd.remote.s32 @!p0 $0x1  }
0xb4: {  	s26 =	simm.s32 $execute0_lowered;
	[smem:$0x3FD2] =	sst s25  }
0xb5: {  	s6 =	sshll.u32 s26, $0x1;
	_ =	strace $0x8000004C;
	[dreg:$0x1] =	wrdreg $0xFFFFFFFF  }
0xb6: {  	s28 =	simm.s32 $_size_execute0_lowered;
	s4 =	sadd.s32 s4, s6;
	[dreg:$0x0] =	wrdreg $0x0  }
0xb7: {  	s6 =	sshll.u32 s28, $0x1;
	[dreg:$0x2] =	wrdreg s4  }
0xb8: {  	[dreg:$0x3] =	wrdreg s6  }
0xb9: {  	[dreg:$0x4] =	wrdreg $0xC0  }
0xba: {  	_ =	task [dreg:s22], $0x5FFFF  }
0xbb: {  	[dreg:$0x1] =	wrdreg $0xFFFFFFFF  }
0xbc: {  	[dreg:$0x0] =	wrdreg $0x60  }
0xbd: {  	[dreg:$0x2] =	wrdreg s18  }
0xbe: {  	[dreg:$0x3] =	wrdreg s24  }
0xbf: {  	[dreg:$0x4] =	wrdreg $0xB  }
0xc0: {  	_ =	task.clear_ibuf [dreg:s22], $0x5FFFF;
	_ =	strace $0x9000004C  }
0xc1: {  	s29 =	simm.s32 $0xB;
	_ =	strace $0x8000004E  }
0xc2: {  	_ =	swait.ge [sflag:s29], $0x1  }
0xc3: {  	[sflag:s29] =	ssyncadd.s32 $0xFFFFFFFF  }
0xc4: {  	_ =	strace $0x9000004E  }
0xc5: {  	_ =	sfence  }
0xc6: {  	s30 =	sld [smem:$0x0];
	_ =	sdelay $0x2  }
0xc7: {  	s31 =	sshll.u32 s1, $0xD;
	s1 =	sshrl.u32 s1, $0x2  }
0xc8: {  	s4 =	sand.u32 $0x4000, s31;
	s1 =	sadd.s32 s1, s30  }
0xc9: {  	s0 =	sor.u32 s4, s0;
	s1 =	sshll.u32 s1, $0x11  }
0xca: {  	s0 =	sor.u32 s1, s0  }
0xcb: {  	s0 =	sadd.s32 $0x8F2B, s0  }
0xcc: {  	[sflag:s0] =	ssyncadd.remote.s32 $0x1  }
0xcd: {  	_ =	sfence.sel $0xFFFF  }
0xce: {  	[dreg:$0x0] =	wrdreg $0xFFFFFFFF;
	(pc) =	sbr.abs _section_cstart, $3  }
0xcf: {  	[dreg:$0x1] =	wrdreg $0xFFFFFFFF  }
0xd0: {  	_ =	task.clear_ibuf [dreg:s22], $0x2FFFF;
	_ =	strace $0x9FFFFFFF  }
0xd1: {  	(tm) =	ssettm $0x7FFFFFFF  }
tec
execute0_lowered:
.L_overlay_start_1:
0x0: {  	(tag) =	ssettag $0x1  }
0x1: {  	s1 =	srdreg.scid;
	s2 =	rddreg [dreg:$0x0]  }
0x2: {  	s0 =	stileid.u32;
	s5 =	rddreg [dreg:$0x1];
	s6 =	simm.s32 $0x1  }
0x3: {  	s9 =	simm.s32 $0x1;
	s10 =	simm.s32 $0x3;
	s1 =	sshll.u32 s1, $0x8  }
0x4: {  	s13 =	simm.s32 $0x0;
	s3 =	sshll.u32 s0, $0x9;
	s4 =	sand.u32 $0x100, s1  }
0x5: {  	s12 =	simm.s32 $0x0;
	s1 =	rddreg [dreg:$0x2];
	s3 =	sor.u32 s3, s4  }
0x6: {  	_ =	strace $0x8000004D;
	s4 =	sadd.s32 $0xA00, s5;
	s8 =	ssub.s32 $0x4000, s3  }
.Ltmp0:
0x7: {  	s5 =	sadd.s32 $0x2400, s5;
	s7 =	sand.u32 $0x1F00, s8;
	(pc) =	sbr.rel .LBB2_1-.Ltmp0, $4  }
0x8: {  	[sflag:s6] =	ssyncpa.u1 $0x0;
	s11 =	smov.u32 s3;
	p0 =	sne.s32 s7, $0x0  }
0x9: {  	s8 =	sshrl.u32 s8, $0xD;
	s7 =	simm.s32 $0x2;
	s9 =	simm.s32 @!p0 $0x0  }
0xa: {  	[sflag:s7] =	ssyncpa.u1 $0x0;
	p0 =	por $0x0, $0x0;
	s8 =	sadd.s32 s9, s8  }
0xb: {  	vm0 =	vmmov $0xffff;
	[sflag:s10] =	ssyncpa.u1 $0x0;
	s10 =	simm.s32 $0x0;
	s9 =	sadd.s32 $0x1, s8  }
.LBB2_4:
0xc: {  	v2 =	vnsel vm1, $0x0, v2  }
0xd: {  	vm1 =	vgt.s32 v0, $0x0;
	v2 =	vmin.u32 v2, $0x3FFF  }
0xe: {  	v0 =	vnsel vm1, $0x0, v0  }
0xf: {  	v0 =	vmin.u32 v0, $0x3FFF  }
0x10: {  	[tilespmem:s15], [sflag:$0x1] =	stream.indirect_vreg.gather [hbm4b:s2+s10], $0x1, v1, vm0, $0x4038;
	[tilespmem:$0x400] =	vst v63  }
0x11: {  	(ifvalue) =	ssetifvalue $0x7FFFFFFF  }
0x12: {  	[tilespmem:s16], [sflag:$0x1] =	stream.indirect_vreg.gather [hbm4b:s2+s10], $0x1, v2, vm0, $0x4038;
	[tilespmem:$0x400] =	vst v63  }
0x13: {  	s29 =	sadd.s32 $0x10, s16;
	(ifvalue) =	ssetifvalue $0x7FFFFFFF  }
0x14: {  	[tilespmem:s29], [sflag:$0x1] =	stream.indirect_vreg.gather [hbm4b:s2+s10], $0x1, v0, vm0, $0x4038;
	[tilespmem:$0x400] =	vst v63  }
0x15: {  	_ =	swait.ge [sflag:s6], $0x100  }
0x16: {  	s30 =	sshrl.u32 s13, $0x3;
	[sflag:s6] =	ssyncset.done $0x0  }
0x17: {  	s31 =	sand.u32 $0x7, s13;
	s15 =	sadd.s32 s5, s30;
	[sflag:s6] =	ssyncadd.s32 $0xFFFFFF00  }
0x18: {  	[hbm4b:s15+s31] =	stream.linear.scatter [tilespmem:s14], [sflag:$0x3], $0x100, $0x38;
	[tilespmem:$0x400] =	vst v63  }
.LBB2_5:
0x19: {  	s15 =	sadd.s32 $0x2000, s11  }
0x1a: {  	p2 =	sgt.s32 s15, $0x3FFF  }
0x1b: {  	s15 =	smov.u32 @p2 s3;
	p2 =	sne.s32 s12, s9  }
.Ltmp1:
0x1c: {  	p1 =	slt.u32 s12, $0x2;
	(pc) =	sbr.rel @!p2 .LBB2_6-.Ltmp1, $4  }
0x1d: {  	s14 =	simm.s32 @!p1 $0x3  }
0x1e: {  	s16 =	sadd.s32 $0x1, s12;
	_ =	swait.ge @!p1 [sflag:s14], $0x100  }
0x1f: {  	s13 =	smov.u32 s11;
	p0 =	por !p0, !p0;
	[sflag:s14] =	ssyncset.done @!p1 $0x0  }
0x20: {  	s12 =	smov.u32 s16;
	s11 =	smov.u32 s15;
	[sflag:s14] =	ssyncadd.s32 @!p1 $0xFFFFFF00  }
.LBB2_1:
0x21: {  	p1 =	sge.u32 s12, s8  }
0x22: {  	s14 =	sxor.u32 @!p1 $0xFFFFFFFF, s12  }
0x23: {  	s31 =	sadd.s32 $0xFFFFFFFF, s12;
	s15 =	sshrl.u32 @!p1 s11, $0x3;
	s14 =	sshll.u32 @!p1 s14, $0x8  }
0x24: {  	s16 =	sand.u32 @!p1 $0x7, s11;
	s15 =	sadd.s32 @!p1 s4, s15;
	s14 =	sand.u32 @!p1 $0x100, s14  }
0x25: {  	[tilespmem:s14], [sflag:$0x2] =	stream.linear.gather @!p1 [hbm4b:s15+s16], $0x100, $0x38;
	[tilespmem:$0x400] =	vst v63  }
0x26: {  	p1 =	sge.u32 s31, s8  }
.Ltmp2:
0x27: {  	_ = 	snop;
	(pc) =	sbr.rel @p1 .LBB2_5-.Ltmp2, $1  }
0x28: {  	_ =	sdelay $0x3  }
0x29: {  	s14 =	simm.s32 $0x1  }
0x2a: {  	_ =	swait.ge [sflag:s7], $0x100;
	s14 =	simm.s32 @!p0 $0x0  }
0x2b: {  	[sflag:s7] =	ssyncset.done $0x0;
	s14 =	sshll.u32 s14, $0x8  }
0x2c: {  	[sflag:s7] =	ssyncadd.s32 $0xFFFFFF00;
	(ifvalue) =	ssetifvalue $0x7FFFFFFF;
	v0 =	vld.msk [tilespmem:s14+$0x0 ss:$0x1], $0xffff;
	_ =	sdelay $0x4  }
0x2d: {  	s15 =	sadd.s32 $0x10, s14;
	vm1 =	vgt.s32 v0, $0x0  }
0x2e: {  	v2 =	vld.msk [tilespmem:s15+$0x0 ss:$0x1], $0xffff;
	v1 =	vnsel vm1, $0x0, v0  }
0x2f: {  	v1 =	vmin.u32 v1, $0x3FFF;
	_ =	sdelay $0x1  }
0x30: {  	s16 =	sshll.u32 s12, $0x8;
	s18 =	simm.s32 $0x20  }
0x31: {  	s16 =	sand.u32 $0x100, s16;
	s17 =	sadd.s32 $0x10, s15;
	s15 =	sor.u32 $0x200, s14  }
0x32: {  	s14 =	sor.u32 $0x200, s16;
	s16 =	sadd.s32 $0x10, s15;
	v0 =	vld.msk [tilespmem:s17+$0x0 ss:$0x1], $0xffff;
	vm1 =	vgt.s32 v2, $0x0;
	(ifvalue) =	ssetifvalue $0x7FFFFFFF  }
.LBB2_3:
0x33: {  	[tilespmem:s15], [sflag:$0x1] =	stream.indirect_vreg.gather [hbm4b:s2+s10], $0x1, v1, vm0, $0x4038;
	[tilespmem:$0x400] =	vst v63  }
0x34: {  	s18 =	sadd.s32 $0x10, s18  }
0x35: {  	v2 =	vnsel vm1, $0x0, v2;
	p1 =	slt.u32 s18, $0xF0  }
.Ltmp3:
0x36: {  	s15 =	smov.u32 s16;
	v1 =	vmin.u32 v2, $0x3FFF;
	(pc) =	sbr.rel @p1 .LBB2_3-.Ltmp3, $3  }
0x37: {  	_ =	sdelay $0x1  }
0x38: {  	s17 =	sadd.s32 $0x10, s17  }
0x39: {  	vm1 =	vgt.s32 v0, $0x0;
	s16 =	sadd.s32 $0x10, s16;
	v2 =	vmov v0;
	(ifvalue) =	ssetifvalue $0x7FFFFFFF;
	v0 =	vld.msk [tilespmem:s17+$0x0 ss:$0x1], $0xffff  }
.Ltmp4:
0x3a: {  	_ = 	snop;
	(pc) =	sbr.rel .LBB2_4-.Ltmp4, $1  }
0x3b: {  	_ =	sdelay $0x3  }
.LBB2_6:
0x3c: {  	_ =	sfence.sel $0x180000  }
0x3d: {  	s2 =	simm.s32 $0x2;
	[bflag:$0x0] =	sbarrier.arrive $0xFFFF  }
0x3e: {  	s30 =	simm.s32 $0x3;
	[sflag:s2] =	ssyncpa.u1 $0x1  }
0x3f: {  	s31 =	simm.s32 $0x1;
	[sflag:s30] =	ssyncpa.u1 $0x1  }
0x40: {  	[sflag:s31] =	ssyncpa.u1 $0x1  }
0x41: {  	p0 =	sne.s32 s0, $0x0;
	_ =	strace $0x9000004D  }
0x42: {  	s0 =	sadd.s32 @!p0 $0x100000, s1;
	[bflag:$0x2] =	sbarrier.arrive $0xFFFF  }
0x43: {  	[sflag:s0] =	ssyncadd.tile.s32 @!p0 $0x1;
	_ =	shalt  }
.Lfunc_end2:
_tile_overlayer_lowered:
.L_overlay_start_2:
0x44: {  	(tag) =	ssettag $0x2  }
0x45: {  	s0 =	rddreg [dreg:$0x0];
	s2 =	stileid.u32  }
0x46: {  	s1 =	rddreg [dreg:$0x1];
	p0 =	sne.s32 s2, $0x0  }
0x47: {  	s3 =	rddreg [dreg:$0x2];
	[bflag:$0x3] =	sbarrier.arrive $0xFFFF;
	s2 =	simm.s32 @!p0 $0x1C01  }
0x48: {  	[timem:s3], [sflag:s2] =	dma.local @!p0 [hbm:s0], s1  }
0x49: {  	s0 =	simm.s32 @!p0 $0x1  }
0x4a: {  	_ =	swait.ge @!p0 [sflag:s0], s1  }
0x4b: {  	s1 =	ssub.s32 @!p0 $0x0, s1;
	[sflag:s0] =	ssyncset.done @!p0 $0x0  }
0x4c: {  	[sflag:s0] =	ssyncadd.s32 @!p0 s1  }
0x4d: {  	[bflag:$0x3] =	sbarrier.arrive $0xFFFF  }
0x4e: {  	_ =	shalt  }

// kernel: gather_offload_async_start.3
scs
__scs_entry_jumppad:
0x0: {  	(pc) =	sbr.rel $0x88, $3  }
0x1: {  	(tag) =	ssettag $0x0;
	lr =	simm.s32 $0x1  }
0x2: {  	[smem:$0x3F93] =	sst lr;
	_ =	strace $0xD0000000  }
0x3: {  	_ = 	snop  }
0x4: {  	_ = 	snop  }
0x5: {  	_ = 	snop  }
0x6: {  	_ = 	snop  }
0x7: {  	_ = 	snop  }
__scs_overlays_trampoline_lowered:
0x8: {  	[smem:$0x3FA2] =	sst s0  }
0x9: {  	[smem:$0x3FA3] =	sst s1  }
0xa: {  	[smem:$0x3FA4] =	sst s2  }
0xb: {  	[smem:$0x3FA5] =	sst s3  }
0xc: {  	[smem:$0x3FA6] =	sst s4  }
0xd: {  	[smem:$0x3FA7] =	sst s5  }
0xe: {  	[smem:$0x3FA8] =	sst s6  }
0xf: {  	[smem:$0x3FA9] =	sst s7  }
0x10: {  	[smem:$0x3FAA] =	sst s8  }
0x11: {  	[smem:$0x3FAB] =	sst s9;
	s0 =	simm.s32 @!p0 $0x0  }
0x12: {  	s1 =	sld [smem:$0x3F91];
	s0 =	simm.s32 @p0 $0x1  }
0x13: {  	[smem:$0x3FAC] =	sst s0;
	s0 =	simm.s32 @!p1 $0x0  }
0x14: {  	s2 =	sld [smem:$0x3F90];
	s0 =	simm.s32 @p1 $0x1  }
0x15: {  	[smem:$0x3FAD] =	sst s0;
	s0 =	simm.s32 @!p2 $0x0  }
0x16: {  	s3 =	sld [smem:$0x3FDB];
	s0 =	simm.s32 @p2 $0x1  }
0x17: {  	s4 =	simm.s32 $0x1BF5;
	[smem:$0x3FAF] =	sst s0  }
0x18: {  	s0 =	sld [smem:$0x3F92];
	_ =	swait.ge [sflag:s4], $0x0  }
0x19: {  	s7 =	sld [smem:$0x3F93]  }
0x1a: {  	s8 =	sadd.s32 $0xFFFFE003, lr  }
0x1b: {  	s9 =	sadd.s32 $0xFFFFFEF7, lr;
	s5 =	simm.s32 $0xFFFFFFFF;
	p2 =	slt.u32 s8, $0xFFFFF086  }
0x1c: {  	p1 =	slt.u32 s9, $0xF7A;
	s5 =	simm.s32 @!p2 $0x0  }
0x1d: {  	s5 =	simm.s32 @p1 $0x1;
	p0 =	seq.s32 s7, s2  }
0x1e: {  	s7 =	smul.u32 @!p0 $0xF7A, s2;
	p2 =	seq.s32 @!p0 s5, $0x0  }
0x1f: {  	s9 =	smul.u32 $0xF7A, s1;
	s8 =	simm.s32 @!p0 $0x1BF5;
	p2 =	por !p2, p0  }
0x20: {  	[sflag:s8] =	ssyncset.s32 @!p0 $0xFFFFF086;
	s6 =	sadd.s32 @!p0 s3, s7;
	s7 =	simm.s32 @!p0 $0x108  }
0x21: {  	s3 =	sadd.s32 s3, s9;
	s6 =	sadd.s32 @!p0 $0x88, s6;
	s7 =	simm.s32 @p2 $0x1082  }
0x22: {  	[simem:s7], [sflag:s8] =	dma.local @!p0 [hbm:s6], $0xF7A  }
0x23: {  	s9 =	sor.u32 $0xD0000000, s2;
	s6 =	simm.s32 $0x108;
	_ =	swait.ge @!p0 [sflag:s8], $0x0  }
0x24: {  	s3 =	sadd.s32 $0x88, s3;
	s6 =	simm.s32 @!p1 $0x1082;
	[sflag:s4] =	ssyncset.s32 $0xFFFFF086  }
0x25: {  	[simem:s6], [sflag:s4] =	dma.local [hbm:s3], $0xF7A  }
0x26: {  	[smem:$0x3F93] =	sst s1;
	(tag) =	ssettag s2;
	_ =	strace s9  }
0x27: {  	s1 =	sld [smem:$0x3FA3]  }
0x28: {  	s2 =	sld [smem:$0x3FA4]  }
0x29: {  	s4 =	sld [smem:$0x3FA6]  }
0x2a: {  	p0 =	seq.s32 s5, $0x0;
	s5 =	sld [smem:$0x3FA7]  }
0x2b: {  	s6 =	sld [smem:$0x3FA8]  }
0x2c: {  	s7 =	sld [smem:$0x3FA9]  }
0x2d: {  	s3 =	simm.s32 $0x108;
	s8 =	sld [smem:$0x3FAA]  }
0x2e: {  	s3 =	simm.s32 @!p0 $0x1082;
	s9 =	sld [smem:$0x3FAB]  }
0x2f: {  	lr =	sadd.s32 s0, s3;
	s0 =	sld [smem:$0x3FA2]  }
0x30: {  	s3 =	sld [smem:$0x3FA5]  }
0x31: {  	[smem:$0x3FAE] =	sst s10  }
0x32: {  	s10 =	sld [smem:$0x3FAC];
	_ =	sdelay $0x3  }
0x33: {  	p0 =	seq.s32 s10, $0x1;
	s10 =	sld [smem:$0x3FAE];
	_ =	sdelay $0x3  }
0x34: {  	[smem:$0x3FAE] =	sst s10  }
0x35: {  	s10 =	sld [smem:$0x3FAD];
	_ =	sdelay $0x3  }
0x36: {  	p1 =	seq.s32 s10, $0x1;
	s10 =	sld [smem:$0x3FAE];
	_ =	sdelay $0x3  }
0x37: {  	[smem:$0x3FAE] =	sst s10  }
0x38: {  	s10 =	sld [smem:$0x3FAF]  }
0x39: {  	_ = 	snop;
	(pc) =	sbr.ind lr, $3  }
0x3a: {  	_ = 	snop  }
0x3b: {  	_ = 	snop  }
0x3c: {  	p2 =	seq.s32 s10, $0x1;
	s10 =	sld [smem:$0x3FAE]  }
0x3d: {  	_ =	shalt  }
0x3e: {  	_ =	shalt  }
0x3f: {  	_ =	shalt  }
0x40: {  	_ =	shalt  }
0x41: {  	_ =	shalt  }
0x42: {  	_ =	shalt  }
0x43: {  	_ =	shalt  }
0x44: {  	_ =	shalt  }
0x45: {  	_ =	shalt  }
0x46: {  	_ =	shalt  }
0x47: {  	_ =	shalt  }
0x48: {  	_ =	shalt  }
0x49: {  	_ =	shalt  }
0x4a: {  	_ =	shalt  }
0x4b: {  	_ =	shalt  }
0x4c: {  	_ =	shalt  }
0x4d: {  	_ =	shalt  }
0x4e: {  	_ =	shalt  }
0x4f: {  	_ =	shalt  }
0x50: {  	_ =	shalt  }
0x51: {  	_ =	shalt  }
0x52: {  	_ =	shalt  }
0x53: {  	_ =	shalt  }
0x54: {  	_ =	shalt  }
0x55: {  	_ =	shalt  }
0x56: {  	_ =	shalt  }
0x57: {  	_ =	shalt  }
0x58: {  	_ =	shalt  }
0x59: {  	_ =	shalt  }
0x5a: {  	_ =	shalt  }
0x5b: {  	_ =	shalt  }
0x5c: {  	_ =	shalt  }
0x5d: {  	_ =	shalt  }
0x5e: {  	_ =	shalt  }
0x5f: {  	_ =	shalt  }
0x60: {  	_ =	shalt  }
0x61: {  	_ =	shalt  }
0x62: {  	_ =	shalt  }
0x63: {  	_ =	shalt  }
0x64: {  	_ =	shalt  }
0x65: {  	_ =	shalt  }
0x66: {  	_ =	shalt  }
0x67: {  	_ =	shalt  }
0x68: {  	_ =	shalt  }
0x69: {  	_ =	shalt  }
0x6a: {  	_ =	shalt  }
0x6b: {  	_ =	shalt  }
0x6c: {  	_ =	shalt  }
0x6d: {  	_ =	shalt  }
0x6e: {  	_ =	shalt  }
0x6f: {  	_ =	shalt  }
0x70: {  	_ =	shalt  }
0x71: {  	_ =	shalt  }
0x72: {  	_ =	shalt  }
0x73: {  	_ =	shalt  }
0x74: {  	_ =	shalt  }
0x75: {  	_ =	shalt  }
0x76: {  	_ =	shalt  }
0x77: {  	_ =	shalt  }
0x78: {  	_ =	shalt  }
0x79: {  	_ =	shalt  }
0x7a: {  	_ =	shalt  }
0x7b: {  	_ =	shalt  }
0x7c: {  	_ =	shalt  }
0x7d: {  	_ =	shalt  }
0x7e: {  	_ =	shalt  }
0x7f: {  	_ =	shalt  }
0x80: {  	_ =	shalt  }
0x81: {  	_ =	shalt  }
0x82: {  	_ =	shalt  }
0x83: {  	_ =	shalt  }
0x84: {  	_ =	shalt  }
0x85: {  	_ =	shalt  }
0x86: {  	_ =	shalt  }
0x87: {  	_ =	shalt  }
.Lfunc_end0:
.L_simem_size_0:
called_computation.3_lowered:
.L_overlay_start_0:
0x88: {  	s2 =	sld [smem:$0x3FD9]  }
0x89: {  	s3 =	sld [smem:$0x3FFE];
	_ =	sdelay $0x1  }
0x8a: {  	s1 =	srdreg.scid  }
0x8b: {  	s0 =	sand.u32 $0x1, s1  }
0x8c: {  	s17 =	sshll.u32 s0, $0xA;
	s2 =	sadd.s32 s3, s2  }
0x8d: {  	s2 =	sadd.s32 s2, s17  }
0x8e: {  	[smem:$0x3FBA] =	sst s2  }
0x8f: {  	_ = 	snop  }
0x90: {  	s18 =	sld [smem:$0x3FC4];
	(tm) =	ssettm $0x1  }
0x91: {  	s19 =	sld [smem:$0x3FFB];
	_ =	sdelay $0x3  }
0x92: {  	_ =	strace s19  }
0x93: {  	s2 =	sld [smem:$0x3FFC];
	_ =	sdelay $0x3  }
0x94: {  	_ =	strace s2  }
0x95: {  	s2 =	sld [smem:$0x3FFD];
	_ =	sdelay $0x3  }
0x96: {  	_ =	strace s2  }
0x97: {  	_ =	strace $0x8FFFFFFF  }
0x98: {  	s20 =	sld [smem:$0x3FDB];
	_ =	sdelay $0x1  }
0x99: {  	s4 =	simm.s32 $_scs_section_size  }
0x9a: {  	s5 =	simm.s32 $_size__tile_overlayer_lowered;
	s6 =	simm.s32 $_tile_overlayer_lowered  }
0x9b: {  	s7 =	simm.s32 $0x1BFF;
	s21 =	sshll.u32 s6, $0x1;
	s4 =	sadd.s32 s4, s20  }
0x9c: {  	s22 =	simm.s32 $0x0;
	s5 =	sshll.u32 s5, $0x1;
	s6 =	sadd.s32 s21, s4  }
0x9d: {  	[timem:s22], [sflag:s7] =	dma.local [hbm:s6], s5  }
0x9e: {  	_ =	swait.ge [sflag:s7], s5  }
0x9f: {  	s5 =	ssub.s32 $0x0, s5;
	[sflag:s7] =	ssyncset.done $0x0  }
0xa0: {  	[sflag:s7] =	ssyncadd.s32 s5;
	_ =	sdelay $0x1  }
0xa1: {  	s23 =	simm.s32 $0x1B8B  }
0xa2: {  	_ =	swait.ge [sflag:s23], $0x1  }
0xa3: {  	[sflag:s23] =	ssyncset.done $0x0  }
0xa4: {  	[sflag:s23] =	ssyncadd.s32 $0xFFFFFFFF  }
0xa5: {  	s5 =	sld [smem:$0x0]  }
0xa6: {  	s6 =	sand.u32 $0xFFFFFFFE, s1  }
0xa7: {  	p0 =	sne.s32 s1, s6  }
0xa8: {  	s6 =	sshll.u32 @p0 s6, $0xE  }
0xa9: {  	s6 =	sadd.s32 @p0 $0x11B8D, s6;
	s7 =	sshll.u32 @p0 s5, $0x11  }
0xaa: {  	s6 =	sor.u32 @p0 s7, s6  }
0xab: {  	[sflag:s6] =	ssyncadd.remote.s32 @p0 $0x1;
	_ =	sdelay $0x1  }
0xac: {  	s6 =	simm.s32 @p0 $0x1B8D  }
0xad: {  	_ =	swait.eq @p0 [sflag:s6], $0x1  }
0xae: {  	[sflag:s6] =	ssyncadd.s32 @p0 $0xFFFFFFFF  }
0xaf: {  	s7 =	sshll.u32 @!p0 s1, $0xE  }
0xb0: {  	s7 =	sor.u32 @!p0 $0x4000, s7;
	s6 =	simm.s32 @!p0 $0x1B8D  }
0xb1: {  	s5 =	sshll.u32 @!p0 s5, $0x11;
	s7 =	sadd.s32 @!p0 $0x11B8D, s7;
	_ =	swait.eq @!p0 [sflag:s6], $0x1  }
0xb2: {  	s5 =	sor.u32 @!p0 s5, s7;
	[sflag:s6] =	ssyncadd.s32 @!p0 $0xFFFFFFFF  }
0xb3: {  	s25 =	simm.s32 $0x1B8E;
	s24 =	sld [smem:$0x3FFE];
	[sflag:s5] =	ssyncadd.remote.s32 @!p0 $0x1  }
0xb4: {  	s26 =	simm.s32 $execute0_lowered;
	[smem:$0x3FD2] =	sst s25  }
0xb5: {  	s6 =	sshll.u32 s26, $0x1;
	_ =	strace $0x8000004F;
	[dreg:$0x1] =	wrdreg $0xFFFFFFFF  }
0xb6: {  	s28 =	simm.s32 $_size_execute0_lowered;
	s4 =	sadd.s32 s4, s6;
	[dreg:$0x0] =	wrdreg $0x0  }
0xb7: {  	s6 =	sshll.u32 s28, $0x1;
	[dreg:$0x2] =	wrdreg s4  }
0xb8: {  	[dreg:$0x3] =	wrdreg s6  }
0xb9: {  	[dreg:$0x4] =	wrdreg $0xC0  }
0xba: {  	_ =	task [dreg:s22], $0x5FFFF  }
0xbb: {  	[dreg:$0x1] =	wrdreg $0xFFFFFFFF  }
0xbc: {  	[dreg:$0x0] =	wrdreg $0x60  }
0xbd: {  	[dreg:$0x2] =	wrdreg s18  }
0xbe: {  	[dreg:$0x3] =	wrdreg s24  }
0xbf: {  	[dreg:$0x4] =	wrdreg $0xC  }
0xc0: {  	_ =	task.clear_ibuf [dreg:s22], $0x5FFFF;
	_ =	strace $0x9000004F  }
0xc1: {  	s29 =	simm.s32 $0xC;
	_ =	strace $0x80000051  }
0xc2: {  	_ =	swait.ge [sflag:s29], $0x1  }
0xc3: {  	[sflag:s29] =	ssyncadd.s32 $0xFFFFFFFF  }
0xc4: {  	_ =	strace $0x90000051  }
0xc5: {  	_ =	sfence  }
0xc6: {  	s30 =	sld [smem:$0x0];
	_ =	sdelay $0x2  }
0xc7: {  	s31 =	sshll.u32 s1, $0xD;
	s1 =	sshrl.u32 s1, $0x2  }
0xc8: {  	s4 =	sand.u32 $0x4000, s31;
	s1 =	sadd.s32 s1, s30  }
0xc9: {  	s0 =	sor.u32 s4, s0;
	s1 =	sshll.u32 s1, $0x11  }
0xca: {  	s0 =	sor.u32 s1, s0  }
0xcb: {  	s0 =	sadd.s32 $0x8F2B, s0  }
0xcc: {  	[sflag:s0] =	ssyncadd.remote.s32 $0x1  }
0xcd: {  	_ =	sfence.sel $0xFFFF  }
0xce: {  	[dreg:$0x0] =	wrdreg $0xFFFFFFFF;
	(pc) =	sbr.abs _section_cstart, $3  }
0xcf: {  	[dreg:$0x1] =	wrdreg $0xFFFFFFFF  }
0xd0: {  	_ =	task.clear_ibuf [dreg:s22], $0x2FFFF;
	_ =	strace $0x9FFFFFFF  }
0xd1: {  	(tm) =	ssettm $0x7FFFFFFF  }
tec
execute0_lowered:
.L_overlay_start_1:
0x0: {  	(tag) =	ssettag $0x1  }
0x1: {  	s1 =	srdreg.scid;
	s2 =	rddreg [dreg:$0x0]  }
0x2: {  	s0 =	stileid.u32;
	s5 =	rddreg [dreg:$0x1];
	s6 =	simm.s32 $0x1  }
0x3: {  	s9 =	simm.s32 $0x1;
	s10 =	simm.s32 $0x3;
	s1 =	sshll.u32 s1, $0x8  }
0x4: {  	s13 =	simm.s32 $0x0;
	s3 =	sshll.u32 s0, $0x9;
	s4 =	sand.u32 $0x100, s1  }
0x5: {  	s12 =	simm.s32 $0x0;
	s1 =	rddreg [dreg:$0x2];
	s3 =	sor.u32 s3, s4  }
0x6: {  	_ =	strace $0x80000050;
	s4 =	sadd.s32 $0xA00, s5;
	s8 =	ssub.s32 $0x4000, s3  }
.Ltmp0:
0x7: {  	s5 =	sadd.s32 $0x2C00, s5;
	s7 =	sand.u32 $0x1F00, s8;
	(pc) =	sbr.rel .LBB2_1-.Ltmp0, $4  }
0x8: {  	[sflag:s6] =	ssyncpa.u1 $0x0;
	s11 =	smov.u32 s3;
	p0 =	sne.s32 s7, $0x0  }
0x9: {  	s8 =	sshrl.u32 s8, $0xD;
	s7 =	simm.s32 $0x2;
	s9 =	simm.s32 @!p0 $0x0  }
0xa: {  	[sflag:s7] =	ssyncpa.u1 $0x0;
	p0 =	por $0x0, $0x0;
	s8 =	sadd.s32 s9, s8  }
0xb: {  	vm0 =	vmmov $0xffff;
	[sflag:s10] =	ssyncpa.u1 $0x0;
	s10 =	simm.s32 $0x0;
	s9 =	sadd.s32 $0x1, s8  }
.LBB2_4:
0xc: {  	v2 =	vnsel vm1, $0x0, v2  }
0xd: {  	vm1 =	vgt.s32 v0, $0x0;
	v2 =	vmin.u32 v2, $0x3FFF  }
0xe: {  	v0 =	vnsel vm1, $0x0, v0  }
0xf: {  	v0 =	vmin.u32 v0, $0x3FFF  }
0x10: {  	[tilespmem:s15], [sflag:$0x1] =	stream.indirect_vreg.gather [hbm4b:s2+s10], $0x1, v1, vm0, $0x4038;
	[tilespmem:$0x400] =	vst v63  }
0x11: {  	(ifvalue) =	ssetifvalue $0x7FFFFFFF  }
0x12: {  	[tilespmem:s16], [sflag:$0x1] =	stream.indirect_vreg.gather [hbm4b:s2+s10], $0x1, v2, vm0, $0x4038;
	[tilespmem:$0x400] =	vst v63  }
0x13: {  	s29 =	sadd.s32 $0x10, s16;
	(ifvalue) =	ssetifvalue $0x7FFFFFFF  }
0x14: {  	[tilespmem:s29], [sflag:$0x1] =	stream.indirect_vreg.gather [hbm4b:s2+s10], $0x1, v0, vm0, $0x4038;
	[tilespmem:$0x400] =	vst v63  }
0x15: {  	_ =	swait.ge [sflag:s6], $0x100  }
0x16: {  	s30 =	sshrl.u32 s13, $0x3;
	[sflag:s6] =	ssyncset.done $0x0  }
0x17: {  	s31 =	sand.u32 $0x7, s13;
	s15 =	sadd.s32 s5, s30;
	[sflag:s6] =	ssyncadd.s32 $0xFFFFFF00  }
0x18: {  	[hbm4b:s15+s31] =	stream.linear.scatter [tilespmem:s14], [sflag:$0x3], $0x100, $0x38;
	[tilespmem:$0x400] =	vst v63  }
.LBB2_5:
0x19: {  	s15 =	sadd.s32 $0x2000, s11  }
0x1a: {  	p2 =	sgt.s32 s15, $0x3FFF  }
0x1b: {  	s15 =	smov.u32 @p2 s3;
	p2 =	sne.s32 s12, s9  }
.Ltmp1:
0x1c: {  	p1 =	slt.u32 s12, $0x2;
	(pc) =	sbr.rel @!p2 .LBB2_6-.Ltmp1, $4  }
0x1d: {  	s14 =	simm.s32 @!p1 $0x3  }
0x1e: {  	s16 =	sadd.s32 $0x1, s12;
	_ =	swait.ge @!p1 [sflag:s14], $0x100  }
0x1f: {  	s13 =	smov.u32 s11;
	p0 =	por !p0, !p0;
	[sflag:s14] =	ssyncset.done @!p1 $0x0  }
0x20: {  	s12 =	smov.u32 s16;
	s11 =	smov.u32 s15;
	[sflag:s14] =	ssyncadd.s32 @!p1 $0xFFFFFF00  }
.LBB2_1:
0x21: {  	p1 =	sge.u32 s12, s8  }
0x22: {  	s14 =	sxor.u32 @!p1 $0xFFFFFFFF, s12  }
0x23: {  	s31 =	sadd.s32 $0xFFFFFFFF, s12;
	s15 =	sshrl.u32 @!p1 s11, $0x3;
	s14 =	sshll.u32 @!p1 s14, $0x8  }
0x24: {  	s16 =	sand.u32 @!p1 $0x7, s11;
	s15 =	sadd.s32 @!p1 s4, s15;
	s14 =	sand.u32 @!p1 $0x100, s14  }
0x25: {  	[tilespmem:s14], [sflag:$0x2] =	stream.linear.gather @!p1 [hbm4b:s15+s16], $0x100, $0x38;
	[tilespmem:$0x400] =	vst v63  }
0x26: {  	p1 =	sge.u32 s31, s8  }
.Ltmp2:
0x27: {  	_ = 	snop;
	(pc) =	sbr.rel @p1 .LBB2_5-.Ltmp2, $1  }
0x28: {  	_ =	sdelay $0x3  }
0x29: {  	s14 =	simm.s32 $0x1  }
0x2a: {  	_ =	swait.ge [sflag:s7], $0x100;
	s14 =	simm.s32 @!p0 $0x0  }
0x2b: {  	[sflag:s7] =	ssyncset.done $0x0;
	s14 =	sshll.u32 s14, $0x8  }
0x2c: {  	[sflag:s7] =	ssyncadd.s32 $0xFFFFFF00;
	(ifvalue) =	ssetifvalue $0x7FFFFFFF;
	v0 =	vld.msk [tilespmem:s14+$0x0 ss:$0x1], $0xffff;
	_ =	sdelay $0x4  }
0x2d: {  	s15 =	sadd.s32 $0x10, s14;
	vm1 =	vgt.s32 v0, $0x0  }
0x2e: {  	v2 =	vld.msk [tilespmem:s15+$0x0 ss:$0x1], $0xffff;
	v1 =	vnsel vm1, $0x0, v0  }
0x2f: {  	v1 =	vmin.u32 v1, $0x3FFF;
	_ =	sdelay $0x1  }
0x30: {  	s16 =	sshll.u32 s12, $0x8;
	s18 =	simm.s32 $0x20  }
0x31: {  	s16 =	sand.u32 $0x100, s16;
	s17 =	sadd.s32 $0x10, s15;
	s15 =	sor.u32 $0x200, s14  }
0x32: {  	s14 =	sor.u32 $0x200, s16;
	s16 =	sadd.s32 $0x10, s15;
	v0 =	vld.msk [tilespmem:s17+$0x0 ss:$0x1], $0xffff;
	vm1 =	vgt.s32 v2, $0x0;
	(ifvalue) =	ssetifvalue $0x7FFFFFFF  }
.LBB2_3:
0x33: {  	[tilespmem:s15], [sflag:$0x1] =	stream.indirect_vreg.gather [hbm4b:s2+s10], $0x1, v1, vm0, $0x4038;
	[tilespmem:$0x400] =	vst v63  }
0x34: {  	s18 =	sadd.s32 $0x10, s18  }
0x35: {  	v2 =	vnsel vm1, $0x0, v2;
	p1 =	slt.u32 s18, $0xF0  }
.Ltmp3:
0x36: {  	s15 =	smov.u32 s16;
	v1 =	vmin.u32 v2, $0x3FFF;
	(pc) =	sbr.rel @p1 .LBB2_3-.Ltmp3, $3  }
0x37: {  	_ =	sdelay $0x1  }
0x38: {  	s17 =	sadd.s32 $0x10, s17  }
0x39: {  	vm1 =	vgt.s32 v0, $0x0;
	s16 =	sadd.s32 $0x10, s16;
	v2 =	vmov v0;
	(ifvalue) =	ssetifvalue $0x7FFFFFFF;
	v0 =	vld.msk [tilespmem:s17+$0x0 ss:$0x1], $0xffff  }
.Ltmp4:
0x3a: {  	_ = 	snop;
	(pc) =	sbr.rel .LBB2_4-.Ltmp4, $1  }
0x3b: {  	_ =	sdelay $0x3  }
.LBB2_6:
0x3c: {  	_ =	sfence.sel $0x180000  }
0x3d: {  	s2 =	simm.s32 $0x2;
	[bflag:$0x0] =	sbarrier.arrive $0xFFFF  }
0x3e: {  	s30 =	simm.s32 $0x3;
	[sflag:s2] =	ssyncpa.u1 $0x1  }
0x3f: {  	s31 =	simm.s32 $0x1;
	[sflag:s30] =	ssyncpa.u1 $0x1  }
0x40: {  	[sflag:s31] =	ssyncpa.u1 $0x1  }
0x41: {  	p0 =	sne.s32 s0, $0x0;
	_ =	strace $0x90000050  }
0x42: {  	s0 =	sadd.s32 @!p0 $0x100000, s1;
	[bflag:$0x2] =	sbarrier.arrive $0xFFFF  }
0x43: {  	[sflag:s0] =	ssyncadd.tile.s32 @!p0 $0x1;
	_ =	shalt  }
.Lfunc_end2:
_tile_overlayer_lowered:
.L_overlay_start_2:
0x44: {  	(tag) =	ssettag $0x2  }
0x45: {  	s0 =	rddreg [dreg:$0x0];
	s2 =	stileid.u32  }
0x46: {  	s1 =	rddreg [dreg:$0x1];
	p0 =	sne.s32 s2, $0x0  }
0x47: {  	s3 =	rddreg [dreg:$0x2];
	[bflag:$0x3] =	sbarrier.arrive $0xFFFF;
	s2 =	simm.s32 @!p0 $0x1C01  }
0x48: {  	[timem:s3], [sflag:s2] =	dma.local @!p0 [hbm:s0], s1  }
0x49: {  	s0 =	simm.s32 @!p0 $0x1  }
0x4a: {  	_ =	swait.ge @!p0 [sflag:s0], s1  }
0x4b: {  	s1 =	ssub.s32 @!p0 $0x0, s1;
	[sflag:s0] =	ssyncset.done @!p0 $0x0  }
0x4c: {  	[sflag:s0] =	ssyncadd.s32 @!p0 s1  }
0x4d: {  	[bflag:$0x3] =	sbarrier.arrive $0xFFFF  }
0x4e: {  	_ =	shalt  }

// kernel: gather_offload_async_start.4
scs
__scs_entry_jumppad:
0x0: {  	(pc) =	sbr.rel $0x88, $3  }
0x1: {  	(tag) =	ssettag $0x0;
	lr =	simm.s32 $0x1  }
0x2: {  	[smem:$0x3F93] =	sst lr;
	_ =	strace $0xD0000000  }
0x3: {  	_ = 	snop  }
0x4: {  	_ = 	snop  }
0x5: {  	_ = 	snop  }
0x6: {  	_ = 	snop  }
0x7: {  	_ = 	snop  }
__scs_overlays_trampoline_lowered:
0x8: {  	[smem:$0x3FA2] =	sst s0  }
0x9: {  	[smem:$0x3FA3] =	sst s1  }
0xa: {  	[smem:$0x3FA4] =	sst s2  }
0xb: {  	[smem:$0x3FA5] =	sst s3  }
0xc: {  	[smem:$0x3FA6] =	sst s4  }
0xd: {  	[smem:$0x3FA7] =	sst s5  }
0xe: {  	[smem:$0x3FA8] =	sst s6  }
0xf: {  	[smem:$0x3FA9] =	sst s7  }
0x10: {  	[smem:$0x3FAA] =	sst s8  }
0x11: {  	[smem:$0x3FAB] =	sst s9;
	s0 =	simm.s32 @!p0 $0x0  }
0x12: {  	s1 =	sld [smem:$0x3F91];
	s0 =	simm.s32 @p0 $0x1  }
0x13: {  	[smem:$0x3FAC] =	sst s0;
	s0 =	simm.s32 @!p1 $0x0  }
0x14: {  	s2 =	sld [smem:$0x3F90];
	s0 =	simm.s32 @p1 $0x1  }
0x15: {  	[smem:$0x3FAD] =	sst s0;
	s0 =	simm.s32 @!p2 $0x0  }
0x16: {  	s3 =	sld [smem:$0x3FDB];
	s0 =	simm.s32 @p2 $0x1  }
0x17: {  	s4 =	simm.s32 $0x1BF5;
	[smem:$0x3FAF] =	sst s0  }
0x18: {  	s0 =	sld [smem:$0x3F92];
	_ =	swait.ge [sflag:s4], $0x0  }
0x19: {  	s7 =	sld [smem:$0x3F93]  }
0x1a: {  	s8 =	sadd.s32 $0xFFFFE003, lr  }
0x1b: {  	s9 =	sadd.s32 $0xFFFFFEF7, lr;
	s5 =	simm.s32 $0xFFFFFFFF;
	p2 =	slt.u32 s8, $0xFFFFF086  }
0x1c: {  	p1 =	slt.u32 s9, $0xF7A;
	s5 =	simm.s32 @!p2 $0x0  }
0x1d: {  	s5 =	simm.s32 @p1 $0x1;
	p0 =	seq.s32 s7, s2  }
0x1e: {  	s7 =	smul.u32 @!p0 $0xF7A, s2;
	p2 =	seq.s32 @!p0 s5, $0x0  }
0x1f: {  	s9 =	smul.u32 $0xF7A, s1;
	s8 =	simm.s32 @!p0 $0x1BF5;
	p2 =	por !p2, p0  }
0x20: {  	[sflag:s8] =	ssyncset.s32 @!p0 $0xFFFFF086;
	s6 =	sadd.s32 @!p0 s3, s7;
	s7 =	simm.s32 @!p0 $0x108  }
0x21: {  	s3 =	sadd.s32 s3, s9;
	s6 =	sadd.s32 @!p0 $0x88, s6;
	s7 =	simm.s32 @p2 $0x1082  }
0x22: {  	[simem:s7], [sflag:s8] =	dma.local @!p0 [hbm:s6], $0xF7A  }
0x23: {  	s9 =	sor.u32 $0xD0000000, s2;
	s6 =	simm.s32 $0x108;
	_ =	swait.ge @!p0 [sflag:s8], $0x0  }
0x24: {  	s3 =	sadd.s32 $0x88, s3;
	s6 =	simm.s32 @!p1 $0x1082;
	[sflag:s4] =	ssyncset.s32 $0xFFFFF086  }
0x25: {  	[simem:s6], [sflag:s4] =	dma.local [hbm:s3], $0xF7A  }
0x26: {  	[smem:$0x3F93] =	sst s1;
	(tag) =	ssettag s2;
	_ =	strace s9  }
0x27: {  	s1 =	sld [smem:$0x3FA3]  }
0x28: {  	s2 =	sld [smem:$0x3FA4]  }
0x29: {  	s4 =	sld [smem:$0x3FA6]  }
0x2a: {  	p0 =	seq.s32 s5, $0x0;
	s5 =	sld [smem:$0x3FA7]  }
0x2b: {  	s6 =	sld [smem:$0x3FA8]  }
0x2c: {  	s7 =	sld [smem:$0x3FA9]  }
0x2d: {  	s3 =	simm.s32 $0x108;
	s8 =	sld [smem:$0x3FAA]  }
0x2e: {  	s3 =	simm.s32 @!p0 $0x1082;
	s9 =	sld [smem:$0x3FAB]  }
0x2f: {  	lr =	sadd.s32 s0, s3;
	s0 =	sld [smem:$0x3FA2]  }
0x30: {  	s3 =	sld [smem:$0x3FA5]  }
0x31: {  	[smem:$0x3FAE] =	sst s10  }
0x32: {  	s10 =	sld [smem:$0x3FAC];
	_ =	sdelay $0x3  }
0x33: {  	p0 =	seq.s32 s10, $0x1;
	s10 =	sld [smem:$0x3FAE];
	_ =	sdelay $0x3  }
0x34: {  	[smem:$0x3FAE] =	sst s10  }
0x35: {  	s10 =	sld [smem:$0x3FAD];
	_ =	sdelay $0x3  }
0x36: {  	p1 =	seq.s32 s10, $0x1;
	s10 =	sld [smem:$0x3FAE];
	_ =	sdelay $0x3  }
0x37: {  	[smem:$0x3FAE] =	sst s10  }
0x38: {  	s10 =	sld [smem:$0x3FAF]  }
0x39: {  	_ = 	snop;
	(pc) =	sbr.ind lr, $3  }
0x3a: {  	_ = 	snop  }
0x3b: {  	_ = 	snop  }
0x3c: {  	p2 =	seq.s32 s10, $0x1;
	s10 =	sld [smem:$0x3FAE]  }
0x3d: {  	_ =	shalt  }
0x3e: {  	_ =	shalt  }
0x3f: {  	_ =	shalt  }
0x40: {  	_ =	shalt  }
0x41: {  	_ =	shalt  }
0x42: {  	_ =	shalt  }
0x43: {  	_ =	shalt  }
0x44: {  	_ =	shalt  }
0x45: {  	_ =	shalt  }
0x46: {  	_ =	shalt  }
0x47: {  	_ =	shalt  }
0x48: {  	_ =	shalt  }
0x49: {  	_ =	shalt  }
0x4a: {  	_ =	shalt  }
0x4b: {  	_ =	shalt  }
0x4c: {  	_ =	shalt  }
0x4d: {  	_ =	shalt  }
0x4e: {  	_ =	shalt  }
0x4f: {  	_ =	shalt  }
0x50: {  	_ =	shalt  }
0x51: {  	_ =	shalt  }
0x52: {  	_ =	shalt  }
0x53: {  	_ =	shalt  }
0x54: {  	_ =	shalt  }
0x55: {  	_ =	shalt  }
0x56: {  	_ =	shalt  }
0x57: {  	_ =	shalt  }
0x58: {  	_ =	shalt  }
0x59: {  	_ =	shalt  }
0x5a: {  	_ =	shalt  }
0x5b: {  	_ =	shalt  }
0x5c: {  	_ =	shalt  }
0x5d: {  	_ =	shalt  }
0x5e: {  	_ =	shalt  }
0x5f: {  	_ =	shalt  }
0x60: {  	_ =	shalt  }
0x61: {  	_ =	shalt  }
0x62: {  	_ =	shalt  }
0x63: {  	_ =	shalt  }
0x64: {  	_ =	shalt  }
0x65: {  	_ =	shalt  }
0x66: {  	_ =	shalt  }
0x67: {  	_ =	shalt  }
0x68: {  	_ =	shalt  }
0x69: {  	_ =	shalt  }
0x6a: {  	_ =	shalt  }
0x6b: {  	_ =	shalt  }
0x6c: {  	_ =	shalt  }
0x6d: {  	_ =	shalt  }
0x6e: {  	_ =	shalt  }
0x6f: {  	_ =	shalt  }
0x70: {  	_ =	shalt  }
0x71: {  	_ =	shalt  }
0x72: {  	_ =	shalt  }
0x73: {  	_ =	shalt  }
0x74: {  	_ =	shalt  }
0x75: {  	_ =	shalt  }
0x76: {  	_ =	shalt  }
0x77: {  	_ =	shalt  }
0x78: {  	_ =	shalt  }
0x79: {  	_ =	shalt  }
0x7a: {  	_ =	shalt  }
0x7b: {  	_ =	shalt  }
0x7c: {  	_ =	shalt  }
0x7d: {  	_ =	shalt  }
0x7e: {  	_ =	shalt  }
0x7f: {  	_ =	shalt  }
0x80: {  	_ =	shalt  }
0x81: {  	_ =	shalt  }
0x82: {  	_ =	shalt  }
0x83: {  	_ =	shalt  }
0x84: {  	_ =	shalt  }
0x85: {  	_ =	shalt  }
0x86: {  	_ =	shalt  }
0x87: {  	_ =	shalt  }
.Lfunc_end0:
.L_simem_size_0:
called_computation.4_lowered:
.L_overlay_start_0:
0x88: {  	s2 =	sld [smem:$0x3FD9]  }
0x89: {  	s3 =	sld [smem:$0x3FFE];
	_ =	sdelay $0x1  }
0x8a: {  	s1 =	srdreg.scid  }
0x8b: {  	s0 =	sand.u32 $0x1, s1  }
0x8c: {  	s17 =	sshll.u32 s0, $0xA;
	s2 =	sadd.s32 s3, s2  }
0x8d: {  	s2 =	sadd.s32 s2, s17  }
0x8e: {  	[smem:$0x3FBA] =	sst s2  }
0x8f: {  	_ = 	snop  }
0x90: {  	s18 =	sld [smem:$0x3FC1];
	(tm) =	ssettm $0x1  }
0x91: {  	s19 =	sld [smem:$0x3FFB];
	_ =	sdelay $0x3  }
0x92: {  	_ =	strace s19  }
0x93: {  	s2 =	sld [smem:$0x3FFC];
	_ =	sdelay $0x3  }
0x94: {  	_ =	strace s2  }
0x95: {  	s2 =	sld [smem:$0x3FFD];
	_ =	sdelay $0x3  }
0x96: {  	_ =	strace s2  }
0x97: {  	_ =	strace $0x8FFFFFFF  }
0x98: {  	s20 =	sld [smem:$0x3FDB];
	_ =	sdelay $0x1  }
0x99: {  	s4 =	simm.s32 $_scs_section_size  }
0x9a: {  	s5 =	simm.s32 $_size__tile_overlayer_lowered;
	s6 =	simm.s32 $_tile_overlayer_lowered  }
0x9b: {  	s7 =	simm.s32 $0x1BFF;
	s21 =	sshll.u32 s6, $0x1;
	s4 =	sadd.s32 s4, s20  }
0x9c: {  	s22 =	simm.s32 $0x0;
	s5 =	sshll.u32 s5, $0x1;
	s6 =	sadd.s32 s21, s4  }
0x9d: {  	[timem:s22], [sflag:s7] =	dma.local [hbm:s6], s5  }
0x9e: {  	_ =	swait.ge [sflag:s7], s5  }
0x9f: {  	s5 =	ssub.s32 $0x0, s5;
	[sflag:s7] =	ssyncset.done $0x0  }
0xa0: {  	[sflag:s7] =	ssyncadd.s32 s5;
	_ =	sdelay $0x1  }
0xa1: {  	s23 =	simm.s32 $0x1B8B  }
0xa2: {  	_ =	swait.ge [sflag:s23], $0x1  }
0xa3: {  	[sflag:s23] =	ssyncset.done $0x0  }
0xa4: {  	[sflag:s23] =	ssyncadd.s32 $0xFFFFFFFF  }
0xa5: {  	s5 =	sld [smem:$0x0]  }
0xa6: {  	s6 =	sand.u32 $0xFFFFFFFE, s1  }
0xa7: {  	p0 =	sne.s32 s1, s6  }
0xa8: {  	s6 =	sshll.u32 @p0 s6, $0xE  }
0xa9: {  	s6 =	sadd.s32 @p0 $0x11B8D, s6;
	s7 =	sshll.u32 @p0 s5, $0x11  }
0xaa: {  	s6 =	sor.u32 @p0 s7, s6  }
0xab: {  	[sflag:s6] =	ssyncadd.remote.s32 @p0 $0x1;
	_ =	sdelay $0x1  }
0xac: {  	s6 =	simm.s32 @p0 $0x1B8D  }
0xad: {  	_ =	swait.eq @p0 [sflag:s6], $0x1  }
0xae: {  	[sflag:s6] =	ssyncadd.s32 @p0 $0xFFFFFFFF  }
0xaf: {  	s7 =	sshll.u32 @!p0 s1, $0xE  }
0xb0: {  	s7 =	sor.u32 @!p0 $0x4000, s7;
	s6 =	simm.s32 @!p0 $0x1B8D  }
0xb1: {  	s5 =	sshll.u32 @!p0 s5, $0x11;
	s7 =	sadd.s32 @!p0 $0x11B8D, s7;
	_ =	swait.eq @!p0 [sflag:s6], $0x1  }
0xb2: {  	s5 =	sor.u32 @!p0 s5, s7;
	[sflag:s6] =	ssyncadd.s32 @!p0 $0xFFFFFFFF  }
0xb3: {  	s25 =	simm.s32 $0x1B8E;
	s24 =	sld [smem:$0x3FFE];
	[sflag:s5] =	ssyncadd.remote.s32 @!p0 $0x1  }
0xb4: {  	s26 =	simm.s32 $execute0_lowered;
	[smem:$0x3FD2] =	sst s25  }
0xb5: {  	s6 =	sshll.u32 s26, $0x1;
	_ =	strace $0x80000052;
	[dreg:$0x1] =	wrdreg $0xFFFFFFFF  }
0xb6: {  	s28 =	simm.s32 $_size_execute0_lowered;
	s4 =	sadd.s32 s4, s6;
	[dreg:$0x0] =	wrdreg $0x0  }
0xb7: {  	s6 =	sshll.u32 s28, $0x1;
	[dreg:$0x2] =	wrdreg s4  }
0xb8: {  	[dreg:$0x3] =	wrdreg s6  }
0xb9: {  	[dreg:$0x4] =	wrdreg $0xC0  }
0xba: {  	_ =	task [dreg:s22], $0x5FFFF  }
0xbb: {  	[dreg:$0x1] =	wrdreg $0xFFFFFFFF  }
0xbc: {  	[dreg:$0x0] =	wrdreg $0x60  }
0xbd: {  	[dreg:$0x2] =	wrdreg s18  }
0xbe: {  	[dreg:$0x3] =	wrdreg s24  }
0xbf: {  	[dreg:$0x4] =	wrdreg $0xD  }
0xc0: {  	_ =	task.clear_ibuf [dreg:s22], $0x5FFFF;
	_ =	strace $0x90000052  }
0xc1: {  	s29 =	simm.s32 $0xD;
	_ =	strace $0x80000054  }
0xc2: {  	_ =	swait.ge [sflag:s29], $0x1  }
0xc3: {  	[sflag:s29] =	ssyncadd.s32 $0xFFFFFFFF  }
0xc4: {  	_ =	strace $0x90000054  }
0xc5: {  	_ =	sfence  }
0xc6: {  	s30 =	sld [smem:$0x0];
	_ =	sdelay $0x2  }
0xc7: {  	s31 =	sshll.u32 s1, $0xD;
	s1 =	sshrl.u32 s1, $0x2  }
0xc8: {  	s4 =	sand.u32 $0x4000, s31;
	s1 =	sadd.s32 s1, s30  }
0xc9: {  	s0 =	sor.u32 s4, s0;
	s1 =	sshll.u32 s1, $0x11  }
0xca: {  	s0 =	sor.u32 s1, s0  }
0xcb: {  	s0 =	sadd.s32 $0x8F2B, s0  }
0xcc: {  	[sflag:s0] =	ssyncadd.remote.s32 $0x1  }
0xcd: {  	_ =	sfence.sel $0xFFFF  }
0xce: {  	[dreg:$0x0] =	wrdreg $0xFFFFFFFF;
	(pc) =	sbr.abs _section_cstart, $3  }
0xcf: {  	[dreg:$0x1] =	wrdreg $0xFFFFFFFF  }
0xd0: {  	_ =	task.clear_ibuf [dreg:s22], $0x2FFFF;
	_ =	strace $0x9FFFFFFF  }
0xd1: {  	(tm) =	ssettm $0x7FFFFFFF  }
tec
execute0_lowered:
.L_overlay_start_1:
0x0: {  	(tag) =	ssettag $0x1  }
0x1: {  	s1 =	srdreg.scid;
	s2 =	rddreg [dreg:$0x0]  }
0x2: {  	s0 =	stileid.u32;
	s5 =	rddreg [dreg:$0x1];
	s6 =	simm.s32 $0x1  }
0x3: {  	s9 =	simm.s32 $0x1;
	s10 =	simm.s32 $0x3;
	s1 =	sshll.u32 s1, $0x6  }
0x4: {  	s13 =	simm.s32 $0x0;
	s3 =	sshll.u32 s0, $0x7;
	s4 =	sand.u32 $0x40, s1  }
0x5: {  	s12 =	simm.s32 $0x0;
	s1 =	rddreg [dreg:$0x2];
	s3 =	sor.u32 s3, s4  }
0x6: {  	_ =	strace $0x80000053;
	s4 =	sadd.s32 $0x1A00, s5;
	s8 =	ssub.s32 $0x1000, s3  }
.Ltmp0:
0x7: {  	s5 =	sadd.s32 $0x3400, s5;
	s7 =	sand.u32 $0x7C0, s8;
	(pc) =	sbr.rel .LBB2_1-.Ltmp0, $4  }
0x8: {  	[sflag:s6] =	ssyncpa.u1 $0x0;
	s11 =	smov.u32 s3;
	p0 =	sne.s32 s7, $0x0  }
0x9: {  	s8 =	sshrl.u32 s8, $0xB;
	s7 =	simm.s32 $0x2;
	s9 =	simm.s32 @!p0 $0x0  }
0xa: {  	[sflag:s7] =	ssyncpa.u1 $0x0;
	p0 =	por $0x0, $0x0;
	s8 =	sadd.s32 s9, s8  }
0xb: {  	vm0 =	vmmov $0xffff;
	[sflag:s10] =	ssyncpa.u1 $0x0;
	s10 =	simm.s32 $0x0;
	s9 =	sadd.s32 $0x1, s8  }
.LBB2_4:
0xc: {  	v2 =	vnsel vm1, $0x0, v2  }
0xd: {  	vm1 =	vgt.s32 v0, $0x0;
	v2 =	vmin.u32 v2, $0xFFF  }
0xe: {  	v0 =	vnsel vm1, $0x0, v0  }
0xf: {  	v0 =	vmin.u32 v0, $0xFFF  }
0x10: {  	[tilespmem:s15], [sflag:$0x1] =	stream.indirect_vreg.gather [hbm4b:s2+s10], $0x1, v1, vm0, $0x4038;
	[tilespmem:$0x100] =	vst v63  }
0x11: {  	(ifvalue) =	ssetifvalue $0x7FFFFFFF  }
0x12: {  	[tilespmem:s16], [sflag:$0x1] =	stream.indirect_vreg.gather [hbm4b:s2+s10], $0x1, v2, vm0, $0x4038;
	[tilespmem:$0x100] =	vst v63  }
0x13: {  	s29 =	sadd.s32 $0x10, s16;
	(ifvalue) =	ssetifvalue $0x7FFFFFFF  }
0x14: {  	[tilespmem:s29], [sflag:$0x1] =	stream.indirect_vreg.gather [hbm4b:s2+s10], $0x1, v0, vm0, $0x4038;
	[tilespmem:$0x100] =	vst v63  }
0x15: {  	_ =	swait.ge [sflag:s6], $0x40  }
0x16: {  	s30 =	sshrl.u32 s13, $0x3;
	[sflag:s6] =	ssyncset.done $0x0  }
0x17: {  	s31 =	sand.u32 $0x7, s13;
	s15 =	sadd.s32 s5, s30;
	[sflag:s6] =	ssyncadd.s32 $0xFFFFFFC0  }
0x18: {  	[hbm4b:s15+s31] =	stream.linear.scatter [tilespmem:s14], [sflag:$0x3], $0x40, $0x38;
	[tilespmem:$0x100] =	vst v63  }
.LBB2_5:
0x19: {  	s15 =	sadd.s32 $0x800, s11  }
0x1a: {  	p2 =	sgt.s32 s15, $0xFFF  }
0x1b: {  	s15 =	smov.u32 @p2 s3;
	p2 =	sne.s32 s12, s9  }
.Ltmp1:
0x1c: {  	p1 =	slt.u32 s12, $0x2;
	(pc) =	sbr.rel @!p2 .LBB2_6-.Ltmp1, $4  }
0x1d: {  	s14 =	simm.s32 @!p1 $0x3  }
0x1e: {  	s16 =	sadd.s32 $0x1, s12;
	_ =	swait.ge @!p1 [sflag:s14], $0x40  }
0x1f: {  	s13 =	smov.u32 s11;
	p0 =	por !p0, !p0;
	[sflag:s14] =	ssyncset.done @!p1 $0x0  }
0x20: {  	s12 =	smov.u32 s16;
	s11 =	smov.u32 s15;
	[sflag:s14] =	ssyncadd.s32 @!p1 $0xFFFFFFC0  }
.LBB2_1:
0x21: {  	p1 =	sge.u32 s12, s8  }
0x22: {  	s14 =	sxor.u32 @!p1 $0xFFFFFFFF, s12  }
0x23: {  	s31 =	sadd.s32 $0xFFFFFFFF, s12;
	s15 =	sshrl.u32 @!p1 s11, $0x3;
	s14 =	sshll.u32 @!p1 s14, $0x6  }
0x24: {  	s16 =	sand.u32 @!p1 $0x7, s11;
	s15 =	sadd.s32 @!p1 s4, s15;
	s14 =	sand.u32 @!p1 $0x40, s14  }
0x25: {  	[tilespmem:s14], [sflag:$0x2] =	stream.linear.gather @!p1 [hbm4b:s15+s16], $0x40, $0x38;
	[tilespmem:$0x100] =	vst v63  }
0x26: {  	p1 =	sge.u32 s31, s8  }
.Ltmp2:
0x27: {  	_ = 	snop;
	(pc) =	sbr.rel @p1 .LBB2_5-.Ltmp2, $1  }
0x28: {  	_ =	sdelay $0x3  }
0x29: {  	s14 =	simm.s32 $0x1  }
0x2a: {  	_ =	swait.ge [sflag:s7], $0x40;
	s14 =	simm.s32 @!p0 $0x0  }
0x2b: {  	[sflag:s7] =	ssyncset.done $0x0;
	s14 =	sshll.u32 s14, $0x6  }
0x2c: {  	[sflag:s7] =	ssyncadd.s32 $0xFFFFFFC0;
	(ifvalue) =	ssetifvalue $0x7FFFFFFF;
	v0 =	vld.msk [tilespmem:s14+$0x0 ss:$0x1], $0xffff;
	_ =	sdelay $0x4  }
0x2d: {  	s15 =	sadd.s32 $0x10, s14;
	vm1 =	vgt.s32 v0, $0x0  }
0x2e: {  	v2 =	vld.msk [tilespmem:s15+$0x0 ss:$0x1], $0xffff;
	v1 =	vnsel vm1, $0x0, v0  }
0x2f: {  	v1 =	vmin.u32 v1, $0xFFF;
	_ =	sdelay $0x1  }
0x30: {  	s16 =	sshll.u32 s12, $0x6;
	s18 =	simm.s32 $0x20  }
0x31: {  	s16 =	sand.u32 $0x40, s16;
	s17 =	sadd.s32 $0x10, s15;
	s15 =	sor.u32 $0x80, s14  }
0x32: {  	s14 =	sor.u32 $0x80, s16;
	s16 =	sadd.s32 $0x10, s15;
	v0 =	vld.msk [tilespmem:s17+$0x0 ss:$0x1], $0xffff;
	vm1 =	vgt.s32 v2, $0x0;
	(ifvalue) =	ssetifvalue $0x7FFFFFFF  }
.LBB2_3:
0x33: {  	[tilespmem:s15], [sflag:$0x1] =	stream.indirect_vreg.gather [hbm4b:s2+s10], $0x1, v1, vm0, $0x4038;
	[tilespmem:$0x100] =	vst v63  }
0x34: {  	s18 =	sadd.s32 $0x10, s18  }
0x35: {  	v2 =	vnsel vm1, $0x0, v2;
	p1 =	slt.u32 s18, $0x30  }
.Ltmp3:
0x36: {  	s15 =	smov.u32 s16;
	v1 =	vmin.u32 v2, $0xFFF;
	(pc) =	sbr.rel @p1 .LBB2_3-.Ltmp3, $3  }
0x37: {  	_ =	sdelay $0x1  }
0x38: {  	s17 =	sadd.s32 $0x10, s17  }
0x39: {  	vm1 =	vgt.s32 v0, $0x0;
	s16 =	sadd.s32 $0x10, s16;
	v2 =	vmov v0;
	(ifvalue) =	ssetifvalue $0x7FFFFFFF;
	v0 =	vld.msk [tilespmem:s17+$0x0 ss:$0x1], $0xffff  }
.Ltmp4:
0x3a: {  	_ = 	snop;
	(pc) =	sbr.rel .LBB2_4-.Ltmp4, $1  }
0x3b: {  	_ =	sdelay $0x3  }
.LBB2_6:
0x3c: {  	_ =	sfence.sel $0x180000  }
0x3d: {  	s2 =	simm.s32 $0x2;
	[bflag:$0x0] =	sbarrier.arrive $0xFFFF  }
0x3e: {  	s30 =	simm.s32 $0x3;
	[sflag:s2] =	ssyncpa.u1 $0x1  }
0x3f: {  	s31 =	simm.s32 $0x1;
	[sflag:s30] =	ssyncpa.u1 $0x1  }
0x40: {  	[sflag:s31] =	ssyncpa.u1 $0x1  }
0x41: {  	p0 =	sne.s32 s0, $0x0;
	_ =	strace $0x90000053  }
0x42: {  	s0 =	sadd.s32 @!p0 $0x100000, s1;
	[bflag:$0x2] =	sbarrier.arrive $0xFFFF  }
0x43: {  	[sflag:s0] =	ssyncadd.tile.s32 @!p0 $0x1;
	_ =	shalt  }
.Lfunc_end2:
_tile_overlayer_lowered:
.L_overlay_start_2:
0x44: {  	(tag) =	ssettag $0x2  }
0x45: {  	s0 =	rddreg [dreg:$0x0];
	s2 =	stileid.u32  }
0x46: {  	s1 =	rddreg [dreg:$0x1];
	p0 =	sne.s32 s2, $0x0  }
0x47: {  	s3 =	rddreg [dreg:$0x2];
	[bflag:$0x3] =	sbarrier.arrive $0xFFFF;
	s2 =	simm.s32 @!p0 $0x1C01  }
0x48: {  	[timem:s3], [sflag:s2] =	dma.local @!p0 [hbm:s0], s1  }
0x49: {  	s0 =	simm.s32 @!p0 $0x1  }
0x4a: {  	_ =	swait.ge @!p0 [sflag:s0], s1  }
0x4b: {  	s1 =	ssub.s32 @!p0 $0x0, s1;
	[sflag:s0] =	ssyncset.done @!p0 $0x0  }
0x4c: {  	[sflag:s0] =	ssyncadd.s32 @!p0 s1  }
0x4d: {  	[bflag:$0x3] =	sbarrier.arrive $0xFFFF  }
0x4e: {  	_ =	shalt  }

// kernel: gather_offload_async_start.5
scs
__scs_entry_jumppad:
0x0: {  	(pc) =	sbr.rel $0x88, $3  }
0x1: {  	(tag) =	ssettag $0x0;
	lr =	simm.s32 $0x1  }
0x2: {  	[smem:$0x3F93] =	sst lr;
	_ =	strace $0xD0000000  }
0x3: {  	_ = 	snop  }
0x4: {  	_ = 	snop  }
0x5: {  	_ = 	snop  }
0x6: {  	_ = 	snop  }
0x7: {  	_ = 	snop  }
__scs_overlays_trampoline_lowered:
0x8: {  	[smem:$0x3FA2] =	sst s0  }
0x9: {  	[smem:$0x3FA3] =	sst s1  }
0xa: {  	[smem:$0x3FA4] =	sst s2  }
0xb: {  	[smem:$0x3FA5] =	sst s3  }
0xc: {  	[smem:$0x3FA6] =	sst s4  }
0xd: {  	[smem:$0x3FA7] =	sst s5  }
0xe: {  	[smem:$0x3FA8] =	sst s6  }
0xf: {  	[smem:$0x3FA9] =	sst s7  }
0x10: {  	[smem:$0x3FAA] =	sst s8  }
0x11: {  	[smem:$0x3FAB] =	sst s9;
	s0 =	simm.s32 @!p0 $0x0  }
0x12: {  	s1 =	sld [smem:$0x3F91];
	s0 =	simm.s32 @p0 $0x1  }
0x13: {  	[smem:$0x3FAC] =	sst s0;
	s0 =	simm.s32 @!p1 $0x0  }
0x14: {  	s2 =	sld [smem:$0x3F90];
	s0 =	simm.s32 @p1 $0x1  }
0x15: {  	[smem:$0x3FAD] =	sst s0;
	s0 =	simm.s32 @!p2 $0x0  }
0x16: {  	s3 =	sld [smem:$0x3FDB];
	s0 =	simm.s32 @p2 $0x1  }
0x17: {  	s4 =	simm.s32 $0x1BF5;
	[smem:$0x3FAF] =	sst s0  }
0x18: {  	s0 =	sld [smem:$0x3F92];
	_ =	swait.ge [sflag:s4], $0x0  }
0x19: {  	s7 =	sld [smem:$0x3F93]  }
0x1a: {  	s8 =	sadd.s32 $0xFFFFE003, lr  }
0x1b: {  	s9 =	sadd.s32 $0xFFFFFEF7, lr;
	s5 =	simm.s32 $0xFFFFFFFF;
	p2 =	slt.u32 s8, $0xFFFFF086  }
0x1c: {  	p1 =	slt.u32 s9, $0xF7A;
	s5 =	simm.s32 @!p2 $0x0  }
0x1d: {  	s5 =	simm.s32 @p1 $0x1;
	p0 =	seq.s32 s7, s2  }
0x1e: {  	s7 =	smul.u32 @!p0 $0xF7A, s2;
	p2 =	seq.s32 @!p0 s5, $0x0  }
0x1f: {  	s9 =	smul.u32 $0xF7A, s1;
	s8 =	simm.s32 @!p0 $0x1BF5;
	p2 =	por !p2, p0  }
0x20: {  	[sflag:s8] =	ssyncset.s32 @!p0 $0xFFFFF086;
	s6 =	sadd.s32 @!p0 s3, s7;
	s7 =	simm.s32 @!p0 $0x108  }
0x21: {  	s3 =	sadd.s32 s3, s9;
	s6 =	sadd.s32 @!p0 $0x88, s6;
	s7 =	simm.s32 @p2 $0x1082  }
0x22: {  	[simem:s7], [sflag:s8] =	dma.local @!p0 [hbm:s6], $0xF7A  }
0x23: {  	s9 =	sor.u32 $0xD0000000, s2;
	s6 =	simm.s32 $0x108;
	_ =	swait.ge @!p0 [sflag:s8], $0x0  }
0x24: {  	s3 =	sadd.s32 $0x88, s3;
	s6 =	simm.s32 @!p1 $0x1082;
	[sflag:s4] =	ssyncset.s32 $0xFFFFF086  }
0x25: {  	[simem:s6], [sflag:s4] =	dma.local [hbm:s3], $0xF7A  }
0x26: {  	[smem:$0x3F93] =	sst s1;
	(tag) =	ssettag s2;
	_ =	strace s9  }
0x27: {  	s1 =	sld [smem:$0x3FA3]  }
0x28: {  	s2 =	sld [smem:$0x3FA4]  }
0x29: {  	s4 =	sld [smem:$0x3FA6]  }
0x2a: {  	p0 =	seq.s32 s5, $0x0;
	s5 =	sld [smem:$0x3FA7]  }
0x2b: {  	s6 =	sld [smem:$0x3FA8]  }
0x2c: {  	s7 =	sld [smem:$0x3FA9]  }
0x2d: {  	s3 =	simm.s32 $0x108;
	s8 =	sld [smem:$0x3FAA]  }
0x2e: {  	s3 =	simm.s32 @!p0 $0x1082;
	s9 =	sld [smem:$0x3FAB]  }
0x2f: {  	lr =	sadd.s32 s0, s3;
	s0 =	sld [smem:$0x3FA2]  }
0x30: {  	s3 =	sld [smem:$0x3FA5]  }
0x31: {  	[smem:$0x3FAE] =	sst s10  }
0x32: {  	s10 =	sld [smem:$0x3FAC];
	_ =	sdelay $0x3  }
0x33: {  	p0 =	seq.s32 s10, $0x1;
	s10 =	sld [smem:$0x3FAE];
	_ =	sdelay $0x3  }
0x34: {  	[smem:$0x3FAE] =	sst s10  }
0x35: {  	s10 =	sld [smem:$0x3FAD];
	_ =	sdelay $0x3  }
0x36: {  	p1 =	seq.s32 s10, $0x1;
	s10 =	sld [smem:$0x3FAE];
	_ =	sdelay $0x3  }
0x37: {  	[smem:$0x3FAE] =	sst s10  }
0x38: {  	s10 =	sld [smem:$0x3FAF]  }
0x39: {  	_ = 	snop;
	(pc) =	sbr.ind lr, $3  }
0x3a: {  	_ = 	snop  }
0x3b: {  	_ = 	snop  }
0x3c: {  	p2 =	seq.s32 s10, $0x1;
	s10 =	sld [smem:$0x3FAE]  }
0x3d: {  	_ =	shalt  }
0x3e: {  	_ =	shalt  }
0x3f: {  	_ =	shalt  }
0x40: {  	_ =	shalt  }
0x41: {  	_ =	shalt  }
0x42: {  	_ =	shalt  }
0x43: {  	_ =	shalt  }
0x44: {  	_ =	shalt  }
0x45: {  	_ =	shalt  }
0x46: {  	_ =	shalt  }
0x47: {  	_ =	shalt  }
0x48: {  	_ =	shalt  }
0x49: {  	_ =	shalt  }
0x4a: {  	_ =	shalt  }
0x4b: {  	_ =	shalt  }
0x4c: {  	_ =	shalt  }
0x4d: {  	_ =	shalt  }
0x4e: {  	_ =	shalt  }
0x4f: {  	_ =	shalt  }
0x50: {  	_ =	shalt  }
0x51: {  	_ =	shalt  }
0x52: {  	_ =	shalt  }
0x53: {  	_ =	shalt  }
0x54: {  	_ =	shalt  }
0x55: {  	_ =	shalt  }
0x56: {  	_ =	shalt  }
0x57: {  	_ =	shalt  }
0x58: {  	_ =	shalt  }
0x59: {  	_ =	shalt  }
0x5a: {  	_ =	shalt  }
0x5b: {  	_ =	shalt  }
0x5c: {  	_ =	shalt  }
0x5d: {  	_ =	shalt  }
0x5e: {  	_ =	shalt  }
0x5f: {  	_ =	shalt  }
0x60: {  	_ =	shalt  }
0x61: {  	_ =	shalt  }
0x62: {  	_ =	shalt  }
0x63: {  	_ =	shalt  }
0x64: {  	_ =	shalt  }
0x65: {  	_ =	shalt  }
0x66: {  	_ =	shalt  }
0x67: {  	_ =	shalt  }
0x68: {  	_ =	shalt  }
0x69: {  	_ =	shalt  }
0x6a: {  	_ =	shalt  }
0x6b: {  	_ =	shalt  }
0x6c: {  	_ =	shalt  }
0x6d: {  	_ =	shalt  }
0x6e: {  	_ =	shalt  }
0x6f: {  	_ =	shalt  }
0x70: {  	_ =	shalt  }
0x71: {  	_ =	shalt  }
0x72: {  	_ =	shalt  }
0x73: {  	_ =	shalt  }
0x74: {  	_ =	shalt  }
0x75: {  	_ =	shalt  }
0x76: {  	_ =	shalt  }
0x77: {  	_ =	shalt  }
0x78: {  	_ =	shalt  }
0x79: {  	_ =	shalt  }
0x7a: {  	_ =	shalt  }
0x7b: {  	_ =	shalt  }
0x7c: {  	_ =	shalt  }
0x7d: {  	_ =	shalt  }
0x7e: {  	_ =	shalt  }
0x7f: {  	_ =	shalt  }
0x80: {  	_ =	shalt  }
0x81: {  	_ =	shalt  }
0x82: {  	_ =	shalt  }
0x83: {  	_ =	shalt  }
0x84: {  	_ =	shalt  }
0x85: {  	_ =	shalt  }
0x86: {  	_ =	shalt  }
0x87: {  	_ =	shalt  }
.Lfunc_end0:
.L_simem_size_0:
called_computation.5_lowered:
.L_overlay_start_0:
0x88: {  	s2 =	sld [smem:$0x3FD9]  }
0x89: {  	s3 =	sld [smem:$0x3FFE];
	_ =	sdelay $0x1  }
0x8a: {  	s1 =	srdreg.scid  }
0x8b: {  	s0 =	sand.u32 $0x1, s1  }
0x8c: {  	s17 =	sshll.u32 s0, $0xA;
	s2 =	sadd.s32 s3, s2  }
0x8d: {  	s2 =	sadd.s32 s2, s17  }
0x8e: {  	[smem:$0x3FBA] =	sst s2  }
0x8f: {  	_ = 	snop  }
0x90: {  	s18 =	sld [smem:$0x3FC0];
	(tm) =	ssettm $0x1  }
0x91: {  	s19 =	sld [smem:$0x3FFB];
	_ =	sdelay $0x3  }
0x92: {  	_ =	strace s19  }
0x93: {  	s2 =	sld [smem:$0x3FFC];
	_ =	sdelay $0x3  }
0x94: {  	_ =	strace s2  }
0x95: {  	s2 =	sld [smem:$0x3FFD];
	_ =	sdelay $0x3  }
0x96: {  	_ =	strace s2  }
0x97: {  	_ =	strace $0x8FFFFFFF  }
0x98: {  	s20 =	sld [smem:$0x3FDB];
	_ =	sdelay $0x1  }
0x99: {  	s4 =	simm.s32 $_scs_section_size  }
0x9a: {  	s5 =	simm.s32 $_size__tile_overlayer_lowered;
	s6 =	simm.s32 $_tile_overlayer_lowered  }
0x9b: {  	s7 =	simm.s32 $0x1BFF;
	s21 =	sshll.u32 s6, $0x1;
	s4 =	sadd.s32 s4, s20  }
0x9c: {  	s22 =	simm.s32 $0x0;
	s5 =	sshll.u32 s5, $0x1;
	s6 =	sadd.s32 s21, s4  }
0x9d: {  	[timem:s22], [sflag:s7] =	dma.local [hbm:s6], s5  }
0x9e: {  	_ =	swait.ge [sflag:s7], s5  }
0x9f: {  	s5 =	ssub.s32 $0x0, s5;
	[sflag:s7] =	ssyncset.done $0x0  }
0xa0: {  	[sflag:s7] =	ssyncadd.s32 s5;
	_ =	sdelay $0x1  }
0xa1: {  	s23 =	simm.s32 $0x1B8B  }
0xa2: {  	_ =	swait.ge [sflag:s23], $0x1  }
0xa3: {  	[sflag:s23] =	ssyncset.done $0x0  }
0xa4: {  	[sflag:s23] =	ssyncadd.s32 $0xFFFFFFFF  }
0xa5: {  	s5 =	sld [smem:$0x0]  }
0xa6: {  	s6 =	sand.u32 $0xFFFFFFFE, s1  }
0xa7: {  	p0 =	sne.s32 s1, s6  }
0xa8: {  	s6 =	sshll.u32 @p0 s6, $0xE  }
0xa9: {  	s6 =	sadd.s32 @p0 $0x11B8D, s6;
	s7 =	sshll.u32 @p0 s5, $0x11  }
0xaa: {  	s6 =	sor.u32 @p0 s7, s6  }
0xab: {  	[sflag:s6] =	ssyncadd.remote.s32 @p0 $0x1;
	_ =	sdelay $0x1  }
0xac: {  	s6 =	simm.s32 @p0 $0x1B8D  }
0xad: {  	_ =	swait.eq @p0 [sflag:s6], $0x1  }
0xae: {  	[sflag:s6] =	ssyncadd.s32 @p0 $0xFFFFFFFF  }
0xaf: {  	s7 =	sshll.u32 @!p0 s1, $0xE  }
0xb0: {  	s7 =	sor.u32 @!p0 $0x4000, s7;
	s6 =	simm.s32 @!p0 $0x1B8D  }
0xb1: {  	s5 =	sshll.u32 @!p0 s5, $0x11;
	s7 =	sadd.s32 @!p0 $0x11B8D, s7;
	_ =	swait.eq @!p0 [sflag:s6], $0x1  }
0xb2: {  	s5 =	sor.u32 @!p0 s5, s7;
	[sflag:s6] =	ssyncadd.s32 @!p0 $0xFFFFFFFF  }
0xb3: {  	s25 =	simm.s32 $0x1B8E;
	s24 =	sld [smem:$0x3FFE];
	[sflag:s5] =	ssyncadd.remote.s32 @!p0 $0x1  }
0xb4: {  	s26 =	simm.s32 $execute0_lowered;
	[smem:$0x3FD2] =	sst s25  }
0xb5: {  	s6 =	sshll.u32 s26, $0x1;
	_ =	strace $0x80000055;
	[dreg:$0x1] =	wrdreg $0xFFFFFFFF  }
0xb6: {  	s28 =	simm.s32 $_size_execute0_lowered;
	s4 =	sadd.s32 s4, s6;
	[dreg:$0x0] =	wrdreg $0x0  }
0xb7: {  	s6 =	sshll.u32 s28, $0x1;
	[dreg:$0x2] =	wrdreg s4  }
0xb8: {  	[dreg:$0x3] =	wrdreg s6  }
0xb9: {  	[dreg:$0x4] =	wrdreg $0xC0  }
0xba: {  	_ =	task [dreg:s22], $0x5FFFF  }
0xbb: {  	[dreg:$0x1] =	wrdreg $0xFFFFFFFF  }
0xbc: {  	[dreg:$0x0] =	wrdreg $0x60  }
0xbd: {  	[dreg:$0x2] =	wrdreg s18  }
0xbe: {  	[dreg:$0x3] =	wrdreg s24  }
0xbf: {  	[dreg:$0x4] =	wrdreg $0xE  }
0xc0: {  	_ =	task.clear_ibuf [dreg:s22], $0x5FFFF;
	_ =	strace $0x90000055  }
0xc1: {  	s29 =	simm.s32 $0xE;
	_ =	strace $0x80000057  }
0xc2: {  	_ =	swait.ge [sflag:s29], $0x1  }
0xc3: {  	[sflag:s29] =	ssyncadd.s32 $0xFFFFFFFF  }
0xc4: {  	_ =	strace $0x90000057  }
0xc5: {  	_ =	sfence  }
0xc6: {  	s30 =	sld [smem:$0x0];
	_ =	sdelay $0x2  }
0xc7: {  	s31 =	sshll.u32 s1, $0xD;
	s1 =	sshrl.u32 s1, $0x2  }
0xc8: {  	s4 =	sand.u32 $0x4000, s31;
	s1 =	sadd.s32 s1, s30  }
0xc9: {  	s0 =	sor.u32 s4, s0;
	s1 =	sshll.u32 s1, $0x11  }
0xca: {  	s0 =	sor.u32 s1, s0  }
0xcb: {  	s0 =	sadd.s32 $0x8F2B, s0  }
0xcc: {  	[sflag:s0] =	ssyncadd.remote.s32 $0x1  }
0xcd: {  	_ =	sfence.sel $0xFFFF  }
0xce: {  	[dreg:$0x0] =	wrdreg $0xFFFFFFFF;
	(pc) =	sbr.abs _section_cstart, $3  }
0xcf: {  	[dreg:$0x1] =	wrdreg $0xFFFFFFFF  }
0xd0: {  	_ =	task.clear_ibuf [dreg:s22], $0x2FFFF;
	_ =	strace $0x9FFFFFFF  }
0xd1: {  	(tm) =	ssettm $0x7FFFFFFF  }
tec
execute0_lowered:
.L_overlay_start_1:
0x0: {  	(tag) =	ssettag $0x1  }
0x1: {  	s1 =	srdreg.scid;
	s2 =	rddreg [dreg:$0x0]  }
0x2: {  	s0 =	stileid.u32;
	s5 =	rddreg [dreg:$0x1];
	s6 =	simm.s32 $0x1  }
0x3: {  	s9 =	simm.s32 $0x1;
	s10 =	simm.s32 $0x3;
	s1 =	sshll.u32 s1, $0x6  }
0x4: {  	s13 =	simm.s32 $0x0;
	s3 =	sshll.u32 s0, $0x7;
	s4 =	sand.u32 $0x40, s1  }
0x5: {  	s12 =	simm.s32 $0x0;
	s1 =	rddreg [dreg:$0x2];
	s3 =	sor.u32 s3, s4  }
0x6: {  	_ =	strace $0x80000056;
	s4 =	sadd.s32 $0x1A00, s5;
	s8 =	ssub.s32 $0x1000, s3  }
.Ltmp0:
0x7: {  	s5 =	sadd.s32 $0x3600, s5;
	s7 =	sand.u32 $0x7C0, s8;
	(pc) =	sbr.rel .LBB2_1-.Ltmp0, $4  }
0x8: {  	[sflag:s6] =	ssyncpa.u1 $0x0;
	s11 =	smov.u32 s3;
	p0 =	sne.s32 s7, $0x0  }
0x9: {  	s8 =	sshrl.u32 s8, $0xB;
	s7 =	simm.s32 $0x2;
	s9 =	simm.s32 @!p0 $0x0  }
0xa: {  	[sflag:s7] =	ssyncpa.u1 $0x0;
	p0 =	por $0x0, $0x0;
	s8 =	sadd.s32 s9, s8  }
0xb: {  	vm0 =	vmmov $0xffff;
	[sflag:s10] =	ssyncpa.u1 $0x0;
	s10 =	simm.s32 $0x0;
	s9 =	sadd.s32 $0x1, s8  }
.LBB2_4:
0xc: {  	v2 =	vnsel vm1, $0x0, v2  }
0xd: {  	vm1 =	vgt.s32 v0, $0x0;
	v2 =	vmin.u32 v2, $0xFFF  }
0xe: {  	v0 =	vnsel vm1, $0x0, v0  }
0xf: {  	v0 =	vmin.u32 v0, $0xFFF  }
0x10: {  	[tilespmem:s15], [sflag:$0x1] =	stream.indirect_vreg.gather [hbm4b:s2+s10], $0x1, v1, vm0, $0x4038;
	[tilespmem:$0x100] =	vst v63  }
0x11: {  	(ifvalue) =	ssetifvalue $0x7FFFFFFF  }
0x12: {  	[tilespmem:s16], [sflag:$0x1] =	stream.indirect_vreg.gather [hbm4b:s2+s10], $0x1, v2, vm0, $0x4038;
	[tilespmem:$0x100] =	vst v63  }
0x13: {  	s29 =	sadd.s32 $0x10, s16;
	(ifvalue) =	ssetifvalue $0x7FFFFFFF  }
0x14: {  	[tilespmem:s29], [sflag:$0x1] =	stream.indirect_vreg.gather [hbm4b:s2+s10], $0x1, v0, vm0, $0x4038;
	[tilespmem:$0x100] =	vst v63  }
0x15: {  	_ =	swait.ge [sflag:s6], $0x40  }
0x16: {  	s30 =	sshrl.u32 s13, $0x3;
	[sflag:s6] =	ssyncset.done $0x0  }
0x17: {  	s31 =	sand.u32 $0x7, s13;
	s15 =	sadd.s32 s5, s30;
	[sflag:s6] =	ssyncadd.s32 $0xFFFFFFC0  }
0x18: {  	[hbm4b:s15+s31] =	stream.linear.scatter [tilespmem:s14], [sflag:$0x3], $0x40, $0x38;
	[tilespmem:$0x100] =	vst v63  }
.LBB2_5:
0x19: {  	s15 =	sadd.s32 $0x800, s11  }
0x1a: {  	p2 =	sgt.s32 s15, $0xFFF  }
0x1b: {  	s15 =	smov.u32 @p2 s3;
	p2 =	sne.s32 s12, s9  }
.Ltmp1:
0x1c: {  	p1 =	slt.u32 s12, $0x2;
	(pc) =	sbr.rel @!p2 .LBB2_6-.Ltmp1, $4  }
0x1d: {  	s14 =	simm.s32 @!p1 $0x3  }
0x1e: {  	s16 =	sadd.s32 $0x1, s12;
	_ =	swait.ge @!p1 [sflag:s14], $0x40  }
0x1f: {  	s13 =	smov.u32 s11;
	p0 =	por !p0, !p0;
	[sflag:s14] =	ssyncset.done @!p1 $0x0  }
0x20: {  	s12 =	smov.u32 s16;
	s11 =	smov.u32 s15;
	[sflag:s14] =	ssyncadd.s32 @!p1 $0xFFFFFFC0  }
.LBB2_1:
0x21: {  	p1 =	sge.u32 s12, s8  }
0x22: {  	s14 =	sxor.u32 @!p1 $0xFFFFFFFF, s12  }
0x23: {  	s31 =	sadd.s32 $0xFFFFFFFF, s12;
	s15 =	sshrl.u32 @!p1 s11, $0x3;
	s14 =	sshll.u32 @!p1 s14, $0x6  }
0x24: {  	s16 =	sand.u32 @!p1 $0x7, s11;
	s15 =	sadd.s32 @!p1 s4, s15;
	s14 =	sand.u32 @!p1 $0x40, s14  }
0x25: {  	[tilespmem:s14], [sflag:$0x2] =	stream.linear.gather @!p1 [hbm4b:s15+s16], $0x40, $0x38;
	[tilespmem:$0x100] =	vst v63  }
0x26: {  	p1 =	sge.u32 s31, s8  }
.Ltmp2:
0x27: {  	_ = 	snop;
	(pc) =	sbr.rel @p1 .LBB2_5-.Ltmp2, $1  }
0x28: {  	_ =	sdelay $0x3  }
0x29: {  	s14 =	simm.s32 $0x1  }
0x2a: {  	_ =	swait.ge [sflag:s7], $0x40;
	s14 =	simm.s32 @!p0 $0x0  }
0x2b: {  	[sflag:s7] =	ssyncset.done $0x0;
	s14 =	sshll.u32 s14, $0x6  }
0x2c: {  	[sflag:s7] =	ssyncadd.s32 $0xFFFFFFC0;
	(ifvalue) =	ssetifvalue $0x7FFFFFFF;
	v0 =	vld.msk [tilespmem:s14+$0x0 ss:$0x1], $0xffff;
	_ =	sdelay $0x4  }
0x2d: {  	s15 =	sadd.s32 $0x10, s14;
	vm1 =	vgt.s32 v0, $0x0  }
0x2e: {  	v2 =	vld.msk [tilespmem:s15+$0x0 ss:$0x1], $0xffff;
	v1 =	vnsel vm1, $0x0, v0  }
0x2f: {  	v1 =	vmin.u32 v1, $0xFFF;
	_ =	sdelay $0x1  }
0x30: {  	s16 =	sshll.u32 s12, $0x6;
	s18 =	simm.s32 $0x20  }
0x31: {  	s16 =	sand.u32 $0x40, s16;
	s17 =	sadd.s32 $0x10, s15;
	s15 =	sor.u32 $0x80, s14  }
0x32: {  	s14 =	sor.u32 $0x80, s16;
	s16 =	sadd.s32 $0x10, s15;
	v0 =	vld.msk [tilespmem:s17+$0x0 ss:$0x1], $0xffff;
	vm1 =	vgt.s32 v2, $0x0;
	(ifvalue) =	ssetifvalue $0x7FFFFFFF  }
.LBB2_3:
0x33: {  	[tilespmem:s15], [sflag:$0x1] =	stream.indirect_vreg.gather [hbm4b:s2+s10], $0x1, v1, vm0, $0x4038;
	[tilespmem:$0x100] =	vst v63  }
0x34: {  	s18 =	sadd.s32 $0x10, s18  }
0x35: {  	v2 =	vnsel vm1, $0x0, v2;
	p1 =	slt.u32 s18, $0x30  }
.Ltmp3:
0x36: {  	s15 =	smov.u32 s16;
	v1 =	vmin.u32 v2, $0xFFF;
	(pc) =	sbr.rel @p1 .LBB2_3-.Ltmp3, $3  }
0x37: {  	_ =	sdelay $0x1  }
0x38: {  	s17 =	sadd.s32 $0x10, s17  }
0x39: {  	vm1 =	vgt.s32 v0, $0x0;
	s16 =	sadd.s32 $0x10, s16;
	v2 =	vmov v0;
	(ifvalue) =	ssetifvalue $0x7FFFFFFF;
	v0 =	vld.msk [tilespmem:s17+$0x0 ss:$0x1], $0xffff  }
.Ltmp4:
0x3a: {  	_ = 	snop;
	(pc) =	sbr.rel .LBB2_4-.Ltmp4, $1  }
0x3b: {  	_ =	sdelay $0x3  }
.LBB2_6:
0x3c: {  	_ =	sfence.sel $0x180000  }
0x3d: {  	s2 =	simm.s32 $0x2;
	[bflag:$0x0] =	sbarrier.arrive $0xFFFF  }
0x3e: {  	s30 =	simm.s32 $0x3;
	[sflag:s2] =	ssyncpa.u1 $0x1  }
0x3f: {  	s31 =	simm.s32 $0x1;
	[sflag:s30] =	ssyncpa.u1 $0x1  }
0x40: {  	[sflag:s31] =	ssyncpa.u1 $0x1  }
0x41: {  	p0 =	sne.s32 s0, $0x0;
	_ =	strace $0x90000056  }
0x42: {  	s0 =	sadd.s32 @!p0 $0x100000, s1;
	[bflag:$0x2] =	sbarrier.arrive $0xFFFF  }
0x43: {  	[sflag:s0] =	ssyncadd.tile.s32 @!p0 $0x1;
	_ =	shalt  }
.Lfunc_end2:
_tile_overlayer_lowered:
.L_overlay_start_2:
0x44: {  	(tag) =	ssettag $0x2  }
0x45: {  	s0 =	rddreg [dreg:$0x0];
	s2 =	stileid.u32  }
0x46: {  	s1 =	rddreg [dreg:$0x1];
	p0 =	sne.s32 s2, $0x0  }
0x47: {  	s3 =	rddreg [dreg:$0x2];
	[bflag:$0x3] =	sbarrier.arrive $0xFFFF;
	s2 =	simm.s32 @!p0 $0x1C01  }
0x48: {  	[timem:s3], [sflag:s2] =	dma.local @!p0 [hbm:s0], s1  }
0x49: {  	s0 =	simm.s32 @!p0 $0x1  }
0x4a: {  	_ =	swait.ge @!p0 [sflag:s0], s1  }
0x4b: {  	s1 =	ssub.s32 @!p0 $0x0, s1;
	[sflag:s0] =	ssyncset.done @!p0 $0x0  }
0x4c: {  	[sflag:s0] =	ssyncadd.s32 @!p0 s1  }
0x4d: {  	[bflag:$0x3] =	sbarrier.arrive $0xFFFF  }
0x4e: {  	_ =	shalt  }

// kernel: gather_offload_async_start.6
scs
__scs_entry_jumppad:
0x0: {  	(pc) =	sbr.rel $0x88, $3  }
0x1: {  	(tag) =	ssettag $0x0;
	lr =	simm.s32 $0x1  }
0x2: {  	[smem:$0x3F93] =	sst lr;
	_ =	strace $0xD0000000  }
0x3: {  	_ = 	snop  }
0x4: {  	_ = 	snop  }
0x5: {  	_ = 	snop  }
0x6: {  	_ = 	snop  }
0x7: {  	_ = 	snop  }
__scs_overlays_trampoline_lowered:
0x8: {  	[smem:$0x3FA2] =	sst s0  }
0x9: {  	[smem:$0x3FA3] =	sst s1  }
0xa: {  	[smem:$0x3FA4] =	sst s2  }
0xb: {  	[smem:$0x3FA5] =	sst s3  }
0xc: {  	[smem:$0x3FA6] =	sst s4  }
0xd: {  	[smem:$0x3FA7] =	sst s5  }
0xe: {  	[smem:$0x3FA8] =	sst s6  }
0xf: {  	[smem:$0x3FA9] =	sst s7  }
0x10: {  	[smem:$0x3FAA] =	sst s8  }
0x11: {  	[smem:$0x3FAB] =	sst s9;
	s0 =	simm.s32 @!p0 $0x0  }
0x12: {  	s1 =	sld [smem:$0x3F91];
	s0 =	simm.s32 @p0 $0x1  }
0x13: {  	[smem:$0x3FAC] =	sst s0;
	s0 =	simm.s32 @!p1 $0x0  }
0x14: {  	s2 =	sld [smem:$0x3F90];
	s0 =	simm.s32 @p1 $0x1  }
0x15: {  	[smem:$0x3FAD] =	sst s0;
	s0 =	simm.s32 @!p2 $0x0  }
0x16: {  	s3 =	sld [smem:$0x3FDB];
	s0 =	simm.s32 @p2 $0x1  }
0x17: {  	s4 =	simm.s32 $0x1BF5;
	[smem:$0x3FAF] =	sst s0  }
0x18: {  	s0 =	sld [smem:$0x3F92];
	_ =	swait.ge [sflag:s4], $0x0  }
0x19: {  	s7 =	sld [smem:$0x3F93]  }
0x1a: {  	s8 =	sadd.s32 $0xFFFFE003, lr  }
0x1b: {  	s9 =	sadd.s32 $0xFFFFFEF7, lr;
	s5 =	simm.s32 $0xFFFFFFFF;
	p2 =	slt.u32 s8, $0xFFFFF086  }
0x1c: {  	p1 =	slt.u32 s9, $0xF7A;
	s5 =	simm.s32 @!p2 $0x0  }
0x1d: {  	s5 =	simm.s32 @p1 $0x1;
	p0 =	seq.s32 s7, s2  }
0x1e: {  	s7 =	smul.u32 @!p0 $0xF7A, s2;
	p2 =	seq.s32 @!p0 s5, $0x0  }
0x1f: {  	s9 =	smul.u32 $0xF7A, s1;
	s8 =	simm.s32 @!p0 $0x1BF5;
	p2 =	por !p2, p0  }
0x20: {  	[sflag:s8] =	ssyncset.s32 @!p0 $0xFFFFF086;
	s6 =	sadd.s32 @!p0 s3, s7;
	s7 =	simm.s32 @!p0 $0x108  }
0x21: {  	s3 =	sadd.s32 s3, s9;
	s6 =	sadd.s32 @!p0 $0x88, s6;
	s7 =	simm.s32 @p2 $0x1082  }
0x22: {  	[simem:s7], [sflag:s8] =	dma.local @!p0 [hbm:s6], $0xF7A  }
0x23: {  	s9 =	sor.u32 $0xD0000000, s2;
	s6 =	simm.s32 $0x108;
	_ =	swait.ge @!p0 [sflag:s8], $0x0  }
0x24: {  	s3 =	sadd.s32 $0x88, s3;
	s6 =	simm.s32 @!p1 $0x1082;
	[sflag:s4] =	ssyncset.s32 $0xFFFFF086  }
0x25: {  	[simem:s6], [sflag:s4] =	dma.local [hbm:s3], $0xF7A  }
0x26: {  	[smem:$0x3F93] =	sst s1;
	(tag) =	ssettag s2;
	_ =	strace s9  }
0x27: {  	s1 =	sld [smem:$0x3FA3]  }
0x28: {  	s2 =	sld [smem:$0x3FA4]  }
0x29: {  	s4 =	sld [smem:$0x3FA6]  }
0x2a: {  	p0 =	seq.s32 s5, $0x0;
	s5 =	sld [smem:$0x3FA7]  }
0x2b: {  	s6 =	sld [smem:$0x3FA8]  }
0x2c: {  	s7 =	sld [smem:$0x3FA9]  }
0x2d: {  	s3 =	simm.s32 $0x108;
	s8 =	sld [smem:$0x3FAA]  }
0x2e: {  	s3 =	simm.s32 @!p0 $0x1082;
	s9 =	sld [smem:$0x3FAB]  }
0x2f: {  	lr =	sadd.s32 s0, s3;
	s0 =	sld [smem:$0x3FA2]  }
0x30: {  	s3 =	sld [smem:$0x3FA5]  }
0x31: {  	[smem:$0x3FAE] =	sst s10  }
0x32: {  	s10 =	sld [smem:$0x3FAC];
	_ =	sdelay $0x3  }
0x33: {  	p0 =	seq.s32 s10, $0x1;
	s10 =	sld [smem:$0x3FAE];
	_ =	sdelay $0x3  }
0x34: {  	[smem:$0x3FAE] =	sst s10  }
0x35: {  	s10 =	sld [smem:$0x3FAD];
	_ =	sdelay $0x3  }
0x36: {  	p1 =	seq.s32 s10, $0x1;
	s10 =	sld [smem:$0x3FAE];
	_ =	sdelay $0x3  }
0x37: {  	[smem:$0x3FAE] =	sst s10  }
0x38: {  	s10 =	sld [smem:$0x3FAF]  }
0x39: {  	_ = 	snop;
	(pc) =	sbr.ind lr, $3  }
0x3a: {  	_ = 	snop  }
0x3b: {  	_ = 	snop  }
0x3c: {  	p2 =	seq.s32 s10, $0x1;
	s10 =	sld [smem:$0x3FAE]  }
0x3d: {  	_ =	shalt  }
0x3e: {  	_ =	shalt  }
0x3f: {  	_ =	shalt  }
0x40: {  	_ =	shalt  }
0x41: {  	_ =	shalt  }
0x42: {  	_ =	shalt  }
0x43: {  	_ =	shalt  }
0x44: {  	_ =	shalt  }
0x45: {  	_ =	shalt  }
0x46: {  	_ =	shalt  }
0x47: {  	_ =	shalt  }
0x48: {  	_ =	shalt  }
0x49: {  	_ =	shalt  }
0x4a: {  	_ =	shalt  }
0x4b: {  	_ =	shalt  }
0x4c: {  	_ =	shalt  }
0x4d: {  	_ =	shalt  }
0x4e: {  	_ =	shalt  }
0x4f: {  	_ =	shalt  }
0x50: {  	_ =	shalt  }
0x51: {  	_ =	shalt  }
0x52: {  	_ =	shalt  }
0x53: {  	_ =	shalt  }
0x54: {  	_ =	shalt  }
0x55: {  	_ =	shalt  }
0x56: {  	_ =	shalt  }
0x57: {  	_ =	shalt  }
0x58: {  	_ =	shalt  }
0x59: {  	_ =	shalt  }
0x5a: {  	_ =	shalt  }
0x5b: {  	_ =	shalt  }
0x5c: {  	_ =	shalt  }
0x5d: {  	_ =	shalt  }
0x5e: {  	_ =	shalt  }
0x5f: {  	_ =	shalt  }
0x60: {  	_ =	shalt  }
0x61: {  	_ =	shalt  }
0x62: {  	_ =	shalt  }
0x63: {  	_ =	shalt  }
0x64: {  	_ =	shalt  }
0x65: {  	_ =	shalt  }
0x66: {  	_ =	shalt  }
0x67: {  	_ =	shalt  }
0x68: {  	_ =	shalt  }
0x69: {  	_ =	shalt  }
0x6a: {  	_ =	shalt  }
0x6b: {  	_ =	shalt  }
0x6c: {  	_ =	shalt  }
0x6d: {  	_ =	shalt  }
0x6e: {  	_ =	shalt  }
0x6f: {  	_ =	shalt  }
0x70: {  	_ =	shalt  }
0x71: {  	_ =	shalt  }
0x72: {  	_ =	shalt  }
0x73: {  	_ =	shalt  }
0x74: {  	_ =	shalt  }
0x75: {  	_ =	shalt  }
0x76: {  	_ =	shalt  }
0x77: {  	_ =	shalt  }
0x78: {  	_ =	shalt  }
0x79: {  	_ =	shalt  }
0x7a: {  	_ =	shalt  }
0x7b: {  	_ =	shalt  }
0x7c: {  	_ =	shalt  }
0x7d: {  	_ =	shalt  }
0x7e: {  	_ =	shalt  }
0x7f: {  	_ =	shalt  }
0x80: {  	_ =	shalt  }
0x81: {  	_ =	shalt  }
0x82: {  	_ =	shalt  }
0x83: {  	_ =	shalt  }
0x84: {  	_ =	shalt  }
0x85: {  	_ =	shalt  }
0x86: {  	_ =	shalt  }
0x87: {  	_ =	shalt  }
.Lfunc_end0:
.L_simem_size_0:
called_computation.6_lowered:
.L_overlay_start_0:
0x88: {  	s2 =	sld [smem:$0x3FD9]  }
0x89: {  	s3 =	sld [smem:$0x3FFE];
	_ =	sdelay $0x1  }
0x8a: {  	s1 =	srdreg.scid  }
0x8b: {  	s0 =	sand.u32 $0x1, s1  }
0x8c: {  	s17 =	sshll.u32 s0, $0xA;
	s2 =	sadd.s32 s3, s2  }
0x8d: {  	s2 =	sadd.s32 s2, s17  }
0x8e: {  	[smem:$0x3FBA] =	sst s2  }
0x8f: {  	_ = 	snop  }
0x90: {  	s18 =	sld [smem:$0x3FBF];
	(tm) =	ssettm $0x1  }
0x91: {  	s19 =	sld [smem:$0x3FFB];
	_ =	sdelay $0x3  }
0x92: {  	_ =	strace s19  }
0x93: {  	s2 =	sld [smem:$0x3FFC];
	_ =	sdelay $0x3  }
0x94: {  	_ =	strace s2  }
0x95: {  	s2 =	sld [smem:$0x3FFD];
	_ =	sdelay $0x3  }
0x96: {  	_ =	strace s2  }
0x97: {  	_ =	strace $0x8FFFFFFF  }
0x98: {  	s20 =	sld [smem:$0x3FDB];
	_ =	sdelay $0x1  }
0x99: {  	s4 =	simm.s32 $_scs_section_size  }
0x9a: {  	s5 =	simm.s32 $_size__tile_overlayer_lowered;
	s6 =	simm.s32 $_tile_overlayer_lowered  }
0x9b: {  	s7 =	simm.s32 $0x1BFF;
	s21 =	sshll.u32 s6, $0x1;
	s4 =	sadd.s32 s4, s20  }
0x9c: {  	s22 =	simm.s32 $0x0;
	s5 =	sshll.u32 s5, $0x1;
	s6 =	sadd.s32 s21, s4  }
0x9d: {  	[timem:s22], [sflag:s7] =	dma.local [hbm:s6], s5  }
0x9e: {  	_ =	swait.ge [sflag:s7], s5  }
0x9f: {  	s5 =	ssub.s32 $0x0, s5;
	[sflag:s7] =	ssyncset.done $0x0  }
0xa0: {  	[sflag:s7] =	ssyncadd.s32 s5;
	_ =	sdelay $0x1  }
0xa1: {  	s23 =	simm.s32 $0x1B8B  }
0xa2: {  	_ =	swait.ge [sflag:s23], $0x1  }
0xa3: {  	[sflag:s23] =	ssyncset.done $0x0  }
0xa4: {  	[sflag:s23] =	ssyncadd.s32 $0xFFFFFFFF  }
0xa5: {  	s5 =	sld [smem:$0x0]  }
0xa6: {  	s6 =	sand.u32 $0xFFFFFFFE, s1  }
0xa7: {  	p0 =	sne.s32 s1, s6  }
0xa8: {  	s6 =	sshll.u32 @p0 s6, $0xE  }
0xa9: {  	s6 =	sadd.s32 @p0 $0x11B8D, s6;
	s7 =	sshll.u32 @p0 s5, $0x11  }
0xaa: {  	s6 =	sor.u32 @p0 s7, s6  }
0xab: {  	[sflag:s6] =	ssyncadd.remote.s32 @p0 $0x1;
	_ =	sdelay $0x1  }
0xac: {  	s6 =	simm.s32 @p0 $0x1B8D  }
0xad: {  	_ =	swait.eq @p0 [sflag:s6], $0x1  }
0xae: {  	[sflag:s6] =	ssyncadd.s32 @p0 $0xFFFFFFFF  }
0xaf: {  	s7 =	sshll.u32 @!p0 s1, $0xE  }
0xb0: {  	s7 =	sor.u32 @!p0 $0x4000, s7;
	s6 =	simm.s32 @!p0 $0x1B8D  }
0xb1: {  	s5 =	sshll.u32 @!p0 s5, $0x11;
	s7 =	sadd.s32 @!p0 $0x11B8D, s7;
	_ =	swait.eq @!p0 [sflag:s6], $0x1  }
0xb2: {  	s5 =	sor.u32 @!p0 s5, s7;
	[sflag:s6] =	ssyncadd.s32 @!p0 $0xFFFFFFFF  }
0xb3: {  	s25 =	simm.s32 $0x1B8E;
	s24 =	sld [smem:$0x3FFE];
	[sflag:s5] =	ssyncadd.remote.s32 @!p0 $0x1  }
0xb4: {  	s26 =	simm.s32 $execute0_lowered;
	[smem:$0x3FD2] =	sst s25  }
0xb5: {  	s6 =	sshll.u32 s26, $0x1;
	_ =	strace $0x80000058;
	[dreg:$0x1] =	wrdreg $0xFFFFFFFF  }
0xb6: {  	s28 =	simm.s32 $_size_execute0_lowered;
	s4 =	sadd.s32 s4, s6;
	[dreg:$0x0] =	wrdreg $0x0  }
0xb7: {  	s6 =	sshll.u32 s28, $0x1;
	[dreg:$0x2] =	wrdreg s4  }
0xb8: {  	[dreg:$0x3] =	wrdreg s6  }
0xb9: {  	[dreg:$0x4] =	wrdreg $0xC0  }
0xba: {  	_ =	task [dreg:s22], $0x5FFFF  }
0xbb: {  	[dreg:$0x1] =	wrdreg $0xFFFFFFFF  }
0xbc: {  	[dreg:$0x0] =	wrdreg $0x60  }
0xbd: {  	[dreg:$0x2] =	wrdreg s18  }
0xbe: {  	[dreg:$0x3] =	wrdreg s24  }
0xbf: {  	[dreg:$0x4] =	wrdreg $0xF  }
0xc0: {  	_ =	task.clear_ibuf [dreg:s22], $0x5FFFF;
	_ =	strace $0x90000058  }
0xc1: {  	s29 =	simm.s32 $0xF;
	_ =	strace $0x8000005A  }
0xc2: {  	_ =	swait.ge [sflag:s29], $0x1  }
0xc3: {  	[sflag:s29] =	ssyncadd.s32 $0xFFFFFFFF  }
0xc4: {  	_ =	strace $0x9000005A  }
0xc5: {  	_ =	sfence  }
0xc6: {  	s30 =	sld [smem:$0x0];
	_ =	sdelay $0x2  }
0xc7: {  	s31 =	sshll.u32 s1, $0xD;
	s1 =	sshrl.u32 s1, $0x2  }
0xc8: {  	s4 =	sand.u32 $0x4000, s31;
	s1 =	sadd.s32 s1, s30  }
0xc9: {  	s0 =	sor.u32 s4, s0;
	s1 =	sshll.u32 s1, $0x11  }
0xca: {  	s0 =	sor.u32 s1, s0  }
0xcb: {  	s0 =	sadd.s32 $0x8F2B, s0  }
0xcc: {  	[sflag:s0] =	ssyncadd.remote.s32 $0x1  }
0xcd: {  	_ =	sfence.sel $0xFFFF  }
0xce: {  	[dreg:$0x0] =	wrdreg $0xFFFFFFFF;
	(pc) =	sbr.abs _section_cstart, $3  }
0xcf: {  	[dreg:$0x1] =	wrdreg $0xFFFFFFFF  }
0xd0: {  	_ =	task.clear_ibuf [dreg:s22], $0x2FFFF;
	_ =	strace $0x9FFFFFFF  }
0xd1: {  	(tm) =	ssettm $0x7FFFFFFF  }
tec
execute0_lowered:
.L_overlay_start_1:
0x0: {  	(tag) =	ssettag $0x1  }
0x1: {  	s1 =	srdreg.scid;
	s2 =	rddreg [dreg:$0x0]  }
0x2: {  	s0 =	stileid.u32;
	s5 =	rddreg [dreg:$0x1];
	s6 =	simm.s32 $0x1  }
0x3: {  	s9 =	simm.s32 $0x1;
	s10 =	simm.s32 $0x3;
	s1 =	sshll.u32 s1, $0x6  }
0x4: {  	s13 =	simm.s32 $0x0;
	s3 =	sshll.u32 s0, $0x7;
	s4 =	sand.u32 $0x40, s1  }
0x5: {  	s12 =	simm.s32 $0x0;
	s1 =	rddreg [dreg:$0x2];
	s3 =	sor.u32 s3, s4  }
0x6: {  	_ =	strace $0x80000059;
	s4 =	sadd.s32 $0x1A00, s5;
	s8 =	ssub.s32 $0x1000, s3  }
.Ltmp0:
0x7: {  	s5 =	sadd.s32 $0x3800, s5;
	s7 =	sand.u32 $0x7C0, s8;
	(pc) =	sbr.rel .LBB2_1-.Ltmp0, $4  }
0x8: {  	[sflag:s6] =	ssyncpa.u1 $0x0;
	s11 =	smov.u32 s3;
	p0 =	sne.s32 s7, $0x0  }
0x9: {  	s8 =	sshrl.u32 s8, $0xB;
	s7 =	simm.s32 $0x2;
	s9 =	simm.s32 @!p0 $0x0  }
0xa: {  	[sflag:s7] =	ssyncpa.u1 $0x0;
	p0 =	por $0x0, $0x0;
	s8 =	sadd.s32 s9, s8  }
0xb: {  	vm0 =	vmmov $0xffff;
	[sflag:s10] =	ssyncpa.u1 $0x0;
	s10 =	simm.s32 $0x0;
	s9 =	sadd.s32 $0x1, s8  }
.LBB2_4:
0xc: {  	v2 =	vnsel vm1, $0x0, v2  }
0xd: {  	vm1 =	vgt.s32 v0, $0x0;
	v2 =	vmin.u32 v2, $0xFFF  }
0xe: {  	v0 =	vnsel vm1, $0x0, v0  }
0xf: {  	v0 =	vmin.u32 v0, $0xFFF  }
0x10: {  	[tilespmem:s15], [sflag:$0x1] =	stream.indirect_vreg.gather [hbm4b:s2+s10], $0x1, v1, vm0, $0x4038;
	[tilespmem:$0x100] =	vst v63  }
0x11: {  	(ifvalue) =	ssetifvalue $0x7FFFFFFF  }
0x12: {  	[tilespmem:s16], [sflag:$0x1] =	stream.indirect_vreg.gather [hbm4b:s2+s10], $0x1, v2, vm0, $0x4038;
	[tilespmem:$0x100] =	vst v63  }
0x13: {  	s29 =	sadd.s32 $0x10, s16;
	(ifvalue) =	ssetifvalue $0x7FFFFFFF  }
0x14: {  	[tilespmem:s29], [sflag:$0x1] =	stream.indirect_vreg.gather [hbm4b:s2+s10], $0x1, v0, vm0, $0x4038;
	[tilespmem:$0x100] =	vst v63  }
0x15: {  	_ =	swait.ge [sflag:s6], $0x40  }
0x16: {  	s30 =	sshrl.u32 s13, $0x3;
	[sflag:s6] =	ssyncset.done $0x0  }
0x17: {  	s31 =	sand.u32 $0x7, s13;
	s15 =	sadd.s32 s5, s30;
	[sflag:s6] =	ssyncadd.s32 $0xFFFFFFC0  }
0x18: {  	[hbm4b:s15+s31] =	stream.linear.scatter [tilespmem:s14], [sflag:$0x3], $0x40, $0x38;
	[tilespmem:$0x100] =	vst v63  }
.LBB2_5:
0x19: {  	s15 =	sadd.s32 $0x800, s11  }
0x1a: {  	p2 =	sgt.s32 s15, $0xFFF  }
0x1b: {  	s15 =	smov.u32 @p2 s3;
	p2 =	sne.s32 s12, s9  }
.Ltmp1:
0x1c: {  	p1 =	slt.u32 s12, $0x2;
	(pc) =	sbr.rel @!p2 .LBB2_6-.Ltmp1, $4  }
0x1d: {  	s14 =	simm.s32 @!p1 $0x3  }
0x1e: {  	s16 =	sadd.s32 $0x1, s12;
	_ =	swait.ge @!p1 [sflag:s14], $0x40  }
0x1f: {  	s13 =	smov.u32 s11;
	p0 =	por !p0, !p0;
	[sflag:s14] =	ssyncset.done @!p1 $0x0  }
0x20: {  	s12 =	smov.u32 s16;
	s11 =	smov.u32 s15;
	[sflag:s14] =	ssyncadd.s32 @!p1 $0xFFFFFFC0  }
.LBB2_1:
0x21: {  	p1 =	sge.u32 s12, s8  }
0x22: {  	s14 =	sxor.u32 @!p1 $0xFFFFFFFF, s12  }
0x23: {  	s31 =	sadd.s32 $0xFFFFFFFF, s12;
	s15 =	sshrl.u32 @!p1 s11, $0x3;
	s14 =	sshll.u32 @!p1 s14, $0x6  }
0x24: {  	s16 =	sand.u32 @!p1 $0x7, s11;
	s15 =	sadd.s32 @!p1 s4, s15;
	s14 =	sand.u32 @!p1 $0x40, s14  }
0x25: {  	[tilespmem:s14], [sflag:$0x2] =	stream.linear.gather @!p1 [hbm4b:s15+s16], $0x40, $0x38;
	[tilespmem:$0x100] =	vst v63  }
0x26: {  	p1 =	sge.u32 s31, s8  }
.Ltmp2:
0x27: {  	_ = 	snop;
	(pc) =	sbr.rel @p1 .LBB2_5-.Ltmp2, $1  }
0x28: {  	_ =	sdelay $0x3  }
0x29: {  	s14 =	simm.s32 $0x1  }
0x2a: {  	_ =	swait.ge [sflag:s7], $0x40;
	s14 =	simm.s32 @!p0 $0x0  }
0x2b: {  	[sflag:s7] =	ssyncset.done $0x0;
	s14 =	sshll.u32 s14, $0x6  }
0x2c: {  	[sflag:s7] =	ssyncadd.s32 $0xFFFFFFC0;
	(ifvalue) =	ssetifvalue $0x7FFFFFFF;
	v0 =	vld.msk [tilespmem:s14+$0x0 ss:$0x1], $0xffff;
	_ =	sdelay $0x4  }
0x2d: {  	s15 =	sadd.s32 $0x10, s14;
	vm1 =	vgt.s32 v0, $0x0  }
0x2e: {  	v2 =	vld.msk [tilespmem:s15+$0x0 ss:$0x1], $0xffff;
	v1 =	vnsel vm1, $0x0, v0  }
0x2f: {  	v1 =	vmin.u32 v1, $0xFFF;
	_ =	sdelay $0x1  }
0x30: {  	s16 =	sshll.u32 s12, $0x6;
	s18 =	simm.s32 $0x20  }
0x31: {  	s16 =	sand.u32 $0x40, s16;
	s17 =	sadd.s32 $0x10, s15;
	s15 =	sor.u32 $0x80, s14  }
0x32: {  	s14 =	sor.u32 $0x80, s16;
	s16 =	sadd.s32 $0x10, s15;
	v0 =	vld.msk [tilespmem:s17+$0x0 ss:$0x1], $0xffff;
	vm1 =	vgt.s32 v2, $0x0;
	(ifvalue) =	ssetifvalue $0x7FFFFFFF  }
.LBB2_3:
0x33: {  	[tilespmem:s15], [sflag:$0x1] =	stream.indirect_vreg.gather [hbm4b:s2+s10], $0x1, v1, vm0, $0x4038;
	[tilespmem:$0x100] =	vst v63  }
0x34: {  	s18 =	sadd.s32 $0x10, s18  }
0x35: {  	v2 =	vnsel vm1, $0x0, v2;
	p1 =	slt.u32 s18, $0x30  }
.Ltmp3:
0x36: {  	s15 =	smov.u32 s16;
	v1 =	vmin.u32 v2, $0xFFF;
	(pc) =	sbr.rel @p1 .LBB2_3-.Ltmp3, $3  }
0x37: {  	_ =	sdelay $0x1  }
0x38: {  	s17 =	sadd.s32 $0x10, s17  }
0x39: {  	vm1 =	vgt.s32 v0, $0x0;
	s16 =	sadd.s32 $0x10, s16;
	v2 =	vmov v0;
	(ifvalue) =	ssetifvalue $0x7FFFFFFF;
	v0 =	vld.msk [tilespmem:s17+$0x0 ss:$0x1], $0xffff  }
.Ltmp4:
0x3a: {  	_ = 	snop;
	(pc) =	sbr.rel .LBB2_4-.Ltmp4, $1  }
0x3b: {  	_ =	sdelay $0x3  }
.LBB2_6:
0x3c: {  	_ =	sfence.sel $0x180000  }
0x3d: {  	s2 =	simm.s32 $0x2;
	[bflag:$0x0] =	sbarrier.arrive $0xFFFF  }
0x3e: {  	s30 =	simm.s32 $0x3;
	[sflag:s2] =	ssyncpa.u1 $0x1  }
0x3f: {  	s31 =	simm.s32 $0x1;
	[sflag:s30] =	ssyncpa.u1 $0x1  }
0x40: {  	[sflag:s31] =	ssyncpa.u1 $0x1  }
0x41: {  	p0 =	sne.s32 s0, $0x0;
	_ =	strace $0x90000059  }
0x42: {  	s0 =	sadd.s32 @!p0 $0x100000, s1;
	[bflag:$0x2] =	sbarrier.arrive $0xFFFF  }
0x43: {  	[sflag:s0] =	ssyncadd.tile.s32 @!p0 $0x1;
	_ =	shalt  }
.Lfunc_end2:
_tile_overlayer_lowered:
.L_overlay_start_2:
0x44: {  	(tag) =	ssettag $0x2  }
0x45: {  	s0 =	rddreg [dreg:$0x0];
	s2 =	stileid.u32  }
0x46: {  	s1 =	rddreg [dreg:$0x1];
	p0 =	sne.s32 s2, $0x0  }
0x47: {  	s3 =	rddreg [dreg:$0x2];
	[bflag:$0x3] =	sbarrier.arrive $0xFFFF;
	s2 =	simm.s32 @!p0 $0x1C01  }
0x48: {  	[timem:s3], [sflag:s2] =	dma.local @!p0 [hbm:s0], s1  }
0x49: {  	s0 =	simm.s32 @!p0 $0x1  }
0x4a: {  	_ =	swait.ge @!p0 [sflag:s0], s1  }
0x4b: {  	s1 =	ssub.s32 @!p0 $0x0, s1;
	[sflag:s0] =	ssyncset.done @!p0 $0x0  }
0x4c: {  	[sflag:s0] =	ssyncadd.s32 @!p0 s1  }
0x4d: {  	[bflag:$0x3] =	sbarrier.arrive $0xFFFF  }
0x4e: {  	_ =	shalt  }

// kernel: gather_offload_async_start.7
scs
__scs_entry_jumppad:
0x0: {  	(pc) =	sbr.rel $0x88, $3  }
0x1: {  	(tag) =	ssettag $0x0;
	lr =	simm.s32 $0x1  }
0x2: {  	[smem:$0x3F93] =	sst lr;
	_ =	strace $0xD0000000  }
0x3: {  	_ = 	snop  }
0x4: {  	_ = 	snop  }
0x5: {  	_ = 	snop  }
0x6: {  	_ = 	snop  }
0x7: {  	_ = 	snop  }
__scs_overlays_trampoline_lowered:
0x8: {  	[smem:$0x3FA2] =	sst s0  }
0x9: {  	[smem:$0x3FA3] =	sst s1  }
0xa: {  	[smem:$0x3FA4] =	sst s2  }
0xb: {  	[smem:$0x3FA5] =	sst s3  }
0xc: {  	[smem:$0x3FA6] =	sst s4  }
0xd: {  	[smem:$0x3FA7] =	sst s5  }
0xe: {  	[smem:$0x3FA8] =	sst s6  }
0xf: {  	[smem:$0x3FA9] =	sst s7  }
0x10: {  	[smem:$0x3FAA] =	sst s8  }
0x11: {  	[smem:$0x3FAB] =	sst s9;
	s0 =	simm.s32 @!p0 $0x0  }
0x12: {  	s1 =	sld [smem:$0x3F91];
	s0 =	simm.s32 @p0 $0x1  }
0x13: {  	[smem:$0x3FAC] =	sst s0;
	s0 =	simm.s32 @!p1 $0x0  }
0x14: {  	s2 =	sld [smem:$0x3F90];
	s0 =	simm.s32 @p1 $0x1  }
0x15: {  	[smem:$0x3FAD] =	sst s0;
	s0 =	simm.s32 @!p2 $0x0  }
0x16: {  	s3 =	sld [smem:$0x3FDB];
	s0 =	simm.s32 @p2 $0x1  }
0x17: {  	s4 =	simm.s32 $0x1BF5;
	[smem:$0x3FAF] =	sst s0  }
0x18: {  	s0 =	sld [smem:$0x3F92];
	_ =	swait.ge [sflag:s4], $0x0  }
0x19: {  	s7 =	sld [smem:$0x3F93]  }
0x1a: {  	s8 =	sadd.s32 $0xFFFFE003, lr  }
0x1b: {  	s9 =	sadd.s32 $0xFFFFFEF7, lr;
	s5 =	simm.s32 $0xFFFFFFFF;
	p2 =	slt.u32 s8, $0xFFFFF086  }
0x1c: {  	p1 =	slt.u32 s9, $0xF7A;
	s5 =	simm.s32 @!p2 $0x0  }
0x1d: {  	s5 =	simm.s32 @p1 $0x1;
	p0 =	seq.s32 s7, s2  }
0x1e: {  	s7 =	smul.u32 @!p0 $0xF7A, s2;
	p2 =	seq.s32 @!p0 s5, $0x0  }
0x1f: {  	s9 =	smul.u32 $0xF7A, s1;
	s8 =	simm.s32 @!p0 $0x1BF5;
	p2 =	por !p2, p0  }
0x20: {  	[sflag:s8] =	ssyncset.s32 @!p0 $0xFFFFF086;
	s6 =	sadd.s32 @!p0 s3, s7;
	s7 =	simm.s32 @!p0 $0x108  }
0x21: {  	s3 =	sadd.s32 s3, s9;
	s6 =	sadd.s32 @!p0 $0x88, s6;
	s7 =	simm.s32 @p2 $0x1082  }
0x22: {  	[simem:s7], [sflag:s8] =	dma.local @!p0 [hbm:s6], $0xF7A  }
0x23: {  	s9 =	sor.u32 $0xD0000000, s2;
	s6 =	simm.s32 $0x108;
	_ =	swait.ge @!p0 [sflag:s8], $0x0  }
0x24: {  	s3 =	sadd.s32 $0x88, s3;
	s6 =	simm.s32 @!p1 $0x1082;
	[sflag:s4] =	ssyncset.s32 $0xFFFFF086  }
0x25: {  	[simem:s6], [sflag:s4] =	dma.local [hbm:s3], $0xF7A  }
0x26: {  	[smem:$0x3F93] =	sst s1;
	(tag) =	ssettag s2;
	_ =	strace s9  }
0x27: {  	s1 =	sld [smem:$0x3FA3]  }
0x28: {  	s2 =	sld [smem:$0x3FA4]  }
0x29: {  	s4 =	sld [smem:$0x3FA6]  }
0x2a: {  	p0 =	seq.s32 s5, $0x0;
	s5 =	sld [smem:$0x3FA7]  }
0x2b: {  	s6 =	sld [smem:$0x3FA8]  }
0x2c: {  	s7 =	sld [smem:$0x3FA9]  }
0x2d: {  	s3 =	simm.s32 $0x108;
	s8 =	sld [smem:$0x3FAA]  }
0x2e: {  	s3 =	simm.s32 @!p0 $0x1082;
	s9 =	sld [smem:$0x3FAB]  }
0x2f: {  	lr =	sadd.s32 s0, s3;
	s0 =	sld [smem:$0x3FA2]  }
0x30: {  	s3 =	sld [smem:$0x3FA5]  }
0x31: {  	[smem:$0x3FAE] =	sst s10  }
0x32: {  	s10 =	sld [smem:$0x3FAC];
	_ =	sdelay $0x3  }
0x33: {  	p0 =	seq.s32 s10, $0x1;
	s10 =	sld [smem:$0x3FAE];
	_ =	sdelay $0x3  }
0x34: {  	[smem:$0x3FAE] =	sst s10  }
0x35: {  	s10 =	sld [smem:$0x3FAD];
	_ =	sdelay $0x3  }
0x36: {  	p1 =	seq.s32 s10, $0x1;
	s10 =	sld [smem:$0x3FAE];
	_ =	sdelay $0x3  }
0x37: {  	[smem:$0x3FAE] =	sst s10  }
0x38: {  	s10 =	sld [smem:$0x3FAF]  }
0x39: {  	_ = 	snop;
	(pc) =	sbr.ind lr, $3  }
0x3a: {  	_ = 	snop  }
0x3b: {  	_ = 	snop  }
0x3c: {  	p2 =	seq.s32 s10, $0x1;
	s10 =	sld [smem:$0x3FAE]  }
0x3d: {  	_ =	shalt  }
0x3e: {  	_ =	shalt  }
0x3f: {  	_ =	shalt  }
0x40: {  	_ =	shalt  }
0x41: {  	_ =	shalt  }
0x42: {  	_ =	shalt  }
0x43: {  	_ =	shalt  }
0x44: {  	_ =	shalt  }
0x45: {  	_ =	shalt  }
0x46: {  	_ =	shalt  }
0x47: {  	_ =	shalt  }
0x48: {  	_ =	shalt  }
0x49: {  	_ =	shalt  }
0x4a: {  	_ =	shalt  }
0x4b: {  	_ =	shalt  }
0x4c: {  	_ =	shalt  }
0x4d: {  	_ =	shalt  }
0x4e: {  	_ =	shalt  }
0x4f: {  	_ =	shalt  }
0x50: {  	_ =	shalt  }
0x51: {  	_ =	shalt  }
0x52: {  	_ =	shalt  }
0x53: {  	_ =	shalt  }
0x54: {  	_ =	shalt  }
0x55: {  	_ =	shalt  }
0x56: {  	_ =	shalt  }
0x57: {  	_ =	shalt  }
0x58: {  	_ =	shalt  }
0x59: {  	_ =	shalt  }
0x5a: {  	_ =	shalt  }
0x5b: {  	_ =	shalt  }
0x5c: {  	_ =	shalt  }
0x5d: {  	_ =	shalt  }
0x5e: {  	_ =	shalt  }
0x5f: {  	_ =	shalt  }
0x60: {  	_ =	shalt  }
0x61: {  	_ =	shalt  }
0x62: {  	_ =	shalt  }
0x63: {  	_ =	shalt  }
0x64: {  	_ =	shalt  }
0x65: {  	_ =	shalt  }
0x66: {  	_ =	shalt  }
0x67: {  	_ =	shalt  }
0x68: {  	_ =	shalt  }
0x69: {  	_ =	shalt  }
0x6a: {  	_ =	shalt  }
0x6b: {  	_ =	shalt  }
0x6c: {  	_ =	shalt  }
0x6d: {  	_ =	shalt  }
0x6e: {  	_ =	shalt  }
0x6f: {  	_ =	shalt  }
0x70: {  	_ =	shalt  }
0x71: {  	_ =	shalt  }
0x72: {  	_ =	shalt  }
0x73: {  	_ =	shalt  }
0x74: {  	_ =	shalt  }
0x75: {  	_ =	shalt  }
0x76: {  	_ =	shalt  }
0x77: {  	_ =	shalt  }
0x78: {  	_ =	shalt  }
0x79: {  	_ =	shalt  }
0x7a: {  	_ =	shalt  }
0x7b: {  	_ =	shalt  }
0x7c: {  	_ =	shalt  }
0x7d: {  	_ =	shalt  }
0x7e: {  	_ =	shalt  }
0x7f: {  	_ =	shalt  }
0x80: {  	_ =	shalt  }
0x81: {  	_ =	shalt  }
0x82: {  	_ =	shalt  }
0x83: {  	_ =	shalt  }
0x84: {  	_ =	shalt  }
0x85: {  	_ =	shalt  }
0x86: {  	_ =	shalt  }
0x87: {  	_ =	shalt  }
.Lfunc_end0:
.L_simem_size_0:
called_computation.7_lowered:
.L_overlay_start_0:
0x88: {  	s2 =	sld [smem:$0x3FD9]  }
0x89: {  	s3 =	sld [smem:$0x3FFE];
	_ =	sdelay $0x1  }
0x8a: {  	s1 =	srdreg.scid  }
0x8b: {  	s0 =	sand.u32 $0x1, s1  }
0x8c: {  	s17 =	sshll.u32 s0, $0xA;
	s2 =	sadd.s32 s3, s2  }
0x8d: {  	s2 =	sadd.s32 s2, s17  }
0x8e: {  	[smem:$0x3FBA] =	sst s2  }
0x8f: {  	_ = 	snop  }
0x90: {  	s18 =	sld [smem:$0x3FBE];
	(tm) =	ssettm $0x1  }
0x91: {  	s19 =	sld [smem:$0x3FFB];
	_ =	sdelay $0x3  }
0x92: {  	_ =	strace s19  }
0x93: {  	s2 =	sld [smem:$0x3FFC];
	_ =	sdelay $0x3  }
0x94: {  	_ =	strace s2  }
0x95: {  	s2 =	sld [smem:$0x3FFD];
	_ =	sdelay $0x3  }
0x96: {  	_ =	strace s2  }
0x97: {  	_ =	strace $0x8FFFFFFF  }
0x98: {  	s20 =	sld [smem:$0x3FDB];
	_ =	sdelay $0x1  }
0x99: {  	s4 =	simm.s32 $_scs_section_size  }
0x9a: {  	s5 =	simm.s32 $_size__tile_overlayer_lowered;
	s6 =	simm.s32 $_tile_overlayer_lowered  }
0x9b: {  	s7 =	simm.s32 $0x1BFF;
	s21 =	sshll.u32 s6, $0x1;
	s4 =	sadd.s32 s4, s20  }
0x9c: {  	s22 =	simm.s32 $0x0;
	s5 =	sshll.u32 s5, $0x1;
	s6 =	sadd.s32 s21, s4  }
0x9d: {  	[timem:s22], [sflag:s7] =	dma.local [hbm:s6], s5  }
0x9e: {  	_ =	swait.ge [sflag:s7], s5  }
0x9f: {  	s5 =	ssub.s32 $0x0, s5;
	[sflag:s7] =	ssyncset.done $0x0  }
0xa0: {  	[sflag:s7] =	ssyncadd.s32 s5;
	_ =	sdelay $0x1  }
0xa1: {  	s23 =	simm.s32 $0x1B8B  }
0xa2: {  	_ =	swait.ge [sflag:s23], $0x1  }
0xa3: {  	[sflag:s23] =	ssyncset.done $0x0  }
0xa4: {  	[sflag:s23] =	ssyncadd.s32 $0xFFFFFFFF  }
0xa5: {  	s5 =	sld [smem:$0x0]  }
0xa6: {  	s6 =	sand.u32 $0xFFFFFFFE, s1  }
0xa7: {  	p0 =	sne.s32 s1, s6  }
0xa8: {  	s6 =	sshll.u32 @p0 s6, $0xE  }
0xa9: {  	s6 =	sadd.s32 @p0 $0x11B8D, s6;
	s7 =	sshll.u32 @p0 s5, $0x11  }
0xaa: {  	s6 =	sor.u32 @p0 s7, s6  }
0xab: {  	[sflag:s6] =	ssyncadd.remote.s32 @p0 $0x1;
	_ =	sdelay $0x1  }
0xac: {  	s6 =	simm.s32 @p0 $0x1B8D  }
0xad: {  	_ =	swait.eq @p0 [sflag:s6], $0x1  }
0xae: {  	[sflag:s6] =	ssyncadd.s32 @p0 $0xFFFFFFFF  }
0xaf: {  	s7 =	sshll.u32 @!p0 s1, $0xE  }
0xb0: {  	s7 =	sor.u32 @!p0 $0x4000, s7;
	s6 =	simm.s32 @!p0 $0x1B8D  }
0xb1: {  	s5 =	sshll.u32 @!p0 s5, $0x11;
	s7 =	sadd.s32 @!p0 $0x11B8D, s7;
	_ =	swait.eq @!p0 [sflag:s6], $0x1  }
0xb2: {  	s5 =	sor.u32 @!p0 s5, s7;
	[sflag:s6] =	ssyncadd.s32 @!p0 $0xFFFFFFFF  }
0xb3: {  	s25 =	simm.s32 $0x1B8E;
	s24 =	sld [smem:$0x3FFE];
	[sflag:s5] =	ssyncadd.remote.s32 @!p0 $0x1  }
0xb4: {  	s26 =	simm.s32 $execute0_lowered;
	[smem:$0x3FD2] =	sst s25  }
0xb5: {  	s6 =	sshll.u32 s26, $0x1;
	_ =	strace $0x8000005B;
	[dreg:$0x1] =	wrdreg $0xFFFFFFFF  }
0xb6: {  	s28 =	simm.s32 $_size_execute0_lowered;
	s4 =	sadd.s32 s4, s6;
	[dreg:$0x0] =	wrdreg $0x0  }
0xb7: {  	s6 =	sshll.u32 s28, $0x1;
	[dreg:$0x2] =	wrdreg s4  }
0xb8: {  	[dreg:$0x3] =	wrdreg s6  }
0xb9: {  	[dreg:$0x4] =	wrdreg $0xC0  }
0xba: {  	_ =	task [dreg:s22], $0x5FFFF  }
0xbb: {  	[dreg:$0x1] =	wrdreg $0xFFFFFFFF  }
0xbc: {  	[dreg:$0x0] =	wrdreg $0x60  }
0xbd: {  	[dreg:$0x2] =	wrdreg s18  }
0xbe: {  	[dreg:$0x3] =	wrdreg s24  }
0xbf: {  	[dreg:$0x4] =	wrdreg $0x10  }
0xc0: {  	_ =	task.clear_ibuf [dreg:s22], $0x5FFFF;
	_ =	strace $0x9000005B  }
0xc1: {  	s29 =	simm.s32 $0x10;
	_ =	strace $0x8000005D  }
0xc2: {  	_ =	swait.ge [sflag:s29], $0x1  }
0xc3: {  	[sflag:s29] =	ssyncadd.s32 $0xFFFFFFFF  }
0xc4: {  	_ =	strace $0x9000005D  }
0xc5: {  	_ =	sfence  }
0xc6: {  	s30 =	sld [smem:$0x0];
	_ =	sdelay $0x2  }
0xc7: {  	s31 =	sshll.u32 s1, $0xD;
	s1 =	sshrl.u32 s1, $0x2  }
0xc8: {  	s4 =	sand.u32 $0x4000, s31;
	s1 =	sadd.s32 s1, s30  }
0xc9: {  	s0 =	sor.u32 s4, s0;
	s1 =	sshll.u32 s1, $0x11  }
0xca: {  	s0 =	sor.u32 s1, s0  }
0xcb: {  	s0 =	sadd.s32 $0x8F2B, s0  }
0xcc: {  	[sflag:s0] =	ssyncadd.remote.s32 $0x1  }
0xcd: {  	_ =	sfence.sel $0xFFFF  }
0xce: {  	[dreg:$0x0] =	wrdreg $0xFFFFFFFF;
	(pc) =	sbr.abs _section_cstart, $3  }
0xcf: {  	[dreg:$0x1] =	wrdreg $0xFFFFFFFF  }
0xd0: {  	_ =	task.clear_ibuf [dreg:s22], $0x2FFFF;
	_ =	strace $0x9FFFFFFF  }
0xd1: {  	(tm) =	ssettm $0x7FFFFFFF  }
tec
execute0_lowered:
.L_overlay_start_1:
0x0: {  	(tag) =	ssettag $0x1  }
0x1: {  	s1 =	srdreg.scid;
	s2 =	rddreg [dreg:$0x0]  }
0x2: {  	s0 =	stileid.u32;
	s5 =	rddreg [dreg:$0x1];
	s6 =	simm.s32 $0x1  }
0x3: {  	s9 =	simm.s32 $0x1;
	s10 =	simm.s32 $0x3;
	s1 =	sshll.u32 s1, $0x6  }
0x4: {  	s13 =	simm.s32 $0x0;
	s3 =	sshll.u32 s0, $0x7;
	s4 =	sand.u32 $0x40, s1  }
0x5: {  	s12 =	simm.s32 $0x0;
	s1 =	rddreg [dreg:$0x2];
	s3 =	sor.u32 s3, s4  }
0x6: {  	_ =	strace $0x8000005C;
	s4 =	sadd.s32 $0x1A00, s5;
	s8 =	ssub.s32 $0x1000, s3  }
.Ltmp0:
0x7: {  	s5 =	sadd.s32 $0x3A00, s5;
	s7 =	sand.u32 $0x7C0, s8;
	(pc) =	sbr.rel .LBB2_1-.Ltmp0, $4  }
0x8: {  	[sflag:s6] =	ssyncpa.u1 $0x0;
	s11 =	smov.u32 s3;
	p0 =	sne.s32 s7, $0x0  }
0x9: {  	s8 =	sshrl.u32 s8, $0xB;
	s7 =	simm.s32 $0x2;
	s9 =	simm.s32 @!p0 $0x0  }
0xa: {  	[sflag:s7] =	ssyncpa.u1 $0x0;
	p0 =	por $0x0, $0x0;
	s8 =	sadd.s32 s9, s8  }
0xb: {  	vm0 =	vmmov $0xffff;
	[sflag:s10] =	ssyncpa.u1 $0x0;
	s10 =	simm.s32 $0x0;
	s9 =	sadd.s32 $0x1, s8  }
.LBB2_4:
0xc: {  	v2 =	vnsel vm1, $0x0, v2  }
0xd: {  	vm1 =	vgt.s32 v0, $0x0;
	v2 =	vmin.u32 v2, $0xFFF  }
0xe: {  	v0 =	vnsel vm1, $0x0, v0  }
0xf: {  	v0 =	vmin.u32 v0, $0xFFF  }
0x10: {  	[tilespmem:s15], [sflag:$0x1] =	stream.indirect_vreg.gather [hbm4b:s2+s10], $0x1, v1, vm0, $0x4038;
	[tilespmem:$0x100] =	vst v63  }
0x11: {  	(ifvalue) =	ssetifvalue $0x7FFFFFFF  }
0x12: {  	[tilespmem:s16], [sflag:$0x1] =	stream.indirect_vreg.gather [hbm4b:s2+s10], $0x1, v2, vm0, $0x4038;
	[tilespmem:$0x100] =	vst v63  }
0x13: {  	s29 =	sadd.s32 $0x10, s16;
	(ifvalue) =	ssetifvalue $0x7FFFFFFF  }
0x14: {  	[tilespmem:s29], [sflag:$0x1] =	stream.indirect_vreg.gather [hbm4b:s2+s10], $0x1, v0, vm0, $0x4038;
	[tilespmem:$0x100] =	vst v63  }
0x15: {  	_ =	swait.ge [sflag:s6], $0x40  }
0x16: {  	s30 =	sshrl.u32 s13, $0x3;
	[sflag:s6] =	ssyncset.done $0x0  }
0x17: {  	s31 =	sand.u32 $0x7, s13;
	s15 =	sadd.s32 s5, s30;
	[sflag:s6] =	ssyncadd.s32 $0xFFFFFFC0  }
0x18: {  	[hbm4b:s15+s31] =	stream.linear.scatter [tilespmem:s14], [sflag:$0x3], $0x40, $0x38;
	[tilespmem:$0x100] =	vst v63  }
.LBB2_5:
0x19: {  	s15 =	sadd.s32 $0x800, s11  }
0x1a: {  	p2 =	sgt.s32 s15, $0xFFF  }
0x1b: {  	s15 =	smov.u32 @p2 s3;
	p2 =	sne.s32 s12, s9  }
.Ltmp1:
0x1c: {  	p1 =	slt.u32 s12, $0x2;
	(pc) =	sbr.rel @!p2 .LBB2_6-.Ltmp1, $4  }
0x1d: {  	s14 =	simm.s32 @!p1 $0x3  }
0x1e: {  	s16 =	sadd.s32 $0x1, s12;
	_ =	swait.ge @!p1 [sflag:s14], $0x40  }
0x1f: {  	s13 =	smov.u32 s11;
	p0 =	por !p0, !p0;
	[sflag:s14] =	ssyncset.done @!p1 $0x0  }
0x20: {  	s12 =	smov.u32 s16;
	s11 =	smov.u32 s15;
	[sflag:s14] =	ssyncadd.s32 @!p1 $0xFFFFFFC0  }
.LBB2_1:
0x21: {  	p1 =	sge.u32 s12, s8  }
0x22: {  	s14 =	sxor.u32 @!p1 $0xFFFFFFFF, s12  }
0x23: {  	s31 =	sadd.s32 $0xFFFFFFFF, s12;
	s15 =	sshrl.u32 @!p1 s11, $0x3;
	s14 =	sshll.u32 @!p1 s14, $0x6  }
0x24: {  	s16 =	sand.u32 @!p1 $0x7, s11;
	s15 =	sadd.s32 @!p1 s4, s15;
	s14 =	sand.u32 @!p1 $0x40, s14  }
0x25: {  	[tilespmem:s14], [sflag:$0x2] =	stream.linear.gather @!p1 [hbm4b:s15+s16], $0x40, $0x38;
	[tilespmem:$0x100] =	vst v63  }
0x26: {  	p1 =	sge.u32 s31, s8  }
.Ltmp2:
0x27: {  	_ = 	snop;
	(pc) =	sbr.rel @p1 .LBB2_5-.Ltmp2, $1  }
0x28: {  	_ =	sdelay $0x3  }
0x29: {  	s14 =	simm.s32 $0x1  }
0x2a: {  	_ =	swait.ge [sflag:s7], $0x40;
	s14 =	simm.s32 @!p0 $0x0  }
0x2b: {  	[sflag:s7] =	ssyncset.done $0x0;
	s14 =	sshll.u32 s14, $0x6  }
0x2c: {  	[sflag:s7] =	ssyncadd.s32 $0xFFFFFFC0;
	(ifvalue) =	ssetifvalue $0x7FFFFFFF;
	v0 =	vld.msk [tilespmem:s14+$0x0 ss:$0x1], $0xffff;
	_ =	sdelay $0x4  }
0x2d: {  	s15 =	sadd.s32 $0x10, s14;
	vm1 =	vgt.s32 v0, $0x0  }
0x2e: {  	v2 =	vld.msk [tilespmem:s15+$0x0 ss:$0x1], $0xffff;
	v1 =	vnsel vm1, $0x0, v0  }
0x2f: {  	v1 =	vmin.u32 v1, $0xFFF;
	_ =	sdelay $0x1  }
0x30: {  	s16 =	sshll.u32 s12, $0x6;
	s18 =	simm.s32 $0x20  }
0x31: {  	s16 =	sand.u32 $0x40, s16;
	s17 =	sadd.s32 $0x10, s15;
	s15 =	sor.u32 $0x80, s14  }
0x32: {  	s14 =	sor.u32 $0x80, s16;
	s16 =	sadd.s32 $0x10, s15;
	v0 =	vld.msk [tilespmem:s17+$0x0 ss:$0x1], $0xffff;
	vm1 =	vgt.s32 v2, $0x0;
	(ifvalue) =	ssetifvalue $0x7FFFFFFF  }
.LBB2_3:
0x33: {  	[tilespmem:s15], [sflag:$0x1] =	stream.indirect_vreg.gather [hbm4b:s2+s10], $0x1, v1, vm0, $0x4038;
	[tilespmem:$0x100] =	vst v63  }
0x34: {  	s18 =	sadd.s32 $0x10, s18  }
0x35: {  	v2 =	vnsel vm1, $0x0, v2;
	p1 =	slt.u32 s18, $0x30  }
.Ltmp3:
0x36: {  	s15 =	smov.u32 s16;
	v1 =	vmin.u32 v2, $0xFFF;
	(pc) =	sbr.rel @p1 .LBB2_3-.Ltmp3, $3  }
0x37: {  	_ =	sdelay $0x1  }
0x38: {  	s17 =	sadd.s32 $0x10, s17  }
0x39: {  	vm1 =	vgt.s32 v0, $0x0;
	s16 =	sadd.s32 $0x10, s16;
	v2 =	vmov v0;
	(ifvalue) =	ssetifvalue $0x7FFFFFFF;
	v0 =	vld.msk [tilespmem:s17+$0x0 ss:$0x1], $0xffff  }
.Ltmp4:
0x3a: {  	_ = 	snop;
	(pc) =	sbr.rel .LBB2_4-.Ltmp4, $1  }
0x3b: {  	_ =	sdelay $0x3  }
.LBB2_6:
0x3c: {  	_ =	sfence.sel $0x180000  }
0x3d: {  	s2 =	simm.s32 $0x2;
	[bflag:$0x0] =	sbarrier.arrive $0xFFFF  }
0x3e: {  	s30 =	simm.s32 $0x3;
	[sflag:s2] =	ssyncpa.u1 $0x1  }
0x3f: {  	s31 =	simm.s32 $0x1;
	[sflag:s30] =	ssyncpa.u1 $0x1  }
0x40: {  	[sflag:s31] =	ssyncpa.u1 $0x1  }
0x41: {  	p0 =	sne.s32 s0, $0x0;
	_ =	strace $0x9000005C  }
0x42: {  	s0 =	sadd.s32 @!p0 $0x100000, s1;
	[bflag:$0x2] =	sbarrier.arrive $0xFFFF  }
0x43: {  	[sflag:s0] =	ssyncadd.tile.s32 @!p0 $0x1;
	_ =	shalt  }
.Lfunc_end2:
_tile_overlayer_lowered:
.L_overlay_start_2:
0x44: {  	(tag) =	ssettag $0x2  }
0x45: {  	s0 =	rddreg [dreg:$0x0];
	s2 =	stileid.u32  }
0x46: {  	s1 =	rddreg [dreg:$0x1];
	p0 =	sne.s32 s2, $0x0  }
0x47: {  	s3 =	rddreg [dreg:$0x2];
	[bflag:$0x3] =	sbarrier.arrive $0xFFFF;
	s2 =	simm.s32 @!p0 $0x1C01  }
0x48: {  	[timem:s3], [sflag:s2] =	dma.local @!p0 [hbm:s0], s1  }
0x49: {  	s0 =	simm.s32 @!p0 $0x1  }
0x4a: {  	_ =	swait.ge @!p0 [sflag:s0], s1  }
0x4b: {  	s1 =	ssub.s32 @!p0 $0x0, s1;
	[sflag:s0] =	ssyncset.done @!p0 $0x0  }
0x4c: {  	[sflag:s0] =	ssyncadd.s32 @!p0 s1  }
0x4d: {  	[bflag:$0x3] =	sbarrier.arrive $0xFFFF  }
0x4e: {  	_ =	shalt  }

// kernel: gather_offload_async_start
scs
__scs_entry_jumppad:
0x0: {  	(pc) =	sbr.rel $0x88, $3  }
0x1: {  	(tag) =	ssettag $0x0;
	lr =	simm.s32 $0x1  }
0x2: {  	[smem:$0x3F93] =	sst lr;
	_ =	strace $0xD0000000  }
0x3: {  	_ = 	snop  }
0x4: {  	_ = 	snop  }
0x5: {  	_ = 	snop  }
0x6: {  	_ = 	snop  }
0x7: {  	_ = 	snop  }
__scs_overlays_trampoline_lowered:
0x8: {  	[smem:$0x3FA2] =	sst s0  }
0x9: {  	[smem:$0x3FA3] =	sst s1  }
0xa: {  	[smem:$0x3FA4] =	sst s2  }
0xb: {  	[smem:$0x3FA5] =	sst s3  }
0xc: {  	[smem:$0x3FA6] =	sst s4  }
0xd: {  	[smem:$0x3FA7] =	sst s5  }
0xe: {  	[smem:$0x3FA8] =	sst s6  }
0xf: {  	[smem:$0x3FA9] =	sst s7  }
0x10: {  	[smem:$0x3FAA] =	sst s8  }
0x11: {  	[smem:$0x3FAB] =	sst s9;
	s0 =	simm.s32 @!p0 $0x0  }
0x12: {  	s1 =	sld [smem:$0x3F91];
	s0 =	simm.s32 @p0 $0x1  }
0x13: {  	[smem:$0x3FAC] =	sst s0;
	s0 =	simm.s32 @!p1 $0x0  }
0x14: {  	s2 =	sld [smem:$0x3F90];
	s0 =	simm.s32 @p1 $0x1  }
0x15: {  	[smem:$0x3FAD] =	sst s0;
	s0 =	simm.s32 @!p2 $0x0  }
0x16: {  	s3 =	sld [smem:$0x3FDB];
	s0 =	simm.s32 @p2 $0x1  }
0x17: {  	s4 =	simm.s32 $0x1BF5;
	[smem:$0x3FAF] =	sst s0  }
0x18: {  	s0 =	sld [smem:$0x3F92];
	_ =	swait.ge [sflag:s4], $0x0  }
0x19: {  	s7 =	sld [smem:$0x3F93]  }
0x1a: {  	s8 =	sadd.s32 $0xFFFFE003, lr  }
0x1b: {  	s9 =	sadd.s32 $0xFFFFFEF7, lr;
	s5 =	simm.s32 $0xFFFFFFFF;
	p2 =	slt.u32 s8, $0xFFFFF086  }
0x1c: {  	p1 =	slt.u32 s9, $0xF7A;
	s5 =	simm.s32 @!p2 $0x0  }
0x1d: {  	s5 =	simm.s32 @p1 $0x1;
	p0 =	seq.s32 s7, s2  }
0x1e: {  	s7 =	smul.u32 @!p0 $0xF7A, s2;
	p2 =	seq.s32 @!p0 s5, $0x0  }
0x1f: {  	s9 =	smul.u32 $0xF7A, s1;
	s8 =	simm.s32 @!p0 $0x1BF5;
	p2 =	por !p2, p0  }
0x20: {  	[sflag:s8] =	ssyncset.s32 @!p0 $0xFFFFF086;
	s6 =	sadd.s32 @!p0 s3, s7;
	s7 =	simm.s32 @!p0 $0x108  }
0x21: {  	s3 =	sadd.s32 s3, s9;
	s6 =	sadd.s32 @!p0 $0x88, s6;
	s7 =	simm.s32 @p2 $0x1082  }
0x22: {  	[simem:s7], [sflag:s8] =	dma.local @!p0 [hbm:s6], $0xF7A  }
0x23: {  	s9 =	sor.u32 $0xD0000000, s2;
	s6 =	simm.s32 $0x108;
	_ =	swait.ge @!p0 [sflag:s8], $0x0  }
0x24: {  	s3 =	sadd.s32 $0x88, s3;
	s6 =	simm.s32 @!p1 $0x1082;
	[sflag:s4] =	ssyncset.s32 $0xFFFFF086  }
0x25: {  	[simem:s6], [sflag:s4] =	dma.local [hbm:s3], $0xF7A  }
0x26: {  	[smem:$0x3F93] =	sst s1;
	(tag) =	ssettag s2;
	_ =	strace s9  }
0x27: {  	s1 =	sld [smem:$0x3FA3]  }
0x28: {  	s2 =	sld [smem:$0x3FA4]  }
0x29: {  	s4 =	sld [smem:$0x3FA6]  }
0x2a: {  	p0 =	seq.s32 s5, $0x0;
	s5 =	sld [smem:$0x3FA7]  }
0x2b: {  	s6 =	sld [smem:$0x3FA8]  }
0x2c: {  	s7 =	sld [smem:$0x3FA9]  }
0x2d: {  	s3 =	simm.s32 $0x108;
	s8 =	sld [smem:$0x3FAA]  }
0x2e: {  	s3 =	simm.s32 @!p0 $0x1082;
	s9 =	sld [smem:$0x3FAB]  }
0x2f: {  	lr =	sadd.s32 s0, s3;
	s0 =	sld [smem:$0x3FA2]  }
0x30: {  	s3 =	sld [smem:$0x3FA5]  }
0x31: {  	[smem:$0x3FAE] =	sst s10  }
0x32: {  	s10 =	sld [smem:$0x3FAC];
	_ =	sdelay $0x3  }
0x33: {  	p0 =	seq.s32 s10, $0x1;
	s10 =	sld [smem:$0x3FAE];
	_ =	sdelay $0x3  }
0x34: {  	[smem:$0x3FAE] =	sst s10  }
0x35: {  	s10 =	sld [smem:$0x3FAD];
	_ =	sdelay $0x3  }
0x36: {  	p1 =	seq.s32 s10, $0x1;
	s10 =	sld [smem:$0x3FAE];
	_ =	sdelay $0x3  }
0x37: {  	[smem:$0x3FAE] =	sst s10  }
0x38: {  	s10 =	sld [smem:$0x3FAF]  }
0x39: {  	_ = 	snop;
	(pc) =	sbr.ind lr, $3  }
0x3a: {  	_ = 	snop  }
0x3b: {  	_ = 	snop  }
0x3c: {  	p2 =	seq.s32 s10, $0x1;
	s10 =	sld [smem:$0x3FAE]  }
0x3d: {  	_ =	shalt  }
0x3e: {  	_ =	shalt  }
0x3f: {  	_ =	shalt  }
0x40: {  	_ =	shalt  }
0x41: {  	_ =	shalt  }
0x42: {  	_ =	shalt  }
0x43: {  	_ =	shalt  }
0x44: {  	_ =	shalt  }
0x45: {  	_ =	shalt  }
0x46: {  	_ =	shalt  }
0x47: {  	_ =	shalt  }
0x48: {  	_ =	shalt  }
0x49: {  	_ =	shalt  }
0x4a: {  	_ =	shalt  }
0x4b: {  	_ =	shalt  }
0x4c: {  	_ =	shalt  }
0x4d: {  	_ =	shalt  }
0x4e: {  	_ =	shalt  }
0x4f: {  	_ =	shalt  }
0x50: {  	_ =	shalt  }
0x51: {  	_ =	shalt  }
0x52: {  	_ =	shalt  }
0x53: {  	_ =	shalt  }
0x54: {  	_ =	shalt  }
0x55: {  	_ =	shalt  }
0x56: {  	_ =	shalt  }
0x57: {  	_ =	shalt  }
0x58: {  	_ =	shalt  }
0x59: {  	_ =	shalt  }
0x5a: {  	_ =	shalt  }
0x5b: {  	_ =	shalt  }
0x5c: {  	_ =	shalt  }
0x5d: {  	_ =	shalt  }
0x5e: {  	_ =	shalt  }
0x5f: {  	_ =	shalt  }
0x60: {  	_ =	shalt  }
0x61: {  	_ =	shalt  }
0x62: {  	_ =	shalt  }
0x63: {  	_ =	shalt  }
0x64: {  	_ =	shalt  }
0x65: {  	_ =	shalt  }
0x66: {  	_ =	shalt  }
0x67: {  	_ =	shalt  }
0x68: {  	_ =	shalt  }
0x69: {  	_ =	shalt  }
0x6a: {  	_ =	shalt  }
0x6b: {  	_ =	shalt  }
0x6c: {  	_ =	shalt  }
0x6d: {  	_ =	shalt  }
0x6e: {  	_ =	shalt  }
0x6f: {  	_ =	shalt  }
0x70: {  	_ =	shalt  }
0x71: {  	_ =	shalt  }
0x72: {  	_ =	shalt  }
0x73: {  	_ =	shalt  }
0x74: {  	_ =	shalt  }
0x75: {  	_ =	shalt  }
0x76: {  	_ =	shalt  }
0x77: {  	_ =	shalt  }
0x78: {  	_ =	shalt  }
0x79: {  	_ =	shalt  }
0x7a: {  	_ =	shalt  }
0x7b: {  	_ =	shalt  }
0x7c: {  	_ =	shalt  }
0x7d: {  	_ =	shalt  }
0x7e: {  	_ =	shalt  }
0x7f: {  	_ =	shalt  }
0x80: {  	_ =	shalt  }
0x81: {  	_ =	shalt  }
0x82: {  	_ =	shalt  }
0x83: {  	_ =	shalt  }
0x84: {  	_ =	shalt  }
0x85: {  	_ =	shalt  }
0x86: {  	_ =	shalt  }
0x87: {  	_ =	shalt  }
.Lfunc_end0:
.L_simem_size_0:
called_computation_lowered:
.L_overlay_start_0:
0x88: {  	s2 =	sld [smem:$0x3FD9]  }
0x89: {  	s3 =	sld [smem:$0x3FFE];
	_ =	sdelay $0x1  }
0x8a: {  	s1 =	srdreg.scid  }
0x8b: {  	s0 =	sand.u32 $0x1, s1  }
0x8c: {  	s17 =	sshll.u32 s0, $0xA;
	s2 =	sadd.s32 s3, s2  }
0x8d: {  	s2 =	sadd.s32 s2, s17  }
0x8e: {  	[smem:$0x3FBA] =	sst s2  }
0x8f: {  	_ = 	snop  }
0x90: {  	s2 =	sld [smem:$0x3FC7];
	(tm) =	ssettm $0x1  }
0x91: {  	s18 =	sld [smem:$0x3FFB];
	_ =	sdelay $0x3  }
0x92: {  	_ =	strace s18  }
0x93: {  	s3 =	sld [smem:$0x3FFC];
	_ =	sdelay $0x3  }
0x94: {  	_ =	strace s3  }
0x95: {  	s3 =	sld [smem:$0x3FFD];
	_ =	sdelay $0x3  }
0x96: {  	_ =	strace s3  }
0x97: {  	_ =	strace $0x8FFFFFFF  }
0x98: {  	s19 =	sld [smem:$0x3FDB];
	_ =	sdelay $0x1  }
0x99: {  	s4 =	simm.s32 $_scs_section_size  }
0x9a: {  	s5 =	simm.s32 $_size__tile_overlayer_lowered;
	s6 =	simm.s32 $_tile_overlayer_lowered  }
0x9b: {  	s22 =	simm.s32 $0x1BFF;
	s21 =	sshll.u32 s6, $0x1;
	s3 =	sadd.s32 s4, s19  }
0x9c: {  	s7 =	simm.s32 $0x0;
	s20 =	sshll.u32 s5, $0x1;
	s5 =	sadd.s32 s21, s3  }
0x9d: {  	[timem:s7], [sflag:s22] =	dma.local [hbm:s5], s20  }
0x9e: {  	_ =	swait.ge [sflag:s22], s20  }
0x9f: {  	s4 =	ssub.s32 $0x0, s20;
	[sflag:s22] =	ssyncset.done $0x0  }
0xa0: {  	[sflag:s22] =	ssyncadd.s32 s4;
	_ =	sdelay $0x1  }
0xa1: {  	s23 =	simm.s32 $0x1B8B  }
0xa2: {  	_ =	swait.ge [sflag:s23], $0x1  }
0xa3: {  	[sflag:s23] =	ssyncset.done $0x0  }
0xa4: {  	s25 =	simm.s32 $0x1B8E;
	s24 =	sld [smem:$0x3FFE];
	[sflag:s23] =	ssyncadd.s32 $0xFFFFFFFF  }
0xa5: {  	s26 =	simm.s32 $execute0_lowered;
	[smem:$0x3FD2] =	sst s25  }
0xa6: {  	s5 =	sshll.u32 s26, $0x1;
	_ =	strace $0x80000046;
	[dreg:$0x1] =	wrdreg $0xFFFFFFFF  }
0xa7: {  	s28 =	simm.s32 $_size_execute0_lowered;
	s3 =	sadd.s32 s3, s5;
	[dreg:$0x0] =	wrdreg $0x0  }
0xa8: {  	s5 =	sshll.u32 s28, $0x1;
	[dreg:$0x2] =	wrdreg s3  }
0xa9: {  	[dreg:$0x3] =	wrdreg s5  }
0xaa: {  	[dreg:$0x4] =	wrdreg $0xC0  }
0xab: {  	_ =	task [dreg:s7], $0x5FFFF  }
0xac: {  	[dreg:$0x1] =	wrdreg $0xFFFFFFFF  }
0xad: {  	[dreg:$0x0] =	wrdreg $0x60  }
0xae: {  	[dreg:$0x2] =	wrdreg s2  }
0xaf: {  	[dreg:$0x3] =	wrdreg s24  }
0xb0: {  	[dreg:$0x4] =	wrdreg $0x9  }
0xb1: {  	_ =	task.clear_ibuf [dreg:s7], $0x5FFFF;
	_ =	strace $0x90000046  }
0xb2: {  	s29 =	simm.s32 $0x9;
	_ =	strace $0x80000048  }
0xb3: {  	_ =	swait.ge [sflag:s29], $0x1  }
0xb4: {  	[sflag:s29] =	ssyncadd.s32 $0xFFFFFFFF  }
0xb5: {  	_ =	strace $0x90000048  }
0xb6: {  	_ =	sfence  }
0xb7: {  	s30 =	sld [smem:$0x0];
	_ =	sdelay $0x2  }
0xb8: {  	s31 =	sshll.u32 s1, $0xD;
	s1 =	sshrl.u32 s1, $0x2  }
0xb9: {  	s3 =	sand.u32 $0x4000, s31;
	s1 =	sadd.s32 s1, s30  }
0xba: {  	s0 =	sor.u32 s3, s0;
	s1 =	sshll.u32 s1, $0x11  }
0xbb: {  	s0 =	sor.u32 s1, s0  }
0xbc: {  	s0 =	sadd.s32 $0x8F2B, s0  }
0xbd: {  	[sflag:s0] =	ssyncadd.remote.s32 $0x1  }
0xbe: {  	_ =	sfence.sel $0xFFFF  }
0xbf: {  	[dreg:$0x0] =	wrdreg $0xFFFFFFFF;
	(pc) =	sbr.abs _section_cstart, $3  }
0xc0: {  	[dreg:$0x1] =	wrdreg $0xFFFFFFFF  }
0xc1: {  	_ =	task.clear_ibuf [dreg:s7], $0x2FFFF;
	_ =	strace $0x9FFFFFFF  }
0xc2: {  	(tm) =	ssettm $0x7FFFFFFF  }
0xc3: {  	_ =	shalt  }
tec
execute0_lowered:
.L_overlay_start_1:
0x0: {  	(tag) =	ssettag $0x1  }
0x1: {  	s1 =	srdreg.scid;
	s2 =	rddreg [dreg:$0x0]  }
0x2: {  	s0 =	stileid.u32;
	s5 =	rddreg [dreg:$0x1];
	s6 =	simm.s32 $0x1  }
0x3: {  	s9 =	simm.s32 $0x1;
	s10 =	simm.s32 $0x3;
	s1 =	sshll.u32 s1, $0x8  }
0x4: {  	s13 =	simm.s32 $0x0;
	s3 =	sshll.u32 s0, $0x9;
	s4 =	sand.u32 $0x100, s1  }
0x5: {  	s12 =	simm.s32 $0x0;
	s1 =	rddreg [dreg:$0x2];
	s3 =	sor.u32 s3, s4  }
0x6: {  	_ =	strace $0x80000047;
	s4 =	sadd.s32 $0xA00, s5;
	s8 =	ssub.s32 $0x4000, s3  }
.Ltmp0:
0x7: {  	s5 =	sadd.s32 $0x1200, s5;
	s7 =	sand.u32 $0x1F00, s8;
	(pc) =	sbr.rel .LBB2_1-.Ltmp0, $4  }
0x8: {  	[sflag:s6] =	ssyncpa.u1 $0x0;
	s11 =	smov.u32 s3;
	p0 =	sne.s32 s7, $0x0  }
0x9: {  	s8 =	sshrl.u32 s8, $0xD;
	s7 =	simm.s32 $0x2;
	s9 =	simm.s32 @!p0 $0x0  }
0xa: {  	[sflag:s7] =	ssyncpa.u1 $0x0;
	p0 =	por $0x0, $0x0;
	s8 =	sadd.s32 s9, s8  }
0xb: {  	vm0 =	vmmov $0xffff;
	[sflag:s10] =	ssyncpa.u1 $0x0;
	s10 =	simm.s32 $0x0;
	s9 =	sadd.s32 $0x1, s8  }
.LBB2_4:
0xc: {  	v2 =	vnsel vm1, $0x0, v2  }
0xd: {  	vm1 =	vgt.s32 v0, $0x0;
	v2 =	vmin.u32 v2, $0x3FFF  }
0xe: {  	v0 =	vnsel vm1, $0x0, v0  }
0xf: {  	v0 =	vmin.u32 v0, $0x3FFF  }
0x10: {  	[tilespmem:s15], [sflag:$0x1] =	stream.indirect_vreg.gather [hbm4b:s2+s10], $0x1, v1, vm0, $0x4038;
	[tilespmem:$0x400] =	vst v63  }
0x11: {  	(ifvalue) =	ssetifvalue $0x7FFFFFFF  }
0x12: {  	[tilespmem:s16], [sflag:$0x1] =	stream.indirect_vreg.gather [hbm4b:s2+s10], $0x1, v2, vm0, $0x4038;
	[tilespmem:$0x400] =	vst v63  }
0x13: {  	s29 =	sadd.s32 $0x10, s16;
	(ifvalue) =	ssetifvalue $0x7FFFFFFF  }
0x14: {  	[tilespmem:s29], [sflag:$0x1] =	stream.indirect_vreg.gather [hbm4b:s2+s10], $0x1, v0, vm0, $0x4038;
	[tilespmem:$0x400] =	vst v63  }
0x15: {  	_ =	swait.ge [sflag:s6], $0x100  }
0x16: {  	s30 =	sshrl.u32 s13, $0x3;
	[sflag:s6] =	ssyncset.done $0x0  }
0x17: {  	s31 =	sand.u32 $0x7, s13;
	s15 =	sadd.s32 s5, s30;
	[sflag:s6] =	ssyncadd.s32 $0xFFFFFF00  }
0x18: {  	[hbm4b:s15+s31] =	stream.linear.scatter [tilespmem:s14], [sflag:$0x3], $0x100, $0x38;
	[tilespmem:$0x400] =	vst v63  }
.LBB2_5:
0x19: {  	s15 =	sadd.s32 $0x2000, s11  }
0x1a: {  	p2 =	sgt.s32 s15, $0x3FFF  }
0x1b: {  	s15 =	smov.u32 @p2 s3;
	p2 =	sne.s32 s12, s9  }
.Ltmp1:
0x1c: {  	p1 =	slt.u32 s12, $0x2;
	(pc) =	sbr.rel @!p2 .LBB2_6-.Ltmp1, $4  }
0x1d: {  	s14 =	simm.s32 @!p1 $0x3  }
0x1e: {  	s16 =	sadd.s32 $0x1, s12;
	_ =	swait.ge @!p1 [sflag:s14], $0x100  }
0x1f: {  	s13 =	smov.u32 s11;
	p0 =	por !p0, !p0;
	[sflag:s14] =	ssyncset.done @!p1 $0x0  }
0x20: {  	s12 =	smov.u32 s16;
	s11 =	smov.u32 s15;
	[sflag:s14] =	ssyncadd.s32 @!p1 $0xFFFFFF00  }
.LBB2_1:
0x21: {  	p1 =	sge.u32 s12, s8  }
0x22: {  	s14 =	sxor.u32 @!p1 $0xFFFFFFFF, s12  }
0x23: {  	s31 =	sadd.s32 $0xFFFFFFFF, s12;
	s15 =	sshrl.u32 @!p1 s11, $0x3;
	s14 =	sshll.u32 @!p1 s14, $0x8  }
0x24: {  	s16 =	sand.u32 @!p1 $0x7, s11;
	s15 =	sadd.s32 @!p1 s4, s15;
	s14 =	sand.u32 @!p1 $0x100, s14  }
0x25: {  	[tilespmem:s14], [sflag:$0x2] =	stream.linear.gather @!p1 [hbm4b:s15+s16], $0x100, $0x38;
	[tilespmem:$0x400] =	vst v63  }
0x26: {  	p1 =	sge.u32 s31, s8  }
.Ltmp2:
0x27: {  	_ = 	snop;
	(pc) =	sbr.rel @p1 .LBB2_5-.Ltmp2, $1  }
0x28: {  	_ =	sdelay $0x3  }
0x29: {  	s14 =	simm.s32 $0x1  }
0x2a: {  	_ =	swait.ge [sflag:s7], $0x100;
	s14 =	simm.s32 @!p0 $0x0  }
0x2b: {  	[sflag:s7] =	ssyncset.done $0x0;
	s14 =	sshll.u32 s14, $0x8  }
0x2c: {  	[sflag:s7] =	ssyncadd.s32 $0xFFFFFF00;
	(ifvalue) =	ssetifvalue $0x7FFFFFFF;
	v0 =	vld.msk [tilespmem:s14+$0x0 ss:$0x1], $0xffff;
	_ =	sdelay $0x4  }
0x2d: {  	s15 =	sadd.s32 $0x10, s14;
	vm1 =	vgt.s32 v0, $0x0  }
0x2e: {  	v2 =	vld.msk [tilespmem:s15+$0x0 ss:$0x1], $0xffff;
	v1 =	vnsel vm1, $0x0, v0  }
0x2f: {  	v1 =	vmin.u32 v1, $0x3FFF;
	_ =	sdelay $0x1  }
0x30: {  	s16 =	sshll.u32 s12, $0x8;
	s18 =	simm.s32 $0x20  }
0x31: {  	s16 =	sand.u32 $0x100, s16;
	s17 =	sadd.s32 $0x10, s15;
	s15 =	sor.u32 $0x200, s14  }
0x32: {  	s14 =	sor.u32 $0x200, s16;
	s16 =	sadd.s32 $0x10, s15;
	v0 =	vld.msk [tilespmem:s17+$0x0 ss:$0x1], $0xffff;
	vm1 =	vgt.s32 v2, $0x0;
	(ifvalue) =	ssetifvalue $0x7FFFFFFF  }
.LBB2_3:
0x33: {  	[tilespmem:s15], [sflag:$0x1] =	stream.indirect_vreg.gather [hbm4b:s2+s10], $0x1, v1, vm0, $0x4038;
	[tilespmem:$0x400] =	vst v63  }
0x34: {  	s18 =	sadd.s32 $0x10, s18  }
0x35: {  	v2 =	vnsel vm1, $0x0, v2;
	p1 =	slt.u32 s18, $0xF0  }
.Ltmp3:
0x36: {  	s15 =	smov.u32 s16;
	v1 =	vmin.u32 v2, $0x3FFF;
	(pc) =	sbr.rel @p1 .LBB2_3-.Ltmp3, $3  }
0x37: {  	_ =	sdelay $0x1  }
0x38: {  	s17 =	sadd.s32 $0x10, s17  }
0x39: {  	vm1 =	vgt.s32 v0, $0x0;
	s16 =	sadd.s32 $0x10, s16;
	v2 =	vmov v0;
	(ifvalue) =	ssetifvalue $0x7FFFFFFF;
	v0 =	vld.msk [tilespmem:s17+$0x0 ss:$0x1], $0xffff  }
.Ltmp4:
0x3a: {  	_ = 	snop;
	(pc) =	sbr.rel .LBB2_4-.Ltmp4, $1  }
0x3b: {  	_ =	sdelay $0x3  }
.LBB2_6:
0x3c: {  	_ =	sfence.sel $0x180000  }
0x3d: {  	s2 =	simm.s32 $0x2;
	[bflag:$0x0] =	sbarrier.arrive $0xFFFF  }
0x3e: {  	s30 =	simm.s32 $0x3;
	[sflag:s2] =	ssyncpa.u1 $0x1  }
0x3f: {  	s31 =	simm.s32 $0x1;
	[sflag:s30] =	ssyncpa.u1 $0x1  }
0x40: {  	[sflag:s31] =	ssyncpa.u1 $0x1  }
0x41: {  	p0 =	sne.s32 s0, $0x0;
	_ =	strace $0x90000047  }
0x42: {  	s0 =	sadd.s32 @!p0 $0x100000, s1;
	[bflag:$0x2] =	sbarrier.arrive $0xFFFF  }
0x43: {  	[sflag:s0] =	ssyncadd.tile.s32 @!p0 $0x1;
	_ =	shalt  }
.Lfunc_end2:
_tile_overlayer_lowered:
.L_overlay_start_2:
0x44: {  	(tag) =	ssettag $0x2  }
0x45: {  	s0 =	rddreg [dreg:$0x0];
	s2 =	stileid.u32  }
0x46: {  	s1 =	rddreg [dreg:$0x1];
	p0 =	sne.s32 s2, $0x0  }
0x47: {  	s3 =	rddreg [dreg:$0x2];
	[bflag:$0x3] =	sbarrier.arrive $0xFFFF;
	s2 =	simm.s32 @!p0 $0x1C01  }
0x48: {  	[timem:s3], [sflag:s2] =	dma.local @!p0 [hbm:s0], s1  }
0x49: {  	s0 =	simm.s32 @!p0 $0x1  }
0x4a: {  	_ =	swait.ge @!p0 [sflag:s0], s1  }
0x4b: {  	s1 =	ssub.s32 @!p0 $0x0, s1;
	[sflag:s0] =	ssyncset.done @!p0 $0x0  }
0x4c: {  	[sflag:s0] =	ssyncadd.s32 @!p0 s1  }
0x4d: {  	[bflag:$0x3] =	sbarrier.arrive $0xFFFF  }
0x4e: {  	_ =	shalt  }

// kernel: kernel.4.cloned.1.call-start
scs
__scs_entry_jumppad:
0x0: {  	(pc) =	sbr.rel $0x88, $3  }
0x1: {  	(tag) =	ssettag $0x0;
	lr =	simm.s32 $0x1  }
0x2: {  	[smem:$0x3F93] =	sst lr;
	_ =	strace $0xD0000000  }
0x3: {  	_ = 	snop  }
0x4: {  	_ = 	snop  }
0x5: {  	_ = 	snop  }
0x6: {  	_ = 	snop  }
0x7: {  	_ = 	snop  }
__scs_overlays_trampoline_lowered:
0x8: {  	[smem:$0x3FA2] =	sst s0  }
0x9: {  	[smem:$0x3FA3] =	sst s1  }
0xa: {  	[smem:$0x3FA4] =	sst s2  }
0xb: {  	[smem:$0x3FA5] =	sst s3  }
0xc: {  	[smem:$0x3FA6] =	sst s4  }
0xd: {  	[smem:$0x3FA7] =	sst s5  }
0xe: {  	[smem:$0x3FA8] =	sst s6  }
0xf: {  	[smem:$0x3FA9] =	sst s7  }
0x10: {  	[smem:$0x3FAA] =	sst s8  }
0x11: {  	[smem:$0x3FAB] =	sst s9;
	s0 =	simm.s32 @!p0 $0x0  }
0x12: {  	s1 =	sld [smem:$0x3F91];
	s0 =	simm.s32 @p0 $0x1  }
0x13: {  	[smem:$0x3FAC] =	sst s0;
	s0 =	simm.s32 @!p1 $0x0  }
0x14: {  	s2 =	sld [smem:$0x3F90];
	s0 =	simm.s32 @p1 $0x1  }
0x15: {  	[smem:$0x3FAD] =	sst s0;
	s0 =	simm.s32 @!p2 $0x0  }
0x16: {  	s3 =	sld [smem:$0x3FDB];
	s0 =	simm.s32 @p2 $0x1  }
0x17: {  	s4 =	simm.s32 $0x1BF5;
	[smem:$0x3FAF] =	sst s0  }
0x18: {  	s0 =	sld [smem:$0x3F92];
	_ =	swait.ge [sflag:s4], $0x0  }
0x19: {  	s7 =	sld [smem:$0x3F93]  }
0x1a: {  	s8 =	sadd.s32 $0xFFFFE003, lr  }
0x1b: {  	s9 =	sadd.s32 $0xFFFFFEF7, lr;
	s5 =	simm.s32 $0xFFFFFFFF;
	p2 =	slt.u32 s8, $0xFFFFF086  }
0x1c: {  	p1 =	slt.u32 s9, $0xF7A;
	s5 =	simm.s32 @!p2 $0x0  }
0x1d: {  	s5 =	simm.s32 @p1 $0x1;
	p0 =	seq.s32 s7, s2  }
0x1e: {  	s7 =	smul.u32 @!p0 $0xF7A, s2;
	p2 =	seq.s32 @!p0 s5, $0x0  }
0x1f: {  	s9 =	smul.u32 $0xF7A, s1;
	s8 =	simm.s32 @!p0 $0x1BF5;
	p2 =	por !p2, p0  }
0x20: {  	[sflag:s8] =	ssyncset.s32 @!p0 $0xFFFFF086;
	s6 =	sadd.s32 @!p0 s3, s7;
	s7 =	simm.s32 @!p0 $0x108  }
0x21: {  	s3 =	sadd.s32 s3, s9;
	s6 =	sadd.s32 @!p0 $0x88, s6;
	s7 =	simm.s32 @p2 $0x1082  }
0x22: {  	[simem:s7], [sflag:s8] =	dma.local @!p0 [hbm:s6], $0xF7A  }
0x23: {  	s9 =	sor.u32 $0xD0000000, s2;
	s6 =	simm.s32 $0x108;
	_ =	swait.ge @!p0 [sflag:s8], $0x0  }
0x24: {  	s3 =	sadd.s32 $0x88, s3;
	s6 =	simm.s32 @!p1 $0x1082;
	[sflag:s4] =	ssyncset.s32 $0xFFFFF086  }
0x25: {  	[simem:s6], [sflag:s4] =	dma.local [hbm:s3], $0xF7A  }
0x26: {  	[smem:$0x3F93] =	sst s1;
	(tag) =	ssettag s2;
	_ =	strace s9  }
0x27: {  	s1 =	sld [smem:$0x3FA3]  }
0x28: {  	s2 =	sld [smem:$0x3FA4]  }
0x29: {  	s4 =	sld [smem:$0x3FA6]  }
0x2a: {  	p0 =	seq.s32 s5, $0x0;
	s5 =	sld [smem:$0x3FA7]  }
0x2b: {  	s6 =	sld [smem:$0x3FA8]  }
0x2c: {  	s7 =	sld [smem:$0x3FA9]  }
0x2d: {  	s3 =	simm.s32 $0x108;
	s8 =	sld [smem:$0x3FAA]  }
0x2e: {  	s3 =	simm.s32 @!p0 $0x1082;
	s9 =	sld [smem:$0x3FAB]  }
0x2f: {  	lr =	sadd.s32 s0, s3;
	s0 =	sld [smem:$0x3FA2]  }
0x30: {  	s3 =	sld [smem:$0x3FA5]  }
0x31: {  	[smem:$0x3FAE] =	sst s10  }
0x32: {  	s10 =	sld [smem:$0x3FAC];
	_ =	sdelay $0x3  }
0x33: {  	p0 =	seq.s32 s10, $0x1;
	s10 =	sld [smem:$0x3FAE];
	_ =	sdelay $0x3  }
0x34: {  	[smem:$0x3FAE] =	sst s10  }
0x35: {  	s10 =	sld [smem:$0x3FAD];
	_ =	sdelay $0x3  }
0x36: {  	p1 =	seq.s32 s10, $0x1;
	s10 =	sld [smem:$0x3FAE];
	_ =	sdelay $0x3  }
0x37: {  	[smem:$0x3FAE] =	sst s10  }
0x38: {  	s10 =	sld [smem:$0x3FAF]  }
0x39: {  	_ = 	snop;
	(pc) =	sbr.ind lr, $3  }
0x3a: {  	_ = 	snop  }
0x3b: {  	_ = 	snop  }
0x3c: {  	p2 =	seq.s32 s10, $0x1;
	s10 =	sld [smem:$0x3FAE]  }
0x3d: {  	_ =	shalt  }
0x3e: {  	_ =	shalt  }
0x3f: {  	_ =	shalt  }
0x40: {  	_ =	shalt  }
0x41: {  	_ =	shalt  }
0x42: {  	_ =	shalt  }
0x43: {  	_ =	shalt  }
0x44: {  	_ =	shalt  }
0x45: {  	_ =	shalt  }
0x46: {  	_ =	shalt  }
0x47: {  	_ =	shalt  }
0x48: {  	_ =	shalt  }
0x49: {  	_ =	shalt  }
0x4a: {  	_ =	shalt  }
0x4b: {  	_ =	shalt  }
0x4c: {  	_ =	shalt  }
0x4d: {  	_ =	shalt  }
0x4e: {  	_ =	shalt  }
0x4f: {  	_ =	shalt  }
0x50: {  	_ =	shalt  }
0x51: {  	_ =	shalt  }
0x52: {  	_ =	shalt  }
0x53: {  	_ =	shalt  }
0x54: {  	_ =	shalt  }
0x55: {  	_ =	shalt  }
0x56: {  	_ =	shalt  }
0x57: {  	_ =	shalt  }
0x58: {  	_ =	shalt  }
0x59: {  	_ =	shalt  }
0x5a: {  	_ =	shalt  }
0x5b: {  	_ =	shalt  }
0x5c: {  	_ =	shalt  }
0x5d: {  	_ =	shalt  }
0x5e: {  	_ =	shalt  }
0x5f: {  	_ =	shalt  }
0x60: {  	_ =	shalt  }
0x61: {  	_ =	shalt  }
0x62: {  	_ =	shalt  }
0x63: {  	_ =	shalt  }
0x64: {  	_ =	shalt  }
0x65: {  	_ =	shalt  }
0x66: {  	_ =	shalt  }
0x67: {  	_ =	shalt  }
0x68: {  	_ =	shalt  }
0x69: {  	_ =	shalt  }
0x6a: {  	_ =	shalt  }
0x6b: {  	_ =	shalt  }
0x6c: {  	_ =	shalt  }
0x6d: {  	_ =	shalt  }
0x6e: {  	_ =	shalt  }
0x6f: {  	_ =	shalt  }
0x70: {  	_ =	shalt  }
0x71: {  	_ =	shalt  }
0x72: {  	_ =	shalt  }
0x73: {  	_ =	shalt  }
0x74: {  	_ =	shalt  }
0x75: {  	_ =	shalt  }
0x76: {  	_ =	shalt  }
0x77: {  	_ =	shalt  }
0x78: {  	_ =	shalt  }
0x79: {  	_ =	shalt  }
0x7a: {  	_ =	shalt  }
0x7b: {  	_ =	shalt  }
0x7c: {  	_ =	shalt  }
0x7d: {  	_ =	shalt  }
0x7e: {  	_ =	shalt  }
0x7f: {  	_ =	shalt  }
0x80: {  	_ =	shalt  }
0x81: {  	_ =	shalt  }
0x82: {  	_ =	shalt  }
0x83: {  	_ =	shalt  }
0x84: {  	_ =	shalt  }
0x85: {  	_ =	shalt  }
0x86: {  	_ =	shalt  }
0x87: {  	_ =	shalt  }
.Lfunc_end0:
.L_simem_size_0:
called_computation.8_lowered:
.L_overlay_start_0:
0x88: {  	s2 =	sld [smem:$0x3FD9]  }
0x89: {  	s3 =	sld [smem:$0x3FFE];
	_ =	sdelay $0x1  }
0x8a: {  	s1 =	srdreg.scid  }
0x8b: {  	s0 =	sand.u32 $0x1, s1  }
0x8c: {  	s17 =	sshll.u32 s0, $0xA;
	s2 =	sadd.s32 s3, s2  }
0x8d: {  	s2 =	sadd.s32 s2, s17  }
0x8e: {  	[smem:$0x3FBA] =	sst s2  }
0x8f: {  	_ = 	snop  }
0x90: {  	s2 =	sld [smem:$0x3FC9]  }
0x91: {  	s18 =	sld [smem:$0x3FC8]  }
0x92: {  	s4 =	sld [smem:$0x3FC3]  }
0x93: {  	s5 =	sld [smem:$0x3FC2]  }
0x94: {  	s6 =	sld [smem:$0x3FBD]  }
0x95: {  	s7 =	sld [smem:$0x3FBC];
	(tm) =	ssettm $0x1  }
0x96: {  	s8 =	sld [smem:$0x3FFB];
	_ =	sdelay $0x3  }
0x97: {  	_ =	strace s8  }
0x98: {  	s8 =	sld [smem:$0x3FFC];
	_ =	sdelay $0x3  }
0x99: {  	_ =	strace s8  }
0x9a: {  	s8 =	sld [smem:$0x3FFD];
	_ =	sdelay $0x3  }
0x9b: {  	_ =	strace s8  }
0x9c: {  	_ =	strace $0x8FFFFFFF  }
0x9d: {  	s19 =	sld [smem:$0x3FDB];
	_ =	sdelay $0x1  }
0x9e: {  	s9 =	simm.s32 $_scs_section_size  }
0x9f: {  	s10 =	simm.s32 $_size__tile_overlayer_lowered;
	s11 =	simm.s32 $_tile_overlayer_lowered  }
0xa0: {  	s22 =	simm.s32 $0x1BFF;
	s21 =	sshll.u32 s11, $0x1;
	s8 =	sadd.s32 s9, s19  }
0xa1: {  	s12 =	simm.s32 $0x0;
	s20 =	sshll.u32 s10, $0x1;
	s10 =	sadd.s32 s21, s8  }
0xa2: {  	[timem:s12], [sflag:s22] =	dma.local [hbm:s10], s20  }
0xa3: {  	_ =	swait.ge [sflag:s22], s20  }
0xa4: {  	s9 =	ssub.s32 $0x0, s20;
	[sflag:s22] =	ssyncset.done $0x0  }
0xa5: {  	[sflag:s22] =	ssyncadd.s32 s9;
	_ =	sdelay $0x1  }
0xa6: {  	s23 =	simm.s32 $0x1B8B  }
0xa7: {  	_ =	swait.ge [sflag:s23], $0x1  }
0xa8: {  	[sflag:s23] =	ssyncset.done $0x0  }
0xa9: {  	s25 =	simm.s32 $0x1B8E;
	s24 =	sld [smem:$0x3FFE];
	[sflag:s23] =	ssyncadd.s32 $0xFFFFFFFF  }
0xaa: {  	s26 =	simm.s32 $execute0_lowered;
	[smem:$0x3FD2] =	sst s25  }
0xab: {  	s10 =	sshll.u32 s26, $0x1;
	_ =	strace $0x8000005E;
	[dreg:$0x1] =	wrdreg $0xFFFFFFFF  }
0xac: {  	s28 =	simm.s32 $_size_execute0_lowered;
	s8 =	sadd.s32 s8, s10;
	[dreg:$0x0] =	wrdreg $0x0  }
0xad: {  	s10 =	sshll.u32 s28, $0x1;
	[dreg:$0x2] =	wrdreg s8  }
0xae: {  	[dreg:$0x3] =	wrdreg s10  }
0xaf: {  	[dreg:$0x4] =	wrdreg $0xC0  }
0xb0: {  	_ =	task [dreg:s12], $0x5FFFF  }
0xb1: {  	[dreg:$0x1] =	wrdreg $0xFFFFFFFF  }
0xb2: {  	[dreg:$0x0] =	wrdreg $0x60  }
0xb3: {  	[dreg:$0x2] =	wrdreg s2  }
0xb4: {  	[dreg:$0x3] =	wrdreg s18  }
0xb5: {  	[dreg:$0x4] =	wrdreg s24  }
0xb6: {  	[dreg:$0x5] =	wrdreg s4  }
0xb7: {  	[dreg:$0x6] =	wrdreg s5  }
0xb8: {  	[dreg:$0x7] =	wrdreg s6  }
0xb9: {  	[dreg:$0x8] =	wrdreg s7  }
0xba: {  	[dreg:$0x9] =	wrdreg $0x9  }
0xbb: {  	_ =	task.clear_ibuf [dreg:s12], $0xAFFFF;
	_ =	strace $0x9000005E  }
0xbc: {  	s29 =	simm.s32 $0x9;
	_ =	strace $0x80000060  }
0xbd: {  	_ =	swait.ge [sflag:s29], $0x1  }
0xbe: {  	[sflag:s29] =	ssyncadd.s32 $0xFFFFFFFF  }
0xbf: {  	_ =	strace $0x90000060  }
0xc0: {  	_ =	sfence  }
0xc1: {  	s30 =	sld [smem:$0x0];
	_ =	sdelay $0x2  }
0xc2: {  	s31 =	sshll.u32 s1, $0xD;
	s1 =	sshrl.u32 s1, $0x2  }
0xc3: {  	s3 =	sand.u32 $0x4000, s31;
	s1 =	sadd.s32 s1, s30  }
0xc4: {  	s0 =	sor.u32 s3, s0;
	s1 =	sshll.u32 s1, $0x11  }
0xc5: {  	s0 =	sor.u32 s1, s0  }
0xc6: {  	s0 =	sadd.s32 $0x8F2B, s0  }
0xc7: {  	[sflag:s0] =	ssyncadd.remote.s32 $0x1  }
0xc8: {  	_ =	sfence.sel $0xFFFF  }
0xc9: {  	[dreg:$0x0] =	wrdreg $0xFFFFFFFF;
	(pc) =	sbr.abs _section_cstart, $3  }
0xca: {  	[dreg:$0x1] =	wrdreg $0xFFFFFFFF  }
0xcb: {  	_ =	task.clear_ibuf [dreg:s12], $0x2FFFF;
	_ =	strace $0x9FFFFFFF  }
0xcc: {  	(tm) =	ssettm $0x7FFFFFFF  }
0xcd: {  	_ =	shalt  }
tec
execute0_lowered:
.L_overlay_start_1:
0x0: {  	(tag) =	ssettag $0x1  }
0x1: {  	s0 =	rddreg [dreg:$0x0]  }
0x2: {  	s1 =	rddreg [dreg:$0x2]  }
0x3: {  	s6 =	simm.s32 $0x0;
	s26 =	srdreg.scid;
	s7 =	stileid.u32;
	v0 =	vimm.s32 $0xEFCDAB89;
	v1 =	vimm.s32 $0x67452301  }
0x4: {  	v3 =	vimm.s32 $0xDCFE98BA;
	s30 =	simm.s32 $0xE880;
	s29 =	simm.s32 $0xDB00;
	s31 =	simm.s32 $0xDC00  }
0x5: {  	v5 =	vimm.s32 $0x54761032;
	s10 =	simm.s32 $0xDE00;
	[smem:$0x7FF] =	sst s6;
	s2 =	sadd.s32 $0x1200, s1  }
0x6: {  	v6 =	vimm.s32 $0xBA98FEDC;
	s22 =	sadd.s32 $0x1C00, s1;
	s23 =	sadd.s32 $0x2400, s1;
	s24 =	sadd.s32 $0x2C00, s1  }
0x7: {  	v7 =	vimm.s32 $0x32107654;
	s25 =	sadd.s32 $0x3400, s1;
	_ =	strace $0x8000005F;
	[dreg:$0x8] =	wrdreg s2  }
0x8: {  	v4 =	vlaneseq.u32;
	v8 =	vimm.s32 $0xFEDCBA98;
	v9 =	vimm.s32 $0x76543210;
	s13 =	sadd.s32 $0x3600, s1;
	s14 =	sadd.s32 $0x3800, s1;
	[dreg:$0x9] =	wrdreg s22  }
0x9: {  	s15 =	sshll.u32 s7, $0x6;
	s16 =	sadd.s32 $0x3A00, s1;
	v0 =	vunpack.c.l.s4.s8 v0;
	v2 =	vmov s7;
	v1 =	vunpack.c.l.s4.s8 v1;
	[dreg:$0xa] =	wrdreg s23  }
0xa: {  	s28 =	sshll.u32 s7, $0x11;
	s19 =	sadd.s32 $0xA10, s1;
	v3 =	vunpack.c.l.s4.s8 v3;
	v5 =	vunpack.c.l.s4.s8 v5;
	v6 =	vunpack.c.l.s4.s8 v6;
	[dreg:$0xb] =	wrdreg s24  }
0xb: {  	s21 =	sadd.s32 $0xA30, s1;
	v7 =	vunpack.c.l.s4.s8 v7;
	v8 =	vunpack.c.l.s4.s8 v8;
	v9 =	vunpack.c.l.s4.s8 v9;
	[dreg:$0xc] =	wrdreg s25;
	s2 =	sand.u32 $0x1, s26  }
0xc: {  	s4 =	sadd.s32 s15, s1;
	s17 =	sadd.s32 s0, s28;
	s24 =	simm.s32 $0x2;
	v0 =	vunpack.c.0.s8.s32 v0;
	v1 =	vunpack.c.0.s8.s32 v1;
	v3 =	vunpack.c.0.s8.s32 v3  }
.Ltmp0:
0xd: {  	s25 =	simm.s32 $0x1;
	s0 =	simm.s32 $0xDD00;
	v5 =	vunpack.c.0.s8.s32 v5;
	v6 =	vunpack.c.0.s8.s32 v6;
	v7 =	vunpack.c.0.s8.s32 v7;
	(pc) =	sbr.rel .LBB2_1-.Ltmp0, $4  }
0xe: {  	vm0 =	veq.s32 v2, v4;
	s1 =	simm.s32 $0x0;
	s3 =	ssub.s32 $0x2, s2;
	p0 =	seq.s32 s2, $0x1;
	v2 =	vunpack.c.0.s8.s32 v8;
	v1 =	vcombine.low v1, v0  }
0xf: {  	s18 =	sadd.s32 $0xA00, s4;
	s20 =	sadd.s32 $0xA20, s4;
	s5 =	sshrl.u32 s3, $0x1;
	v3 =	vcombine.low v5, v3;
	v4 =	vcombine.low v7, v6;
	v5 =	vunpack.c.0.s8.s32 v9  }
0x10: {  	s2 =	simm.s32 $0xDF00;
	s4 =	simm.s32 $0xE000;
	s3 =	ssub.s32 s3, s5;
	v0 =	vimm.f32 $0.0e+00;
	v6 =	vand.u32 $0xF, v2;
	v1 =	vand.u32 $0xF, v1  }
0x11: {  	s5 =	simm.s32 $0xC400;
	s22 =	smax.u32 s3, $0x1;
	s3 =	simm.s32 $0xC000;
	v2 =	vand.u32 $0xF, v3;
	v3 =	vand.u32 $0xF, v4;
	v4 =	vcombine.low v6, v5  }
.LBB2_48:
0x12: {  	[tilespmem:$0xE880] =	vst v5  }
0x13: {  	[hbm4b:s8+s6] =	stream.linear.scatter [tilespmem:s30], [sflag:$0x2], $0x80, $0x38;
	[tilespmem:$0xE900] =	vst v63  }
0x14: {  	_ =	swait.ge [sflag:s24], $0x80  }
0x15: {  	s1 =	sadd.s32 $0x1, s1;
	[sflag:s24] =	ssyncset.done $0x0  }
0x16: {  	p1 =	sne.s32 s1, s22;
	[sflag:s24] =	ssyncadd.s32 $0xFFFFFF80  }
.Ltmp1:
0x17: {  	s7 =	sadd.s32 s15, s7;
	[tilespmem:$0xE880] =	vst v6;
	(pc) =	sbr.rel @!p1 .LBB2_49-.Ltmp1, $4  }
0x18: {  	[hbm4b:s7+s6] =	stream.linear.scatter [tilespmem:s30], [sflag:$0x2], $0x80, $0x38;
	[tilespmem:$0xE900] =	vst v63  }
0x19: {  	_ =	swait.ge [sflag:s24], $0x80  }
0x1a: {  	[sflag:s24] =	ssyncset.done $0x0  }
0x1b: {  	[sflag:s24] =	ssyncadd.s32 $0xFFFFFF80  }
.LBB2_1:
0x1c: {  	s7 =	rddreg [dreg:$0x1];
	s8 =	simm.s32 $0xE800  }
0x1d: {  	[tilespmem:s8], [sflag:$0x2] =	stream.linear.gather [hbm4b:s7+s6], $0x80, $0x38;
	[tilespmem:$0xE900] =	vst v63  }
0x1e: {  	_ =	swait.ge [sflag:s24], $0x80  }
0x1f: {  	[sflag:s24] =	ssyncset.done $0x0  }
0x20: {  	[sflag:s24] =	ssyncadd.s32 $0xFFFFFF80  }
0x21: {  	v5 =	vld [tilespmem:$0xE800];
	_ =	sdelay $0x4  }
0x22: {  	v6 =	vand.u32 $0x1, v5  }
0x23: {  	vm1 =	veq.s32 v6, $0x1;
	v6 =	vand.u32 $0x2, v5  }
0x24: {  	vm1 =	vmand vm0, vm1;
	vm2 =	vne.s32 v6, $0x0;
	v6 =	vand.u32 $0x4, v5  }
0x25: {  	v7 =	vsel vm1, $0x3F800000, v0;
	vm1 =	vmand vm0, vm2;
	vm2 =	vne.s32 v6, $0x0  }
0x26: {  	v8 =	vand.u32 $0x8, v5;
	v6 =	vsel vm1, $0x3F800000, v0;
	vm1 =	vmand vm0, vm2  }
0x27: {  	v61 =	vand.u32 $0x10, v5;
	(xrf0) =	vmax.scan.msk.f32 $0xffff, v7;
	v7 =	vsel vm1, $0x3F800000, v0;
	vm1 =	vne.s32 v8, $0x0  }
0x28: {  	vm2 =	vne.s32 v61, $0x0;
	(xrf0) =	vmax.scan.msk.f32 $0xffff, v6;
	v6 =	vand.u32 $0x20, v5;
	vm1 =	vmand vm0, vm1  }
0x29: {  	(xrf0) =	vmax.scan.msk.f32 $0xffff, v7;
	v7 =	vsel vm1, $0x3F800000, v0;
	vm1 =	vmand vm0, vm2;
	vm2 =	vne.s32 v6, $0x0  }
0x2a: {  	(xrf0) =	vmax.scan.msk.f32 $0xffff, v7;
	v6 =	vsel vm1, $0x3F800000, v0;
	vm1 =	vmand vm0, vm2;
	v7 =	vand.u32 $0x40, v5  }
0x2b: {  	(xrf0) =	vmax.scan.msk.f32 $0xffff, v6;
	v6 =	vsel vm1, $0x3F800000, v0;
	vm1 =	vne.s32 v7, $0x0  }
0x2c: {  	(xrf0) =	vmax.scan.msk.f32 $0xffff, v6;
	vm1 =	vmand vm0, vm1;
	v6 =	vand.u32 $0x80, v5  }
0x2d: {  	v7, _, _ =	vpop (xrf0);
	v62 =	vsel vm1, $0x3F800000, v0;
	vm1 =	vne.s32 v6, $0x0;
	v6 =	vand.u32 $0x100, v5  }
0x2e: {  	(v2sf) =	vpush v7, $0xF;
	(xrf0) =	vmax.scan.msk.f32 $0xffff, v62;
	vm1 =	vmand vm0, vm1;
	vm2 =	vne.s32 v6, $0x0  }
0x2f: {  	v7, _, _ =	vpop (xrf0);
	v63 =	vsel vm1, $0x3F800000, v0;
	vm1 =	vmand vm0, vm2  }
0x30: {  	(v2sf) =	vpush v7, $0xF;
	v6, _, _ =	vpop (xrf0);
	v7 =	vsel vm1, $0x3F800000, v0  }
0x31: {  	(v2sf) =	vpush v6, $0xF;
	v6, _, _ =	vpop (xrf0)  }
0x32: {  	v5 =	vand.u32 $0x200, v5;
	(xrf0) =	vmax.scan.msk.f32 $0xffff, v63;
	(v2sf) =	vpush v6, $0xF;
	v6, _, _ =	vpop (xrf0)  }
0x33: {  	vm1 =	vne.s32 v5, $0x0;
	(xrf0) =	vmax.scan.msk.f32 $0xffff, v7;
	v7, _, _ =	vpop (xrf0);
	(v2sf) =	vpush v6, $0xF  }
0x34: {  	vm1 =	vmand vm0, vm1;
	(v2sf) =	vpush v7, $0xF;
	v6, _, _ =	vpop (xrf0)  }
0x35: {  	(v2sf) =	vpush v6, $0xF;
	v6 =	vsel vm1, $0x3F800000, v0  }
0x36: {  	(xrf0) =	vmax.scan.msk.f32 $0xffff, v6;
	_ =	sdelay $0x1  }
0x37: {  	v5, _, _ =	vpop (xrf0)  }
0x38: {  	(v2sf) =	vpush v5, $0xF  }
0x39: {  	v5, _, _ =	vpop (xrf0)  }
0x3a: {  	(v2sf) =	vpush v5, $0xF  }
0x3b: {  	v5, _, _ =	vpop (xrf0)  }
0x3c: {  	s8 =	spop (v2sf);
	(v2sf) =	vpush v5, $0xF;
	_ =	sdelay $0x2  }
0x3d: {  	s26 =	spop (v2sf);
	p1 =	sgt.f32 s8, $0.0e+00  }
0x3e: {  	s8 =	simm.s32 $0x1;
	p2 =	sgt.f32 s26, $0.0e+00  }
0x3f: {  	s26 =	simm.s32 $0x2;
	s9 =	spop (v2sf);
	s8 =	simm.s32 @!p1 $0x0  }
0x40: {  	s11 =	spop (v2sf);
	s26 =	simm.s32 @!p2 $0x0;
	p1 =	sgt.f32 s9, $0.0e+00  }
0x41: {  	s9 =	simm.s32 $0x100;
	s12 =	spop (v2sf);
	s8 =	sor.u32 s8, s26  }
0x42: {  	p2 =	sgt.f32 s11, $0.0e+00;
	s11 =	simm.s32 $0x4;
	s23 =	spop (v2sf)  }
0x43: {  	s11 =	simm.s32 @!p1 $0x0;
	p1 =	sgt.f32 s12, $0.0e+00;
	s12 =	simm.s32 $0x8  }
0x44: {  	s7 =	spop (v2sf);
	s12 =	simm.s32 @!p2 $0x0;
	s8 =	sor.u32 s11, s8  }
0x45: {  	p2 =	sgt.f32 s7, $0.0e+00;
	s7 =	simm.s32 $0x10;
	s26 =	spop (v2sf)  }
0x46: {  	s11 =	simm.s32 $0x80;
	s7 =	simm.s32 @!p1 $0x0;
	p1 =	sgt.f32 s26, $0.0e+00  }
0x47: {  	s8 =	sor.u32 s12, s8;
	s12 =	simm.s32 $0x200;
	s28 =	spop (v2sf)  }
0x48: {  	s26 =	simm.s32 $0x40;
	s11 =	simm.s32 @!p1 $0x0;
	p1 =	sgt.f32 s28, $0.0e+00  }
0x49: {  	s26 =	simm.s32 @!p2 $0x0;
	p2 =	sgt.f32 s23, $0.0e+00;
	s23 =	spop (v2sf)  }
.Ltmp2:
0x4a: {  	s9 =	simm.s32 @!p1 $0x0;
	p1 =	sgt.f32 s23, $0.0e+00;
	(pc) =	sbr.rel @!p0 .LBB2_2-.Ltmp2, $4  }
0x4b: {  	s7 =	sor.u32 s7, s8;
	s8 =	simm.s32 $0x20;
	s11 =	sor.u32 s26, s11  }
0x4c: {  	s8 =	simm.s32 @!p2 $0x0;
	s9 =	sor.u32 s9, s11;
	s12 =	simm.s32 @!p1 $0x0  }
0x4d: {  	s7 =	sor.u32 s8, s7;
	s28 =	sor.u32 s12, s9  }
0x4e: {  	s8 =	simm.s32 $0x0;
	s7 =	sor.u32 s7, s28  }
0x4f: {  	[tilespmem:s8], [sflag:$0x2] =	stream.linear.gather [hbm4b:s14+s8], $0x1000, $0x38;
	[tilespmem:$0xE900] =	vst v63  }
0x50: {  	_ =	swait.ge [sflag:s24], $0x1000  }
0x51: {  	[sflag:s24] =	ssyncset.done $0x0  }
0x52: {  	s8 =	simm.s32 $0x0;
	[sflag:s24] =	ssyncadd.s32 $0xFFFFF000  }
0x53: {  	s9 =	simm.s32 $0x40;
	v5 =	vld [tilespmem:s8+$0x0]  }
.LBB2_26:
0x54: {  	p1 =	sne.s32 s9, $0x3FC0  }
.Ltmp3:
0x55: {  	_ = 	snop;
	(pc) =	sbr.rel @p1 .LBB2_26-.Ltmp3, $3  }
0x56: {  	_ =	sdelay $0x1  }
0x57: {  	s11 =	sshra.s32 s9, $0x2;
	s9 =	sadd.s32 $0x40, s9;
	v6 =	vshll.u32 v5, $0xA  }
0x58: {  	v5 =	vld [tilespmem:s11+$0x0];
	[tilespmem:s8+$0x4000] =	vst v6;
	s8 =	smov.u32 s11  }
0x59: {  	_ =	sdelay $0x3  }
0x5a: {  	v5 =	vshll.u32 v5, $0xA  }
0x5b: {  	s28 =	simm.s32 $0x0;
	s9 =	rddreg [dreg:$0xc];
	[tilespmem:s8+$0x4000] =	vst v5  }
0x5c: {  	[tilespmem:s28], [sflag:$0x2] =	stream.linear.gather [hbm4b:s9+s28], $0x1000, $0x38;
	[tilespmem:$0xE900] =	vst v63  }
0x5d: {  	_ =	swait.ge [sflag:s24], $0x1000  }
0x5e: {  	[sflag:s24] =	ssyncset.done $0x0  }
0x5f: {  	s8 =	simm.s32 $0x0;
	[sflag:s24] =	ssyncadd.s32 $0xFFFFF000  }
0x60: {  	s9 =	simm.s32 $0x40;
	v5 =	vld [tilespmem:s8+$0x0]  }
.LBB2_28:
0x61: {  	p1 =	sne.s32 s9, $0x3FC0;
	v6 =	vld [tilespmem:s8+$0x4000];
	_ =	sdelay $0x1  }
.Ltmp4:
0x62: {  	(pc) =	sbr.rel @p1 .LBB2_28-.Ltmp4, $3  }
0x63: {  	_ =	sdelay $0x1  }
0x64: {  	s11 =	sshra.s32 s9, $0x2;
	v6 =	vor.u32 v6, v5  }
0x65: {  	s9 =	sadd.s32 $0x40, s9;
	v5 =	vld [tilespmem:s11+$0x0];
	[tilespmem:s8+$0x4000] =	vst v6;
	s8 =	smov.u32 s11  }
0x66: {  	v6 =	vld [tilespmem:s8+$0x4000];
	_ =	sdelay $0x4  }
0x67: {  	v5 =	vor.u32 v6, v5  }
0x68: {  	s28 =	simm.s32 $0x0;
	[tilespmem:s8+$0x4000] =	vst v5  }
0x69: {  	[tilespmem:s28], [sflag:$0x2] =	stream.linear.gather [hbm4b:s13+s28], $0x1000, $0x38;
	[tilespmem:$0xE900] =	vst v63  }
0x6a: {  	_ =	swait.ge [sflag:s24], $0x1000  }
0x6b: {  	[sflag:s24] =	ssyncset.done $0x0  }
0x6c: {  	s8 =	simm.s32 $0x0;
	[sflag:s24] =	ssyncadd.s32 $0xFFFFF000  }
0x6d: {  	v5 =	vld [tilespmem:s8+$0x0]  }
0x6e: {  	v6 =	vld [tilespmem:s8+$0x4000];
	_ =	sdelay $0x3  }
0x6f: {  	v5 =	vshll.u32 v5, $0x15  }
0x70: {  	s11 =	simm.s32 $0x10;
	s9 =	simm.s32 $0x80;
	v5 =	vor.u32 v6, v5  }
.LBB2_30:
0x71: {  	p1 =	sne.s32 s9, $0x3FC0;
	v6 =	vld [tilespmem:s11+$0x0];
	[tilespmem:s8+$0x4000] =	vst v5;
	s8 =	smov.u32 s11  }
0x72: {  	v5 =	vld [tilespmem:s8+$0x4000]  }
.Ltmp5:
0x73: {  	(pc) =	sbr.rel @p1 .LBB2_30-.Ltmp5, $3  }
0x74: {  	_ =	sdelay $0x1  }
0x75: {  	v6 =	vshll.u32 v6, $0x15  }
0x76: {  	s11 =	sshra.s32 s9, $0x2;
	s9 =	sadd.s32 $0x40, s9;
	v5 =	vor.u32 v5, v6  }
0x77: {  	v6 =	vld [tilespmem:s11+$0x0];
	[tilespmem:s8+$0x4000] =	vst v5  }
0x78: {  	v5 =	vld [tilespmem:s11+$0x4000];
	_ =	sdelay $0x3  }
0x79: {  	v6 =	vshll.u32 v6, $0x15  }
0x7a: {  	v5 =	vor.u32 v5, v6  }
0x7b: {  	s28 =	simm.s32 $0x0;
	s9 =	simm.s32 $0x8000;
	[tilespmem:s11+$0x4000] =	vst v5  }
0x7c: {  	[tilespmem:s9], [sflag:$0x2] =	stream.linear.gather [hbm4b:s16+s28], $0x1000, $0x38;
	[tilespmem:$0xE900] =	vst v63  }
0x7d: {  	_ =	swait.ge [sflag:s24], $0x1000  }
0x7e: {  	[sflag:s24] =	ssyncset.done $0x0  }
0x7f: {  	s8 =	simm.s32 $0x0;
	s9 =	simm.s32 $0x40;
	[sflag:s24] =	ssyncadd.s32 $0xFFFFF000  }
.LBB2_32:
0x80: {  	p1 =	sne.s32 s9, $0x3FC0;
	v5 =	vld [tilespmem:s8+$0x8000];
	_ =	sdelay $0x4  }
0x81: {  	v5 =	vmul.f32 $1.442695020e+00, v5;
	_ =	sdelay $0x1  }
0x82: {  	(erf) = vpow2.f32 v5;
	_ =	sdelay $0x5  }
.Ltmp6:
0x83: {  	(pc) =	sbr.rel @p1 .LBB2_32-.Ltmp6, $3  }
0x84: {  	_ =	sdelay $0x1  }
0x85: {  	v5 =	vpop (erf)  }
0x86: {  	[tilespmem:s8+$0x8000] =	vst v5;
	s8 =	sshra.s32 s9, $0x2;
	s9 =	sadd.s32 $0x40, s9  }
0x87: {  	v5 =	vld [tilespmem:s8+$0x8000];
	_ =	sdelay $0x4  }
0x88: {  	v5 =	vmul.f32 $1.442695020e+00, v5;
	_ =	sdelay $0x1  }
0x89: {  	(erf) = vpow2.f32 v5;
	_ =	sdelay $0x8  }
0x8a: {  	v5 =	vpop (erf)  }
0x8b: {  	s23 =	simm.s32 $0x0;
	s9 =	rddreg [dreg:$0x5];
	s11 =	simm.s32 $0xC800;
	[tilespmem:s8+$0x8000] =	vst v5  }
0x8c: {  	[tilespmem:s11], [sflag:$0x2] =	stream.linear.gather [hbm4b:s9+s23], $0x400, $0x38;
	[tilespmem:$0xE900] =	vst v63  }
0x8d: {  	_ =	swait.ge [sflag:s24], $0x400  }
0x8e: {  	[sflag:s24] =	ssyncset.done $0x0  }
0x8f: {  	[sflag:s24] =	ssyncadd.s32 $0xFFFFFC00  }
0x90: {  	s28 =	simm.s32 $0xCC00;
	s26 =	rddreg [dreg:$0x6]  }
0x91: {  	[tilespmem:s28], [sflag:$0x2] =	stream.linear.gather [hbm4b:s26+s23], $0x400, $0x38;
	[tilespmem:$0xE900] =	vst v63  }
0x92: {  	_ =	swait.ge [sflag:s24], $0x400  }
0x93: {  	[sflag:s24] =	ssyncset.done $0x0  }
0x94: {  	s8 =	simm.s32 $0x0;
	[sflag:s24] =	ssyncadd.s32 $0xFFFFFC00  }
0x95: {  	v5 =	vld [tilespmem:s8+$0xC800]  }
0x96: {  	v6 =	vld [tilespmem:s8+$0xCC00];
	_ =	sdelay $0x3  }
0x97: {  	v5 =	vmul.f32 $1.442695020e+00, v5  }
0x98: {  	v6 =	vmul.f32 $1.442695020e+00, v6  }
0x99: {  	(erf) = vpow2.f32 v5  }
0x9a: {  	(erf) = vpow2.f32 v6;
	_ =	sdelay $0x7  }
0x9b: {  	[tilespmem:s8+$0xC400] =	vst v0;
	v6 =	vpop (erf)  }
0x9c: {  	s11 =	simm.s32 $0x10;
	v5 =	vimm.f32 $0.0e+00;
	[tilespmem:s8+$0xC800] =	vst v6;
	v8 =	vpop (erf)  }
0x9d: {  	s9 =	simm.s32 $0x80;
	v5 =	vadd.f32 v6, v5;
	v7 =	vld [tilespmem:s11+$0xC800];
	[tilespmem:s8+$0xCC00] =	vst v8  }
.LBB2_34:
0x9e: {  	p1 =	sne.s32 s9, $0xFC0;
	v8 =	vld [tilespmem:s11+$0xCC00];
	[tilespmem:s8+$0xC000] =	vst v6;
	s8 =	smov.u32 s11  }
0x9f: {  	[tilespmem:s8+$0xC400] =	vst v0;
	_ =	sdelay $0x2  }
0xa0: {  	v6 =	vmul.f32 $1.442695020e+00, v7  }
0xa1: {  	v7 =	vmul.f32 $1.442695020e+00, v8  }
0xa2: {  	(erf) = vpow2.f32 v6  }
0xa3: {  	(erf) = vpow2.f32 v7;
	_ =	sdelay $0x5  }
.Ltmp7:
0xa4: {  	(pc) =	sbr.rel @p1 .LBB2_34-.Ltmp7, $4  }
0xa5: {  	_ = 	snop  }
0xa6: {  	v6 =	vpop (erf)  }
0xa7: {  	s11 =	sshra.s32 s9, $0x2;
	[tilespmem:s8+$0xC800] =	vst v6;
	v5 =	vadd.f32 v6, v5;
	v8 =	vpop (erf)  }
0xa8: {  	s9 =	sadd.s32 $0x40, s9;
	v7 =	vld [tilespmem:s11+$0xC800];
	[tilespmem:s8+$0xCC00] =	vst v8  }
0xa9: {  	_ = 	snop  }
0xaa: {  	v8 =	vld [tilespmem:s11+$0xCC00];
	_ =	sdelay $0x2  }
0xab: {  	v7 =	vmul.f32 $1.442695020e+00, v7;
	_ =	sdelay $0x1  }
0xac: {  	v8 =	vmul.f32 $1.442695020e+00, v8;
	(erf) = vpow2.f32 v7;
	_ =	sdelay $0x1  }
0xad: {  	(erf) = vpow2.f32 v8;
	_ =	sdelay $0x5  }
0xae: {  	[tilespmem:s8+$0xC000] =	vst v6  }
0xaf: {  	[tilespmem:s11+$0xC400] =	vst v0;
	v6 =	vpop (erf)  }
0xb0: {  	[tilespmem:s11+$0xC800] =	vst v6  }
0xb1: {  	v7 =	vpop (erf);
	v5 =	vadd.f32 v6, v5;
	[tilespmem:s11+$0xC000] =	vst v6  }
0xb2: {  	[tilespmem:s11+$0xCC00] =	vst v7  }
0xb3: {  	[tilespmem:$0xE880] =	vst v5  }
0xb4: {  	v6 =	vld.idx.msk [tilespmem:v1+s30+$0x0], $0xffff;
	_ =	sdelay $0x4  }
0xb5: {  	v5 =	vadd.f32 v6, v5;
	_ =	sdelay $0x1  }
0xb6: {  	[tilespmem:$0xE880] =	vst v5  }
0xb7: {  	v6 =	vld.idx.msk [tilespmem:v2+s30+$0x0], $0xffff;
	_ =	sdelay $0x4  }
0xb8: {  	v5 =	vadd.f32 v6, v5;
	_ =	sdelay $0x1  }
0xb9: {  	[tilespmem:$0xE880] =	vst v5  }
0xba: {  	v6 =	vld.idx.msk [tilespmem:v3+s30+$0x0], $0xffff;
	_ =	sdelay $0x4  }
0xbb: {  	v5 =	vadd.f32 v6, v5;
	_ =	sdelay $0x1  }
0xbc: {  	s8 =	simm.s32 $0x0;
	s9 =	simm.s32 $0xD000;
	[tilespmem:$0xE880] =	vst v5  }
0xbd: {  	[tilespmem:s9], [sflag:$0x1] =	stream.linear.gather [hbm4b:s17+s8], $0x80, $0x38;
	[tilespmem:$0xE900] =	vst v63  }
0xbe: {  	s12 =	sadd.s32 $0x80, s17;
	s23 =	simm.s32 $0xD100  }
0xbf: {  	[tilespmem:s23], [sflag:$0x1] =	stream.linear.gather [hbm4b:s12+s8], $0x80, $0x38;
	[tilespmem:$0xE900] =	vst v63  }
0xc0: {  	s26 =	sadd.s32 $0x100, s17;
	s28 =	simm.s32 $0xD200  }
0xc1: {  	[tilespmem:s28], [sflag:$0x1] =	stream.linear.gather [hbm4b:s26+s8], $0x80, $0x38;
	[tilespmem:$0xE900] =	vst v63  }
0xc2: {  	s12 =	sadd.s32 $0x180, s17;
	s23 =	simm.s32 $0xD300  }
0xc3: {  	[tilespmem:s23], [sflag:$0x1] =	stream.linear.gather [hbm4b:s12+s8], $0x80, $0x38;
	[tilespmem:$0xE900] =	vst v63  }
0xc4: {  	s26 =	sadd.s32 $0x200, s17;
	s28 =	simm.s32 $0xD400  }
0xc5: {  	[tilespmem:s28], [sflag:$0x1] =	stream.linear.gather [hbm4b:s26+s8], $0x80, $0x38;
	[tilespmem:$0xE900] =	vst v63  }
0xc6: {  	s12 =	sadd.s32 $0x280, s17;
	s23 =	simm.s32 $0xD500  }
0xc7: {  	[tilespmem:s23], [sflag:$0x1] =	stream.linear.gather [hbm4b:s12+s8], $0x80, $0x38;
	[tilespmem:$0xE900] =	vst v63  }
0xc8: {  	s26 =	sadd.s32 $0x300, s17;
	s28 =	simm.s32 $0xD600  }
0xc9: {  	[tilespmem:s28], [sflag:$0x1] =	stream.linear.gather [hbm4b:s26+s8], $0x80, $0x38;
	[tilespmem:$0xE900] =	vst v63  }
0xca: {  	s12 =	sadd.s32 $0x380, s17;
	s23 =	simm.s32 $0xD700  }
0xcb: {  	[tilespmem:s23], [sflag:$0x1] =	stream.linear.gather [hbm4b:s12+s8], $0x80, $0x38;
	[tilespmem:$0xE900] =	vst v63  }
0xcc: {  	s26 =	sadd.s32 $0x400, s17;
	s28 =	simm.s32 $0xD800  }
0xcd: {  	[tilespmem:s28], [sflag:$0x1] =	stream.linear.gather [hbm4b:s26+s8], $0x80, $0x38;
	[tilespmem:$0xE900] =	vst v63  }
0xce: {  	s12 =	sadd.s32 $0x480, s17;
	s23 =	simm.s32 $0xD900  }
0xcf: {  	[tilespmem:s23], [sflag:$0x1] =	stream.linear.gather [hbm4b:s12+s8], $0x80, $0x38;
	[tilespmem:$0xE900] =	vst v63  }
0xd0: {  	s26 =	sadd.s32 $0x500, s17;
	s28 =	simm.s32 $0xDA00  }
0xd1: {  	[tilespmem:s28], [sflag:$0x1] =	stream.linear.gather [hbm4b:s26+s8], $0x80, $0x38;
	[tilespmem:$0xE900] =	vst v63  }
0xd2: {  	s11 =	sadd.s32 $0x580, s17  }
0xd3: {  	[tilespmem:s29], [sflag:$0x1] =	stream.linear.gather [hbm4b:s11+s8], $0x80, $0x38;
	[tilespmem:$0xE900] =	vst v63  }
0xd4: {  	s12 =	sadd.s32 $0x600, s17  }
0xd5: {  	[tilespmem:s31], [sflag:$0x1] =	stream.linear.gather [hbm4b:s12+s8], $0x80, $0x38;
	[tilespmem:$0xE900] =	vst v63  }
0xd6: {  	p1 =	seq.s32 s7, $0x0;
	s23 =	sadd.s32 $0x680, s17  }
0xd7: {  	[tilespmem:s0], [sflag:$0x1] =	stream.linear.gather [hbm4b:s23+s8], $0x80, $0x38;
	[tilespmem:$0xE900] =	vst v63  }
.Ltmp8:
0xd8: {  	_ = 	snop;
	(pc) =	sbr.rel @p1 .LBB2_45-.Ltmp8, $4  }
0xd9: {  	s26 =	sadd.s32 $0x700, s17  }
0xda: {  	[tilespmem:s10], [sflag:$0x1] =	stream.linear.gather [hbm4b:s26+s8], $0x80, $0x38;
	[tilespmem:$0xE900] =	vst v63  }
0xdb: {  	s28 =	sadd.s32 $0x780, s17  }
0xdc: {  	v6 =	vimm.f32 $0.0e+00;
	v5 =	vimm.f32 $0.0e+00;
	[tilespmem:s2], [sflag:$0x1] =	stream.linear.gather [hbm4b:s28+s8], $0x80, $0x38;
	[tilespmem:$0xE900] =	vst v63  }
0xdd: {  	v8 =	vimm.f32 $1.000000000e+00;
	v6 =	vimm.s32 $0x0;
	p1 =	por $0x0, $0x0;
	v7 =	vimm.s32 $0x0  }
.LBB2_37:
0xde: {  	s9 =	smov.u32 s8;
	s8 =	sadd.s32 $0x1, s8  }
0xdf: {  	p2 =	slt.s32 s8, $0x1FF;
	s11 =	smov.u32 s8  }
0xe0: {  	_ =	swait.ge [sflag:s25], $0x800;
	s11 =	simm.s32 @!p2 $0x1FF  }
0xe1: {  	[sflag:s25] =	ssyncset.done $0x0;
	s9 =	sxor.u32 $0xFFFFFFFF, s9;
	s12 =	sshll.u32 s11, $0x8  }
0xe2: {  	s9 =	sshll.u32 s9, $0x7;
	s11 =	sshll.u32 s11, $0x4;
	s12 =	sand.u32 $0x1F800, s12  }
0xe3: {  	s9 =	sand.u32 $0x80, s9;
	s11 =	sand.u32 $0x70, s11;
	s12 =	sadd.s32 s12, s17  }
0xe4: {  	[sflag:s25] =	ssyncadd.s32 $0xFFFFF800;
	s23 =	sor.u32 $0xD000, s9;
	s11 =	sadd.s32 s11, s12  }
0xe5: {  	[tilespmem:s23], [sflag:$0x1] =	stream.linear.gather [hbm4b:s11+s6], $0x80, $0x38;
	[tilespmem:$0xE900] =	vst v63  }
0xe6: {  	s28 =	sor.u32 $0xD100, s9;
	s12 =	sadd.s32 $0x80, s11  }
0xe7: {  	[tilespmem:s28], [sflag:$0x1] =	stream.linear.gather [hbm4b:s12+s6], $0x80, $0x38;
	[tilespmem:$0xE900] =	vst v63  }
0xe8: {  	s26 =	sadd.s32 $0x100, s11;
	s28 =	sor.u32 $0xD200, s9  }
0xe9: {  	[tilespmem:s28], [sflag:$0x1] =	stream.linear.gather [hbm4b:s26+s6], $0x80, $0x38;
	[tilespmem:$0xE900] =	vst v63  }
0xea: {  	s26 =	sadd.s32 $0x180, s11;
	s28 =	sor.u32 $0xD300, s9  }
0xeb: {  	[tilespmem:s28], [sflag:$0x1] =	stream.linear.gather [hbm4b:s26+s6], $0x80, $0x38;
	[tilespmem:$0xE900] =	vst v63  }
0xec: {  	s26 =	sadd.s32 $0x200, s11;
	s28 =	sor.u32 $0xD400, s9  }
0xed: {  	[tilespmem:s28], [sflag:$0x1] =	stream.linear.gather [hbm4b:s26+s6], $0x80, $0x38;
	[tilespmem:$0xE900] =	vst v63  }
0xee: {  	s26 =	sadd.s32 $0x280, s11;
	s28 =	sor.u32 $0xD500, s9  }
0xef: {  	[tilespmem:s28], [sflag:$0x1] =	stream.linear.gather [hbm4b:s26+s6], $0x80, $0x38;
	[tilespmem:$0xE900] =	vst v63  }
0xf0: {  	s26 =	sadd.s32 $0x300, s11;
	s28 =	sor.u32 $0xD600, s9  }
0xf1: {  	[tilespmem:s28], [sflag:$0x1] =	stream.linear.gather [hbm4b:s26+s6], $0x80, $0x38;
	[tilespmem:$0xE900] =	vst v63  }
0xf2: {  	s26 =	sadd.s32 $0x380, s11;
	s28 =	sor.u32 $0xD700, s9  }
0xf3: {  	[tilespmem:s28], [sflag:$0x1] =	stream.linear.gather [hbm4b:s26+s6], $0x80, $0x38;
	[tilespmem:$0xE900] =	vst v63  }
0xf4: {  	s26 =	sadd.s32 $0x400, s11;
	s28 =	sor.u32 $0xD800, s9  }
0xf5: {  	[tilespmem:s28], [sflag:$0x1] =	stream.linear.gather [hbm4b:s26+s6], $0x80, $0x38;
	[tilespmem:$0xE900] =	vst v63  }
0xf6: {  	s26 =	sadd.s32 $0x480, s11;
	s28 =	sor.u32 $0xD900, s9  }
0xf7: {  	[tilespmem:s28], [sflag:$0x1] =	stream.linear.gather [hbm4b:s26+s6], $0x80, $0x38;
	[tilespmem:$0xE900] =	vst v63  }
0xf8: {  	s26 =	sadd.s32 $0x500, s11;
	s28 =	sor.u32 $0xDA00, s9  }
0xf9: {  	[tilespmem:s28], [sflag:$0x1] =	stream.linear.gather [hbm4b:s26+s6], $0x80, $0x38;
	[tilespmem:$0xE900] =	vst v63  }
0xfa: {  	s23 =	sadd.s32 $0x580, s11;
	s26 =	sor.u32 $0xDB00, s9  }
0xfb: {  	[tilespmem:s26], [sflag:$0x1] =	stream.linear.gather [hbm4b:s23+s6], $0x80, $0x38;
	[tilespmem:$0xE900] =	vst v63  }
0xfc: {  	s12 =	simm.s32 $0x1;
	s28 =	sadd.s32 $0x600, s11;
	s26 =	sor.u32 $0xDC00, s9  }
0xfd: {  	[tilespmem:s26], [sflag:$0x1] =	stream.linear.gather [hbm4b:s28+s6], $0x80, $0x38;
	[tilespmem:$0xE900] =	vst v63  }
0xfe: {  	s12 =	simm.s32 @!p1 $0x0;
	s26 =	sadd.s32 $0x680, s11;
	s28 =	sor.u32 $0xDD00, s9  }
0xff: {  	[tilespmem:s28], [sflag:$0x1] =	stream.linear.gather [hbm4b:s26+s6], $0x80, $0x38;
	[tilespmem:$0xE900] =	vst v63  }
0x100: {  	s12 =	sshll.u32 s12, $0x7;
	s26 =	sadd.s32 $0x700, s11;
	s28 =	sor.u32 $0xDE00, s9  }
0x101: {  	[tilespmem:s28], [sflag:$0x1] =	stream.linear.gather [hbm4b:s26+s6], $0x80, $0x38;
	[tilespmem:$0xE900] =	vst v63  }
0x102: {  	s12 =	sor.u32 $0xD040, s12;
	s11 =	sadd.s32 $0x780, s11;
	s9 =	sor.u32 $0xDF00, s9  }
0x103: {  	[tilespmem:s9], [sflag:$0x1] =	stream.linear.gather [hbm4b:s11+s6], $0x80, $0x38;
	[tilespmem:$0xE900] =	vst v63  }
0x104: {  	v9 =	vld [tilespmem:s12+$0x30]  }
0x105: {  	v10 =	vld [tilespmem:s12+$0xFFFFFFD0]  }
0x106: {  	v11 =	vld [tilespmem:s12+$0xFFFFFFE0]  }
0x107: {  	v12 =	vld [tilespmem:s12+$0xFFFFFFF0]  }
0x108: {  	v13 =	vld [tilespmem:s12+$0x0]  }
0x109: {  	v14 =	vld [tilespmem:s12+$0x10];
	v9 =	vmul.f32 $1.442695020e+00, v9  }
0x10a: {  	v15 =	vld [tilespmem:s12+$0x20];
	v10 =	vmul.f32 $1.442695020e+00, v10  }
0x10b: {  	v16 =	vld [tilespmem:s12+$0xFFFFFFC0];
	v11 =	vmul.f32 $1.442695020e+00, v11;
	(erf) = vpow2.f32 v9  }
0x10c: {  	v9 =	vmul.f32 $1.442695020e+00, v12;
	(erf) = vpow2.f32 v10  }
0x10d: {  	v10 =	vmul.f32 $1.442695020e+00, v13;
	(erf) = vpow2.f32 v11  }
0x10e: {  	s12 =	sadd.s32 $0x100, s12;
	v11 =	vmul.f32 $1.442695020e+00, v14;
	(erf) = vpow2.f32 v9  }
0x10f: {  	v13 =	vld [tilespmem:s12+$0xFFFFFFE0];
	v9 =	vmul.f32 $1.442695020e+00, v15;
	(erf) = vpow2.f32 v10  }
0x110: {  	v12 =	vmul.f32 $1.442695020e+00, v16;
	v10 =	vld [tilespmem:s12+$0x30];
	(erf) = vpow2.f32 v11  }
0x111: {  	v11 =	vld [tilespmem:s12+$0xFFFFFFD0];
	(erf) = vpow2.f32 v9  }
0x112: {  	(erf) = vpow2.f32 v12;
	v12 =	vld [tilespmem:s12+$0xFFFFFFF0]  }
0x113: {  	v14 =	vld [tilespmem:s12+$0x0]  }
0x114: {  	v20 =	vmul.f32 $1.442695020e+00, v13;
	v9 =	vpop (erf)  }
0x115: {  	v10 =	vmul.f32 $1.442695020e+00, v10;
	v16 =	vmul.f32 v9, v8;
	v9 =	vpop (erf)  }
0x116: {  	v15 =	vld [tilespmem:s12+$0x10];
	v17 =	vmul.f32 $1.442695020e+00, v11;
	v19 =	vmul.f32 v9, v8  }
0x117: {  	v18 =	vld [tilespmem:s12+$0x20];
	v9 =	vpop (erf);
	(erf) = vpow2.f32 v10;
	v12 =	vmul.f32 $1.442695020e+00, v12  }
0x118: {  	v11 =	vpop (erf);
	(erf) = vpow2.f32 v17;
	v17 =	vmul.f32 $1.442695020e+00, v14;
	v14 =	vld [tilespmem:s12+$0xFFFFFFC0]  }
0x119: {  	v13 =	vpop (erf)  }
0x11a: {  	s11 =	simm.s32 $0xE040;
	(erf) = vpow2.f32 v20;
	v10 =	vpop (erf)  }
0x11b: {  	s23 =	simm.s32 $0x8;
	v15 =	vmul.f32 $1.442695020e+00, v15;
	[tilespmem:s11+$0x30] =	vst v16;
	(erf) = vpow2.f32 v12;
	v12 =	vpop (erf)  }
0x11c: {  	s9 =	simm.s32 $0x0;
	s26 =	sadd.s32 $0x100, s12;
	v16 =	vmul.f32 $1.442695020e+00, v18;
	s12 =	simm.s32 $0xE040;
	[tilespmem:s11+$0xFFFFFFD0] =	vst v19;
	(erf) = vpow2.f32 v17;
	v17 =	vpop (erf)  }
.LBB2_38:
0x11d: {  	v18 =	vld [tilespmem:s26+$0x30];
	s23 =	sadd.s32 $0x8, s23;
	v14 =	vmul.f32 $1.442695020e+00, v14;
	(erf) = vpow2.f32 v15  }
0x11e: {  	v15 =	vld [tilespmem:s26+$0xFFFFFFD0];
	p2 =	slt.u32 s23, $0x78;
	(erf) = vpow2.f32 v16;
	v16 =	vmul.f32 v17, v8  }
0x11f: {  	v22 =	vmul.f32 v9, v8;
	v17 =	vld [tilespmem:s26+$0xFFFFFFE0];
	(erf) = vpow2.f32 v14  }
0x120: {  	v11 =	vmul.f32 v11, v8;
	v13 =	vmul.f32 v13, v8;
	v19 =	vld [tilespmem:s26+$0xFFFFFFF0];
	[tilespmem:s11+$0xFFFFFFC0] =	vst v16  }
0x121: {  	v20 =	vmul.f32 v10, v8;
	v21 =	vmul.f32 v12, v8;
	v16 =	vld [tilespmem:s26+$0x0];
	v14 =	vpop (erf);
	[tilespmem:s11+$0xFFFFFFE0] =	vst v22  }
0x122: {  	v12 =	vld [tilespmem:s26+$0x10];
	v10 =	vmul.f32 $1.442695020e+00, v18;
	v18 =	vmul.f32 v14, v8;
	v9 =	vpop (erf);
	[tilespmem:s11+$0xFFFFFFF0] =	vst v11  }
0x123: {  	s11 =	sadd.s32 $0x80, s11;
	v15 =	vmul.f32 $1.442695020e+00, v15;
	v22 =	vld [tilespmem:s26+$0x20];
	v23 =	vmul.f32 v9, v8;
	v9 =	vpop (erf);
	[tilespmem:s12+$0x0] =	vst v13  }
.Ltmp9:
0x124: {  	v14 =	vld [tilespmem:s26+$0xFFFFFFC0];
	v17 =	vmul.f32 $1.442695020e+00, v17;
	(erf) = vpow2.f32 v10;
	[tilespmem:s11+$0x30] =	vst v18;
	v11 =	vpop (erf);
	(pc) =	sbr.rel @p2 .LBB2_38-.Ltmp9, $4  }
0x125: {  	v18 =	vmul.f32 $1.442695020e+00, v19;
	(erf) = vpow2.f32 v15;
	[tilespmem:s11+$0xFFFFFFD0] =	vst v23;
	v13 =	vpop (erf)  }
0x126: {  	v19 =	vmul.f32 $1.442695020e+00, v16;
	(erf) = vpow2.f32 v17;
	v10 =	vpop (erf);
	[tilespmem:s12+$0x10] =	vst v20  }
0x127: {  	v15 =	vmul.f32 $1.442695020e+00, v12;
	(erf) = vpow2.f32 v18;
	v12 =	vpop (erf);
	[tilespmem:s12+$0x20] =	vst v21;
	s12 =	smov.u32 s11  }
0x128: {  	s26 =	sadd.s32 $0x100, s26;
	v16 =	vmul.f32 $1.442695020e+00, v22;
	(erf) = vpow2.f32 v19;
	v17 =	vpop (erf)  }
0x129: {  	v14 =	vmul.f32 $1.442695020e+00, v14;
	(erf) = vpow2.f32 v15  }
0x12a: {  	(erf) = vpow2.f32 v16  }
0x12b: {  	(erf) = vpow2.f32 v14;
	v14 =	vmul.f32 v17, v8  }
0x12c: {  	v9 =	vmul.f32 v9, v8  }
0x12d: {  	v11 =	vmul.f32 v11, v8;
	v15 =	vpop (erf)  }
0x12e: {  	v13 =	vmul.f32 v13, v8;
	[tilespmem:s11+$0xFFFFFFE0] =	vst v9;
	v16 =	vpop (erf)  }
0x12f: {  	[tilespmem:s11+$0xFFFFFFC0] =	vst v14;
	v15 =	vmul.f32 v15, v8;
	v14 =	vpop (erf)  }
0x130: {  	v12 =	vmul.f32 v12, v8;
	[tilespmem:s11+$0xFFFFFFF0] =	vst v11;
	v16 =	vmul.f32 v16, v8;
	v9 =	vpop (erf)  }
0x131: {  	[tilespmem:s12+$0x0] =	vst v13;
	v11 =	vpop (erf)  }
0x132: {  	s23 =	sadd.s32 $0x80, s11;
	[tilespmem:s12+$0x20] =	vst v12;
	v13 =	vpop (erf)  }
0x133: {  	v10 =	vmul.f32 v10, v8;
	[tilespmem:s23+$0x30] =	vst v15;
	v15 =	vpop (erf)  }
0x134: {  	v12 =	vmul.f32 v14, v8;
	[tilespmem:s23+$0xFFFFFFD0] =	vst v16;
	v16 =	vpop (erf)  }
0x135: {  	[tilespmem:s12+$0x10] =	vst v10;
	v10 =	vmul.f32 v16, v8  }
0x136: {  	v9 =	vmul.f32 v9, v8;
	[tilespmem:s23+$0xFFFFFFE0] =	vst v12  }
0x137: {  	[tilespmem:s23+$0xFFFFFFC0] =	vst v10;
	v10 =	vmul.f32 v11, v8  }
0x138: {  	[tilespmem:s23+$0xFFFFFFF0] =	vst v9;
	v11 =	vmul.f32 v13, v8  }
0x139: {  	v8 =	vmul.f32 v15, v8;
	[tilespmem:s23+$0x0] =	vst v10  }
0x13a: {  	[tilespmem:s23+$0x10] =	vst v11  }
0x13b: {  	s26 =	simm.s32 $0x4040;
	[tilespmem:s23+$0x20] =	vst v8  }
0x13c: {  	v8 =	vld [tilespmem:s26+$0x30]  }
0x13d: {  	v9 =	vld [tilespmem:s26+$0xFFFFFFD0]  }
0x13e: {  	v10 =	vld [tilespmem:s26+$0xFFFFFFE0]  }
0x13f: {  	v11 =	vld [tilespmem:s26+$0xFFFFFFF0]  }
0x140: {  	v13 =	vld [tilespmem:s26+$0x0]  }
0x141: {  	v15 =	vld [tilespmem:s26+$0xFFFFFFC0]  }
0x142: {  	v16 =	vld [tilespmem:s26+$0x10]  }
0x143: {  	s12 =	simm.s32 $0x8040;
	v18 =	vld [tilespmem:s26+$0x20];
	v12 =	vand.u32 $0x3FF, v8  }
0x144: {  	v22 =	vld [tilespmem:s12+$0x30];
	v14 =	vshrl.u32 v8, $0xA  }
0x145: {  	v58 =	vld [tilespmem:s12+$0xFFFFFFD0];
	v14 =	vand.u32 $0x7FF, v14  }
0x146: {  	v26 =	vld [tilespmem:s12+$0xFFFFFFE0]  }
0x147: {  	v28 =	vld [tilespmem:s12+$0xFFFFFFF0]  }
0x148: {  	v17 =	vand.u32 $0x3FF, v9;
	v12 =	vld.idx.msk [tilespmem:v12+s3+$0x0], $0xffff  }
0x149: {  	v30 =	vld [tilespmem:s12+$0x0];
	v19 =	vand.u32 $0x3FF, v10  }
0x14a: {  	v20 =	vand.u32 $0x3FF, v11;
	v14 =	vld.idx.msk [tilespmem:v14+s4+$0x0], $0xffff  }
0x14b: {  	v32 =	vld [tilespmem:s12+$0x10];
	v25 =	vand.u32 $0x3FF, v18  }
0x14c: {  	v34 =	vld [tilespmem:s12+$0x20];
	v8 =	vshrl.u32 v8, $0x15  }
0x14d: {  	v21 =	vand.u32 $0x3FF, v13;
	v17 =	vld.idx.msk [tilespmem:v17+s3+$0x0], $0xffff;
	v12 =	vmul.f32 v12, v22  }
0x14e: {  	v23 =	vand.u32 $0x3FF, v15;
	v19 =	vld.idx.msk [tilespmem:v19+s3+$0x0], $0xffff  }
0x14f: {  	v24 =	vand.u32 $0x3FF, v16;
	v20 =	vld.idx.msk [tilespmem:v20+s3+$0x0], $0xffff;
	v12 =	vmul.f32 v14, v12  }
0x150: {  	v59 =	vshrl.u32 v9, $0xA;
	v14 =	vld.idx.msk [tilespmem:v25+s3+$0x0], $0xffff  }
0x151: {  	v25 =	vand.u32 $0x7FF, v59;
	[tilespmem:v8+s5+$0x0] =	vst.idx.add.f32.msk $0xffff, v12;
	v12 =	vshrl.u32 v15, $0xA  }
0x152: {  	v29 =	vshrl.u32 v11, $0xA;
	v21 =	vld.idx.msk [tilespmem:v21+s3+$0x0], $0xffff;
	v12 =	vand.u32 $0x7FF, v12  }
0x153: {  	v27 =	vshrl.u32 v10, $0xA;
	v29 =	vand.u32 $0x7FF, v29;
	v56 =	vld.idx.msk [tilespmem:v23+s3+$0x0], $0xffff  }
0x154: {  	v31 =	vshrl.u32 v13, $0xA;
	v27 =	vand.u32 $0x7FF, v27;
	v57 =	vld.idx.msk [tilespmem:v24+s3+$0x0], $0xffff  }
0x155: {  	v33 =	vshrl.u32 v16, $0xA;
	v31 =	vand.u32 $0x7FF, v31;
	v8 =	vld [tilespmem:s12+$0xFFFFFFC0]  }
0x156: {  	v35 =	vshrl.u32 v18, $0xA;
	v33 =	vand.u32 $0x7FF, v33;
	v25 =	vld.idx.msk [tilespmem:v25+s4+$0x0], $0xffff  }
0x157: {  	v35 =	vand.u32 $0x7FF, v35;
	v12 =	vld.idx.msk [tilespmem:v12+s4+$0x0], $0xffff  }
0x158: {  	v9 =	vshrl.u32 v9, $0x15;
	v60 =	vld.idx.msk [tilespmem:v29+s4+$0x0], $0xffff  }
0x159: {  	v27 =	vld.idx.msk [tilespmem:v27+s4+$0x0], $0xffff;
	v17 =	vmul.f32 v17, v58;
	v15 =	vshrl.u32 v15, $0x15  }
0x15a: {  	v11 =	vshrl.u32 v11, $0x15;
	v62 =	vld.idx.msk [tilespmem:v31+s4+$0x0], $0xffff;
	v8 =	vmul.f32 v56, v8  }
0x15b: {  	v61 =	vshrl.u32 v10, $0x15;
	v63 =	vld.idx.msk [tilespmem:v33+s4+$0x0], $0xffff;
	v20 =	vmul.f32 v20, v28;
	v17 =	vmul.f32 v25, v17  }
0x15c: {  	v10 =	vmul.f32 v19, v26;
	v8 =	vmul.f32 v12, v8;
	v12 =	vld.idx.msk [tilespmem:v35+s4+$0x0], $0xffff  }
0x15d: {  	v21 =	vmul.f32 v21, v30;
	[tilespmem:v9+s5+$0x0] =	vst.idx.add.f32.msk $0xffff, v17;
	v17 =	vmul.f32 v60, v20  }
0x15e: {  	v23 =	vmul.f32 v57, v32;
	[tilespmem:v15+s5+$0x0] =	vst.idx.add.f32.msk $0xffff, v8;
	v8 =	vmul.f32 v27, v10  }
0x15f: {  	s28 =	simm.s32 $0x40C0;
	v9 =	vshrl.u32 v16, $0x15;
	[tilespmem:v11+s5+$0x0] =	vst.idx.add.f32.msk $0xffff, v17;
	v10 =	vshrl.u32 v13, $0x15;
	v15 =	vmul.f32 v14, v34  }
0x160: {  	s11 =	simm.s32 $0xC040;
	s23 =	simm.s32 $0xC440;
	s26 =	simm.s32 $0xC840;
	v14 =	vmul.f32 v62, v21;
	v13 =	vmul.f32 v63, v23;
	[tilespmem:v61+s5+$0x0] =	vst.idx.add.f32.msk $0xffff, v8;
	v8 =	vshrl.u32 v18, $0x15  }
.LBB2_40:
0x161: {  	v11 =	vld [tilespmem:s28+$0x30];
	s9 =	sadd.s32 $0x8, s9;
	v16 =	vmul.f32 v12, v15  }
0x162: {  	v12 =	vld [tilespmem:s28+$0xFFFFFFD0];
	p2 =	slt.u32 s9, $0xF8  }
0x163: {  	v15 =	vld [tilespmem:s28+$0xFFFFFFE0]  }
0x164: {  	v17 =	vld [tilespmem:s28+$0xFFFFFFF0]  }
0x165: {  	v18 =	vld [tilespmem:s28+$0x0]  }
0x166: {  	v19 =	vld [tilespmem:s28+$0x10];
	v20 =	vand.u32 $0x3FF, v11  }
0x167: {  	v24 =	vshrl.u32 v11, $0xA;
	v21 =	vshrl.u32 v12, $0xA;
	v22 =	vand.u32 $0x3FF, v12;
	v23 =	vld [tilespmem:s28+$0x20]  }
0x168: {  	v24 =	vand.u32 $0x7FF, v24;
	v25 =	vld [tilespmem:s28+$0xFFFFFFC0];
	v26 =	vshrl.u32 v15, $0xA;
	v27 =	vand.u32 $0x3FF, v15  }
0x169: {  	v21 =	vand.u32 $0x7FF, v21;
	v28 =	vshrl.u32 v17, $0xA;
	v29 =	vand.u32 $0x3FF, v17;
	[tilespmem:v10+s5+$0x0] =	vst.idx.add.f32.msk $0xffff, v14  }
0x16a: {  	v14 =	vand.u32 $0x7FF, v26;
	v10 =	vshrl.u32 v18, $0xA;
	v26 =	vand.u32 $0x3FF, v18;
	[tilespmem:v9+s5+$0x0] =	vst.idx.add.f32.msk $0xffff, v13  }
0x16b: {  	s12 =	sadd.s32 $0x80, s12;
	v13 =	vand.u32 $0x7FF, v28;
	v9 =	vshrl.u32 v19, $0xA;
	v28 =	vand.u32 $0x3FF, v19;
	v20 =	vld.idx.msk [tilespmem:v20+s3+$0x0], $0xffff  }
0x16c: {  	v30 =	vand.u32 $0x7FF, v10;
	v10 =	vshrl.u32 v23, $0xA;
	v31 =	vand.u32 $0x3FF, v23;
	v32 =	vld [tilespmem:s12+$0x30]  }
0x16d: {  	v35 =	vand.u32 $0x7FF, v9;
	v33 =	vshrl.u32 v25, $0xA;
	v34 =	vand.u32 $0x3FF, v25;
	v24 =	vld.idx.msk [tilespmem:v24+s4+$0x0], $0xffff  }
0x16e: {  	v25 =	vshrl.u32 v25, $0x15;
	v36 =	vand.u32 $0x7FF, v10;
	v33 =	vand.u32 $0x7FF, v33;
	v22 =	vld.idx.msk [tilespmem:v22+s3+$0x0], $0xffff  }
0x16f: {  	v37 =	vshrl.u32 v12, $0x15;
	v38 =	vshrl.u32 v15, $0x15;
	v17 =	vshrl.u32 v17, $0x15;
	v12 =	vld.idx.msk [tilespmem:v27+s3+$0x0], $0xffff  }
0x170: {  	v11 =	vshrl.u32 v11, $0x15;
	v9 =	vshrl.u32 v19, $0x15;
	v10 =	vshrl.u32 v18, $0x15;
	v15 =	vld.idx.msk [tilespmem:v29+s3+$0x0], $0xffff  }
0x171: {  	v19 =	vshrl.u32 v23, $0x15;
	v18 =	vld.idx.msk [tilespmem:v26+s3+$0x0], $0xffff;
	v20 =	vmul.f32 v20, v32  }
0x172: {  	v23 =	vld.idx.msk [tilespmem:v34+s3+$0x0], $0xffff  }
0x173: {  	v26 =	vld.idx.msk [tilespmem:v28+s3+$0x0], $0xffff;
	v20 =	vmul.f32 v24, v20  }
0x174: {  	v24 =	vld.idx.msk [tilespmem:v31+s3+$0x0], $0xffff  }
0x175: {  	[tilespmem:v11+s5+$0x0] =	vst.idx.add.f32.msk $0xffff, v20;
	v11 =	vimm.f32 $0.0e+00  }
0x176: {  	v20 =	vld [tilespmem:s12+$0xFFFFFFC0]  }
0x177: {  	v27 =	vld [tilespmem:s12+$0xFFFFFFD0]  }
0x178: {  	v28 =	vld [tilespmem:s12+$0xFFFFFFE0]  }
0x179: {  	v29 =	vld [tilespmem:s12+$0xFFFFFFF0]  }
0x17a: {  	v31 =	vld [tilespmem:s12+$0x0]  }
0x17b: {  	v20 =	vmul.f32 v23, v20;
	v23 =	vld [tilespmem:s12+$0x10]  }
0x17c: {  	v22 =	vmul.f32 v22, v27;
	v27 =	vld [tilespmem:s12+$0x20]  }
0x17d: {  	v32 =	vld.idx.msk [tilespmem:v33+s4+$0x0], $0xffff;
	v28 =	vmul.f32 v12, v28  }
0x17e: {  	v21 =	vld.idx.msk [tilespmem:v21+s4+$0x0], $0xffff;
	v29 =	vmul.f32 v15, v29  }
0x17f: {  	v14 =	vld.idx.msk [tilespmem:v14+s4+$0x0], $0xffff;
	v18 =	vmul.f32 v18, v31  }
0x180: {  	v13 =	vld.idx.msk [tilespmem:v13+s4+$0x0], $0xffff;
	v23 =	vmul.f32 v26, v23  }
0x181: {  	v26 =	vld.idx.msk [tilespmem:v30+s4+$0x0], $0xffff;
	v15 =	vmul.f32 v24, v27  }
0x182: {  	v24 =	vld.idx.msk [tilespmem:v35+s4+$0x0], $0xffff  }
0x183: {  	v20 =	vmul.f32 v32, v20;
	v12 =	vld.idx.msk [tilespmem:v36+s4+$0x0], $0xffff  }
.Ltmp10:
0x184: {  	v21 =	vmul.f32 v21, v22;
	[tilespmem:v8+s5+$0x0] =	vst.idx.add.f32.msk $0xffff, v16;
	v8 =	vmov v19;
	(pc) =	sbr.rel @p2 .LBB2_40-.Ltmp10, $4  }
0x185: {  	v14 =	vmul.f32 v14, v28;
	[tilespmem:v25+s5+$0x0] =	vst.idx.add.f32.msk $0xffff, v20  }
0x186: {  	v13 =	vmul.f32 v13, v29;
	[tilespmem:v37+s5+$0x0] =	vst.idx.add.f32.msk $0xffff, v21  }
0x187: {  	[tilespmem:v38+s5+$0x0] =	vst.idx.add.f32.msk $0xffff, v14;
	v14 =	vmul.f32 v26, v18  }
0x188: {  	s28 =	sadd.s32 $0x80, s28;
	[tilespmem:v17+s5+$0x0] =	vst.idx.add.f32.msk $0xffff, v13;
	v13 =	vmul.f32 v24, v23  }
0x189: {  	_ =	sdelay $0x3  }
0x18a: {  	v12 =	vmul.f32 v12, v15;
	[tilespmem:v10+s5+$0x0] =	vst.idx.add.f32.msk $0xffff, v14  }
0x18b: {  	[tilespmem:v9+s5+$0x0] =	vst.idx.add.f32.msk $0xffff, v13  }
0x18c: {  	[tilespmem:v8+s5+$0x0] =	vst.idx.add.f32.msk $0xffff, v12  }
0x18d: {  	v8 =	vld [tilespmem:s26+$0xFFFFFFC0]  }
0x18e: {  	v9 =	vld [tilespmem:s23+$0xFFFFFFC0]  }
0x18f: {  	v10 =	vld [tilespmem:s26+$0xFFFFFFD0]  }
0x190: {  	v12 =	vld [tilespmem:s23+$0xFFFFFFD0]  }
0x191: {  	v13 =	vld [tilespmem:s26+$0xFFFFFFE0]  }
0x192: {  	v15 =	vld [tilespmem:s26+$0xFFFFFFF0]  }
0x193: {  	v14 =	vld [tilespmem:s23+$0xFFFFFFE0];
	v8 =	vmul.f32 $0.0e+00, v8  }
0x194: {  	v16 =	vld [tilespmem:s23+$0xFFFFFFF0]  }
0x195: {  	v8 =	vadd.f32 v8, v9;
	v9 =	vmul.f32 $0.0e+00, v10  }
0x196: {  	v17 =	vld [tilespmem:s26+$0x0];
	v10 =	vmul.f32 $0.0e+00, v13  }
0x197: {  	v18 =	vld [tilespmem:s26+$0x10];
	v13 =	vmul.f32 $0.0e+00, v15;
	[tilespmem:s11+$0xFFFFFFC0] =	vst v8;
	v8 =	vadd.f32 v8, v11;
	v9 =	vadd.f32 v9, v12  }
0x198: {  	v11 =	vld [tilespmem:s23+$0x0];
	v12 =	vadd.f32 v10, v14;
	[tilespmem:s23+$0xFFFFFFC0] =	vst v0  }
0x199: {  	v10 =	vld [tilespmem:s26+$0x20];
	v13 =	vadd.f32 v13, v16;
	[tilespmem:s11+$0xFFFFFFD0] =	vst v9;
	v9 =	vadd.f32 v9, v8  }
0x19a: {  	v8 =	vld [tilespmem:s23+$0x10];
	[tilespmem:s11+$0xFFFFFFE0] =	vst v12  }
0x19b: {  	v15 =	vmul.f32 $0.0e+00, v17;
	[tilespmem:s11+$0xFFFFFFF0] =	vst v13;
	v14 =	vadd.f32 v12, v9;
	v9 =	vld [tilespmem:s23+$0x20]  }
0x19c: {  	[tilespmem:s23+$0xFFFFFFD0] =	vst v0;
	v12 =	vld [tilespmem:s26+$0x30]  }
0x19d: {  	s9 =	simm.s32 $0x0;
	s12 =	simm.s32 $0xC8C0;
	[tilespmem:s23+$0xFFFFFFE0] =	vst v0;
	s26 =	simm.s32 $0xC440;
	v13 =	vadd.f32 v13, v14;
	v14 =	vadd.f32 v15, v11;
	v15 =	vmul.f32 $0.0e+00, v18;
	v11 =	vld [tilespmem:s23+$0x30]  }
.LBB2_42:
0x19e: {  	v16 =	vld [tilespmem:s12+$0xFFFFFFC0];
	s9 =	sadd.s32 $0x8, s9;
	[tilespmem:s23+$0xFFFFFFF0] =	vst v0;
	s26 =	sadd.s32 $0x80, s26  }
0x19f: {  	v17 =	vld [tilespmem:s26+$0xFFFFFFC0];
	p2 =	slt.u32 s9, $0x38;
	[tilespmem:s11+$0x0] =	vst v14;
	v13 =	vadd.f32 v14, v13;
	v8 =	vadd.f32 v15, v8;
	v10 =	vmul.f32 $0.0e+00, v10  }
0x1a0: {  	v14 =	vld [tilespmem:s12+$0xFFFFFFD0];
	[tilespmem:s23+$0x0] =	vst v0  }
0x1a1: {  	v15 =	vld [tilespmem:s26+$0xFFFFFFD0];
	[tilespmem:s11+$0x10] =	vst v8;
	v8 =	vadd.f32 v8, v13;
	v9 =	vadd.f32 v10, v9;
	v10 =	vmul.f32 $0.0e+00, v12  }
0x1a2: {  	v12 =	vld [tilespmem:s12+$0xFFFFFFE0];
	[tilespmem:s23+$0x10] =	vst v0  }
0x1a3: {  	v13 =	vmul.f32 $0.0e+00, v16;
	v16 =	vld [tilespmem:s26+$0xFFFFFFE0];
	[tilespmem:s11+$0x20] =	vst v9;
	v8 =	vadd.f32 v9, v8;
	v9 =	vadd.f32 v10, v11  }
0x1a4: {  	v10 =	vld [tilespmem:s12+$0xFFFFFFF0];
	[tilespmem:s23+$0x20] =	vst v0  }
0x1a5: {  	v11 =	vadd.f32 v13, v17;
	v13 =	vmul.f32 $0.0e+00, v14;
	v14 =	vld [tilespmem:s26+$0xFFFFFFF0];
	[tilespmem:s11+$0x30] =	vst v9;
	v8 =	vadd.f32 v9, v8  }
0x1a6: {  	s11 =	sadd.s32 $0x80, s11;
	v9 =	vld [tilespmem:s12+$0x0];
	[tilespmem:s23+$0x30] =	vst v0;
	s23 =	smov.u32 s26  }
0x1a7: {  	[tilespmem:s11+$0xFFFFFFC0] =	vst v11;
	v8 =	vadd.f32 v11, v8;
	v11 =	vadd.f32 v13, v15;
	v12 =	vmul.f32 $0.0e+00, v12;
	v15 =	vld [tilespmem:s26+$0x0]  }
0x1a8: {  	[tilespmem:s26+$0xFFFFFFC0] =	vst v0;
	v17 =	vld [tilespmem:s12+$0x10]  }
.Ltmp11:
0x1a9: {  	[tilespmem:s11+$0xFFFFFFD0] =	vst v11;
	v11 =	vadd.f32 v11, v8;
	v12 =	vadd.f32 v12, v16;
	v13 =	vmul.f32 $0.0e+00, v10;
	v8 =	vld [tilespmem:s26+$0x10];
	(pc) =	sbr.rel @p2 .LBB2_42-.Ltmp11, $4  }
0x1aa: {  	[tilespmem:s26+$0xFFFFFFD0] =	vst v0;
	v10 =	vld [tilespmem:s12+$0x20]  }
0x1ab: {  	[tilespmem:s11+$0xFFFFFFE0] =	vst v12;
	v11 =	vadd.f32 v12, v11;
	v13 =	vadd.f32 v13, v14;
	v14 =	vmul.f32 $0.0e+00, v9;
	v9 =	vld [tilespmem:s26+$0x20]  }
0x1ac: {  	[tilespmem:s26+$0xFFFFFFE0] =	vst v0;
	v12 =	vld [tilespmem:s12+$0x30]  }
0x1ad: {  	s12 =	sadd.s32 $0x80, s12;
	[tilespmem:s11+$0xFFFFFFF0] =	vst v13;
	v13 =	vadd.f32 v13, v11;
	v14 =	vadd.f32 v14, v15;
	v15 =	vmul.f32 $0.0e+00, v17;
	v11 =	vld [tilespmem:s26+$0x30]  }
0x1ae: {  	[tilespmem:s23+$0xFFFFFFF0] =	vst v0  }
0x1af: {  	[tilespmem:s11+$0x0] =	vst v14;
	v13 =	vadd.f32 v14, v13;
	v8 =	vadd.f32 v15, v8;
	v10 =	vmul.f32 $0.0e+00, v10  }
0x1b0: {  	[tilespmem:s23+$0x0] =	vst v0  }
0x1b1: {  	[tilespmem:s11+$0x10] =	vst v8;
	v8 =	vadd.f32 v8, v13;
	v9 =	vadd.f32 v10, v9;
	v10 =	vmul.f32 $0.0e+00, v12  }
0x1b2: {  	[tilespmem:s23+$0x10] =	vst v0  }
0x1b3: {  	[tilespmem:s11+$0x20] =	vst v9;
	v8 =	vadd.f32 v9, v8;
	v9 =	vadd.f32 v10, v11  }
0x1b4: {  	[tilespmem:s23+$0x20] =	vst v0  }
0x1b5: {  	[tilespmem:s11+$0x30] =	vst v9;
	v8 =	vadd.f32 v9, v8  }
0x1b6: {  	[tilespmem:s23+$0x30] =	vst v0  }
0x1b7: {  	[tilespmem:$0xE880] =	vst v8  }
0x1b8: {  	v9 =	vld.idx.msk [tilespmem:v1+s30+$0x0], $0xffff;
	_ =	sdelay $0x4  }
0x1b9: {  	v8 =	vadd.f32 v9, v8;
	_ =	sdelay $0x1  }
0x1ba: {  	[tilespmem:$0xE880] =	vst v8  }
0x1bb: {  	v9 =	vld.idx.msk [tilespmem:v2+s30+$0x0], $0xffff;
	_ =	sdelay $0x4  }
0x1bc: {  	v8 =	vadd.f32 v9, v8;
	_ =	sdelay $0x1  }
0x1bd: {  	[tilespmem:$0xE880] =	vst v8  }
0x1be: {  	v9 =	vld.idx.msk [tilespmem:v3+s30+$0x0], $0xffff;
	_ =	sdelay $0x4  }
0x1bf: {  	v8 =	vadd.f32 v9, v8;
	_ =	sdelay $0x1  }
0x1c0: {  	[tilespmem:$0xE880] =	vst v8  }
0x1c1: {  	v9 =	vld.idx.msk [tilespmem:v4+s30+$0x0], $0xffff;
	_ =	sdelay $0x4  }
0x1c2: {  	v8 =	vadd.f32 v9, v8;
	_ =	sdelay $0x1  }
0x1c3: {  	p2 =	slt.u32 s8, s7;
	v9 =	vshrl.u32 v8, $0x17  }
.Ltmp12:
0x1c4: {  	v6 =	vadd.s32 v7, v6;
	vm1 =	vgt.f32 v8, $0.0e+00;
	v7 =	vadd.s32 $0xFFFFFF81, v9;
	(pc) =	sbr.rel @p2 .LBB2_37-.Ltmp12, $4  }
0x1c5: {  	v7 =	vnsel vm1, $0x0, v7  }
0x1c6: {  	v8 =	vshll.u32 v7, $0x17  }
0x1c7: {  	v8 =	vsub.s32 $0x3F800000, v8  }
0x1c8: {  	p1 =	por !p1, !p1;
	v8 =	vnsel vm1, $0x3F800000, v8  }
0x1c9: {  	v6 =	vcvt.s32.f32 v6  }
.LBB2_45:
0x1ca: {  	_ =	swait.ge [sflag:s25], $0x800  }
0x1cb: {  	[sflag:s25] =	ssyncset.done $0x0  }
0x1cc: {  	s8 =	simm.s32 $0x0;
	[sflag:s25] =	ssyncadd.s32 $0xFFFFF800  }
0x1cd: {  	v7 =	vld [tilespmem:s8+$0xC000]  }
0x1ce: {  	s7 =	simm.s32 $0x40;
	v8 =	vld [tilespmem:s8+$0xCC00]  }
.LBB2_46:
0x1cf: {  	_ = 	snop  }
0x1d0: {  	p1 =	sne.s32 s7, $0xFC0  }
.Ltmp13:
0x1d1: {  	_ = 	snop;
	(pc) =	sbr.rel @p1 .LBB2_46-.Ltmp13, $4  }
0x1d2: {  	_ = 	snop  }
0x1d3: {  	s8 =	sshra.s32 s7, $0x2;
	v9 =	vmul.f32 v8, v7  }
0x1d4: {  	v7 =	vld [tilespmem:s8+$0xC000]  }
0x1d5: {  	s7 =	sadd.s32 $0x40, s7;
	v8 =	vld [tilespmem:s8+$0xCC00];
	v5 =	vadd.f32 v9, v5  }
0x1d6: {  	_ =	sdelay $0x2  }
.Ltmp14:
0x1d7: {  	_ = 	snop;
	(pc) =	sbr.rel .LBB2_48-.Ltmp14, $3  }
0x1d8: {  	v7 =	vmul.f32 v8, v7;
	_ =	sdelay $0x1  }
0x1d9: {  	v5 =	vadd.f32 v7, v5  }
0x1da: {  	s8 =	smov.u32 s20;
	s7 =	smov.u32 s21  }
.LBB2_2:
0x1db: {  	s9 =	rddreg [dreg:$0xa]  }
0x1dc: {  	[tilespmem:s8], [sflag:$0x2] =	stream.linear.gather [hbm4b:s9+s8], $0x4000, $0x38;
	[tilespmem:$0xE900] =	vst v63  }
0x1dd: {  	_ =	swait.ge [sflag:s24], $0x4000  }
0x1de: {  	[sflag:s24] =	ssyncset.done $0x0  }
0x1df: {  	s8 =	simm.s32 $0x0;
	[sflag:s24] =	ssyncadd.s32 $0xFFFFC000  }
0x1e0: {  	s9 =	simm.s32 $0x40;
	v5 =	vld [tilespmem:s8+$0x0]  }
.LBB2_3:
0x1e1: {  	p1 =	sne.s32 s9, $0xFFC0  }
.Ltmp15:
0x1e2: {  	_ = 	snop;
	(pc) =	sbr.rel @p1 .LBB2_3-.Ltmp15, $3  }
0x1e3: {  	_ =	sdelay $0x1  }
0x1e4: {  	s11 =	sshra.s32 s9, $0x2;
	s9 =	sadd.s32 $0x40, s9;
	v6 =	vshll.u32 v5, $0xA  }
0x1e5: {  	v5 =	vld [tilespmem:s11+$0x0];
	[tilespmem:s8+$0x4000] =	vst v6;
	s8 =	smov.u32 s11  }
0x1e6: {  	_ =	sdelay $0x3  }
0x1e7: {  	v5 =	vshll.u32 v5, $0xA  }
0x1e8: {  	s28 =	simm.s32 $0x0;
	s9 =	rddreg [dreg:$0x8];
	[tilespmem:s8+$0x4000] =	vst v5  }
0x1e9: {  	[tilespmem:s28], [sflag:$0x2] =	stream.linear.gather [hbm4b:s9+s28], $0x4000, $0x38;
	[tilespmem:$0xE900] =	vst v63  }
0x1ea: {  	_ =	swait.ge [sflag:s24], $0x4000  }
0x1eb: {  	[sflag:s24] =	ssyncset.done $0x0  }
0x1ec: {  	s8 =	simm.s32 $0x0;
	[sflag:s24] =	ssyncadd.s32 $0xFFFFC000  }
0x1ed: {  	s9 =	simm.s32 $0x40;
	v5 =	vld [tilespmem:s8+$0x0]  }
.LBB2_5:
0x1ee: {  	p1 =	sne.s32 s9, $0xFFC0;
	v6 =	vld [tilespmem:s8+$0x4000];
	_ =	sdelay $0x1  }
.Ltmp16:
0x1ef: {  	(pc) =	sbr.rel @p1 .LBB2_5-.Ltmp16, $3  }
0x1f0: {  	_ =	sdelay $0x1  }
0x1f1: {  	s11 =	sshra.s32 s9, $0x2;
	v6 =	vor.u32 v6, v5  }
0x1f2: {  	s9 =	sadd.s32 $0x40, s9;
	v5 =	vld [tilespmem:s11+$0x0];
	[tilespmem:s8+$0x4000] =	vst v6;
	s8 =	smov.u32 s11  }
0x1f3: {  	v6 =	vld [tilespmem:s8+$0x4000];
	_ =	sdelay $0x4  }
0x1f4: {  	v5 =	vor.u32 v6, v5  }
0x1f5: {  	s28 =	simm.s32 $0x0;
	s9 =	rddreg [dreg:$0x9];
	[tilespmem:s8+$0x4000] =	vst v5  }
0x1f6: {  	[tilespmem:s28], [sflag:$0x2] =	stream.linear.gather [hbm4b:s9+s28], $0x4000, $0x38;
	[tilespmem:$0xE900] =	vst v63  }
0x1f7: {  	_ =	swait.ge [sflag:s24], $0x4000  }
0x1f8: {  	[sflag:s24] =	ssyncset.done $0x0  }
0x1f9: {  	s8 =	simm.s32 $0x0;
	[sflag:s24] =	ssyncadd.s32 $0xFFFFC000  }
0x1fa: {  	v5 =	vld [tilespmem:s8+$0x0]  }
0x1fb: {  	v6 =	vld [tilespmem:s8+$0x4000];
	_ =	sdelay $0x3  }
0x1fc: {  	v5 =	vshll.u32 v5, $0x15  }
0x1fd: {  	s11 =	simm.s32 $0x10;
	s9 =	simm.s32 $0x80;
	v5 =	vor.u32 v6, v5  }
.LBB2_7:
0x1fe: {  	p1 =	sne.s32 s9, $0xFFC0;
	v6 =	vld [tilespmem:s11+$0x0];
	[tilespmem:s8+$0x4000] =	vst v5;
	s8 =	smov.u32 s11  }
0x1ff: {  	v5 =	vld [tilespmem:s8+$0x4000]  }
.Ltmp17:
0x200: {  	(pc) =	sbr.rel @p1 .LBB2_7-.Ltmp17, $3  }
0x201: {  	_ =	sdelay $0x1  }
0x202: {  	v6 =	vshll.u32 v6, $0x15  }
0x203: {  	s11 =	sshra.s32 s9, $0x2;
	s9 =	sadd.s32 $0x40, s9;
	v5 =	vor.u32 v5, v6  }
0x204: {  	v6 =	vld [tilespmem:s11+$0x0];
	[tilespmem:s8+$0x4000] =	vst v5  }
0x205: {  	v5 =	vld [tilespmem:s11+$0x4000];
	_ =	sdelay $0x3  }
0x206: {  	v6 =	vshll.u32 v6, $0x15  }
0x207: {  	v5 =	vor.u32 v5, v6  }
0x208: {  	s26 =	simm.s32 $0x0;
	s9 =	rddreg [dreg:$0xb];
	s28 =	simm.s32 $0x8000;
	[tilespmem:s11+$0x4000] =	vst v5  }
0x209: {  	[tilespmem:s28], [sflag:$0x2] =	stream.linear.gather [hbm4b:s9+s26], $0x4000, $0x38;
	[tilespmem:$0xE900] =	vst v63  }
0x20a: {  	_ =	swait.ge [sflag:s24], $0x4000  }
0x20b: {  	[sflag:s24] =	ssyncset.done $0x0  }
0x20c: {  	s8 =	simm.s32 $0x0;
	s9 =	simm.s32 $0x40;
	[sflag:s24] =	ssyncadd.s32 $0xFFFFC000  }
.LBB2_9:
0x20d: {  	p1 =	sne.s32 s9, $0xFFC0;
	v5 =	vld [tilespmem:s8+$0x8000];
	_ =	sdelay $0x4  }
0x20e: {  	v5 =	vmul.f32 $1.442695020e+00, v5;
	_ =	sdelay $0x1  }
0x20f: {  	(erf) = vpow2.f32 v5;
	_ =	sdelay $0x5  }
.Ltmp18:
0x210: {  	(pc) =	sbr.rel @p1 .LBB2_9-.Ltmp18, $3  }
0x211: {  	_ =	sdelay $0x1  }
0x212: {  	v5 =	vpop (erf)  }
0x213: {  	[tilespmem:s8+$0x8000] =	vst v5;
	s8 =	sshra.s32 s9, $0x2;
	s9 =	sadd.s32 $0x40, s9  }
0x214: {  	v5 =	vld [tilespmem:s8+$0x8000];
	_ =	sdelay $0x4  }
0x215: {  	v5 =	vmul.f32 $1.442695020e+00, v5;
	_ =	sdelay $0x1  }
0x216: {  	(erf) = vpow2.f32 v5;
	_ =	sdelay $0x8  }
0x217: {  	v5 =	vpop (erf)  }
0x218: {  	s23 =	simm.s32 $0x0;
	s9 =	rddreg [dreg:$0x3];
	s11 =	simm.s32 $0xC800;
	[tilespmem:s8+$0x8000] =	vst v5  }
0x219: {  	[tilespmem:s11], [sflag:$0x2] =	stream.linear.gather [hbm4b:s9+s23], $0x400, $0x38;
	[tilespmem:$0xE900] =	vst v63  }
0x21a: {  	_ =	swait.ge [sflag:s24], $0x400  }
0x21b: {  	[sflag:s24] =	ssyncset.done $0x0  }
0x21c: {  	[sflag:s24] =	ssyncadd.s32 $0xFFFFFC00  }
0x21d: {  	s28 =	simm.s32 $0xCC00;
	s26 =	rddreg [dreg:$0x4]  }
0x21e: {  	[tilespmem:s28], [sflag:$0x2] =	stream.linear.gather [hbm4b:s26+s23], $0x400, $0x38;
	[tilespmem:$0xE900] =	vst v63  }
0x21f: {  	_ =	swait.ge [sflag:s24], $0x400  }
0x220: {  	[sflag:s24] =	ssyncset.done $0x0  }
0x221: {  	s8 =	simm.s32 $0x0;
	[sflag:s24] =	ssyncadd.s32 $0xFFFFFC00  }
0x222: {  	v5 =	vld [tilespmem:s8+$0xC800]  }
0x223: {  	v6 =	vld [tilespmem:s8+$0xCC00];
	_ =	sdelay $0x3  }
0x224: {  	v5 =	vmul.f32 $1.442695020e+00, v5  }
0x225: {  	v6 =	vmul.f32 $1.442695020e+00, v6  }
0x226: {  	(erf) = vpow2.f32 v5  }
0x227: {  	(erf) = vpow2.f32 v6;
	_ =	sdelay $0x7  }
0x228: {  	[tilespmem:s8+$0xC400] =	vst v0;
	v6 =	vpop (erf)  }
0x229: {  	s11 =	simm.s32 $0x10;
	v5 =	vimm.f32 $0.0e+00;
	[tilespmem:s8+$0xC800] =	vst v6;
	v8 =	vpop (erf)  }
0x22a: {  	s9 =	simm.s32 $0x80;
	v5 =	vadd.f32 v6, v5;
	v7 =	vld [tilespmem:s11+$0xC800];
	[tilespmem:s8+$0xCC00] =	vst v8  }
.LBB2_11:
0x22b: {  	p1 =	sne.s32 s9, $0xFC0;
	v8 =	vld [tilespmem:s11+$0xCC00];
	[tilespmem:s8+$0xC000] =	vst v6;
	s8 =	smov.u32 s11  }
0x22c: {  	[tilespmem:s8+$0xC400] =	vst v0;
	_ =	sdelay $0x2  }
0x22d: {  	v6 =	vmul.f32 $1.442695020e+00, v7  }
0x22e: {  	v7 =	vmul.f32 $1.442695020e+00, v8  }
0x22f: {  	(erf) = vpow2.f32 v6  }
0x230: {  	(erf) = vpow2.f32 v7;
	_ =	sdelay $0x5  }
.Ltmp19:
0x231: {  	(pc) =	sbr.rel @p1 .LBB2_11-.Ltmp19, $4  }
0x232: {  	_ = 	snop  }
0x233: {  	v6 =	vpop (erf)  }
0x234: {  	s11 =	sshra.s32 s9, $0x2;
	[tilespmem:s8+$0xC800] =	vst v6;
	v5 =	vadd.f32 v6, v5;
	v8 =	vpop (erf)  }
0x235: {  	s9 =	sadd.s32 $0x40, s9;
	v7 =	vld [tilespmem:s11+$0xC800];
	[tilespmem:s8+$0xCC00] =	vst v8  }
0x236: {  	_ = 	snop  }
0x237: {  	v8 =	vld [tilespmem:s11+$0xCC00];
	_ =	sdelay $0x2  }
0x238: {  	v7 =	vmul.f32 $1.442695020e+00, v7;
	_ =	sdelay $0x1  }
0x239: {  	v8 =	vmul.f32 $1.442695020e+00, v8;
	(erf) = vpow2.f32 v7;
	_ =	sdelay $0x1  }
0x23a: {  	(erf) = vpow2.f32 v8;
	_ =	sdelay $0x5  }
0x23b: {  	[tilespmem:s8+$0xC000] =	vst v6  }
0x23c: {  	[tilespmem:s11+$0xC400] =	vst v0;
	v6 =	vpop (erf)  }
0x23d: {  	[tilespmem:s11+$0xC800] =	vst v6  }
0x23e: {  	v7 =	vpop (erf);
	v5 =	vadd.f32 v6, v5;
	[tilespmem:s11+$0xC000] =	vst v6  }
0x23f: {  	[tilespmem:s11+$0xCC00] =	vst v7  }
0x240: {  	[tilespmem:$0xE880] =	vst v5  }
0x241: {  	v6 =	vld.idx.msk [tilespmem:v1+s30+$0x0], $0xffff;
	_ =	sdelay $0x4  }
0x242: {  	v5 =	vadd.f32 v6, v5;
	_ =	sdelay $0x1  }
0x243: {  	[tilespmem:$0xE880] =	vst v5  }
0x244: {  	v6 =	vld.idx.msk [tilespmem:v2+s30+$0x0], $0xffff;
	_ =	sdelay $0x4  }
0x245: {  	v5 =	vadd.f32 v6, v5;
	_ =	sdelay $0x1  }
0x246: {  	[tilespmem:$0xE880] =	vst v5  }
0x247: {  	v6 =	vld.idx.msk [tilespmem:v3+s30+$0x0], $0xffff;
	_ =	sdelay $0x4  }
0x248: {  	v7 =	vadd.f32 v6, v5;
	_ =	sdelay $0x1  }
0x249: {  	s26 =	simm.s32 $0xD000;
	[tilespmem:$0xE880] =	vst v7  }
0x24a: {  	v8 =	vld.idx.msk [tilespmem:v4+s30+$0x0], $0xffff;
	[tilespmem:s26], [sflag:$0x1] =	stream.linear.gather [hbm4b:s17+s6], $0x80, $0x38  }
0x24b: {  	s28 =	sadd.s32 $0x80, s17;
	s9 =	simm.s32 $0xD100  }
0x24c: {  	[tilespmem:s9], [sflag:$0x1] =	stream.linear.gather [hbm4b:s28+s6], $0x80, $0x38;
	[tilespmem:$0xE900] =	vst v63  }
0x24d: {  	s11 =	simm.s32 $0xD200;
	s9 =	sadd.s32 $0x100, s17  }
0x24e: {  	[tilespmem:s11], [sflag:$0x1] =	stream.linear.gather [hbm4b:s9+s6], $0x80, $0x38;
	[tilespmem:$0xE900] =	vst v63  }
0x24f: {  	s12 =	sadd.s32 $0x180, s17;
	s23 =	simm.s32 $0xD300  }
0x250: {  	[tilespmem:s23], [sflag:$0x1] =	stream.linear.gather [hbm4b:s12+s6], $0x80, $0x38;
	[tilespmem:$0xE900] =	vst v63  }
0x251: {  	s26 =	sadd.s32 $0x200, s17;
	s28 =	simm.s32 $0xD400  }
0x252: {  	[tilespmem:s28], [sflag:$0x1] =	stream.linear.gather [hbm4b:s26+s6], $0x80, $0x38;
	[tilespmem:$0xE900] =	vst v63  }
0x253: {  	s9 =	sadd.s32 $0x280, s17;
	s11 =	simm.s32 $0xD500  }
0x254: {  	[tilespmem:s11], [sflag:$0x1] =	stream.linear.gather [hbm4b:s9+s6], $0x80, $0x38;
	[tilespmem:$0xE900] =	vst v63  }
0x255: {  	s12 =	sadd.s32 $0x300, s17;
	s23 =	simm.s32 $0xD600  }
0x256: {  	[tilespmem:s23], [sflag:$0x1] =	stream.linear.gather [hbm4b:s12+s6], $0x80, $0x38;
	[tilespmem:$0xE900] =	vst v63  }
0x257: {  	s26 =	sadd.s32 $0x380, s17;
	s28 =	simm.s32 $0xD700  }
0x258: {  	[tilespmem:s28], [sflag:$0x1] =	stream.linear.gather [hbm4b:s26+s6], $0x80, $0x38;
	[tilespmem:$0xE900] =	vst v63  }
0x259: {  	s9 =	sadd.s32 $0x400, s17;
	s11 =	simm.s32 $0xD800  }
0x25a: {  	[tilespmem:s11], [sflag:$0x1] =	stream.linear.gather [hbm4b:s9+s6], $0x80, $0x38;
	[tilespmem:$0xE900] =	vst v63  }
0x25b: {  	s12 =	sadd.s32 $0x480, s17;
	s23 =	simm.s32 $0xD900  }
0x25c: {  	[tilespmem:s23], [sflag:$0x1] =	stream.linear.gather [hbm4b:s12+s6], $0x80, $0x38;
	[tilespmem:$0xE900] =	vst v63  }
0x25d: {  	s26 =	sadd.s32 $0x500, s17;
	s28 =	simm.s32 $0xDA00  }
0x25e: {  	[tilespmem:s28], [sflag:$0x1] =	stream.linear.gather [hbm4b:s26+s6], $0x80, $0x38;
	[tilespmem:$0xE900] =	vst v63  }
0x25f: {  	s11 =	sadd.s32 $0x580, s17  }
0x260: {  	[tilespmem:s29], [sflag:$0x1] =	stream.linear.gather [hbm4b:s11+s6], $0x80, $0x38;
	[tilespmem:$0xE900] =	vst v63  }
0x261: {  	s12 =	sadd.s32 $0x600, s17  }
0x262: {  	[tilespmem:s31], [sflag:$0x1] =	stream.linear.gather [hbm4b:s12+s6], $0x80, $0x38;
	[tilespmem:$0xE900] =	vst v63  }
0x263: {  	p1 =	seq.s32 s7, $0x0;
	s23 =	sadd.s32 $0x680, s17  }
0x264: {  	[tilespmem:s0], [sflag:$0x1] =	stream.linear.gather [hbm4b:s23+s6], $0x80, $0x38;
	[tilespmem:$0xE900] =	vst v63  }
.Ltmp20:
0x265: {  	_ = 	snop;
	(pc) =	sbr.rel @p1 .LBB2_22-.Ltmp20, $4  }
0x266: {  	s26 =	sadd.s32 $0x700, s17  }
0x267: {  	[tilespmem:s10], [sflag:$0x1] =	stream.linear.gather [hbm4b:s26+s6], $0x80, $0x38;
	[tilespmem:$0xE900] =	vst v63  }
0x268: {  	s28 =	sadd.s32 $0x780, s17  }
0x269: {  	v5 =	vimm.f32 $0.0e+00;
	v6 =	vimm.f32 $0.0e+00;
	[tilespmem:s2], [sflag:$0x1] =	stream.linear.gather [hbm4b:s28+s6], $0x80, $0x38;
	[tilespmem:$0xE900] =	vst v63  }
0x26a: {  	v8 =	vadd.f32 v8, v7  }
0x26b: {  	s8 =	simm.s32 $0x0;
	v9 =	vimm.f32 $1.000000000e+00;
	v6 =	vimm.s32 $0x0;
	p1 =	por $0x0, $0x0;
	v7 =	vimm.s32 $0x0  }
.LBB2_14:
0x26c: {  	s9 =	smov.u32 s8;
	s8 =	sadd.s32 $0x1, s8  }
0x26d: {  	p2 =	slt.s32 s8, $0x1FF;
	s11 =	smov.u32 s8  }
0x26e: {  	_ =	swait.ge [sflag:s25], $0x800;
	s11 =	simm.s32 @!p2 $0x1FF  }
0x26f: {  	s9 =	sxor.u32 $0xFFFFFFFF, s9;
	s12 =	sshll.u32 s11, $0x8;
	s11 =	sshll.u32 s11, $0x4  }
0x270: {  	s9 =	sshll.u32 s9, $0x7;
	s12 =	sand.u32 $0x1F800, s12;
	s11 =	sand.u32 $0x70, s11  }
0x271: {  	[sflag:s25] =	ssyncset.done $0x0;
	s9 =	sand.u32 $0x80, s9;
	s11 =	sor.u32 s11, s12  }
0x272: {  	[sflag:s25] =	ssyncadd.s32 $0xFFFFF800;
	s26 =	sor.u32 $0xD000, s9;
	s11 =	sadd.s32 s11, s17  }
0x273: {  	[tilespmem:s26], [sflag:$0x1] =	stream.linear.gather [hbm4b:s11+s6], $0x80, $0x38;
	[tilespmem:$0xE900] =	vst v63  }
0x274: {  	s23 =	sor.u32 $0xD100, s9;
	s28 =	sadd.s32 $0x80, s11  }
0x275: {  	[tilespmem:s23], [sflag:$0x1] =	stream.linear.gather [hbm4b:s28+s6], $0x80, $0x38;
	[tilespmem:$0xE900] =	vst v63  }
0x276: {  	s26 =	sadd.s32 $0x100, s11;
	s28 =	sor.u32 $0xD200, s9  }
0x277: {  	[tilespmem:s28], [sflag:$0x1] =	stream.linear.gather [hbm4b:s26+s6], $0x80, $0x38;
	[tilespmem:$0xE900] =	vst v63  }
0x278: {  	s26 =	sadd.s32 $0x180, s11;
	s28 =	sor.u32 $0xD300, s9  }
0x279: {  	[tilespmem:s28], [sflag:$0x1] =	stream.linear.gather [hbm4b:s26+s6], $0x80, $0x38;
	[tilespmem:$0xE900] =	vst v63  }
0x27a: {  	s26 =	sadd.s32 $0x200, s11;
	s28 =	sor.u32 $0xD400, s9  }
0x27b: {  	[tilespmem:s28], [sflag:$0x1] =	stream.linear.gather [hbm4b:s26+s6], $0x80, $0x38;
	[tilespmem:$0xE900] =	vst v63  }
0x27c: {  	s26 =	sadd.s32 $0x280, s11;
	s28 =	sor.u32 $0xD500, s9  }
0x27d: {  	[tilespmem:s28], [sflag:$0x1] =	stream.linear.gather [hbm4b:s26+s6], $0x80, $0x38;
	[tilespmem:$0xE900] =	vst v63  }
0x27e: {  	s26 =	sadd.s32 $0x300, s11;
	s28 =	sor.u32 $0xD600, s9  }
0x27f: {  	[tilespmem:s28], [sflag:$0x1] =	stream.linear.gather [hbm4b:s26+s6], $0x80, $0x38;
	[tilespmem:$0xE900] =	vst v63  }
0x280: {  	s26 =	sadd.s32 $0x380, s11;
	s28 =	sor.u32 $0xD700, s9  }
0x281: {  	[tilespmem:s28], [sflag:$0x1] =	stream.linear.gather [hbm4b:s26+s6], $0x80, $0x38;
	[tilespmem:$0xE900] =	vst v63  }
0x282: {  	s26 =	sadd.s32 $0x400, s11;
	s28 =	sor.u32 $0xD800, s9  }
0x283: {  	[tilespmem:s28], [sflag:$0x1] =	stream.linear.gather [hbm4b:s26+s6], $0x80, $0x38;
	[tilespmem:$0xE900] =	vst v63  }
0x284: {  	s26 =	sadd.s32 $0x480, s11;
	s28 =	sor.u32 $0xD900, s9  }
0x285: {  	[tilespmem:s28], [sflag:$0x1] =	stream.linear.gather [hbm4b:s26+s6], $0x80, $0x38;
	[tilespmem:$0xE900] =	vst v63  }
0x286: {  	s26 =	sadd.s32 $0x500, s11;
	s28 =	sor.u32 $0xDA00, s9  }
0x287: {  	[tilespmem:s28], [sflag:$0x1] =	stream.linear.gather [hbm4b:s26+s6], $0x80, $0x38;
	[tilespmem:$0xE900] =	vst v63  }
0x288: {  	s23 =	sadd.s32 $0x580, s11;
	s26 =	sor.u32 $0xDB00, s9  }
0x289: {  	[tilespmem:s26], [sflag:$0x1] =	stream.linear.gather [hbm4b:s23+s6], $0x80, $0x38;
	[tilespmem:$0xE900] =	vst v63  }
0x28a: {  	s12 =	simm.s32 $0x1;
	s28 =	sadd.s32 $0x600, s11;
	s26 =	sor.u32 $0xDC00, s9  }
0x28b: {  	[tilespmem:s26], [sflag:$0x1] =	stream.linear.gather [hbm4b:s28+s6], $0x80, $0x38;
	[tilespmem:$0xE900] =	vst v63  }
0x28c: {  	s12 =	simm.s32 @!p1 $0x0;
	s26 =	sadd.s32 $0x680, s11;
	s28 =	sor.u32 $0xDD00, s9  }
0x28d: {  	[tilespmem:s28], [sflag:$0x1] =	stream.linear.gather [hbm4b:s26+s6], $0x80, $0x38;
	[tilespmem:$0xE900] =	vst v63  }
0x28e: {  	s12 =	sshll.u32 s12, $0x7;
	s26 =	sadd.s32 $0x700, s11;
	s28 =	sor.u32 $0xDE00, s9  }
0x28f: {  	[tilespmem:s28], [sflag:$0x1] =	stream.linear.gather [hbm4b:s26+s6], $0x80, $0x38;
	[tilespmem:$0xE900] =	vst v63  }
0x290: {  	s12 =	sor.u32 $0xD040, s12;
	s11 =	sadd.s32 $0x780, s11;
	s9 =	sor.u32 $0xDF00, s9  }
0x291: {  	[tilespmem:s9], [sflag:$0x1] =	stream.linear.gather [hbm4b:s11+s6], $0x80, $0x38;
	[tilespmem:$0xE900] =	vst v63  }
0x292: {  	v10 =	vld [tilespmem:s12+$0x30]  }
0x293: {  	v11 =	vld [tilespmem:s12+$0xFFFFFFD0]  }
0x294: {  	v12 =	vld [tilespmem:s12+$0xFFFFFFE0]  }
0x295: {  	v13 =	vld [tilespmem:s12+$0xFFFFFFF0]  }
0x296: {  	v14 =	vld [tilespmem:s12+$0x0]  }
0x297: {  	v15 =	vld [tilespmem:s12+$0x10];
	v10 =	vmul.f32 $1.442695020e+00, v10  }
0x298: {  	v16 =	vld [tilespmem:s12+$0x20];
	v11 =	vmul.f32 $1.442695020e+00, v11  }
0x299: {  	v17 =	vld [tilespmem:s12+$0xFFFFFFC0];
	v12 =	vmul.f32 $1.442695020e+00, v12;
	(erf) = vpow2.f32 v10  }
0x29a: {  	v10 =	vmul.f32 $1.442695020e+00, v13;
	(erf) = vpow2.f32 v11  }
0x29b: {  	v11 =	vmul.f32 $1.442695020e+00, v14;
	(erf) = vpow2.f32 v12  }
0x29c: {  	s12 =	sadd.s32 $0x100, s12;
	v12 =	vmul.f32 $1.442695020e+00, v15;
	(erf) = vpow2.f32 v10  }
0x29d: {  	v14 =	vld [tilespmem:s12+$0xFFFFFFE0];
	v10 =	vmul.f32 $1.442695020e+00, v16;
	(erf) = vpow2.f32 v11  }
0x29e: {  	v13 =	vmul.f32 $1.442695020e+00, v17;
	v11 =	vld [tilespmem:s12+$0x30];
	(erf) = vpow2.f32 v12  }
0x29f: {  	v12 =	vld [tilespmem:s12+$0xFFFFFFD0];
	(erf) = vpow2.f32 v10  }
0x2a0: {  	(erf) = vpow2.f32 v13;
	v13 =	vld [tilespmem:s12+$0xFFFFFFF0]  }
0x2a1: {  	v15 =	vld [tilespmem:s12+$0x0]  }
0x2a2: {  	v21 =	vmul.f32 $1.442695020e+00, v14;
	v10 =	vpop (erf)  }
0x2a3: {  	v11 =	vmul.f32 $1.442695020e+00, v11;
	v17 =	vmul.f32 v10, v9;
	v10 =	vpop (erf)  }
0x2a4: {  	v16 =	vld [tilespmem:s12+$0x10];
	v18 =	vmul.f32 $1.442695020e+00, v12;
	v20 =	vmul.f32 v10, v9  }
0x2a5: {  	v19 =	vld [tilespmem:s12+$0x20];
	v10 =	vpop (erf);
	(erf) = vpow2.f32 v11;
	v13 =	vmul.f32 $1.442695020e+00, v13  }
0x2a6: {  	v12 =	vpop (erf);
	(erf) = vpow2.f32 v18;
	v18 =	vmul.f32 $1.442695020e+00, v15;
	v15 =	vld [tilespmem:s12+$0xFFFFFFC0]  }
0x2a7: {  	v14 =	vpop (erf)  }
0x2a8: {  	s11 =	simm.s32 $0xE040;
	(erf) = vpow2.f32 v21;
	v11 =	vpop (erf)  }
0x2a9: {  	s23 =	simm.s32 $0x8;
	v16 =	vmul.f32 $1.442695020e+00, v16;
	[tilespmem:s11+$0x30] =	vst v17;
	(erf) = vpow2.f32 v13;
	v13 =	vpop (erf)  }
0x2aa: {  	s9 =	simm.s32 $0x0;
	s26 =	sadd.s32 $0x100, s12;
	v17 =	vmul.f32 $1.442695020e+00, v19;
	s12 =	simm.s32 $0xE040;
	[tilespmem:s11+$0xFFFFFFD0] =	vst v20;
	(erf) = vpow2.f32 v18;
	v18 =	vpop (erf)  }
.LBB2_15:
0x2ab: {  	v19 =	vld [tilespmem:s26+$0x30];
	s23 =	sadd.s32 $0x8, s23;
	v15 =	vmul.f32 $1.442695020e+00, v15;
	(erf) = vpow2.f32 v16  }
0x2ac: {  	v16 =	vld [tilespmem:s26+$0xFFFFFFD0];
	p2 =	slt.u32 s23, $0x78;
	(erf) = vpow2.f32 v17;
	v17 =	vmul.f32 v18, v9  }
0x2ad: {  	v23 =	vmul.f32 v10, v9;
	v18 =	vld [tilespmem:s26+$0xFFFFFFE0];
	(erf) = vpow2.f32 v15  }
0x2ae: {  	v12 =	vmul.f32 v12, v9;
	v14 =	vmul.f32 v14, v9;
	v20 =	vld [tilespmem:s26+$0xFFFFFFF0];
	[tilespmem:s11+$0xFFFFFFC0] =	vst v17  }
0x2af: {  	v21 =	vmul.f32 v11, v9;
	v22 =	vmul.f32 v13, v9;
	v17 =	vld [tilespmem:s26+$0x0];
	v15 =	vpop (erf);
	[tilespmem:s11+$0xFFFFFFE0] =	vst v23  }
0x2b0: {  	v13 =	vld [tilespmem:s26+$0x10];
	v11 =	vmul.f32 $1.442695020e+00, v19;
	v19 =	vmul.f32 v15, v9;
	v10 =	vpop (erf);
	[tilespmem:s11+$0xFFFFFFF0] =	vst v12  }
0x2b1: {  	s11 =	sadd.s32 $0x80, s11;
	v16 =	vmul.f32 $1.442695020e+00, v16;
	v23 =	vld [tilespmem:s26+$0x20];
	v24 =	vmul.f32 v10, v9;
	v10 =	vpop (erf);
	[tilespmem:s12+$0x0] =	vst v14  }
.Ltmp21:
0x2b2: {  	v15 =	vld [tilespmem:s26+$0xFFFFFFC0];
	v18 =	vmul.f32 $1.442695020e+00, v18;
	(erf) = vpow2.f32 v11;
	[tilespmem:s11+$0x30] =	vst v19;
	v12 =	vpop (erf);
	(pc) =	sbr.rel @p2 .LBB2_15-.Ltmp21, $4  }
0x2b3: {  	v19 =	vmul.f32 $1.442695020e+00, v20;
	(erf) = vpow2.f32 v16;
	[tilespmem:s11+$0xFFFFFFD0] =	vst v24;
	v14 =	vpop (erf)  }
0x2b4: {  	v20 =	vmul.f32 $1.442695020e+00, v17;
	(erf) = vpow2.f32 v18;
	v11 =	vpop (erf);
	[tilespmem:s12+$0x10] =	vst v21  }
0x2b5: {  	v16 =	vmul.f32 $1.442695020e+00, v13;
	(erf) = vpow2.f32 v19;
	v13 =	vpop (erf);
	[tilespmem:s12+$0x20] =	vst v22;
	s12 =	smov.u32 s11  }
0x2b6: {  	s26 =	sadd.s32 $0x100, s26;
	v17 =	vmul.f32 $1.442695020e+00, v23;
	(erf) = vpow2.f32 v20;
	v18 =	vpop (erf)  }
0x2b7: {  	v15 =	vmul.f32 $1.442695020e+00, v15;
	(erf) = vpow2.f32 v16  }
0x2b8: {  	v10 =	vmul.f32 v10, v9;
	(erf) = vpow2.f32 v17  }
0x2b9: {  	(erf) = vpow2.f32 v15;
	v15 =	vmul.f32 v18, v9  }
0x2ba: {  	v12 =	vmul.f32 v12, v9  }
0x2bb: {  	[tilespmem:s11+$0xFFFFFFE0] =	vst v10;
	v16 =	vpop (erf)  }
0x2bc: {  	v14 =	vmul.f32 v14, v9;
	[tilespmem:s11+$0xFFFFFFF0] =	vst v12;
	v17 =	vpop (erf)  }
0x2bd: {  	v11 =	vmul.f32 v11, v9;
	[tilespmem:s11+$0xFFFFFFC0] =	vst v15;
	v16 =	vmul.f32 v16, v9;
	v15 =	vpop (erf)  }
0x2be: {  	v13 =	vmul.f32 v13, v9;
	[tilespmem:s12+$0x0] =	vst v14;
	v17 =	vmul.f32 v17, v9;
	v10 =	vpop (erf)  }
0x2bf: {  	[tilespmem:s12+$0x10] =	vst v11;
	v12 =	vpop (erf)  }
0x2c0: {  	s26 =	sadd.s32 $0x80, s11;
	[tilespmem:s12+$0x20] =	vst v13;
	v14 =	vpop (erf)  }
0x2c1: {  	[tilespmem:s26+$0x30] =	vst v16;
	v13 =	vmul.f32 v15, v9;
	v16 =	vpop (erf)  }
0x2c2: {  	[tilespmem:s26+$0xFFFFFFD0] =	vst v17;
	v10 =	vmul.f32 v10, v9;
	v17 =	vpop (erf)  }
0x2c3: {  	[tilespmem:s26+$0xFFFFFFE0] =	vst v13;
	v11 =	vmul.f32 v17, v9  }
0x2c4: {  	[tilespmem:s26+$0xFFFFFFF0] =	vst v10;
	v10 =	vmul.f32 v16, v9  }
0x2c5: {  	[tilespmem:s26+$0xFFFFFFC0] =	vst v11;
	v11 =	vmul.f32 v12, v9  }
0x2c6: {  	[tilespmem:s26+$0x20] =	vst v10;
	v12 =	vmul.f32 v14, v9  }
0x2c7: {  	[tilespmem:s26+$0x0] =	vst v11  }
0x2c8: {  	s28 =	simm.s32 $0x4040;
	[tilespmem:s26+$0x10] =	vst v12  }
0x2c9: {  	v10 =	vld [tilespmem:s28+$0x30]  }
0x2ca: {  	v11 =	vld [tilespmem:s28+$0xFFFFFFD0]  }
0x2cb: {  	v12 =	vld [tilespmem:s28+$0xFFFFFFE0]  }
0x2cc: {  	v13 =	vld [tilespmem:s28+$0xFFFFFFF0]  }
0x2cd: {  	v16 =	vld [tilespmem:s28+$0x0]  }
0x2ce: {  	v17 =	vld [tilespmem:s28+$0xFFFFFFC0]  }
0x2cf: {  	v18 =	vld [tilespmem:s28+$0x10];
	v14 =	vand.u32 $0x3FF, v10  }
0x2d0: {  	s11 =	simm.s32 $0x8040;
	v20 =	vld [tilespmem:s28+$0x20];
	v15 =	vshrl.u32 v10, $0xA  }
0x2d1: {  	v24 =	vld [tilespmem:s11+$0x30];
	v15 =	vand.u32 $0x7FF, v15  }
0x2d2: {  	v28 =	vld [tilespmem:s11+$0xFFFFFFE0]  }
0x2d3: {  	v30 =	vld [tilespmem:s11+$0xFFFFFFF0]  }
0x2d4: {  	v19 =	vand.u32 $0x3FF, v11;
	v14 =	vld.idx.msk [tilespmem:v14+s3+$0x0], $0xffff  }
0x2d5: {  	v32 =	vld [tilespmem:s11+$0x0];
	v21 =	vand.u32 $0x3FF, v12  }
0x2d6: {  	v22 =	vand.u32 $0x3FF, v13;
	v15 =	vld.idx.msk [tilespmem:v15+s4+$0x0], $0xffff  }
0x2d7: {  	v34 =	vld [tilespmem:s11+$0x10];
	v23 =	vand.u32 $0x3FF, v16  }
0x2d8: {  	v36 =	vld [tilespmem:s11+$0x20];
	v10 =	vshrl.u32 v10, $0x15  }
0x2d9: {  	v25 =	vand.u32 $0x3FF, v17;
	v19 =	vld.idx.msk [tilespmem:v19+s3+$0x0], $0xffff;
	v14 =	vmul.f32 v14, v24  }
0x2da: {  	v27 =	vand.u32 $0x3FF, v20;
	v21 =	vld.idx.msk [tilespmem:v21+s3+$0x0], $0xffff  }
0x2db: {  	v26 =	vand.u32 $0x3FF, v18;
	v22 =	vld.idx.msk [tilespmem:v22+s3+$0x0], $0xffff;
	v14 =	vmul.f32 v15, v14  }
0x2dc: {  	v23 =	vld.idx.msk [tilespmem:v23+s3+$0x0], $0xffff  }
0x2dd: {  	[tilespmem:v10+s5+$0x0] =	vst.idx.add.f32.msk $0xffff, v14;
	v14 =	vshrl.u32 v17, $0xA  }
0x2de: {  	v59 =	vshrl.u32 v11, $0xA;
	v56 =	vld.idx.msk [tilespmem:v25+s3+$0x0], $0xffff;
	v14 =	vand.u32 $0x7FF, v14  }
0x2df: {  	v29 =	vshrl.u32 v12, $0xA;
	v58 =	vld.idx.msk [tilespmem:v27+s3+$0x0], $0xffff;
	v27 =	vand.u32 $0x7FF, v59  }
0x2e0: {  	v31 =	vshrl.u32 v13, $0xA;
	v29 =	vand.u32 $0x7FF, v29;
	v57 =	vld.idx.msk [tilespmem:v26+s3+$0x0], $0xffff  }
0x2e1: {  	v33 =	vshrl.u32 v16, $0xA;
	v31 =	vand.u32 $0x7FF, v31;
	v10 =	vld [tilespmem:s11+$0xFFFFFFC0]  }
0x2e2: {  	v35 =	vshrl.u32 v18, $0xA;
	v33 =	vand.u32 $0x7FF, v33;
	v15 =	vld [tilespmem:s11+$0xFFFFFFD0]  }
0x2e3: {  	v37 =	vshrl.u32 v20, $0xA;
	v35 =	vand.u32 $0x7FF, v35;
	v14 =	vld.idx.msk [tilespmem:v14+s4+$0x0], $0xffff  }
0x2e4: {  	v37 =	vand.u32 $0x7FF, v37;
	v27 =	vld.idx.msk [tilespmem:v27+s4+$0x0], $0xffff  }
0x2e5: {  	v29 =	vld.idx.msk [tilespmem:v29+s4+$0x0], $0xffff;
	v17 =	vshrl.u32 v17, $0x15  }
0x2e6: {  	v11 =	vshrl.u32 v11, $0x15;
	v60 =	vld.idx.msk [tilespmem:v31+s4+$0x0], $0xffff;
	v10 =	vmul.f32 v56, v10  }
0x2e7: {  	v61 =	vshrl.u32 v12, $0x15;
	v33 =	vld.idx.msk [tilespmem:v33+s4+$0x0], $0xffff;
	v19 =	vmul.f32 v19, v15  }
0x2e8: {  	v13 =	vshrl.u32 v13, $0x15;
	v62 =	vld.idx.msk [tilespmem:v35+s4+$0x0], $0xffff;
	v12 =	vmul.f32 v21, v28;
	v10 =	vmul.f32 v14, v10  }
0x2e9: {  	v15 =	vld.idx.msk [tilespmem:v37+s4+$0x0], $0xffff;
	v19 =	vmul.f32 v27, v19;
	v14 =	vmul.f32 v22, v30  }
0x2ea: {  	v63 =	vmul.f32 v23, v32;
	[tilespmem:v17+s5+$0x0] =	vst.idx.add.f32.msk $0xffff, v10;
	v10 =	vmul.f32 v29, v12  }
0x2eb: {  	[tilespmem:v11+s5+$0x0] =	vst.idx.add.f32.msk $0xffff, v19;
	v17 =	vmul.f32 v57, v34;
	v19 =	vmul.f32 v60, v14  }
0x2ec: {  	v11 =	vshrl.u32 v18, $0x15;
	v12 =	vshrl.u32 v16, $0x15;
	v16 =	vmul.f32 v58, v36;
	[tilespmem:v61+s5+$0x0] =	vst.idx.add.f32.msk $0xffff, v10  }
0x2ed: {  	s12 =	simm.s32 $0x40C0;
	v14 =	vmul.f32 v33, v63;
	v10 =	vshrl.u32 v20, $0x15;
	[tilespmem:v13+s5+$0x0] =	vst.idx.add.f32.msk $0xffff, v19;
	v13 =	vmul.f32 v62, v17  }
.LBB2_17:
0x2ee: {  	v17 =	vld [tilespmem:s12+$0x30];
	s9 =	sadd.s32 $0x8, s9;
	v18 =	vmul.f32 v15, v16  }
0x2ef: {  	v15 =	vld [tilespmem:s12+$0xFFFFFFD0];
	p2 =	slt.u32 s9, $0x3F8  }
0x2f0: {  	v16 =	vld [tilespmem:s12+$0xFFFFFFE0]  }
0x2f1: {  	v19 =	vld [tilespmem:s12+$0xFFFFFFF0]  }
0x2f2: {  	v20 =	vld [tilespmem:s12+$0x0]  }
0x2f3: {  	v21 =	vld [tilespmem:s12+$0x10];
	v22 =	vand.u32 $0x3FF, v17  }
0x2f4: {  	v26 =	vshrl.u32 v17, $0xA;
	v23 =	vshrl.u32 v15, $0xA;
	v24 =	vand.u32 $0x3FF, v15;
	v25 =	vld [tilespmem:s12+$0x20]  }
0x2f5: {  	v26 =	vand.u32 $0x7FF, v26;
	v27 =	vld [tilespmem:s12+$0xFFFFFFC0];
	v28 =	vshrl.u32 v16, $0xA;
	v29 =	vand.u32 $0x3FF, v16  }
0x2f6: {  	v23 =	vand.u32 $0x7FF, v23;
	v30 =	vshrl.u32 v19, $0xA;
	v31 =	vand.u32 $0x3FF, v19;
	[tilespmem:v12+s5+$0x0] =	vst.idx.add.f32.msk $0xffff, v14  }
0x2f7: {  	v14 =	vand.u32 $0x7FF, v28;
	v12 =	vshrl.u32 v20, $0xA;
	v28 =	vand.u32 $0x3FF, v20;
	[tilespmem:v11+s5+$0x0] =	vst.idx.add.f32.msk $0xffff, v13  }
0x2f8: {  	s11 =	sadd.s32 $0x80, s11;
	v13 =	vand.u32 $0x7FF, v30;
	v11 =	vshrl.u32 v21, $0xA;
	v30 =	vand.u32 $0x3FF, v21;
	v22 =	vld.idx.msk [tilespmem:v22+s3+$0x0], $0xffff  }
0x2f9: {  	v32 =	vand.u32 $0x7FF, v12;
	v12 =	vshrl.u32 v25, $0xA;
	v33 =	vand.u32 $0x3FF, v25;
	v34 =	vld [tilespmem:s11+$0x30]  }
0x2fa: {  	v37 =	vand.u32 $0x7FF, v11;
	v35 =	vshrl.u32 v27, $0xA;
	v36 =	vand.u32 $0x3FF, v27;
	v26 =	vld.idx.msk [tilespmem:v26+s4+$0x0], $0xffff  }
0x2fb: {  	v27 =	vshrl.u32 v27, $0x15;
	v38 =	vand.u32 $0x7FF, v12;
	v35 =	vand.u32 $0x7FF, v35;
	v24 =	vld.idx.msk [tilespmem:v24+s3+$0x0], $0xffff  }
0x2fc: {  	v39 =	vshrl.u32 v15, $0x15;
	v40 =	vshrl.u32 v16, $0x15;
	v19 =	vshrl.u32 v19, $0x15;
	v15 =	vld.idx.msk [tilespmem:v29+s3+$0x0], $0xffff  }
0x2fd: {  	v17 =	vshrl.u32 v17, $0x15;
	v11 =	vshrl.u32 v21, $0x15;
	v12 =	vshrl.u32 v20, $0x15;
	v16 =	vld.idx.msk [tilespmem:v31+s3+$0x0], $0xffff  }
0x2fe: {  	v21 =	vshrl.u32 v25, $0x15;
	v20 =	vld.idx.msk [tilespmem:v28+s3+$0x0], $0xffff;
	v22 =	vmul.f32 v22, v34  }
0x2ff: {  	v25 =	vld.idx.msk [tilespmem:v36+s3+$0x0], $0xffff  }
0x300: {  	v28 =	vld.idx.msk [tilespmem:v30+s3+$0x0], $0xffff;
	v22 =	vmul.f32 v26, v22  }
0x301: {  	v26 =	vld.idx.msk [tilespmem:v33+s3+$0x0], $0xffff  }
0x302: {  	[tilespmem:v17+s5+$0x0] =	vst.idx.add.f32.msk $0xffff, v22  }
0x303: {  	v17 =	vld [tilespmem:s11+$0xFFFFFFC0]  }
0x304: {  	v22 =	vld [tilespmem:s11+$0xFFFFFFD0]  }
0x305: {  	v29 =	vld [tilespmem:s11+$0xFFFFFFE0]  }
0x306: {  	v30 =	vld [tilespmem:s11+$0xFFFFFFF0]  }
0x307: {  	v31 =	vld [tilespmem:s11+$0x0]  }
0x308: {  	v17 =	vmul.f32 v25, v17;
	v25 =	vld [tilespmem:s11+$0x10]  }
0x309: {  	v22 =	vmul.f32 v24, v22;
	v24 =	vld [tilespmem:s11+$0x20]  }
0x30a: {  	v33 =	vld.idx.msk [tilespmem:v35+s4+$0x0], $0xffff;
	v29 =	vmul.f32 v15, v29  }
0x30b: {  	v23 =	vld.idx.msk [tilespmem:v23+s4+$0x0], $0xffff;
	v30 =	vmul.f32 v16, v30  }
0x30c: {  	v14 =	vld.idx.msk [tilespmem:v14+s4+$0x0], $0xffff;
	v20 =	vmul.f32 v20, v31  }
0x30d: {  	v13 =	vld.idx.msk [tilespmem:v13+s4+$0x0], $0xffff;
	v25 =	vmul.f32 v28, v25  }
0x30e: {  	v28 =	vld.idx.msk [tilespmem:v32+s4+$0x0], $0xffff;
	v16 =	vmul.f32 v26, v24  }
0x30f: {  	v24 =	vld.idx.msk [tilespmem:v37+s4+$0x0], $0xffff  }
0x310: {  	v17 =	vmul.f32 v33, v17;
	v15 =	vld.idx.msk [tilespmem:v38+s4+$0x0], $0xffff  }
.Ltmp22:
0x311: {  	v22 =	vmul.f32 v23, v22;
	[tilespmem:v10+s5+$0x0] =	vst.idx.add.f32.msk $0xffff, v18;
	v10 =	vmov v21;
	(pc) =	sbr.rel @p2 .LBB2_17-.Ltmp22, $4  }
0x312: {  	v14 =	vmul.f32 v14, v29;
	[tilespmem:v27+s5+$0x0] =	vst.idx.add.f32.msk $0xffff, v17  }
0x313: {  	v13 =	vmul.f32 v13, v30;
	[tilespmem:v39+s5+$0x0] =	vst.idx.add.f32.msk $0xffff, v22  }
0x314: {  	[tilespmem:v40+s5+$0x0] =	vst.idx.add.f32.msk $0xffff, v14;
	v14 =	vmul.f32 v28, v20  }
0x315: {  	s12 =	sadd.s32 $0x80, s12;
	[tilespmem:v19+s5+$0x0] =	vst.idx.add.f32.msk $0xffff, v13;
	v13 =	vmul.f32 v24, v25  }
0x316: {  	_ =	sdelay $0x3  }
0x317: {  	v15 =	vmul.f32 v15, v16;
	[tilespmem:v12+s5+$0x0] =	vst.idx.add.f32.msk $0xffff, v14  }
0x318: {  	[tilespmem:v11+s5+$0x0] =	vst.idx.add.f32.msk $0xffff, v13  }
0x319: {  	s12 =	simm.s32 $0xC840;
	[tilespmem:v10+s5+$0x0] =	vst.idx.add.f32.msk $0xffff, v15  }
0x31a: {  	s9 =	simm.s32 $0xC440;
	v10 =	vld [tilespmem:s12+$0xFFFFFFC0]  }
0x31b: {  	v8 =	vmul.f32 v9, v8;
	v9 =	vld [tilespmem:s9+$0xFFFFFFC0]  }
0x31c: {  	v11 =	vld [tilespmem:s12+$0xFFFFFFD0]  }
0x31d: {  	v8 =	vmul.f32 $9.999999740e-06, v8;
	v12 =	vld [tilespmem:s9+$0xFFFFFFD0]  }
0x31e: {  	v13 =	vld [tilespmem:s12+$0xFFFFFFE0]  }
0x31f: {  	v14 =	vld [tilespmem:s9+$0xFFFFFFE0];
	v10 =	vmul.f32 v10, v8  }
0x320: {  	v15 =	vld [tilespmem:s12+$0xFFFFFFF0]  }
0x321: {  	v16 =	vld [tilespmem:s9+$0xFFFFFFF0];
	v9 =	vadd.f32 v10, v9;
	v10 =	vmul.f32 v11, v8  }
0x322: {  	s11 =	simm.s32 $0xC040;
	v17 =	vld [tilespmem:s12+$0x0];
	v11 =	vimm.f32 $0.0e+00  }
0x323: {  	v18 =	vld [tilespmem:s12+$0x10];
	[tilespmem:s11+$0xFFFFFFC0] =	vst v9;
	v9 =	vadd.f32 v9, v11;
	v10 =	vadd.f32 v10, v12;
	v11 =	vmul.f32 v13, v8  }
0x324: {  	v12 =	vld [tilespmem:s9+$0x0];
	[tilespmem:s9+$0xFFFFFFC0] =	vst v0  }
0x325: {  	[tilespmem:s11+$0xFFFFFFD0] =	vst v10;
	v10 =	vadd.f32 v10, v9;
	v13 =	vadd.f32 v11, v14;
	v14 =	vmul.f32 v15, v8;
	v9 =	vld [tilespmem:s9+$0x10]  }
0x326: {  	v11 =	vld [tilespmem:s12+$0x20];
	[tilespmem:s9+$0xFFFFFFD0] =	vst v0  }
0x327: {  	[tilespmem:s11+$0xFFFFFFE0] =	vst v13;
	v15 =	vadd.f32 v13, v10;
	v14 =	vadd.f32 v14, v16;
	v16 =	vmul.f32 v17, v8;
	v10 =	vld [tilespmem:s9+$0x20]  }
0x328: {  	v13 =	vld [tilespmem:s12+$0x30];
	[tilespmem:s9+$0xFFFFFFE0] =	vst v0  }
0x329: {  	s23 =	simm.s32 $0xC8C0;
	s26 =	simm.s32 $0xC440;
	s12 =	simm.s32 $0x0;
	[tilespmem:s11+$0xFFFFFFF0] =	vst v14;
	v14 =	vadd.f32 v14, v15;
	v15 =	vadd.f32 v16, v12;
	v16 =	vmul.f32 v18, v8;
	v12 =	vld [tilespmem:s9+$0x30]  }
.LBB2_19:
0x32a: {  	v17 =	vld [tilespmem:s23+$0xFFFFFFC0];
	s12 =	sadd.s32 $0x8, s12;
	[tilespmem:s9+$0xFFFFFFF0] =	vst v0;
	s26 =	sadd.s32 $0x80, s26  }
0x32b: {  	v18 =	vld [tilespmem:s26+$0xFFFFFFC0];
	p2 =	slt.u32 s12, $0x38;
	[tilespmem:s11+$0x0] =	vst v15;
	v14 =	vadd.f32 v15, v14;
	v9 =	vadd.f32 v16, v9;
	v11 =	vmul.f32 v11, v8  }
0x32c: {  	v15 =	vld [tilespmem:s23+$0xFFFFFFD0];
	[tilespmem:s9+$0x0] =	vst v0  }
0x32d: {  	v16 =	vld [tilespmem:s26+$0xFFFFFFD0];
	[tilespmem:s11+$0x10] =	vst v9;
	v9 =	vadd.f32 v9, v14;
	v10 =	vadd.f32 v11, v10;
	v11 =	vmul.f32 v13, v8  }
0x32e: {  	v13 =	vld [tilespmem:s23+$0xFFFFFFE0];
	[tilespmem:s9+$0x10] =	vst v0  }
0x32f: {  	v14 =	vmul.f32 v17, v8;
	v17 =	vld [tilespmem:s26+$0xFFFFFFE0];
	[tilespmem:s11+$0x20] =	vst v10;
	v9 =	vadd.f32 v10, v9;
	v10 =	vadd.f32 v11, v12  }
0x330: {  	v11 =	vld [tilespmem:s23+$0xFFFFFFF0];
	[tilespmem:s9+$0x20] =	vst v0  }
0x331: {  	v12 =	vadd.f32 v14, v18;
	v14 =	vmul.f32 v15, v8;
	v15 =	vld [tilespmem:s26+$0xFFFFFFF0];
	[tilespmem:s11+$0x30] =	vst v10;
	v9 =	vadd.f32 v10, v9  }
0x332: {  	s11 =	sadd.s32 $0x80, s11;
	v10 =	vld [tilespmem:s23+$0x0];
	[tilespmem:s9+$0x30] =	vst v0;
	s9 =	smov.u32 s26  }
0x333: {  	[tilespmem:s11+$0xFFFFFFC0] =	vst v12;
	v9 =	vadd.f32 v12, v9;
	v12 =	vadd.f32 v14, v16;
	v13 =	vmul.f32 v13, v8;
	v16 =	vld [tilespmem:s26+$0x0]  }
0x334: {  	[tilespmem:s26+$0xFFFFFFC0] =	vst v0;
	v18 =	vld [tilespmem:s23+$0x10]  }
.Ltmp23:
0x335: {  	[tilespmem:s11+$0xFFFFFFD0] =	vst v12;
	v12 =	vadd.f32 v12, v9;
	v13 =	vadd.f32 v13, v17;
	v14 =	vmul.f32 v11, v8;
	v9 =	vld [tilespmem:s26+$0x10];
	(pc) =	sbr.rel @p2 .LBB2_19-.Ltmp23, $4  }
0x336: {  	[tilespmem:s26+$0xFFFFFFD0] =	vst v0;
	v11 =	vld [tilespmem:s23+$0x20]  }
0x337: {  	[tilespmem:s11+$0xFFFFFFE0] =	vst v13;
	v12 =	vadd.f32 v13, v12;
	v14 =	vadd.f32 v14, v15;
	v15 =	vmul.f32 v10, v8;
	v10 =	vld [tilespmem:s26+$0x20]  }
0x338: {  	[tilespmem:s26+$0xFFFFFFE0] =	vst v0;
	v13 =	vld [tilespmem:s23+$0x30]  }
0x339: {  	s23 =	sadd.s32 $0x80, s23;
	[tilespmem:s11+$0xFFFFFFF0] =	vst v14;
	v14 =	vadd.f32 v14, v12;
	v15 =	vadd.f32 v15, v16;
	v16 =	vmul.f32 v18, v8;
	v12 =	vld [tilespmem:s26+$0x30]  }
0x33a: {  	[tilespmem:s9+$0xFFFFFFF0] =	vst v0  }
0x33b: {  	[tilespmem:s11+$0x0] =	vst v15;
	v14 =	vadd.f32 v15, v14;
	v9 =	vadd.f32 v16, v9;
	v11 =	vmul.f32 v11, v8  }
0x33c: {  	[tilespmem:s9+$0x0] =	vst v0  }
0x33d: {  	[tilespmem:s11+$0x10] =	vst v9;
	v9 =	vadd.f32 v9, v14;
	v10 =	vadd.f32 v11, v10;
	v8 =	vmul.f32 v13, v8  }
0x33e: {  	[tilespmem:s9+$0x10] =	vst v0  }
0x33f: {  	[tilespmem:s11+$0x20] =	vst v10;
	v9 =	vadd.f32 v10, v9;
	v8 =	vadd.f32 v8, v12  }
0x340: {  	[tilespmem:s9+$0x20] =	vst v0  }
0x341: {  	[tilespmem:s11+$0x30] =	vst v8;
	v8 =	vadd.f32 v8, v9  }
0x342: {  	[tilespmem:s9+$0x30] =	vst v0  }
0x343: {  	[tilespmem:$0xE880] =	vst v8  }
0x344: {  	v9 =	vld.idx.msk [tilespmem:v1+s30+$0x0], $0xffff;
	_ =	sdelay $0x4  }
0x345: {  	v8 =	vadd.f32 v9, v8;
	_ =	sdelay $0x1  }
0x346: {  	[tilespmem:$0xE880] =	vst v8  }
0x347: {  	v9 =	vld.idx.msk [tilespmem:v2+s30+$0x0], $0xffff;
	_ =	sdelay $0x4  }
0x348: {  	v8 =	vadd.f32 v9, v8;
	_ =	sdelay $0x1  }
0x349: {  	[tilespmem:$0xE880] =	vst v8  }
0x34a: {  	v9 =	vld.idx.msk [tilespmem:v3+s30+$0x0], $0xffff;
	_ =	sdelay $0x4  }
0x34b: {  	v8 =	vadd.f32 v9, v8;
	_ =	sdelay $0x1  }
0x34c: {  	[tilespmem:$0xE880] =	vst v8  }
0x34d: {  	v9 =	vld.idx.msk [tilespmem:v4+s30+$0x0], $0xffff;
	_ =	sdelay $0x4  }
0x34e: {  	v8 =	vadd.f32 v9, v8;
	_ =	sdelay $0x1  }
0x34f: {  	p2 =	slt.u32 s8, s7;
	v9 =	vshrl.u32 v8, $0x17  }
.Ltmp24:
0x350: {  	v6 =	vadd.s32 v7, v6;
	vm1 =	vgt.f32 v8, $0.0e+00;
	v7 =	vadd.s32 $0xFFFFFF81, v9;
	(pc) =	sbr.rel @p2 .LBB2_14-.Ltmp24, $4  }
0x351: {  	v7 =	vnsel vm1, $0x0, v7  }
0x352: {  	v9 =	vshll.u32 v7, $0x17  }
0x353: {  	v9 =	vsub.s32 $0x3F800000, v9  }
0x354: {  	p1 =	por !p1, !p1;
	v9 =	vnsel vm1, $0x3F800000, v9  }
0x355: {  	v6 =	vcvt.s32.f32 v6  }
.LBB2_22:
0x356: {  	_ =	swait.ge [sflag:s25], $0x800  }
0x357: {  	[sflag:s25] =	ssyncset.done $0x0  }
0x358: {  	s8 =	simm.s32 $0x0;
	[sflag:s25] =	ssyncadd.s32 $0xFFFFF800  }
0x359: {  	v7 =	vld [tilespmem:s8+$0xC000]  }
0x35a: {  	s7 =	simm.s32 $0x40;
	v8 =	vld [tilespmem:s8+$0xCC00]  }
.LBB2_23:
0x35b: {  	_ = 	snop  }
0x35c: {  	p1 =	seq.s32 s7, $0xFC0  }
.Ltmp25:
0x35d: {  	_ = 	snop;
	(pc) =	sbr.rel @!p1 .LBB2_23-.Ltmp25, $4  }
0x35e: {  	_ = 	snop  }
0x35f: {  	s8 =	sshra.s32 s7, $0x2;
	v9 =	vmul.f32 v8, v7  }
0x360: {  	v7 =	vld [tilespmem:s8+$0xC000]  }
0x361: {  	s7 =	sadd.s32 $0x40, s7;
	v8 =	vld [tilespmem:s8+$0xCC00];
	v5 =	vadd.f32 v9, v5  }
0x362: {  	_ =	sdelay $0x2  }
.Ltmp26:
0x363: {  	_ = 	snop;
	(pc) =	sbr.rel .LBB2_48-.Ltmp26, $3  }
0x364: {  	v7 =	vmul.f32 v8, v7;
	_ =	sdelay $0x1  }
0x365: {  	v5 =	vadd.f32 v7, v5  }
0x366: {  	s8 =	smov.u32 s18;
	s7 =	smov.u32 s19  }
.LBB2_49:
0x367: {  	_ =	sfence.sel $0x180000  }
0x368: {  	[bflag:$0x0] =	sbarrier.arrive $0xFFFF  }
0x369: {  	_ =	strace $0x9000005F  }
0x36a: {  	s0 =	stileid.u32;
	[bflag:$0x2] =	sbarrier.arrive $0xFFFF  }
0x36b: {  	p0 =	sne.s32 s0, $0x0;
	s0 =	rddreg [dreg:$0x7]  }
0x36c: {  	s0 =	sadd.s32 @!p0 $0x100000, s0  }
0x36d: {  	[sflag:s0] =	ssyncadd.tile.s32 @!p0 $0x1;
	_ =	shalt  }
.Lfunc_end2:
_tile_overlayer_lowered:
.L_overlay_start_2:
0x36e: {  	(tag) =	ssettag $0x2  }
0x36f: {  	s0 =	rddreg [dreg:$0x0];
	s2 =	stileid.u32  }
0x370: {  	s1 =	rddreg [dreg:$0x1];
	p0 =	sne.s32 s2, $0x0  }
0x371: {  	s3 =	rddreg [dreg:$0x2];
	[bflag:$0x3] =	sbarrier.arrive $0xFFFF;
	s2 =	simm.s32 @!p0 $0x1C02  }
0x372: {  	[timem:s3], [sflag:s2] =	dma.local @!p0 [hbm:s0], s1  }
0x373: {  	s0 =	simm.s32 @!p0 $0x2  }
0x374: {  	_ =	swait.ge @!p0 [sflag:s0], s1  }
0x375: {  	s1 =	ssub.s32 @!p0 $0x0, s1;
	[sflag:s0] =	ssyncset.done @!p0 $0x0  }
0x376: {  	[sflag:s0] =	ssyncadd.s32 @!p0 s1  }
0x377: {  	[bflag:$0x3] =	sbarrier.arrive $0xFFFF  }
0x378: {  	_ =	shalt  }

</sc_bundles>
